<compile_context>
chip_gen: v7x
topology: tpu7x:2x2x1
jax: 0.10.2.dev20260603
libtpu: 0.0.44.dev20260713+nightly
codegen_flags: <defaults>
</compile_context>

<pallas_src>
import functools

import jax
import jax.numpy as jnp
from jax import lax
from jax.experimental import pallas as pl
from jax.experimental.pallas import tpu as pltpu
from jax.experimental.pallas import tpu_sc as plsc

E = 16
TOPK = 2
BLK = 1024
H = 2048
N_TOTAL = 32768
N_SC = 1024
N_TC = N_TOTAL - N_SC
NW = 32
TPW = N_SC // NW
CH = 16


def _epilogue(lt):
    m1 = jnp.max(lt, axis=0, keepdims=True)
    ex = jnp.exp(lt - m1)
    s = jnp.sum(ex, axis=0, keepdims=True)
    probs = ex * (1.0 / s)

    rows = lax.broadcasted_iota(jnp.int32, lt.shape, 0)
    i1 = jnp.min(jnp.where(lt == m1, rows, E), axis=0, keepdims=True)
    masked = jnp.where(rows == i1, -jnp.inf, lt)
    m2 = jnp.max(masked, axis=0, keepdims=True)
    i2 = jnp.min(jnp.where(masked == m2, rows, E), axis=0, keepdims=True)

    e2 = jnp.exp(m2 - m1)
    tw1 = 1.0 / (1.0 + e2)
    topw = jnp.concatenate([tw1, e2 * tw1], axis=0)
    tope = jnp.concatenate([i1, i2], axis=0)
    return probs, topw, tope


def _router_block(hs_ref, w_ref, weights_ref, topw_ref, tope_ref):
    hs = hs_ref[...]
    w = w_ref[...]
    lt = lax.dot_general(
        w, hs, (((1,), (1,)), ((), ())), preferred_element_type=jnp.float32
    )
    probs, topw, tope = _epilogue(lt)
    weights_ref[...] = probs
    topw_ref[...] = topw
    tope_ref[...] = tope


def _bf16_round(x):
    u = lax.bitcast_convert_type(x, jnp.uint32)
    lsb = lax.shift_right_logical(u, jnp.uint32(16)) & jnp.uint32(1)
    u = (u + jnp.uint32(0x7FFF) + lsb) & jnp.uint32(0xFFFF0000)
    return lax.bitcast_convert_type(u, jnp.float32)


def _sc_logits_body(hs_hbm, wt_hbm, out_hbm, wt_v, hs_v, out_v):
    c = lax.axis_index("c")
    s = lax.axis_index("s")
    wid = s * 2 + c
    pltpu.sync_copy(wt_hbm, wt_v)

    def chunk(ci, carry):
        t0 = wid * TPW + ci * CH
        pltpu.sync_copy(
            hs_hbm.at[pl.ds((N_TC + t0) * H, CH * H)], hs_v
        )
        for t in range(CH):
            def hb(h16, acc):
                hv = hs_v[pl.ds(t * H + h16 * 16, 16)]
                hv = _bf16_round(hv)
                for j in range(16):
                    acc = acc + hv[j] * wt_v[pl.ds((h16 * 16 + j) * E, E)]
                return acc
            acc = lax.fori_loop(0, H // 16, hb, jnp.zeros((E,), jnp.float32))
            out_v[pl.ds(t * E, E)] = acc
        pltpu.sync_copy(out_v, out_hbm.at[pl.ds(t0 * E, CH * E)])
        return carry

    lax.fori_loop(0, TPW // CH, chunk, 0)


def _sc_epilogue_block(lt_ref, weights_ref, topw_ref, tope_ref):
    probs, topw, tope = _epilogue(lt_ref[...])
    weights_ref[...] = probs
    topw_ref[...] = topw
    tope_ref[...] = tope


@jax.jit
def _router(hs2d, W):
    wt_tc, topw_tc, tope_tc = pl.pallas_call(
        _router_block,
        grid=(N_TC // BLK,),
        in_specs=[
            pl.BlockSpec((BLK, H), lambda i: (i, 0)),
            pl.BlockSpec((E, H), lambda i: (0, 0)),
        ],
        out_specs=[
            pl.BlockSpec((E, BLK), lambda i: (0, i)),
            pl.BlockSpec((TOPK, BLK), lambda i: (0, i)),
            pl.BlockSpec((TOPK, BLK), lambda i: (0, i)),
        ],
        out_shape=[
            jax.ShapeDtypeStruct((E, N_TC), jnp.float32),
            jax.ShapeDtypeStruct((TOPK, N_TC), jnp.float32),
            jax.ShapeDtypeStruct((TOPK, N_TC), jnp.int32),
        ],
    )(hs2d, W)

    sc_kernel = functools.partial(
        pl.kernel,
        mesh=plsc.VectorSubcoreMesh(core_axis_name="c", subcore_axis_name="s"),
        out_type=jax.ShapeDtypeStruct((N_SC * E,), jnp.float32),
        scratch_types=[
            pltpu.VMEM((H * E,), jnp.float32),
            pltpu.VMEM((CH * H,), jnp.float32),
            pltpu.VMEM((CH * E,), jnp.float32),
        ],
    )(_sc_logits_body)
    wt_rounded = _bf16_round(W.T)
    lt_sc = sc_kernel(hs2d.reshape(-1), wt_rounded.reshape(-1)).reshape(N_SC, E)

    wt_sc, topw_sc, tope_sc = pl.pallas_call(
        _sc_epilogue_block,
        grid=(1,),
        in_specs=[pl.BlockSpec((E, N_SC), lambda i: (0, 0))],
        out_specs=[
            pl.BlockSpec((E, N_SC), lambda i: (0, 0)),
            pl.BlockSpec((TOPK, N_SC), lambda i: (0, 0)),
            pl.BlockSpec((TOPK, N_SC), lambda i: (0, 0)),
        ],
        out_shape=[
            jax.ShapeDtypeStruct((E, N_SC), jnp.float32),
            jax.ShapeDtypeStruct((TOPK, N_SC), jnp.float32),
            jax.ShapeDtypeStruct((TOPK, N_SC), jnp.int32),
        ],
    )(lt_sc.T)

    weights = jnp.concatenate([wt_tc, wt_sc], axis=1).T
    top_weights = jnp.concatenate([topw_tc, topw_sc], axis=1).T
    top_experts = jnp.concatenate([tope_tc, tope_sc], axis=1).T
    return weights, top_weights, top_experts


def kernel(hidden_states, W):
    hs2d = hidden_states.reshape(-1, hidden_states.shape[-1])
    weights, top_weights, top_experts = _router(hs2d, W)
    weights = weights.astype(hidden_states.dtype)
    top_weights = top_weights.astype(hidden_states.dtype)
    return (weights, top_weights, top_experts)

# --- scband reference (transcript-rebuilt; emitter-appended) ---
"""Pipeline reference for scband-dbrx-router-49228915147013 (READ-ONLY COPY).

The authoritative reference and input builder live on the scoring server;
editing this copy changes nothing except your own understanding.
"""

import jax, jax.numpy as jnp
import numpy as np

B, S, HIDDEN = 4, 8192, 2048
E, TOPK = 16, 2


def setup_inputs(seed: int = 0) -> dict:
    key = jax.random.key(seed)
    k1, k2 = jax.random.split(key)
    hidden_states = jax.random.normal(k1, (B, S, HIDDEN), dtype=jnp.float32)
    # nn.Linear(hidden_size, moe_num_experts, bias=False) weight: [E, HIDDEN]
    W = jax.random.normal(k2, (E, HIDDEN), dtype=jnp.float32) * (1.0 / np.sqrt(HIDDEN))
    return {"hidden_states": hidden_states, "W": W}


def reference(hidden_states, W):
    # eval mode: jitter is skipped (moe_jitter_eps only applies in training)
    hs = hidden_states.reshape(-1, hidden_states.shape[-1])
    logits = hs @ W.T
    weights = jax.nn.softmax(logits.astype(jnp.float32), axis=-1)
    top_weights, top_experts = jax.lax.top_k(weights, TOPK)
    # moe_normalize_expert_weights = 1.0 -> L1 norm
    top_weights_scale = jnp.sum(jnp.abs(top_weights), axis=-1, keepdims=True)
    top_weights = top_weights / top_weights_scale
    weights = weights.astype(hidden_states.dtype)
    top_weights = top_weights.astype(hidden_states.dtype)
    return (weights, top_weights, top_experts)

if __name__ == "__main__":
    import jax
    _d = setup_inputs()
    print(jax.jit(kernel)(*tuple(_d.values())))

</pallas_src>

<mosaic_0001>
#map = affine_map<(d0, d1) -> (0)>
module attributes {stable_mosaic.version = 14 : i64} {
  func.func @_sc_logits_body(%arg0: i32, %arg1: i32, %arg2: memref<67108864xf32, #tpu.memory_space<hbm>>, %arg3: memref<32768xf32, #tpu.memory_space<hbm>>, %arg4: memref<16384xf32, #tpu.memory_space<hbm>>, %arg5: memref<32768xf32, #tpu.memory_space<vmem>>, %arg6: memref<32768xf32, #tpu.memory_space<vmem>>, %arg7: memref<256xf32, #tpu.memory_space<vmem>>) attributes {dimension_semantics = [#tpu.dimension_semantics<core_parallel>, #tpu.dimension_semantics<subcore_parallel>], iteration_bounds = array<i64: 2, 16>, scalar_prefetch = 0 : i64, scratch_operands = 3 : i64, tpu.core_type = #tpu.core_type<sc_vector_subcore>, window_params = [{transform_indices = #map}, {transform_indices = #map}, {transform_indices = #map}]} {
    %mul3A = arith.constant 2 : i32
    %mul3A_0 = arith.muli %arg1, %mul3A : i32
    %add3A = arith.addi %mul3A_0, %arg0 : i32
    "tpu.region"() ({
      %run_scoped3A = tpu.sem_alloc : memref<!tpu.dma_semaphore, #tpu.memory_space<semaphore_mem>>
      tpu.enqueue_dma source(%arg3 : memref<32768xf32, #tpu.memory_space<hbm>>) target(%arg5 : memref<32768xf32, #tpu.memory_space<vmem>>) target_semaphore(%run_scoped3A : memref<!tpu.dma_semaphore, #tpu.memory_space<semaphore_mem>>)
      tpu.wait_dma2 semaphore(%run_scoped3A : memref<!tpu.dma_semaphore, #tpu.memory_space<semaphore_mem>>) src(%arg3 : memref<32768xf32, #tpu.memory_space<hbm>>) dst(%arg5 : memref<32768xf32, #tpu.memory_space<vmem>>)
      tpu.yield
    }) : () -> ()
    %scan3A = arith.constant 0 : i32
    %scan3A_1 = arith.constant 0 : i32
    %scan3A_2 = arith.constant 2 : i32
    %scan3A_3 = arith.addi %scan3A_1, %scan3A_2 : i32
    %scan3A_4 = arith.constant 1 : i32
    scf.for %scan3A_6 = %scan3A_1 to %scan3A_3 step %scan3A_4  : i32 {
      %mul3A_7 = arith.constant 32 : i32
      %mul3A_8 = arith.muli %add3A, %mul3A_7 : i32
      %mul3A_9 = arith.constant 16 : i32
      %mul3A_10 = arith.muli %scan3A_6, %mul3A_9 : i32
      %add3A_11 = arith.addi %mul3A_8, %mul3A_10 : i32
      %add3A_12 = arith.constant 31744 : i32
      %add3A_13 = arith.addi %add3A_12, %add3A_11 : i32
      %mul3A_14 = arith.constant 2048 : i32
      %mul3A_15 = arith.muli %add3A_13, %mul3A_14 : i32
      "tpu.region"() ({
        %run_scoped3A = tpu.sem_alloc : memref<!tpu.dma_semaphore, #tpu.memory_space<semaphore_mem>>
        %dma_start3A = tpu.memref_slice %arg2[%mul3A_15] : memref<67108864xf32, #tpu.memory_space<hbm>> -> memref<32768xf32, #tpu.memory_space<hbm>>
        %dma_start3A_208 = tpu.memref_slice %arg2[%mul3A_15] : memref<67108864xf32, #tpu.memory_space<hbm>> -> memref<32768xf32, #tpu.memory_space<hbm>>
        tpu.enqueue_dma source(%dma_start3A_208 : memref<32768xf32, #tpu.memory_space<hbm>>) target(%arg6 : memref<32768xf32, #tpu.memory_space<vmem>>) target_semaphore(%run_scoped3A : memref<!tpu.dma_semaphore, #tpu.memory_space<semaphore_mem>>)
        %dma_wait3A = tpu.memref_slice %arg2[%mul3A_15] : memref<67108864xf32, #tpu.memory_space<hbm>> -> memref<32768xf32, #tpu.memory_space<hbm>>
        %dma_wait3A_209 = tpu.memref_slice %arg2[%mul3A_15] : memref<67108864xf32, #tpu.memory_space<hbm>> -> memref<32768xf32, #tpu.memory_space<hbm>>
        tpu.wait_dma2 semaphore(%run_scoped3A : memref<!tpu.dma_semaphore, #tpu.memory_space<semaphore_mem>>) src(%dma_wait3A_209 : memref<32768xf32, #tpu.memory_space<hbm>>) dst(%arg6 : memref<32768xf32, #tpu.memory_space<vmem>>)
        tpu.yield
      }) : () -> ()
      %broadcast_in_dim3A = arith.constant 0.000000e+00 : f32
      %broadcast_in_dim3A_16 = vector.broadcast %broadcast_in_dim3A : f32 to vector<16xf32>
      %scan3A_17 = arith.constant 0 : i32
      %scan3A_18 = arith.constant 128 : i32
      %scan3A_19 = arith.addi %scan3A_17, %scan3A_18 : i32
      %scan3A_20 = arith.constant 1 : i32
      %scan3A_21 = scf.for %scan3A_208 = %scan3A_17 to %scan3A_19 step %scan3A_20 iter_args(%scan3A_209 = %broadcast_in_dim3A_16) -> (vector<16xf32>)  : i32 {
        %mul3A_210 = arith.constant 16 : i32
        %mul3A_211 = arith.muli %scan3A_208, %mul3A_210 : i32
        %add3A_212 = arith.constant 0 : i32
        %add3A_213 = arith.addi %add3A_212, %mul3A_211 : i32
        %get3A = arith.index_cast %add3A_213 : i32 to index
        %get3A_214 = tpu.vector_load %arg6[%get3A] {strides = array<i32>} : memref<32768xf32, #tpu.memory_space<vmem>>, vector<16xf32>,
        %get3A_215 = vector.shape_cast %get3A_214 : vector<16xf32> to vector<16xf32>
        %bitcast_convert_type3A = tpu.bitcast %get3A_215 : vector<16xf32> -> vector<16xi32>
        %shift_right_logical3A = arith.constant 16 : i32
        %shift_right_logical3A_216 = vector.broadcast %shift_right_logical3A : i32 to vector<16xi32>
        %shift_right_logical3A_217 = arith.shrui %bitcast_convert_type3A, %shift_right_logical3A_216 : vector<16xi32>
        %and3A = arith.constant 1 : i32
        %and3A_218 = vector.broadcast %and3A : i32 to vector<16xi32>
        %and3A_219 = arith.andi %shift_right_logical3A_217, %and3A_218 : vector<16xi32>
        %add3A_220 = arith.constant 32767 : i32
        %add3A_221 = vector.broadcast %add3A_220 : i32 to vector<16xi32>
        %add3A_222 = arith.addi %bitcast_convert_type3A, %add3A_221 : vector<16xi32>
        %add3A_223 = arith.addi %add3A_222, %and3A_219 : vector<16xi32>
        %and3A_224 = arith.constant -65536 : i32
        %and3A_225 = vector.broadcast %and3A_224 : i32 to vector<16xi32>
        %and3A_226 = arith.andi %add3A_223, %and3A_225 : vector<16xi32>
        %bitcast_convert_type3A_227 = tpu.bitcast %and3A_226 : vector<16xi32> -> vector<16xf32>
        %slice3A = vector.extract_strided_slice %bitcast_convert_type3A_227 {offsets = [0], sizes = [1], strides = [1]} : vector<16xf32> to vector<1xf32>
        %squeeze3A = vector.extract %slice3A[0] : f32 from vector<1xf32>
        %mul3A_228 = arith.constant 16 : i32
        %mul3A_229 = arith.muli %scan3A_208, %mul3A_228 : i32
        %add3A_230 = arith.constant 0 : i32
        %add3A_231 = arith.addi %mul3A_229, %add3A_230 : i32
        %mul3A_232 = arith.constant 16 : i32
        %mul3A_233 = arith.muli %add3A_231, %mul3A_232 : i32
        %get3A_234 = arith.index_cast %mul3A_233 : i32 to index
        %get3A_235 = tpu.vector_load %arg5[%get3A_234] {strides = array<i32>} : memref<32768xf32, #tpu.memory_space<vmem>>, vector<16xf32>,
        %get3A_236 = vector.shape_cast %get3A_235 : vector<16xf32> to vector<16xf32>
        %mul3A_237 = vector.broadcast %squeeze3A : f32 to vector<16xf32>
        %mul3A_238 = arith.mulf %mul3A_237, %get3A_236 : vector<16xf32>
        %add3A_239 = arith.addf %scan3A_209, %mul3A_238 : vector<16xf32>
        %slice3A_240 = vector.extract_strided_slice %bitcast_convert_type3A_227 {offsets = [1], sizes = [1], strides = [1]} : vector<16xf32> to vector<1xf32>
        %squeeze3A_241 = vector.extract %slice3A_240[0] : f32 from vector<1xf32>
        %mul3A_242 = arith.constant 16 : i32
        %mul3A_243 = arith.muli %scan3A_208, %mul3A_242 : i32
        %add3A_244 = arith.constant 1 : i32
        %add3A_245 = arith.addi %mul3A_243, %add3A_244 : i32
        %mul3A_246 = arith.constant 16 : i32
        %mul3A_247 = arith.muli %add3A_245, %mul3A_246 : i32
        %get3A_248 = arith.index_cast %mul3A_247 : i32 to index
        %get3A_249 = tpu.vector_load %arg5[%get3A_248] {strides = array<i32>} : memref<32768xf32, #tpu.memory_space<vmem>>, vector<16xf32>,
        %get3A_250 = vector.shape_cast %get3A_249 : vector<16xf32> to vector<16xf32>
        %mul3A_251 = vector.broadcast %squeeze3A_241 : f32 to vector<16xf32>
        %mul3A_252 = arith.mulf %mul3A_251, %get3A_250 : vector<16xf32>
        %add3A_253 = arith.addf %add3A_239, %mul3A_252 : vector<16xf32>
        %slice3A_254 = vector.extract_strided_slice %bitcast_convert_type3A_227 {offsets = [2], sizes = [1], strides = [1]} : vector<16xf32> to vector<1xf32>
        %squeeze3A_255 = vector.extract %slice3A_254[0] : f32 from vector<1xf32>
        %mul3A_256 = arith.constant 16 : i32
        %mul3A_257 = arith.muli %scan3A_208, %mul3A_256 : i32
        %add3A_258 = arith.constant 2 : i32
        %add3A_259 = arith.addi %mul3A_257, %add3A_258 : i32
        %mul3A_260 = arith.constant 16 : i32
        %mul3A_261 = arith.muli %add3A_259, %mul3A_260 : i32
        %get3A_262 = arith.index_cast %mul3A_261 : i32 to index
        %get3A_263 = tpu.vector_load %arg5[%get3A_262] {strides = array<i32>} : memref<32768xf32, #tpu.memory_space<vmem>>, vector<16xf32>,
        %get3A_264 = vector.shape_cast %get3A_263 : vector<16xf32> to vector<16xf32>
        %mul3A_265 = vector.broadcast %squeeze3A_255 : f32 to vector<16xf32>
        %mul3A_266 = arith.mulf %mul3A_265, %get3A_264 : vector<16xf32>
        %add3A_267 = arith.addf %add3A_253, %mul3A_266 : vector<16xf32>
        %slice3A_268 = vector.extract_strided_slice %bitcast_convert_type3A_227 {offsets = [3], sizes = [1], strides = [1]} : vector<16xf32> to vector<1xf32>
        %squeeze3A_269 = vector.extract %slice3A_268[0] : f32 from vector<1xf32>
        %mul3A_270 = arith.constant 16 : i32
        %mul3A_271 = arith.muli %scan3A_208, %mul3A_270 : i32
        %add3A_272 = arith.constant 3 : i32
        %add3A_273 = arith.addi %mul3A_271, %add3A_272 : i32
        %mul3A_274 = arith.constant 16 : i32
        %mul3A_275 = arith.muli %add3A_273, %mul3A_274 : i32
        %get3A_276 = arith.index_cast %mul3A_275 : i32 to index
        %get3A_277 = tpu.vector_load %arg5[%get3A_276] {strides = array<i32>} : memref<32768xf32, #tpu.memory_space<vmem>>, vector<16xf32>,
        %get3A_278 = vector.shape_cast %get3A_277 : vector<16xf32> to vector<16xf32>
        %mul3A_279 = vector.broadcast %squeeze3A_269 : f32 to vector<16xf32>
        %mul3A_280 = arith.mulf %mul3A_279, %get3A_278 : vector<16xf32>
        %add3A_281 = arith.addf %add3A_267, %mul3A_280 : vector<16xf32>
        %slice3A_282 = vector.extract_strided_slice %bitcast_convert_type3A_227 {offsets = [4], sizes = [1], strides = [1]} : vector<16xf32> to vector<1xf32>
        %squeeze3A_283 = vector.extract %slice3A_282[0] : f32 from vector<1xf32>
        %mul3A_284 = arith.constant 16 : i32
        %mul3A_285 = arith.muli %scan3A_208, %mul3A_284 : i32
        %add3A_286 = arith.constant 4 : i32
        %add3A_287 = arith.addi %mul3A_285, %add3A_286 : i32
        %mul3A_288 = arith.constant 16 : i32
        %mul3A_289 = arith.muli %add3A_287, %mul3A_288 : i32
        %get3A_290 = arith.index_cast %mul3A_289 : i32 to index
        %get3A_291 = tpu.vector_load %arg5[%get3A_290] {strides = array<i32>} : memref<32768xf32, #tpu.memory_space<vmem>>, vector<16xf32>,
        %get3A_292 = vector.shape_cast %get3A_291 : vector<16xf32> to vector<16xf32>
        %mul3A_293 = vector.broadcast %squeeze3A_283 : f32 to vector<16xf32>
        %mul3A_294 = arith.mulf %mul3A_293, %get3A_292 : vector<16xf32>
        %add3A_295 = arith.addf %add3A_281, %mul3A_294 : vector<16xf32>
        %slice3A_296 = vector.extract_strided_slice %bitcast_convert_type3A_227 {offsets = [5], sizes = [1], strides = [1]} : vector<16xf32> to vector<1xf32>
        %squeeze3A_297 = vector.extract %slice3A_296[0] : f32 from vector<1xf32>
        %mul3A_298 = arith.constant 16 : i32
        %mul3A_299 = arith.muli %scan3A_208, %mul3A_298 : i32
        %add3A_300 = arith.constant 5 : i32
        %add3A_301 = arith.addi %mul3A_299, %add3A_300 : i32
        %mul3A_302 = arith.constant 16 : i32
        %mul3A_303 = arith.muli %add3A_301, %mul3A_302 : i32
        %get3A_304 = arith.index_cast %mul3A_303 : i32 to index
        %get3A_305 = tpu.vector_load %arg5[%get3A_304] {strides = array<i32>} : memref<32768xf32, #tpu.memory_space<vmem>>, vector<16xf32>,
        %get3A_306 = vector.shape_cast %get3A_305 : vector<16xf32> to vector<16xf32>
        %mul3A_307 = vector.broadcast %squeeze3A_297 : f32 to vector<16xf32>
        %mul3A_308 = arith.mulf %mul3A_307, %get3A_306 : vector<16xf32>
        %add3A_309 = arith.addf %add3A_295, %mul3A_308 : vector<16xf32>
        %slice3A_310 = vector.extract_strided_slice %bitcast_convert_type3A_227 {offsets = [6], sizes = [1], strides = [1]} : vector<16xf32> to vector<1xf32>
        %squeeze3A_311 = vector.extract %slice3A_310[0] : f32 from vector<1xf32>
        %mul3A_312 = arith.constant 16 : i32
        %mul3A_313 = arith.muli %scan3A_208, %mul3A_312 : i32
        %add3A_314 = arith.constant 6 : i32
        %add3A_315 = arith.addi %mul3A_313, %add3A_314 : i32
        %mul3A_316 = arith.constant 16 : i32
        %mul3A_317 = arith.muli %add3A_315, %mul3A_316 : i32
        %get3A_318 = arith.index_cast %mul3A_317 : i32 to index
        %get3A_319 = tpu.vector_load %arg5[%get3A_318] {strides = array<i32>} : memref<32768xf32, #tpu.memory_space<vmem>>, vector<16xf32>,
        %get3A_320 = vector.shape_cast %get3A_319 : vector<16xf32> to vector<16xf32>
        %mul3A_321 = vector.broadcast %squeeze3A_311 : f32 to vector<16xf32>
        %mul3A_322 = arith.mulf %mul3A_321, %get3A_320 : vector<16xf32>
        %add3A_323 = arith.addf %add3A_309, %mul3A_322 : vector<16xf32>
        %slice3A_324 = vector.extract_strided_slice %bitcast_convert_type3A_227 {offsets = [7], sizes = [1], strides = [1]} : vector<16xf32> to vector<1xf32>
        %squeeze3A_325 = vector.extract %slice3A_324[0] : f32 from vector<1xf32>
        %mul3A_326 = arith.constant 16 : i32
        %mul3A_327 = arith.muli %scan3A_208, %mul3A_326 : i32
        %add3A_328 = arith.constant 7 : i32
        %add3A_329 = arith.addi %mul3A_327, %add3A_328 : i32
        %mul3A_330 = arith.constant 16 : i32
        %mul3A_331 = arith.muli %add3A_329, %mul3A_330 : i32
        %get3A_332 = arith.index_cast %mul3A_331 : i32 to index
        %get3A_333 = tpu.vector_load %arg5[%get3A_332] {strides = array<i32>} : memref<32768xf32, #tpu.memory_space<vmem>>, vector<16xf32>,
        %get3A_334 = vector.shape_cast %get3A_333 : vector<16xf32> to vector<16xf32>
        %mul3A_335 = vector.broadcast %squeeze3A_325 : f32 to vector<16xf32>
        %mul3A_336 = arith.mulf %mul3A_335, %get3A_334 : vector<16xf32>
        %add3A_337 = arith.addf %add3A_323, %mul3A_336 : vector<16xf32>
        %slice3A_338 = vector.extract_strided_slice %bitcast_convert_type3A_227 {offsets = [8], sizes = [1], strides = [1]} : vector<16xf32> to vector<1xf32>
        %squeeze3A_339 = vector.extract %slice3A_338[0] : f32 from vector<1xf32>
        %mul3A_340 = arith.constant 16 : i32
        %mul3A_341 = arith.muli %scan3A_208, %mul3A_340 : i32
        %add3A_342 = arith.constant 8 : i32
        %add3A_343 = arith.addi %mul3A_341, %add3A_342 : i32
        %mul3A_344 = arith.constant 16 : i32
        %mul3A_345 = arith.muli %add3A_343, %mul3A_344 : i32
        %get3A_346 = arith.index_cast %mul3A_345 : i32 to index
        %get3A_347 = tpu.vector_load %arg5[%get3A_346] {strides = array<i32>} : memref<32768xf32, #tpu.memory_space<vmem>>, vector<16xf32>,
        %get3A_348 = vector.shape_cast %get3A_347 : vector<16xf32> to vector<16xf32>
        %mul3A_349 = vector.broadcast %squeeze3A_339 : f32 to vector<16xf32>
        %mul3A_350 = arith.mulf %mul3A_349, %get3A_348 : vector<16xf32>
        %add3A_351 = arith.addf %add3A_337, %mul3A_350 : vector<16xf32>
        %slice3A_352 = vector.extract_strided_slice %bitcast_convert_type3A_227 {offsets = [9], sizes = [1], strides = [1]} : vector<16xf32> to vector<1xf32>
        %squeeze3A_353 = vector.extract %slice3A_352[0] : f32 from vector<1xf32>
        %mul3A_354 = arith.constant 16 : i32
        %mul3A_355 = arith.muli %scan3A_208, %mul3A_354 : i32
        %add3A_356 = arith.constant 9 : i32
        %add3A_357 = arith.addi %mul3A_355, %add3A_356 : i32
        %mul3A_358 = arith.constant 16 : i32
        %mul3A_359 = arith.muli %add3A_357, %mul3A_358 : i32
        %get3A_360 = arith.index_cast %mul3A_359 : i32 to index
        %get3A_361 = tpu.vector_load %arg5[%get3A_360] {strides = array<i32>} : memref<32768xf32, #tpu.memory_space<vmem>>, vector<16xf32>,
        %get3A_362 = vector.shape_cast %get3A_361 : vector<16xf32> to vector<16xf32>
        %mul3A_363 = vector.broadcast %squeeze3A_353 : f32 to vector<16xf32>
        %mul3A_364 = arith.mulf %mul3A_363, %get3A_362 : vector<16xf32>
        %add3A_365 = arith.addf %add3A_351, %mul3A_364 : vector<16xf32>
        %slice3A_366 = vector.extract_strided_slice %bitcast_convert_type3A_227 {offsets = [10], sizes = [1], strides = [1]} : vector<16xf32> to vector<1xf32>
        %squeeze3A_367 = vector.extract %slice3A_366[0] : f32 from vector<1xf32>
        %mul3A_368 = arith.constant 16 : i32
        %mul3A_369 = arith.muli %scan3A_208, %mul3A_368 : i32
        %add3A_370 = arith.constant 10 : i32
        %add3A_371 = arith.addi %mul3A_369, %add3A_370 : i32
        %mul3A_372 = arith.constant 16 : i32
        %mul3A_373 = arith.muli %add3A_371, %mul3A_372 : i32
        %get3A_374 = arith.index_cast %mul3A_373 : i32 to index
        %get3A_375 = tpu.vector_load %arg5[%get3A_374] {strides = array<i32>} : memref<32768xf32, #tpu.memory_space<vmem>>, vector<16xf32>,
        %get3A_376 = vector.shape_cast %get3A_375 : vector<16xf32> to vector<16xf32>
        %mul3A_377 = vector.broadcast %squeeze3A_367 : f32 to vector<16xf32>
        %mul3A_378 = arith.mulf %mul3A_377, %get3A_376 : vector<16xf32>
        %add3A_379 = arith.addf %add3A_365, %mul3A_378 : vector<16xf32>
        %slice3A_380 = vector.extract_strided_slice %bitcast_convert_type3A_227 {offsets = [11], sizes = [1], strides = [1]} : vector<16xf32> to vector<1xf32>
        %squeeze3A_381 = vector.extract %slice3A_380[0] : f32 from vector<1xf32>
        %mul3A_382 = arith.constant 16 : i32
        %mul3A_383 = arith.muli %scan3A_208, %mul3A_382 : i32
        %add3A_384 = arith.constant 11 : i32
        %add3A_385 = arith.addi %mul3A_383, %add3A_384 : i32
        %mul3A_386 = arith.constant 16 : i32
        %mul3A_387 = arith.muli %add3A_385, %mul3A_386 : i32
        %get3A_388 = arith.index_cast %mul3A_387 : i32 to index
        %get3A_389 = tpu.vector_load %arg5[%get3A_388] {strides = array<i32>} : memref<32768xf32, #tpu.memory_space<vmem>>, vector<16xf32>,
        %get3A_390 = vector.shape_cast %get3A_389 : vector<16xf32> to vector<16xf32>
        %mul3A_391 = vector.broadcast %squeeze3A_381 : f32 to vector<16xf32>
        %mul3A_392 = arith.mulf %mul3A_391, %get3A_390 : vector<16xf32>
        %add3A_393 = arith.addf %add3A_379, %mul3A_392 : vector<16xf32>
        %slice3A_394 = vector.extract_strided_slice %bitcast_convert_type3A_227 {offsets = [12], sizes = [1], strides = [1]} : vector<16xf32> to vector<1xf32>
        %squeeze3A_395 = vector.extract %slice3A_394[0] : f32 from vector<1xf32>
        %mul3A_396 = arith.constant 16 : i32
        %mul3A_397 = arith.muli %scan3A_208, %mul3A_396 : i32
        %add3A_398 = arith.constant 12 : i32
        %add3A_399 = arith.addi %mul3A_397, %add3A_398 : i32
        %mul3A_400 = arith.constant 16 : i32
        %mul3A_401 = arith.muli %add3A_399, %mul3A_400 : i32
        %get3A_402 = arith.index_cast %mul3A_401 : i32 to index
        %get3A_403 = tpu.vector_load %arg5[%get3A_402] {strides = array<i32>} : memref<32768xf32, #tpu.memory_space<vmem>>, vector<16xf32>,
        %get3A_404 = vector.shape_cast %get3A_403 : vector<16xf32> to vector<16xf32>
        %mul3A_405 = vector.broadcast %squeeze3A_395 : f32 to vector<16xf32>
        %mul3A_406 = arith.mulf %mul3A_405, %get3A_404 : vector<16xf32>
        %add3A_407 = arith.addf %add3A_393, %mul3A_406 : vector<16xf32>
        %slice3A_408 = vector.extract_strided_slice %bitcast_convert_type3A_227 {offsets = [13], sizes = [1], strides = [1]} : vector<16xf32> to vector<1xf32>
        %squeeze3A_409 = vector.extract %slice3A_408[0] : f32 from vector<1xf32>
        %mul3A_410 = arith.constant 16 : i32
        %mul3A_411 = arith.muli %scan3A_208, %mul3A_410 : i32
        %add3A_412 = arith.constant 13 : i32
        %add3A_413 = arith.addi %mul3A_411, %add3A_412 : i32
        %mul3A_414 = arith.constant 16 : i32
        %mul3A_415 = arith.muli %add3A_413, %mul3A_414 : i32
        %get3A_416 = arith.index_cast %mul3A_415 : i32 to index
        %get3A_417 = tpu.vector_load %arg5[%get3A_416] {strides = array<i32>} : memref<32768xf32, #tpu.memory_space<vmem>>, vector<16xf32>,
        %get3A_418 = vector.shape_cast %get3A_417 : vector<16xf32> to vector<16xf32>
        %mul3A_419 = vector.broadcast %squeeze3A_409 : f32 to vector<16xf32>
        %mul3A_420 = arith.mulf %mul3A_419, %get3A_418 : vector<16xf32>
        %add3A_421 = arith.addf %add3A_407, %mul3A_420 : vector<16xf32>
        %slice3A_422 = vector.extract_strided_slice %bitcast_convert_type3A_227 {offsets = [14], sizes = [1], strides = [1]} : vector<16xf32> to vector<1xf32>
        %squeeze3A_423 = vector.extract %slice3A_422[0] : f32 from vector<1xf32>
        %mul3A_424 = arith.constant 16 : i32
        %mul3A_425 = arith.muli %scan3A_208, %mul3A_424 : i32
        %add3A_426 = arith.constant 14 : i32
        %add3A_427 = arith.addi %mul3A_425, %add3A_426 : i32
        %mul3A_428 = arith.constant 16 : i32
        %mul3A_429 = arith.muli %add3A_427, %mul3A_428 : i32
        %get3A_430 = arith.index_cast %mul3A_429 : i32 to index
        %get3A_431 = tpu.vector_load %arg5[%get3A_430] {strides = array<i32>} : memref<32768xf32, #tpu.memory_space<vmem>>, vector<16xf32>,
        %get3A_432 = vector.shape_cast %get3A_431 : vector<16xf32> to vector<16xf32>
        %mul3A_433 = vector.broadcast %squeeze3A_423 : f32 to vector<16xf32>
        %mul3A_434 = arith.mulf %mul3A_433, %get3A_432 : vector<16xf32>
        %add3A_435 = arith.addf %add3A_421, %mul3A_434 : vector<16xf32>
        %slice3A_436 = vector.extract_strided_slice %bitcast_convert_type3A_227 {offsets = [15], sizes = [1], strides = [1]} : vector<16xf32> to vector<1xf32>
        %squeeze3A_437 = vector.extract %slice3A_436[0] : f32 from vector<1xf32>
        %mul3A_438 = arith.constant 16 : i32
        %mul3A_439 = arith.muli %scan3A_208, %mul3A_438 : i32
        %add3A_440 = arith.constant 15 : i32
        %add3A_441 = arith.addi %mul3A_439, %add3A_440 : i32
        %mul3A_442 = arith.constant 16 : i32
        %mul3A_443 = arith.muli %add3A_441, %mul3A_442 : i32
        %get3A_444 = arith.index_cast %mul3A_443 : i32 to index
        %get3A_445 = tpu.vector_load %arg5[%get3A_444] {strides = array<i32>} : memref<32768xf32, #tpu.memory_space<vmem>>, vector<16xf32>,
        %get3A_446 = vector.shape_cast %get3A_445 : vector<16xf32> to vector<16xf32>
        %mul3A_447 = vector.broadcast %squeeze3A_437 : f32 to vector<16xf32>
        %mul3A_448 = arith.mulf %mul3A_447, %get3A_446 : vector<16xf32>
        %add3A_449 = arith.addf %add3A_435, %mul3A_448 : vector<16xf32>
        scf.yield %add3A_449 : vector<16xf32>
      }
      %scan3A_22 = arith.constant 128 : i32
      %swap3A = arith.constant 0 : index
      %swap3A_23 = tpu.vector_load %arg7[%swap3A] {strides = array<i32>} : memref<256xf32, #tpu.memory_space<vmem>>, vector<16xf32>,
      %swap3A_24 = vector.shape_cast %swap3A_23 : vector<16xf32> to vector<16xf32>
      %swap3A_25 = vector.shape_cast %scan3A_21 : vector<16xf32> to vector<16xf32>
      tpu.vector_store %arg7[%swap3A], %swap3A_25 {strides = array<i32>} : memref<256xf32, #tpu.memory_space<vmem>>, vector<16xf32>,
      %broadcast_in_dim3A_26 = arith.constant 0.000000e+00 : f32
      %broadcast_in_dim3A_27 = vector.broadcast %broadcast_in_dim3A_26 : f32 to vector<16xf32>
      %scan3A_28 = arith.constant 0 : i32
      %scan3A_29 = arith.constant 128 : i32
      %scan3A_30 = arith.addi %scan3A_28, %scan3A_29 : i32
      %scan3A_31 = arith.constant 1 : i32
      %scan3A_32 = scf.for %scan3A_208 = %scan3A_28 to %scan3A_30 step %scan3A_31 iter_args(%scan3A_209 = %broadcast_in_dim3A_27) -> (vector<16xf32>)  : i32 {
        %mul3A_210 = arith.constant 16 : i32
        %mul3A_211 = arith.muli %scan3A_208, %mul3A_210 : i32
        %add3A_212 = arith.constant 2048 : i32
        %add3A_213 = arith.addi %add3A_212, %mul3A_211 : i32
        %get3A = arith.index_cast %add3A_213 : i32 to index
        %get3A_214 = tpu.vector_load %arg6[%get3A] {strides = array<i32>} : memref<32768xf32, #tpu.memory_space<vmem>>, vector<16xf32>,
        %get3A_215 = vector.shape_cast %get3A_214 : vector<16xf32> to vector<16xf32>
        %bitcast_convert_type3A = tpu.bitcast %get3A_215 : vector<16xf32> -> vector<16xi32>
        %shift_right_logical3A = arith.constant 16 : i32
        %shift_right_logical3A_216 = vector.broadcast %shift_right_logical3A : i32 to vector<16xi32>
        %shift_right_logical3A_217 = arith.shrui %bitcast_convert_type3A, %shift_right_logical3A_216 : vector<16xi32>
        %and3A = arith.constant 1 : i32
        %and3A_218 = vector.broadcast %and3A : i32 to vector<16xi32>
        %and3A_219 = arith.andi %shift_right_logical3A_217, %and3A_218 : vector<16xi32>
        %add3A_220 = arith.constant 32767 : i32
        %add3A_221 = vector.broadcast %add3A_220 : i32 to vector<16xi32>
        %add3A_222 = arith.addi %bitcast_convert_type3A, %add3A_221 : vector<16xi32>
        %add3A_223 = arith.addi %add3A_222, %and3A_219 : vector<16xi32>
        %and3A_224 = arith.constant -65536 : i32
        %and3A_225 = vector.broadcast %and3A_224 : i32 to vector<16xi32>
        %and3A_226 = arith.andi %add3A_223, %and3A_225 : vector<16xi32>
        %bitcast_convert_type3A_227 = tpu.bitcast %and3A_226 : vector<16xi32> -> vector<16xf32>
        %slice3A = vector.extract_strided_slice %bitcast_convert_type3A_227 {offsets = [0], sizes = [1], strides = [1]} : vector<16xf32> to vector<1xf32>
        %squeeze3A = vector.extract %slice3A[0] : f32 from vector<1xf32>
        %mul3A_228 = arith.constant 16 : i32
        %mul3A_229 = arith.muli %scan3A_208, %mul3A_228 : i32
        %add3A_230 = arith.constant 0 : i32
        %add3A_231 = arith.addi %mul3A_229, %add3A_230 : i32
        %mul3A_232 = arith.constant 16 : i32
        %mul3A_233 = arith.muli %add3A_231, %mul3A_232 : i32
        %get3A_234 = arith.index_cast %mul3A_233 : i32 to index
        %get3A_235 = tpu.vector_load %arg5[%get3A_234] {strides = array<i32>} : memref<32768xf32, #tpu.memory_space<vmem>>, vector<16xf32>,
        %get3A_236 = vector.shape_cast %get3A_235 : vector<16xf32> to vector<16xf32>
        %mul3A_237 = vector.broadcast %squeeze3A : f32 to vector<16xf32>
        %mul3A_238 = arith.mulf %mul3A_237, %get3A_236 : vector<16xf32>
        %add3A_239 = arith.addf %scan3A_209, %mul3A_238 : vector<16xf32>
        %slice3A_240 = vector.extract_strided_slice %bitcast_convert_type3A_227 {offsets = [1], sizes = [1], strides = [1]} : vector<16xf32> to vector<1xf32>
        %squeeze3A_241 = vector.extract %slice3A_240[0] : f32 from vector<1xf32>
        %mul3A_242 = arith.constant 16 : i32
        %mul3A_243 = arith.muli %scan3A_208, %mul3A_242 : i32
        %add3A_244 = arith.constant 1 : i32
        %add3A_245 = arith.addi %mul3A_243, %add3A_244 : i32
        %mul3A_246 = arith.constant 16 : i32
        %mul3A_247 = arith.muli %add3A_245, %mul3A_246 : i32
        %get3A_248 = arith.index_cast %mul3A_247 : i32 to index
        %get3A_249 = tpu.vector_load %arg5[%get3A_248] {strides = array<i32>} : memref<32768xf32, #tpu.memory_space<vmem>>, vector<16xf32>,
        %get3A_250 = vector.shape_cast %get3A_249 : vector<16xf32> to vector<16xf32>
        %mul3A_251 = vector.broadcast %squeeze3A_241 : f32 to vector<16xf32>
        %mul3A_252 = arith.mulf %mul3A_251, %get3A_250 : vector<16xf32>
        %add3A_253 = arith.addf %add3A_239, %mul3A_252 : vector<16xf32>
        %slice3A_254 = vector.extract_strided_slice %bitcast_convert_type3A_227 {offsets = [2], sizes = [1], strides = [1]} : vector<16xf32> to vector<1xf32>
        %squeeze3A_255 = vector.extract %slice3A_254[0] : f32 from vector<1xf32>
        %mul3A_256 = arith.constant 16 : i32
        %mul3A_257 = arith.muli %scan3A_208, %mul3A_256 : i32
        %add3A_258 = arith.constant 2 : i32
        %add3A_259 = arith.addi %mul3A_257, %add3A_258 : i32
        %mul3A_260 = arith.constant 16 : i32
        %mul3A_261 = arith.muli %add3A_259, %mul3A_260 : i32
        %get3A_262 = arith.index_cast %mul3A_261 : i32 to index
        %get3A_263 = tpu.vector_load %arg5[%get3A_262] {strides = array<i32>} : memref<32768xf32, #tpu.memory_space<vmem>>, vector<16xf32>,
        %get3A_264 = vector.shape_cast %get3A_263 : vector<16xf32> to vector<16xf32>
        %mul3A_265 = vector.broadcast %squeeze3A_255 : f32 to vector<16xf32>
        %mul3A_266 = arith.mulf %mul3A_265, %get3A_264 : vector<16xf32>
        %add3A_267 = arith.addf %add3A_253, %mul3A_266 : vector<16xf32>
        %slice3A_268 = vector.extract_strided_slice %bitcast_convert_type3A_227 {offsets = [3], sizes = [1], strides = [1]} : vector<16xf32> to vector<1xf32>
        %squeeze3A_269 = vector.extract %slice3A_268[0] : f32 from vector<1xf32>
        %mul3A_270 = arith.constant 16 : i32
        %mul3A_271 = arith.muli %scan3A_208, %mul3A_270 : i32
        %add3A_272 = arith.constant 3 : i32
        %add3A_273 = arith.addi %mul3A_271, %add3A_272 : i32
        %mul3A_274 = arith.constant 16 : i32
        %mul3A_275 = arith.muli %add3A_273, %mul3A_274 : i32
        %get3A_276 = arith.index_cast %mul3A_275 : i32 to index
        %get3A_277 = tpu.vector_load %arg5[%get3A_276] {strides = array<i32>} : memref<32768xf32, #tpu.memory_space<vmem>>, vector<16xf32>,
        %get3A_278 = vector.shape_cast %get3A_277 : vector<16xf32> to vector<16xf32>
        %mul3A_279 = vector.broadcast %squeeze3A_269 : f32 to vector<16xf32>
        %mul3A_280 = arith.mulf %mul3A_279, %get3A_278 : vector<16xf32>
        %add3A_281 = arith.addf %add3A_267, %mul3A_280 : vector<16xf32>
        %slice3A_282 = vector.extract_strided_slice %bitcast_convert_type3A_227 {offsets = [4], sizes = [1], strides = [1]} : vector<16xf32> to vector<1xf32>
        %squeeze3A_283 = vector.extract %slice3A_282[0] : f32 from vector<1xf32>
        %mul3A_284 = arith.constant 16 : i32
        %mul3A_285 = arith.muli %scan3A_208, %mul3A_284 : i32
        %add3A_286 = arith.constant 4 : i32
        %add3A_287 = arith.addi %mul3A_285, %add3A_286 : i32
        %mul3A_288 = arith.constant 16 : i32
        %mul3A_289 = arith.muli %add3A_287, %mul3A_288 : i32
        %get3A_290 = arith.index_cast %mul3A_289 : i32 to index
        %get3A_291 = tpu.vector_load %arg5[%get3A_290] {strides = array<i32>} : memref<32768xf32, #tpu.memory_space<vmem>>, vector<16xf32>,
        %get3A_292 = vector.shape_cast %get3A_291 : vector<16xf32> to vector<16xf32>
        %mul3A_293 = vector.broadcast %squeeze3A_283 : f32 to vector<16xf32>
        %mul3A_294 = arith.mulf %mul3A_293, %get3A_292 : vector<16xf32>
        %add3A_295 = arith.addf %add3A_281, %mul3A_294 : vector<16xf32>
        %slice3A_296 = vector.extract_strided_slice %bitcast_convert_type3A_227 {offsets = [5], sizes = [1], strides = [1]} : vector<16xf32> to vector<1xf32>
        %squeeze3A_297 = vector.extract %slice3A_296[0] : f32 from vector<1xf32>
        %mul3A_298 = arith.constant 16 : i32
        %mul3A_299 = arith.muli %scan3A_208, %mul3A_298 : i32
        %add3A_300 = arith.constant 5 : i32
        %add3A_301 = arith.addi %mul3A_299, %add3A_300 : i32
        %mul3A_302 = arith.constant 16 : i32
        %mul3A_303 = arith.muli %add3A_301, %mul3A_302 : i32
        %get3A_304 = arith.index_cast %mul3A_303 : i32 to index
        %get3A_305 = tpu.vector_load %arg5[%get3A_304] {strides = array<i32>} : memref<32768xf32, #tpu.memory_space<vmem>>, vector<16xf32>,
        %get3A_306 = vector.shape_cast %get3A_305 : vector<16xf32> to vector<16xf32>
        %mul3A_307 = vector.broadcast %squeeze3A_297 : f32 to vector<16xf32>
        %mul3A_308 = arith.mulf %mul3A_307, %get3A_306 : vector<16xf32>
        %add3A_309 = arith.addf %add3A_295, %mul3A_308 : vector<16xf32>
        %slice3A_310 = vector.extract_strided_slice %bitcast_convert_type3A_227 {offsets = [6], sizes = [1], strides = [1]} : vector<16xf32> to vector<1xf32>
        %squeeze3A_311 = vector.extract %slice3A_310[0] : f32 from vector<1xf32>
        %mul3A_312 = arith.constant 16 : i32
        %mul3A_313 = arith.muli %scan3A_208, %mul3A_312 : i32
        %add3A_314 = arith.constant 6 : i32
        %add3A_315 = arith.addi %mul3A_313, %add3A_314 : i32
        %mul3A_316 = arith.constant 16 : i32
        %mul3A_317 = arith.muli %add3A_315, %mul3A_316 : i32
        %get3A_318 = arith.index_cast %mul3A_317 : i32 to index
        %get3A_319 = tpu.vector_load %arg5[%get3A_318] {strides = array<i32>} : memref<32768xf32, #tpu.memory_space<vmem>>, vector<16xf32>,
        %get3A_320 = vector.shape_cast %get3A_319 : vector<16xf32> to vector<16xf32>
        %mul3A_321 = vector.broadcast %squeeze3A_311 : f32 to vector<16xf32>
        %mul3A_322 = arith.mulf %mul3A_321, %get3A_320 : vector<16xf32>
        %add3A_323 = arith.addf %add3A_309, %mul3A_322 : vector<16xf32>
        %slice3A_324 = vector.extract_strided_slice %bitcast_convert_type3A_227 {offsets = [7], sizes = [1], strides = [1]} : vector<16xf32> to vector<1xf32>
        %squeeze3A_325 = vector.extract %slice3A_324[0] : f32 from vector<1xf32>
        %mul3A_326 = arith.constant 16 : i32
        %mul3A_327 = arith.muli %scan3A_208, %mul3A_326 : i32
        %add3A_328 = arith.constant 7 : i32
        %add3A_329 = arith.addi %mul3A_327, %add3A_328 : i32
        %mul3A_330 = arith.constant 16 : i32
        %mul3A_331 = arith.muli %add3A_329, %mul3A_330 : i32
        %get3A_332 = arith.index_cast %mul3A_331 : i32 to index
        %get3A_333 = tpu.vector_load %arg5[%get3A_332] {strides = array<i32>} : memref<32768xf32, #tpu.memory_space<vmem>>, vector<16xf32>,
        %get3A_334 = vector.shape_cast %get3A_333 : vector<16xf32> to vector<16xf32>
        %mul3A_335 = vector.broadcast %squeeze3A_325 : f32 to vector<16xf32>
        %mul3A_336 = arith.mulf %mul3A_335, %get3A_334 : vector<16xf32>
        %add3A_337 = arith.addf %add3A_323, %mul3A_336 : vector<16xf32>
        %slice3A_338 = vector.extract_strided_slice %bitcast_convert_type3A_227 {offsets = [8], sizes = [1], strides = [1]} : vector<16xf32> to vector<1xf32>
        %squeeze3A_339 = vector.extract %slice3A_338[0] : f32 from vector<1xf32>
        %mul3A_340 = arith.constant 16 : i32
        %mul3A_341 = arith.muli %scan3A_208, %mul3A_340 : i32
        %add3A_342 = arith.constant 8 : i32
        %add3A_343 = arith.addi %mul3A_341, %add3A_342 : i32
        %mul3A_344 = arith.constant 16 : i32
        %mul3A_345 = arith.muli %add3A_343, %mul3A_344 : i32
        %get3A_346 = arith.index_cast %mul3A_345 : i32 to index
        %get3A_347 = tpu.vector_load %arg5[%get3A_346] {strides = array<i32>} : memref<32768xf32, #tpu.memory_space<vmem>>, vector<16xf32>,
        %get3A_348 = vector.shape_cast %get3A_347 : vector<16xf32> to vector<16xf32>
        %mul3A_349 = vector.broadcast %squeeze3A_339 : f32 to vector<16xf32>
        %mul3A_350 = arith.mulf %mul3A_349, %get3A_348 : vector<16xf32>
        %add3A_351 = arith.addf %add3A_337, %mul3A_350 : vector<16xf32>
        %slice3A_352 = vector.extract_strided_slice %bitcast_convert_type3A_227 {offsets = [9], sizes = [1], strides = [1]} : vector<16xf32> to vector<1xf32>
        %squeeze3A_353 = vector.extract %slice3A_352[0] : f32 from vector<1xf32>
        %mul3A_354 = arith.constant 16 : i32
        %mul3A_355 = arith.muli %scan3A_208, %mul3A_354 : i32
        %add3A_356 = arith.constant 9 : i32
        %add3A_357 = arith.addi %mul3A_355, %add3A_356 : i32
        %mul3A_358 = arith.constant 16 : i32
        %mul3A_359 = arith.muli %add3A_357, %mul3A_358 : i32
        %get3A_360 = arith.index_cast %mul3A_359 : i32 to index
        %get3A_361 = tpu.vector_load %arg5[%get3A_360] {strides = array<i32>} : memref<32768xf32, #tpu.memory_space<vmem>>, vector<16xf32>,
        %get3A_362 = vector.shape_cast %get3A_361 : vector<16xf32> to vector<16xf32>
        %mul3A_363 = vector.broadcast %squeeze3A_353 : f32 to vector<16xf32>
        %mul3A_364 = arith.mulf %mul3A_363, %get3A_362 : vector<16xf32>
        %add3A_365 = arith.addf %add3A_351, %mul3A_364 : vector<16xf32>
        %slice3A_366 = vector.extract_strided_slice %bitcast_convert_type3A_227 {offsets = [10], sizes = [1], strides = [1]} : vector<16xf32> to vector<1xf32>
        %squeeze3A_367 = vector.extract %slice3A_366[0] : f32 from vector<1xf32>
        %mul3A_368 = arith.constant 16 : i32
        %mul3A_369 = arith.muli %scan3A_208, %mul3A_368 : i32
        %add3A_370 = arith.constant 10 : i32
        %add3A_371 = arith.addi %mul3A_369, %add3A_370 : i32
        %mul3A_372 = arith.constant 16 : i32
        %mul3A_373 = arith.muli %add3A_371, %mul3A_372 : i32
        %get3A_374 = arith.index_cast %mul3A_373 : i32 to index
        %get3A_375 = tpu.vector_load %arg5[%get3A_374] {strides = array<i32>} : memref<32768xf32, #tpu.memory_space<vmem>>, vector<16xf32>,
        %get3A_376 = vector.shape_cast %get3A_375 : vector<16xf32> to vector<16xf32>
        %mul3A_377 = vector.broadcast %squeeze3A_367 : f32 to vector<16xf32>
        %mul3A_378 = arith.mulf %mul3A_377, %get3A_376 : vector<16xf32>
        %add3A_379 = arith.addf %add3A_365, %mul3A_378 : vector<16xf32>
        %slice3A_380 = vector.extract_strided_slice %bitcast_convert_type3A_227 {offsets = [11], sizes = [1], strides = [1]} : vector<16xf32> to vector<1xf32>
        %squeeze3A_381 = vector.extract %slice3A_380[0] : f32 from vector<1xf32>
        %mul3A_382 = arith.constant 16 : i32
        %mul3A_383 = arith.muli %scan3A_208, %mul3A_382 : i32
        %add3A_384 = arith.constant 11 : i32
        %add3A_385 = arith.addi %mul3A_383, %add3A_384 : i32
        %mul3A_386 = arith.constant 16 : i32
        %mul3A_387 = arith.muli %add3A_385, %mul3A_386 : i32
        %get3A_388 = arith.index_cast %mul3A_387 : i32 to index
        %get3A_389 = tpu.vector_load %arg5[%get3A_388] {strides = array<i32>} : memref<32768xf32, #tpu.memory_space<vmem>>, vector<16xf32>,
        %get3A_390 = vector.shape_cast %get3A_389 : vector<16xf32> to vector<16xf32>
        %mul3A_391 = vector.broadcast %squeeze3A_381 : f32 to vector<16xf32>
        %mul3A_392 = arith.mulf %mul3A_391, %get3A_390 : vector<16xf32>
        %add3A_393 = arith.addf %add3A_379, %mul3A_392 : vector<16xf32>
        %slice3A_394 = vector.extract_strided_slice %bitcast_convert_type3A_227 {offsets = [12], sizes = [1], strides = [1]} : vector<16xf32> to vector<1xf32>
        %squeeze3A_395 = vector.extract %slice3A_394[0] : f32 from vector<1xf32>
        %mul3A_396 = arith.constant 16 : i32
        %mul3A_397 = arith.muli %scan3A_208, %mul3A_396 : i32
        %add3A_398 = arith.constant 12 : i32
        %add3A_399 = arith.addi %mul3A_397, %add3A_398 : i32
        %mul3A_400 = arith.constant 16 : i32
        %mul3A_401 = arith.muli %add3A_399, %mul3A_400 : i32
        %get3A_402 = arith.index_cast %mul3A_401 : i32 to index
        %get3A_403 = tpu.vector_load %arg5[%get3A_402] {strides = array<i32>} : memref<32768xf32, #tpu.memory_space<vmem>>, vector<16xf32>,
        %get3A_404 = vector.shape_cast %get3A_403 : vector<16xf32> to vector<16xf32>
        %mul3A_405 = vector.broadcast %squeeze3A_395 : f32 to vector<16xf32>
        %mul3A_406 = arith.mulf %mul3A_405, %get3A_404 : vector<16xf32>
        %add3A_407 = arith.addf %add3A_393, %mul3A_406 : vector<16xf32>
        %slice3A_408 = vector.extract_strided_slice %bitcast_convert_type3A_227 {offsets = [13], sizes = [1], strides = [1]} : vector<16xf32> to vector<1xf32>
        %squeeze3A_409 = vector.extract %slice3A_408[0] : f32 from vector<1xf32>
        %mul3A_410 = arith.constant 16 : i32
        %mul3A_411 = arith.muli %scan3A_208, %mul3A_410 : i32
        %add3A_412 = arith.constant 13 : i32
        %add3A_413 = arith.addi %mul3A_411, %add3A_412 : i32
        %mul3A_414 = arith.constant 16 : i32
        %mul3A_415 = arith.muli %add3A_413, %mul3A_414 : i32
        %get3A_416 = arith.index_cast %mul3A_415 : i32 to index
        %get3A_417 = tpu.vector_load %arg5[%get3A_416] {strides = array<i32>} : memref<32768xf32, #tpu.memory_space<vmem>>, vector<16xf32>,
        %get3A_418 = vector.shape_cast %get3A_417 : vector<16xf32> to vector<16xf32>
        %mul3A_419 = vector.broadcast %squeeze3A_409 : f32 to vector<16xf32>
        %mul3A_420 = arith.mulf %mul3A_419, %get3A_418 : vector<16xf32>
        %add3A_421 = arith.addf %add3A_407, %mul3A_420 : vector<16xf32>
        %slice3A_422 = vector.extract_strided_slice %bitcast_convert_type3A_227 {offsets = [14], sizes = [1], strides = [1]} : vector<16xf32> to vector<1xf32>
        %squeeze3A_423 = vector.extract %slice3A_422[0] : f32 from vector<1xf32>
        %mul3A_424 = arith.constant 16 : i32
        %mul3A_425 = arith.muli %scan3A_208, %mul3A_424 : i32
        %add3A_426 = arith.constant 14 : i32
        %add3A_427 = arith.addi %mul3A_425, %add3A_426 : i32
        %mul3A_428 = arith.constant 16 : i32
        %mul3A_429 = arith.muli %add3A_427, %mul3A_428 : i32
        %get3A_430 = arith.index_cast %mul3A_429 : i32 to index
        %get3A_431 = tpu.vector_load %arg5[%get3A_430] {strides = array<i32>} : memref<32768xf32, #tpu.memory_space<vmem>>, vector<16xf32>,
        %get3A_432 = vector.shape_cast %get3A_431 : vector<16xf32> to vector<16xf32>
        %mul3A_433 = vector.broadcast %squeeze3A_423 : f32 to vector<16xf32>
        %mul3A_434 = arith.mulf %mul3A_433, %get3A_432 : vector<16xf32>
        %add3A_435 = arith.addf %add3A_421, %mul3A_434 : vector<16xf32>
        %slice3A_436 = vector.extract_strided_slice %bitcast_convert_type3A_227 {offsets = [15], sizes = [1], strides = [1]} : vector<16xf32> to vector<1xf32>
        %squeeze3A_437 = vector.extract %slice3A_436[0] : f32 from vector<1xf32>
        %mul3A_438 = arith.constant 16 : i32
        %mul3A_439 = arith.muli %scan3A_208, %mul3A_438 : i32
        %add3A_440 = arith.constant 15 : i32
        %add3A_441 = arith.addi %mul3A_439, %add3A_440 : i32
        %mul3A_442 = arith.constant 16 : i32
        %mul3A_443 = arith.muli %add3A_441, %mul3A_442 : i32
        %get3A_444 = arith.index_cast %mul3A_443 : i32 to index
        %get3A_445 = tpu.vector_load %arg5[%get3A_444] {strides = array<i32>} : memref<32768xf32, #tpu.memory_space<vmem>>, vector<16xf32>,
        %get3A_446 = vector.shape_cast %get3A_445 : vector<16xf32> to vector<16xf32>
        %mul3A_447 = vector.broadcast %squeeze3A_437 : f32 to vector<16xf32>
        %mul3A_448 = arith.mulf %mul3A_447, %get3A_446 : vector<16xf32>
        %add3A_449 = arith.addf %add3A_435, %mul3A_448 : vector<16xf32>
        scf.yield %add3A_449 : vector<16xf32>
      }
      %scan3A_33 = arith.constant 128 : i32
      %swap3A_34 = arith.constant 16 : index
      %swap3A_35 = tpu.vector_load %arg7[%swap3A_34] {strides = array<i32>} : memref<256xf32, #tpu.memory_space<vmem>>, vector<16xf32>,
      %swap3A_36 = vector.shape_cast %swap3A_35 : vector<16xf32> to vector<16xf32>
      %swap3A_37 = vector.shape_cast %scan3A_32 : vector<16xf32> to vector<16xf32>
      tpu.vector_store %arg7[%swap3A_34], %swap3A_37 {strides = array<i32>} : memref<256xf32, #tpu.memory_space<vmem>>, vector<16xf32>,
      %broadcast_in_dim3A_38 = arith.constant 0.000000e+00 : f32
      %broadcast_in_dim3A_39 = vector.broadcast %broadcast_in_dim3A_38 : f32 to vector<16xf32>
      %scan3A_40 = arith.constant 0 : i32
      %scan3A_41 = arith.constant 128 : i32
      %scan3A_42 = arith.addi %scan3A_40, %scan3A_41 : i32
      %scan3A_43 = arith.constant 1 : i32
      %scan3A_44 = scf.for %scan3A_208 = %scan3A_40 to %scan3A_42 step %scan3A_43 iter_args(%scan3A_209 = %broadcast_in_dim3A_39) -> (vector<16xf32>)  : i32 {
        %mul3A_210 = arith.constant 16 : i32
        %mul3A_211 = arith.muli %scan3A_208, %mul3A_210 : i32
        %add3A_212 = arith.constant 4096 : i32
        %add3A_213 = arith.addi %add3A_212, %mul3A_211 : i32
        %get3A = arith.index_cast %add3A_213 : i32 to index
        %get3A_214 = tpu.vector_load %arg6[%get3A] {strides = array<i32>} : memref<32768xf32, #tpu.memory_space<vmem>>, vector<16xf32>,
        %get3A_215 = vector.shape_cast %get3A_214 : vector<16xf32> to vector<16xf32>
        %bitcast_convert_type3A = tpu.bitcast %get3A_215 : vector<16xf32> -> vector<16xi32>
        %shift_right_logical3A = arith.constant 16 : i32
        %shift_right_logical3A_216 = vector.broadcast %shift_right_logical3A : i32 to vector<16xi32>
        %shift_right_logical3A_217 = arith.shrui %bitcast_convert_type3A, %shift_right_logical3A_216 : vector<16xi32>
        %and3A = arith.constant 1 : i32
        %and3A_218 = vector.broadcast %and3A : i32 to vector<16xi32>
        %and3A_219 = arith.andi %shift_right_logical3A_217, %and3A_218 : vector<16xi32>
        %add3A_220 = arith.constant 32767 : i32
        %add3A_221 = vector.broadcast %add3A_220 : i32 to vector<16xi32>
        %add3A_222 = arith.addi %bitcast_convert_type3A, %add3A_221 : vector<16xi32>
        %add3A_223 = arith.addi %add3A_222, %and3A_219 : vector<16xi32>
        %and3A_224 = arith.constant -65536 : i32
        %and3A_225 = vector.broadcast %and3A_224 : i32 to vector<16xi32>
        %and3A_226 = arith.andi %add3A_223, %and3A_225 : vector<16xi32>
        %bitcast_convert_type3A_227 = tpu.bitcast %and3A_226 : vector<16xi32> -> vector<16xf32>
        %slice3A = vector.extract_strided_slice %bitcast_convert_type3A_227 {offsets = [0], sizes = [1], strides = [1]} : vector<16xf32> to vector<1xf32>
        %squeeze3A = vector.extract %slice3A[0] : f32 from vector<1xf32>
        %mul3A_228 = arith.constant 16 : i32
        %mul3A_229 = arith.muli %scan3A_208, %mul3A_228 : i32
        %add3A_230 = arith.constant 0 : i32
        %add3A_231 = arith.addi %mul3A_229, %add3A_230 : i32
        %mul3A_232 = arith.constant 16 : i32
        %mul3A_233 = arith.muli %add3A_231, %mul3A_232 : i32
        %get3A_234 = arith.index_cast %mul3A_233 : i32 to index
        %get3A_235 = tpu.vector_load %arg5[%get3A_234] {strides = array<i32>} : memref<32768xf32, #tpu.memory_space<vmem>>, vector<16xf32>,
        %get3A_236 = vector.shape_cast %get3A_235 : vector<16xf32> to vector<16xf32>
        %mul3A_237 = vector.broadcast %squeeze3A : f32 to vector<16xf32>
        %mul3A_238 = arith.mulf %mul3A_237, %get3A_236 : vector<16xf32>
        %add3A_239 = arith.addf %scan3A_209, %mul3A_238 : vector<16xf32>
        %slice3A_240 = vector.extract_strided_slice %bitcast_convert_type3A_227 {offsets = [1], sizes = [1], strides = [1]} : vector<16xf32> to vector<1xf32>
        %squeeze3A_241 = vector.extract %slice3A_240[0] : f32 from vector<1xf32>
        %mul3A_242 = arith.constant 16 : i32
        %mul3A_243 = arith.muli %scan3A_208, %mul3A_242 : i32
        %add3A_244 = arith.constant 1 : i32
        %add3A_245 = arith.addi %mul3A_243, %add3A_244 : i32
        %mul3A_246 = arith.constant 16 : i32
        %mul3A_247 = arith.muli %add3A_245, %mul3A_246 : i32
        %get3A_248 = arith.index_cast %mul3A_247 : i32 to index
        %get3A_249 = tpu.vector_load %arg5[%get3A_248] {strides = array<i32>} : memref<32768xf32, #tpu.memory_space<vmem>>, vector<16xf32>,
        %get3A_250 = vector.shape_cast %get3A_249 : vector<16xf32> to vector<16xf32>
        %mul3A_251 = vector.broadcast %squeeze3A_241 : f32 to vector<16xf32>
        %mul3A_252 = arith.mulf %mul3A_251, %get3A_250 : vector<16xf32>
        %add3A_253 = arith.addf %add3A_239, %mul3A_252 : vector<16xf32>
        %slice3A_254 = vector.extract_strided_slice %bitcast_convert_type3A_227 {offsets = [2], sizes = [1], strides = [1]} : vector<16xf32> to vector<1xf32>
        %squeeze3A_255 = vector.extract %slice3A_254[0] : f32 from vector<1xf32>
        %mul3A_256 = arith.constant 16 : i32
        %mul3A_257 = arith.muli %scan3A_208, %mul3A_256 : i32
        %add3A_258 = arith.constant 2 : i32
        %add3A_259 = arith.addi %mul3A_257, %add3A_258 : i32
        %mul3A_260 = arith.constant 16 : i32
        %mul3A_261 = arith.muli %add3A_259, %mul3A_260 : i32
        %get3A_262 = arith.index_cast %mul3A_261 : i32 to index
        %get3A_263 = tpu.vector_load %arg5[%get3A_262] {strides = array<i32>} : memref<32768xf32, #tpu.memory_space<vmem>>, vector<16xf32>,
        %get3A_264 = vector.shape_cast %get3A_263 : vector<16xf32> to vector<16xf32>
        %mul3A_265 = vector.broadcast %squeeze3A_255 : f32 to vector<16xf32>
        %mul3A_266 = arith.mulf %mul3A_265, %get3A_264 : vector<16xf32>
        %add3A_267 = arith.addf %add3A_253, %mul3A_266 : vector<16xf32>
        %slice3A_268 = vector.extract_strided_slice %bitcast_convert_type3A_227 {offsets = [3], sizes = [1], strides = [1]} : vector<16xf32> to vector<1xf32>
        %squeeze3A_269 = vector.extract %slice3A_268[0] : f32 from vector<1xf32>
        %mul3A_270 = arith.constant 16 : i32
        %mul3A_271 = arith.muli %scan3A_208, %mul3A_270 : i32
        %add3A_272 = arith.constant 3 : i32
        %add3A_273 = arith.addi %mul3A_271, %add3A_272 : i32
        %mul3A_274 = arith.constant 16 : i32
        %mul3A_275 = arith.muli %add3A_273, %mul3A_274 : i32
        %get3A_276 = arith.index_cast %mul3A_275 : i32 to index
        %get3A_277 = tpu.vector_load %arg5[%get3A_276] {strides = array<i32>} : memref<32768xf32, #tpu.memory_space<vmem>>, vector<16xf32>,
        %get3A_278 = vector.shape_cast %get3A_277 : vector<16xf32> to vector<16xf32>
        %mul3A_279 = vector.broadcast %squeeze3A_269 : f32 to vector<16xf32>
        %mul3A_280 = arith.mulf %mul3A_279, %get3A_278 : vector<16xf32>
        %add3A_281 = arith.addf %add3A_267, %mul3A_280 : vector<16xf32>
        %slice3A_282 = vector.extract_strided_slice %bitcast_convert_type3A_227 {offsets = [4], sizes = [1], strides = [1]} : vector<16xf32> to vector<1xf32>
        %squeeze3A_283 = vector.extract %slice3A_282[0] : f32 from vector<1xf32>
        %mul3A_284 = arith.constant 16 : i32
        %mul3A_285 = arith.muli %scan3A_208, %mul3A_284 : i32
        %add3A_286 = arith.constant 4 : i32
        %add3A_287 = arith.addi %mul3A_285, %add3A_286 : i32
        %mul3A_288 = arith.constant 16 : i32
        %mul3A_289 = arith.muli %add3A_287, %mul3A_288 : i32
        %get3A_290 = arith.index_cast %mul3A_289 : i32 to index
        %get3A_291 = tpu.vector_load %arg5[%get3A_290] {strides = array<i32>} : memref<32768xf32, #tpu.memory_space<vmem>>, vector<16xf32>,
        %get3A_292 = vector.shape_cast %get3A_291 : vector<16xf32> to vector<16xf32>
        %mul3A_293 = vector.broadcast %squeeze3A_283 : f32 to vector<16xf32>
        %mul3A_294 = arith.mulf %mul3A_293, %get3A_292 : vector<16xf32>
        %add3A_295 = arith.addf %add3A_281, %mul3A_294 : vector<16xf32>
        %slice3A_296 = vector.extract_strided_slice %bitcast_convert_type3A_227 {offsets = [5], sizes = [1], strides = [1]} : vector<16xf32> to vector<1xf32>
        %squeeze3A_297 = vector.extract %slice3A_296[0] : f32 from vector<1xf32>
        %mul3A_298 = arith.constant 16 : i32
        %mul3A_299 = arith.muli %scan3A_208, %mul3A_298 : i32
        %add3A_300 = arith.constant 5 : i32
        %add3A_301 = arith.addi %mul3A_299, %add3A_300 : i32
        %mul3A_302 = arith.constant 16 : i32
        %mul3A_303 = arith.muli %add3A_301, %mul3A_302 : i32
        %get3A_304 = arith.index_cast %mul3A_303 : i32 to index
        %get3A_305 = tpu.vector_load %arg5[%get3A_304] {strides = array<i32>} : memref<32768xf32, #tpu.memory_space<vmem>>, vector<16xf32>,
        %get3A_306 = vector.shape_cast %get3A_305 : vector<16xf32> to vector<16xf32>
        %mul3A_307 = vector.broadcast %squeeze3A_297 : f32 to vector<16xf32>
        %mul3A_308 = arith.mulf %mul3A_307, %get3A_306 : vector<16xf32>
        %add3A_309 = arith.addf %add3A_295, %mul3A_308 : vector<16xf32>
        %slice3A_310 = vector.extract_strided_slice %bitcast_convert_type3A_227 {offsets = [6], sizes = [1], strides = [1]} : vector<16xf32> to vector<1xf32>
        %squeeze3A_311 = vector.extract %slice3A_310[0] : f32 from vector<1xf32>
        %mul3A_312 = arith.constant 16 : i32
        %mul3A_313 = arith.muli %scan3A_208, %mul3A_312 : i32
        %add3A_314 = arith.constant 6 : i32
        %add3A_315 = arith.addi %mul3A_313, %add3A_314 : i32
        %mul3A_316 = arith.constant 16 : i32
        %mul3A_317 = arith.muli %add3A_315, %mul3A_316 : i32
        %get3A_318 = arith.index_cast %mul3A_317 : i32 to index
        %get3A_319 = tpu.vector_load %arg5[%get3A_318] {strides = array<i32>} : memref<32768xf32, #tpu.memory_space<vmem>>, vector<16xf32>,
        %get3A_320 = vector.shape_cast %get3A_319 : vector<16xf32> to vector<16xf32>
        %mul3A_321 = vector.broadcast %squeeze3A_311 : f32 to vector<16xf32>
        %mul3A_322 = arith.mulf %mul3A_321, %get3A_320 : vector<16xf32>
        %add3A_323 = arith.addf %add3A_309, %mul3A_322 : vector<16xf32>
        %slice3A_324 = vector.extract_strided_slice %bitcast_convert_type3A_227 {offsets = [7], sizes = [1], strides = [1]} : vector<16xf32> to vector<1xf32>
        %squeeze3A_325 = vector.extract %slice3A_324[0] : f32 from vector<1xf32>
        %mul3A_326 = arith.constant 16 : i32
        %mul3A_327 = arith.muli %scan3A_208, %mul3A_326 : i32
        %add3A_328 = arith.constant 7 : i32
        %add3A_329 = arith.addi %mul3A_327, %add3A_328 : i32
        %mul3A_330 = arith.constant 16 : i32
        %mul3A_331 = arith.muli %add3A_329, %mul3A_330 : i32
        %get3A_332 = arith.index_cast %mul3A_331 : i32 to index
        %get3A_333 = tpu.vector_load %arg5[%get3A_332] {strides = array<i32>} : memref<32768xf32, #tpu.memory_space<vmem>>, vector<16xf32>,
        %get3A_334 = vector.shape_cast %get3A_333 : vector<16xf32> to vector<16xf32>
        %mul3A_335 = vector.broadcast %squeeze3A_325 : f32 to vector<16xf32>
        %mul3A_336 = arith.mulf %mul3A_335, %get3A_334 : vector<16xf32>
        %add3A_337 = arith.addf %add3A_323, %mul3A_336 : vector<16xf32>
        %slice3A_338 = vector.extract_strided_slice %bitcast_convert_type3A_227 {offsets = [8], sizes = [1], strides = [1]} : vector<16xf32> to vector<1xf32>
        %squeeze3A_339 = vector.extract %slice3A_338[0] : f32 from vector<1xf32>
        %mul3A_340 = arith.constant 16 : i32
        %mul3A_341 = arith.muli %scan3A_208, %mul3A_340 : i32
        %add3A_342 = arith.constant 8 : i32
        %add3A_343 = arith.addi %mul3A_341, %add3A_342 : i32
        %mul3A_344 = arith.constant 16 : i32
        %mul3A_345 = arith.muli %add3A_343, %mul3A_344 : i32
        %get3A_346 = arith.index_cast %mul3A_345 : i32 to index
        %get3A_347 = tpu.vector_load %arg5[%get3A_346] {strides = array<i32>} : memref<32768xf32, #tpu.memory_space<vmem>>, vector<16xf32>,
        %get3A_348 = vector.shape_cast %get3A_347 : vector<16xf32> to vector<16xf32>
        %mul3A_349 = vector.broadcast %squeeze3A_339 : f32 to vector<16xf32>
        %mul3A_350 = arith.mulf %mul3A_349, %get3A_348 : vector<16xf32>
        %add3A_351 = arith.addf %add3A_337, %mul3A_350 : vector<16xf32>
        %slice3A_352 = vector.extract_strided_slice %bitcast_convert_type3A_227 {offsets = [9], sizes = [1], strides = [1]} : vector<16xf32> to vector<1xf32>
        %squeeze3A_353 = vector.extract %slice3A_352[0] : f32 from vector<1xf32>
        %mul3A_354 = arith.constant 16 : i32
        %mul3A_355 = arith.muli %scan3A_208, %mul3A_354 : i32
        %add3A_356 = arith.constant 9 : i32
        %add3A_357 = arith.addi %mul3A_355, %add3A_356 : i32
        %mul3A_358 = arith.constant 16 : i32
        %mul3A_359 = arith.muli %add3A_357, %mul3A_358 : i32
        %get3A_360 = arith.index_cast %mul3A_359 : i32 to index
        %get3A_361 = tpu.vector_load %arg5[%get3A_360] {strides = array<i32>} : memref<32768xf32, #tpu.memory_space<vmem>>, vector<16xf32>,
        %get3A_362 = vector.shape_cast %get3A_361 : vector<16xf32> to vector<16xf32>
        %mul3A_363 = vector.broadcast %squeeze3A_353 : f32 to vector<16xf32>
        %mul3A_364 = arith.mulf %mul3A_363, %get3A_362 : vector<16xf32>
        %add3A_365 = arith.addf %add3A_351, %mul3A_364 : vector<16xf32>
        %slice3A_366 = vector.extract_strided_slice %bitcast_convert_type3A_227 {offsets = [10], sizes = [1], strides = [1]} : vector<16xf32> to vector<1xf32>
        %squeeze3A_367 = vector.extract %slice3A_366[0] : f32 from vector<1xf32>
        %mul3A_368 = arith.constant 16 : i32
        %mul3A_369 = arith.muli %scan3A_208, %mul3A_368 : i32
        %add3A_370 = arith.constant 10 : i32
        %add3A_371 = arith.addi %mul3A_369, %add3A_370 : i32
        %mul3A_372 = arith.constant 16 : i32
        %mul3A_373 = arith.muli %add3A_371, %mul3A_372 : i32
        %get3A_374 = arith.index_cast %mul3A_373 : i32 to index
        %get3A_375 = tpu.vector_load %arg5[%get3A_374] {strides = array<i32>} : memref<32768xf32, #tpu.memory_space<vmem>>, vector<16xf32>,
        %get3A_376 = vector.shape_cast %get3A_375 : vector<16xf32> to vector<16xf32>
        %mul3A_377 = vector.broadcast %squeeze3A_367 : f32 to vector<16xf32>
        %mul3A_378 = arith.mulf %mul3A_377, %get3A_376 : vector<16xf32>
        %add3A_379 = arith.addf %add3A_365, %mul3A_378 : vector<16xf32>
        %slice3A_380 = vector.extract_strided_slice %bitcast_convert_type3A_227 {offsets = [11], sizes = [1], strides = [1]} : vector<16xf32> to vector<1xf32>
        %squeeze3A_381 = vector.extract %slice3A_380[0] : f32 from vector<1xf32>
        %mul3A_382 = arith.constant 16 : i32
        %mul3A_383 = arith.muli %scan3A_208, %mul3A_382 : i32
        %add3A_384 = arith.constant 11 : i32
        %add3A_385 = arith.addi %mul3A_383, %add3A_384 : i32
        %mul3A_386 = arith.constant 16 : i32
        %mul3A_387 = arith.muli %add3A_385, %mul3A_386 : i32
        %get3A_388 = arith.index_cast %mul3A_387 : i32 to index
        %get3A_389 = tpu.vector_load %arg5[%get3A_388] {strides = array<i32>} : memref<32768xf32, #tpu.memory_space<vmem>>, vector<16xf32>,
        %get3A_390 = vector.shape_cast %get3A_389 : vector<16xf32> to vector<16xf32>
        %mul3A_391 = vector.broadcast %squeeze3A_381 : f32 to vector<16xf32>
        %mul3A_392 = arith.mulf %mul3A_391, %get3A_390 : vector<16xf32>
        %add3A_393 = arith.addf %add3A_379, %mul3A_392 : vector<16xf32>
        %slice3A_394 = vector.extract_strided_slice %bitcast_convert_type3A_227 {offsets = [12], sizes = [1], strides = [1]} : vector<16xf32> to vector<1xf32>
        %squeeze3A_395 = vector.extract %slice3A_394[0] : f32 from vector<1xf32>
        %mul3A_396 = arith.constant 16 : i32
        %mul3A_397 = arith.muli %scan3A_208, %mul3A_396 : i32
        %add3A_398 = arith.constant 12 : i32
        %add3A_399 = arith.addi %mul3A_397, %add3A_398 : i32
        %mul3A_400 = arith.constant 16 : i32
        %mul3A_401 = arith.muli %add3A_399, %mul3A_400 : i32
        %get3A_402 = arith.index_cast %mul3A_401 : i32 to index
        %get3A_403 = tpu.vector_load %arg5[%get3A_402] {strides = array<i32>} : memref<32768xf32, #tpu.memory_space<vmem>>, vector<16xf32>,
        %get3A_404 = vector.shape_cast %get3A_403 : vector<16xf32> to vector<16xf32>
        %mul3A_405 = vector.broadcast %squeeze3A_395 : f32 to vector<16xf32>
        %mul3A_406 = arith.mulf %mul3A_405, %get3A_404 : vector<16xf32>
        %add3A_407 = arith.addf %add3A_393, %mul3A_406 : vector<16xf32>
        %slice3A_408 = vector.extract_strided_slice %bitcast_convert_type3A_227 {offsets = [13], sizes = [1], strides = [1]} : vector<16xf32> to vector<1xf32>
        %squeeze3A_409 = vector.extract %slice3A_408[0] : f32 from vector<1xf32>
        %mul3A_410 = arith.constant 16 : i32
        %mul3A_411 = arith.muli %scan3A_208, %mul3A_410 : i32
        %add3A_412 = arith.constant 13 : i32
        %add3A_413 = arith.addi %mul3A_411, %add3A_412 : i32
        %mul3A_414 = arith.constant 16 : i32
        %mul3A_415 = arith.muli %add3A_413, %mul3A_414 : i32
        %get3A_416 = arith.index_cast %mul3A_415 : i32 to index
        %get3A_417 = tpu.vector_load %arg5[%get3A_416] {strides = array<i32>} : memref<32768xf32, #tpu.memory_space<vmem>>, vector<16xf32>,
        %get3A_418 = vector.shape_cast %get3A_417 : vector<16xf32> to vector<16xf32>
        %mul3A_419 = vector.broadcast %squeeze3A_409 : f32 to vector<16xf32>
        %mul3A_420 = arith.mulf %mul3A_419, %get3A_418 : vector<16xf32>
        %add3A_421 = arith.addf %add3A_407, %mul3A_420 : vector<16xf32>
        %slice3A_422 = vector.extract_strided_slice %bitcast_convert_type3A_227 {offsets = [14], sizes = [1], strides = [1]} : vector<16xf32> to vector<1xf32>
        %squeeze3A_423 = vector.extract %slice3A_422[0] : f32 from vector<1xf32>
        %mul3A_424 = arith.constant 16 : i32
        %mul3A_425 = arith.muli %scan3A_208, %mul3A_424 : i32
        %add3A_426 = arith.constant 14 : i32
        %add3A_427 = arith.addi %mul3A_425, %add3A_426 : i32
        %mul3A_428 = arith.constant 16 : i32
        %mul3A_429 = arith.muli %add3A_427, %mul3A_428 : i32
        %get3A_430 = arith.index_cast %mul3A_429 : i32 to index
        %get3A_431 = tpu.vector_load %arg5[%get3A_430] {strides = array<i32>} : memref<32768xf32, #tpu.memory_space<vmem>>, vector<16xf32>,
        %get3A_432 = vector.shape_cast %get3A_431 : vector<16xf32> to vector<16xf32>
        %mul3A_433 = vector.broadcast %squeeze3A_423 : f32 to vector<16xf32>
        %mul3A_434 = arith.mulf %mul3A_433, %get3A_432 : vector<16xf32>
        %add3A_435 = arith.addf %add3A_421, %mul3A_434 : vector<16xf32>
        %slice3A_436 = vector.extract_strided_slice %bitcast_convert_type3A_227 {offsets = [15], sizes = [1], strides = [1]} : vector<16xf32> to vector<1xf32>
        %squeeze3A_437 = vector.extract %slice3A_436[0] : f32 from vector<1xf32>
        %mul3A_438 = arith.constant 16 : i32
        %mul3A_439 = arith.muli %scan3A_208, %mul3A_438 : i32
        %add3A_440 = arith.constant 15 : i32
        %add3A_441 = arith.addi %mul3A_439, %add3A_440 : i32
        %mul3A_442 = arith.constant 16 : i32
        %mul3A_443 = arith.muli %add3A_441, %mul3A_442 : i32
        %get3A_444 = arith.index_cast %mul3A_443 : i32 to index
        %get3A_445 = tpu.vector_load %arg5[%get3A_444] {strides = array<i32>} : memref<32768xf32, #tpu.memory_space<vmem>>, vector<16xf32>,
        %get3A_446 = vector.shape_cast %get3A_445 : vector<16xf32> to vector<16xf32>
        %mul3A_447 = vector.broadcast %squeeze3A_437 : f32 to vector<16xf32>
        %mul3A_448 = arith.mulf %mul3A_447, %get3A_446 : vector<16xf32>
        %add3A_449 = arith.addf %add3A_435, %mul3A_448 : vector<16xf32>
        scf.yield %add3A_449 : vector<16xf32>
      }
      %scan3A_45 = arith.constant 128 : i32
      %swap3A_46 = arith.constant 32 : index
      %swap3A_47 = tpu.vector_load %arg7[%swap3A_46] {strides = array<i32>} : memref<256xf32, #tpu.memory_space<vmem>>, vector<16xf32>,
      %swap3A_48 = vector.shape_cast %swap3A_47 : vector<16xf32> to vector<16xf32>
      %swap3A_49 = vector.shape_cast %scan3A_44 : vector<16xf32> to vector<16xf32>
      tpu.vector_store %arg7[%swap3A_46], %swap3A_49 {strides = array<i32>} : memref<256xf32, #tpu.memory_space<vmem>>, vector<16xf32>,
      %broadcast_in_dim3A_50 = arith.constant 0.000000e+00 : f32
      %broadcast_in_dim3A_51 = vector.broadcast %broadcast_in_dim3A_50 : f32 to vector<16xf32>
      %scan3A_52 = arith.constant 0 : i32
      %scan3A_53 = arith.constant 128 : i32
      %scan3A_54 = arith.addi %scan3A_52, %scan3A_53 : i32
      %scan3A_55 = arith.constant 1 : i32
      %scan3A_56 = scf.for %scan3A_208 = %scan3A_52 to %scan3A_54 step %scan3A_55 iter_args(%scan3A_209 = %broadcast_in_dim3A_51) -> (vector<16xf32>)  : i32 {
        %mul3A_210 = arith.constant 16 : i32
        %mul3A_211 = arith.muli %scan3A_208, %mul3A_210 : i32
        %add3A_212 = arith.constant 6144 : i32
        %add3A_213 = arith.addi %add3A_212, %mul3A_211 : i32
        %get3A = arith.index_cast %add3A_213 : i32 to index
        %get3A_214 = tpu.vector_load %arg6[%get3A] {strides = array<i32>} : memref<32768xf32, #tpu.memory_space<vmem>>, vector<16xf32>,
        %get3A_215 = vector.shape_cast %get3A_214 : vector<16xf32> to vector<16xf32>
        %bitcast_convert_type3A = tpu.bitcast %get3A_215 : vector<16xf32> -> vector<16xi32>
        %shift_right_logical3A = arith.constant 16 : i32
        %shift_right_logical3A_216 = vector.broadcast %shift_right_logical3A : i32 to vector<16xi32>
        %shift_right_logical3A_217 = arith.shrui %bitcast_convert_type3A, %shift_right_logical3A_216 : vector<16xi32>
        %and3A = arith.constant 1 : i32
        %and3A_218 = vector.broadcast %and3A : i32 to vector<16xi32>
        %and3A_219 = arith.andi %shift_right_logical3A_217, %and3A_218 : vector<16xi32>
        %add3A_220 = arith.constant 32767 : i32
        %add3A_221 = vector.broadcast %add3A_220 : i32 to vector<16xi32>
        %add3A_222 = arith.addi %bitcast_convert_type3A, %add3A_221 : vector<16xi32>
        %add3A_223 = arith.addi %add3A_222, %and3A_219 : vector<16xi32>
        %and3A_224 = arith.constant -65536 : i32
        %and3A_225 = vector.broadcast %and3A_224 : i32 to vector<16xi32>
        %and3A_226 = arith.andi %add3A_223, %and3A_225 : vector<16xi32>
        %bitcast_convert_type3A_227 = tpu.bitcast %and3A_226 : vector<16xi32> -> vector<16xf32>
        %slice3A = vector.extract_strided_slice %bitcast_convert_type3A_227 {offsets = [0], sizes = [1], strides = [1]} : vector<16xf32> to vector<1xf32>
        %squeeze3A = vector.extract %slice3A[0] : f32 from vector<1xf32>
        %mul3A_228 = arith.constant 16 : i32
        %mul3A_229 = arith.muli %scan3A_208, %mul3A_228 : i32
        %add3A_230 = arith.constant 0 : i32
        %add3A_231 = arith.addi %mul3A_229, %add3A_230 : i32
        %mul3A_232 = arith.constant 16 : i32
        %mul3A_233 = arith.muli %add3A_231, %mul3A_232 : i32
        %get3A_234 = arith.index_cast %mul3A_233 : i32 to index
        %get3A_235 = tpu.vector_load %arg5[%get3A_234] {strides = array<i32>} : memref<32768xf32, #tpu.memory_space<vmem>>, vector<16xf32>,
        %get3A_236 = vector.shape_cast %get3A_235 : vector<16xf32> to vector<16xf32>
        %mul3A_237 = vector.broadcast %squeeze3A : f32 to vector<16xf32>
        %mul3A_238 = arith.mulf %mul3A_237, %get3A_236 : vector<16xf32>
        %add3A_239 = arith.addf %scan3A_209, %mul3A_238 : vector<16xf32>
        %slice3A_240 = vector.extract_strided_slice %bitcast_convert_type3A_227 {offsets = [1], sizes = [1], strides = [1]} : vector<16xf32> to vector<1xf32>
        %squeeze3A_241 = vector.extract %slice3A_240[0] : f32 from vector<1xf32>
        %mul3A_242 = arith.constant 16 : i32
        %mul3A_243 = arith.muli %scan3A_208, %mul3A_242 : i32
        %add3A_244 = arith.constant 1 : i32
        %add3A_245 = arith.addi %mul3A_243, %add3A_244 : i32
        %mul3A_246 = arith.constant 16 : i32
        %mul3A_247 = arith.muli %add3A_245, %mul3A_246 : i32
        %get3A_248 = arith.index_cast %mul3A_247 : i32 to index
        %get3A_249 = tpu.vector_load %arg5[%get3A_248] {strides = array<i32>} : memref<32768xf32, #tpu.memory_space<vmem>>, vector<16xf32>,
        %get3A_250 = vector.shape_cast %get3A_249 : vector<16xf32> to vector<16xf32>
        %mul3A_251 = vector.broadcast %squeeze3A_241 : f32 to vector<16xf32>
        %mul3A_252 = arith.mulf %mul3A_251, %get3A_250 : vector<16xf32>
        %add3A_253 = arith.addf %add3A_239, %mul3A_252 : vector<16xf32>
        %slice3A_254 = vector.extract_strided_slice %bitcast_convert_type3A_227 {offsets = [2], sizes = [1], strides = [1]} : vector<16xf32> to vector<1xf32>
        %squeeze3A_255 = vector.extract %slice3A_254[0] : f32 from vector<1xf32>
        %mul3A_256 = arith.constant 16 : i32
        %mul3A_257 = arith.muli %scan3A_208, %mul3A_256 : i32
        %add3A_258 = arith.constant 2 : i32
        %add3A_259 = arith.addi %mul3A_257, %add3A_258 : i32
        %mul3A_260 = arith.constant 16 : i32
        %mul3A_261 = arith.muli %add3A_259, %mul3A_260 : i32
        %get3A_262 = arith.index_cast %mul3A_261 : i32 to index
        %get3A_263 = tpu.vector_load %arg5[%get3A_262] {strides = array<i32>} : memref<32768xf32, #tpu.memory_space<vmem>>, vector<16xf32>,
        %get3A_264 = vector.shape_cast %get3A_263 : vector<16xf32> to vector<16xf32>
        %mul3A_265 = vector.broadcast %squeeze3A_255 : f32 to vector<16xf32>
        %mul3A_266 = arith.mulf %mul3A_265, %get3A_264 : vector<16xf32>
        %add3A_267 = arith.addf %add3A_253, %mul3A_266 : vector<16xf32>
        %slice3A_268 = vector.extract_strided_slice %bitcast_convert_type3A_227 {offsets = [3], sizes = [1], strides = [1]} : vector<16xf32> to vector<1xf32>
        %squeeze3A_269 = vector.extract %slice3A_268[0] : f32 from vector<1xf32>
        %mul3A_270 = arith.constant 16 : i32
        %mul3A_271 = arith.muli %scan3A_208, %mul3A_270 : i32
        %add3A_272 = arith.constant 3 : i32
        %add3A_273 = arith.addi %mul3A_271, %add3A_272 : i32
        %mul3A_274 = arith.constant 16 : i32
        %mul3A_275 = arith.muli %add3A_273, %mul3A_274 : i32
        %get3A_276 = arith.index_cast %mul3A_275 : i32 to index
        %get3A_277 = tpu.vector_load %arg5[%get3A_276] {strides = array<i32>} : memref<32768xf32, #tpu.memory_space<vmem>>, vector<16xf32>,
        %get3A_278 = vector.shape_cast %get3A_277 : vector<16xf32> to vector<16xf32>
        %mul3A_279 = vector.broadcast %squeeze3A_269 : f32 to vector<16xf32>
        %mul3A_280 = arith.mulf %mul3A_279, %get3A_278 : vector<16xf32>
        %add3A_281 = arith.addf %add3A_267, %mul3A_280 : vector<16xf32>
        %slice3A_282 = vector.extract_strided_slice %bitcast_convert_type3A_227 {offsets = [4], sizes = [1], strides = [1]} : vector<16xf32> to vector<1xf32>
        %squeeze3A_283 = vector.extract %slice3A_282[0] : f32 from vector<1xf32>
        %mul3A_284 = arith.constant 16 : i32
        %mul3A_285 = arith.muli %scan3A_208, %mul3A_284 : i32
        %add3A_286 = arith.constant 4 : i32
        %add3A_287 = arith.addi %mul3A_285, %add3A_286 : i32
        %mul3A_288 = arith.constant 16 : i32
        %mul3A_289 = arith.muli %add3A_287, %mul3A_288 : i32
        %get3A_290 = arith.index_cast %mul3A_289 : i32 to index
        %get3A_291 = tpu.vector_load %arg5[%get3A_290] {strides = array<i32>} : memref<32768xf32, #tpu.memory_space<vmem>>, vector<16xf32>,
        %get3A_292 = vector.shape_cast %get3A_291 : vector<16xf32> to vector<16xf32>
        %mul3A_293 = vector.broadcast %squeeze3A_283 : f32 to vector<16xf32>
        %mul3A_294 = arith.mulf %mul3A_293, %get3A_292 : vector<16xf32>
        %add3A_295 = arith.addf %add3A_281, %mul3A_294 : vector<16xf32>
        %slice3A_296 = vector.extract_strided_slice %bitcast_convert_type3A_227 {offsets = [5], sizes = [1], strides = [1]} : vector<16xf32> to vector<1xf32>
        %squeeze3A_297 = vector.extract %slice3A_296[0] : f32 from vector<1xf32>
        %mul3A_298 = arith.constant 16 : i32
        %mul3A_299 = arith.muli %scan3A_208, %mul3A_298 : i32
        %add3A_300 = arith.constant 5 : i32
        %add3A_301 = arith.addi %mul3A_299, %add3A_300 : i32
        %mul3A_302 = arith.constant 16 : i32
        %mul3A_303 = arith.muli %add3A_301, %mul3A_302 : i32
        %get3A_304 = arith.index_cast %mul3A_303 : i32 to index
        %get3A_305 = tpu.vector_load %arg5[%get3A_304] {strides = array<i32>} : memref<32768xf32, #tpu.memory_space<vmem>>, vector<16xf32>,
        %get3A_306 = vector.shape_cast %get3A_305 : vector<16xf32> to vector<16xf32>
        %mul3A_307 = vector.broadcast %squeeze3A_297 : f32 to vector<16xf32>
        %mul3A_308 = arith.mulf %mul3A_307, %get3A_306 : vector<16xf32>
        %add3A_309 = arith.addf %add3A_295, %mul3A_308 : vector<16xf32>
        %slice3A_310 = vector.extract_strided_slice %bitcast_convert_type3A_227 {offsets = [6], sizes = [1], strides = [1]} : vector<16xf32> to vector<1xf32>
        %squeeze3A_311 = vector.extract %slice3A_310[0] : f32 from vector<1xf32>
        %mul3A_312 = arith.constant 16 : i32
        %mul3A_313 = arith.muli %scan3A_208, %mul3A_312 : i32
        %add3A_314 = arith.constant 6 : i32
        %add3A_315 = arith.addi %mul3A_313, %add3A_314 : i32
        %mul3A_316 = arith.constant 16 : i32
        %mul3A_317 = arith.muli %add3A_315, %mul3A_316 : i32
        %get3A_318 = arith.index_cast %mul3A_317 : i32 to index
        %get3A_319 = tpu.vector_load %arg5[%get3A_318] {strides = array<i32>} : memref<32768xf32, #tpu.memory_space<vmem>>, vector<16xf32>,
        %get3A_320 = vector.shape_cast %get3A_319 : vector<16xf32> to vector<16xf32>
        %mul3A_321 = vector.broadcast %squeeze3A_311 : f32 to vector<16xf32>
        %mul3A_322 = arith.mulf %mul3A_321, %get3A_320 : vector<16xf32>
        %add3A_323 = arith.addf %add3A_309, %mul3A_322 : vector<16xf32>
        %slice3A_324 = vector.extract_strided_slice %bitcast_convert_type3A_227 {offsets = [7], sizes = [1], strides = [1]} : vector<16xf32> to vector<1xf32>
        %squeeze3A_325 = vector.extract %slice3A_324[0] : f32 from vector<1xf32>
        %mul3A_326 = arith.constant 16 : i32
        %mul3A_327 = arith.muli %scan3A_208, %mul3A_326 : i32
        %add3A_328 = arith.constant 7 : i32
        %add3A_329 = arith.addi %mul3A_327, %add3A_328 : i32
        %mul3A_330 = arith.constant 16 : i32
        %mul3A_331 = arith.muli %add3A_329, %mul3A_330 : i32
        %get3A_332 = arith.index_cast %mul3A_331 : i32 to index
        %get3A_333 = tpu.vector_load %arg5[%get3A_332] {strides = array<i32>} : memref<32768xf32, #tpu.memory_space<vmem>>, vector<16xf32>,
        %get3A_334 = vector.shape_cast %get3A_333 : vector<16xf32> to vector<16xf32>
        %mul3A_335 = vector.broadcast %squeeze3A_325 : f32 to vector<16xf32>
        %mul3A_336 = arith.mulf %mul3A_335, %get3A_334 : vector<16xf32>
        %add3A_337 = arith.addf %add3A_323, %mul3A_336 : vector<16xf32>
        %slice3A_338 = vector.extract_strided_slice %bitcast_convert_type3A_227 {offsets = [8], sizes = [1], strides = [1]} : vector<16xf32> to vector<1xf32>
        %squeeze3A_339 = vector.extract %slice3A_338[0] : f32 from vector<1xf32>
        %mul3A_340 = arith.constant 16 : i32
        %mul3A_341 = arith.muli %scan3A_208, %mul3A_340 : i32
        %add3A_342 = arith.constant 8 : i32
        %add3A_343 = arith.addi %mul3A_341, %add3A_342 : i32
        %mul3A_344 = arith.constant 16 : i32
        %mul3A_345 = arith.muli %add3A_343, %mul3A_344 : i32
        %get3A_346 = arith.index_cast %mul3A_345 : i32 to index
        %get3A_347 = tpu.vector_load %arg5[%get3A_346] {strides = array<i32>} : memref<32768xf32, #tpu.memory_space<vmem>>, vector<16xf32>,
        %get3A_348 = vector.shape_cast %get3A_347 : vector<16xf32> to vector<16xf32>
        %mul3A_349 = vector.broadcast %squeeze3A_339 : f32 to vector<16xf32>
        %mul3A_350 = arith.mulf %mul3A_349, %get3A_348 : vector<16xf32>
        %add3A_351 = arith.addf %add3A_337, %mul3A_350 : vector<16xf32>
        %slice3A_352 = vector.extract_strided_slice %bitcast_convert_type3A_227 {offsets = [9], sizes = [1], strides = [1]} : vector<16xf32> to vector<1xf32>
        %squeeze3A_353 = vector.extract %slice3A_352[0] : f32 from vector<1xf32>
        %mul3A_354 = arith.constant 16 : i32
        %mul3A_355 = arith.muli %scan3A_208, %mul3A_354 : i32
        %add3A_356 = arith.constant 9 : i32
        %add3A_357 = arith.addi %mul3A_355, %add3A_356 : i32
        %mul3A_358 = arith.constant 16 : i32
        %mul3A_359 = arith.muli %add3A_357, %mul3A_358 : i32
        %get3A_360 = arith.index_cast %mul3A_359 : i32 to index
        %get3A_361 = tpu.vector_load %arg5[%get3A_360] {strides = array<i32>} : memref<32768xf32, #tpu.memory_space<vmem>>, vector<16xf32>,
        %get3A_362 = vector.shape_cast %get3A_361 : vector<16xf32> to vector<16xf32>
        %mul3A_363 = vector.broadcast %squeeze3A_353 : f32 to vector<16xf32>
        %mul3A_364 = arith.mulf %mul3A_363, %get3A_362 : vector<16xf32>
        %add3A_365 = arith.addf %add3A_351, %mul3A_364 : vector<16xf32>
        %slice3A_366 = vector.extract_strided_slice %bitcast_convert_type3A_227 {offsets = [10], sizes = [1], strides = [1]} : vector<16xf32> to vector<1xf32>
        %squeeze3A_367 = vector.extract %slice3A_366[0] : f32 from vector<1xf32>
        %mul3A_368 = arith.constant 16 : i32
        %mul3A_369 = arith.muli %scan3A_208, %mul3A_368 : i32
        %add3A_370 = arith.constant 10 : i32
        %add3A_371 = arith.addi %mul3A_369, %add3A_370 : i32
        %mul3A_372 = arith.constant 16 : i32
        %mul3A_373 = arith.muli %add3A_371, %mul3A_372 : i32
        %get3A_374 = arith.index_cast %mul3A_373 : i32 to index
        %get3A_375 = tpu.vector_load %arg5[%get3A_374] {strides = array<i32>} : memref<32768xf32, #tpu.memory_space<vmem>>, vector<16xf32>,
        %get3A_376 = vector.shape_cast %get3A_375 : vector<16xf32> to vector<16xf32>
        %mul3A_377 = vector.broadcast %squeeze3A_367 : f32 to vector<16xf32>
        %mul3A_378 = arith.mulf %mul3A_377, %get3A_376 : vector<16xf32>
        %add3A_379 = arith.addf %add3A_365, %mul3A_378 : vector<16xf32>
        %slice3A_380 = vector.extract_strided_slice %bitcast_convert_type3A_227 {offsets = [11], sizes = [1], strides = [1]} : vector<16xf32> to vector<1xf32>
        %squeeze3A_381 = vector.extract %slice3A_380[0] : f32 from vector<1xf32>
        %mul3A_382 = arith.constant 16 : i32
        %mul3A_383 = arith.muli %scan3A_208, %mul3A_382 : i32
        %add3A_384 = arith.constant 11 : i32
        %add3A_385 = arith.addi %mul3A_383, %add3A_384 : i32
        %mul3A_386 = arith.constant 16 : i32
        %mul3A_387 = arith.muli %add3A_385, %mul3A_386 : i32
        %get3A_388 = arith.index_cast %mul3A_387 : i32 to index
        %get3A_389 = tpu.vector_load %arg5[%get3A_388] {strides = array<i32>} : memref<32768xf32, #tpu.memory_space<vmem>>, vector<16xf32>,
        %get3A_390 = vector.shape_cast %get3A_389 : vector<16xf32> to vector<16xf32>
        %mul3A_391 = vector.broadcast %squeeze3A_381 : f32 to vector<16xf32>
        %mul3A_392 = arith.mulf %mul3A_391, %get3A_390 : vector<16xf32>
        %add3A_393 = arith.addf %add3A_379, %mul3A_392 : vector<16xf32>
        %slice3A_394 = vector.extract_strided_slice %bitcast_convert_type3A_227 {offsets = [12], sizes = [1], strides = [1]} : vector<16xf32> to vector<1xf32>
        %squeeze3A_395 = vector.extract %slice3A_394[0] : f32 from vector<1xf32>
        %mul3A_396 = arith.constant 16 : i32
        %mul3A_397 = arith.muli %scan3A_208, %mul3A_396 : i32
        %add3A_398 = arith.constant 12 : i32
        %add3A_399 = arith.addi %mul3A_397, %add3A_398 : i32
        %mul3A_400 = arith.constant 16 : i32
        %mul3A_401 = arith.muli %add3A_399, %mul3A_400 : i32
        %get3A_402 = arith.index_cast %mul3A_401 : i32 to index
        %get3A_403 = tpu.vector_load %arg5[%get3A_402] {strides = array<i32>} : memref<32768xf32, #tpu.memory_space<vmem>>, vector<16xf32>,
        %get3A_404 = vector.shape_cast %get3A_403 : vector<16xf32> to vector<16xf32>
        %mul3A_405 = vector.broadcast %squeeze3A_395 : f32 to vector<16xf32>
        %mul3A_406 = arith.mulf %mul3A_405, %get3A_404 : vector<16xf32>
        %add3A_407 = arith.addf %add3A_393, %mul3A_406 : vector<16xf32>
        %slice3A_408 = vector.extract_strided_slice %bitcast_convert_type3A_227 {offsets = [13], sizes = [1], strides = [1]} : vector<16xf32> to vector<1xf32>
        %squeeze3A_409 = vector.extract %slice3A_408[0] : f32 from vector<1xf32>
        %mul3A_410 = arith.constant 16 : i32
        %mul3A_411 = arith.muli %scan3A_208, %mul3A_410 : i32
        %add3A_412 = arith.constant 13 : i32
        %add3A_413 = arith.addi %mul3A_411, %add3A_412 : i32
        %mul3A_414 = arith.constant 16 : i32
        %mul3A_415 = arith.muli %add3A_413, %mul3A_414 : i32
        %get3A_416 = arith.index_cast %mul3A_415 : i32 to index
        %get3A_417 = tpu.vector_load %arg5[%get3A_416] {strides = array<i32>} : memref<32768xf32, #tpu.memory_space<vmem>>, vector<16xf32>,
        %get3A_418 = vector.shape_cast %get3A_417 : vector<16xf32> to vector<16xf32>
        %mul3A_419 = vector.broadcast %squeeze3A_409 : f32 to vector<16xf32>
        %mul3A_420 = arith.mulf %mul3A_419, %get3A_418 : vector<16xf32>
        %add3A_421 = arith.addf %add3A_407, %mul3A_420 : vector<16xf32>
        %slice3A_422 = vector.extract_strided_slice %bitcast_convert_type3A_227 {offsets = [14], sizes = [1], strides = [1]} : vector<16xf32> to vector<1xf32>
        %squeeze3A_423 = vector.extract %slice3A_422[0] : f32 from vector<1xf32>
        %mul3A_424 = arith.constant 16 : i32
        %mul3A_425 = arith.muli %scan3A_208, %mul3A_424 : i32
        %add3A_426 = arith.constant 14 : i32
        %add3A_427 = arith.addi %mul3A_425, %add3A_426 : i32
        %mul3A_428 = arith.constant 16 : i32
        %mul3A_429 = arith.muli %add3A_427, %mul3A_428 : i32
        %get3A_430 = arith.index_cast %mul3A_429 : i32 to index
        %get3A_431 = tpu.vector_load %arg5[%get3A_430] {strides = array<i32>} : memref<32768xf32, #tpu.memory_space<vmem>>, vector<16xf32>,
        %get3A_432 = vector.shape_cast %get3A_431 : vector<16xf32> to vector<16xf32>
        %mul3A_433 = vector.broadcast %squeeze3A_423 : f32 to vector<16xf32>
        %mul3A_434 = arith.mulf %mul3A_433, %get3A_432 : vector<16xf32>
        %add3A_435 = arith.addf %add3A_421, %mul3A_434 : vector<16xf32>
        %slice3A_436 = vector.extract_strided_slice %bitcast_convert_type3A_227 {offsets = [15], sizes = [1], strides = [1]} : vector<16xf32> to vector<1xf32>
        %squeeze3A_437 = vector.extract %slice3A_436[0] : f32 from vector<1xf32>
        %mul3A_438 = arith.constant 16 : i32
        %mul3A_439 = arith.muli %scan3A_208, %mul3A_438 : i32
        %add3A_440 = arith.constant 15 : i32
        %add3A_441 = arith.addi %mul3A_439, %add3A_440 : i32
        %mul3A_442 = arith.constant 16 : i32
        %mul3A_443 = arith.muli %add3A_441, %mul3A_442 : i32
        %get3A_444 = arith.index_cast %mul3A_443 : i32 to index
        %get3A_445 = tpu.vector_load %arg5[%get3A_444] {strides = array<i32>} : memref<32768xf32, #tpu.memory_space<vmem>>, vector<16xf32>,
        %get3A_446 = vector.shape_cast %get3A_445 : vector<16xf32> to vector<16xf32>
        %mul3A_447 = vector.broadcast %squeeze3A_437 : f32 to vector<16xf32>
        %mul3A_448 = arith.mulf %mul3A_447, %get3A_446 : vector<16xf32>
        %add3A_449 = arith.addf %add3A_435, %mul3A_448 : vector<16xf32>
        scf.yield %add3A_449 : vector<16xf32>
      }
      %scan3A_57 = arith.constant 128 : i32
      %swap3A_58 = arith.constant 48 : index
      %swap3A_59 = tpu.vector_load %arg7[%swap3A_58] {strides = array<i32>} : memref<256xf32, #tpu.memory_space<vmem>>, vector<16xf32>,
      %swap3A_60 = vector.shape_cast %swap3A_59 : vector<16xf32> to vector<16xf32>
      %swap3A_61 = vector.shape_cast %scan3A_56 : vector<16xf32> to vector<16xf32>
      tpu.vector_store %arg7[%swap3A_58], %swap3A_61 {strides = array<i32>} : memref<256xf32, #tpu.memory_space<vmem>>, vector<16xf32>,
      %broadcast_in_dim3A_62 = arith.constant 0.000000e+00 : f32
      %broadcast_in_dim3A_63 = vector.broadcast %broadcast_in_dim3A_62 : f32 to vector<16xf32>
      %scan3A_64 = arith.constant 0 : i32
      %scan3A_65 = arith.constant 128 : i32
      %scan3A_66 = arith.addi %scan3A_64, %scan3A_65 : i32
      %scan3A_67 = arith.constant 1 : i32
      %scan3A_68 = scf.for %scan3A_208 = %scan3A_64 to %scan3A_66 step %scan3A_67 iter_args(%scan3A_209 = %broadcast_in_dim3A_63) -> (vector<16xf32>)  : i32 {
        %mul3A_210 = arith.constant 16 : i32
        %mul3A_211 = arith.muli %scan3A_208, %mul3A_210 : i32
        %add3A_212 = arith.constant 8192 : i32
        %add3A_213 = arith.addi %add3A_212, %mul3A_211 : i32
        %get3A = arith.index_cast %add3A_213 : i32 to index
        %get3A_214 = tpu.vector_load %arg6[%get3A] {strides = array<i32>} : memref<32768xf32, #tpu.memory_space<vmem>>, vector<16xf32>,
        %get3A_215 = vector.shape_cast %get3A_214 : vector<16xf32> to vector<16xf32>
        %bitcast_convert_type3A = tpu.bitcast %get3A_215 : vector<16xf32> -> vector<16xi32>
        %shift_right_logical3A = arith.constant 16 : i32
        %shift_right_logical3A_216 = vector.broadcast %shift_right_logical3A : i32 to vector<16xi32>
        %shift_right_logical3A_217 = arith.shrui %bitcast_convert_type3A, %shift_right_logical3A_216 : vector<16xi32>
        %and3A = arith.constant 1 : i32
        %and3A_218 = vector.broadcast %and3A : i32 to vector<16xi32>
        %and3A_219 = arith.andi %shift_right_logical3A_217, %and3A_218 : vector<16xi32>
        %add3A_220 = arith.constant 32767 : i32
        %add3A_221 = vector.broadcast %add3A_220 : i32 to vector<16xi32>
        %add3A_222 = arith.addi %bitcast_convert_type3A, %add3A_221 : vector<16xi32>
        %add3A_223 = arith.addi %add3A_222, %and3A_219 : vector<16xi32>
        %and3A_224 = arith.constant -65536 : i32
        %and3A_225 = vector.broadcast %and3A_224 : i32 to vector<16xi32>
        %and3A_226 = arith.andi %add3A_223, %and3A_225 : vector<16xi32>
        %bitcast_convert_type3A_227 = tpu.bitcast %and3A_226 : vector<16xi32> -> vector<16xf32>
        %slice3A = vector.extract_strided_slice %bitcast_convert_type3A_227 {offsets = [0], sizes = [1], strides = [1]} : vector<16xf32> to vector<1xf32>
        %squeeze3A = vector.extract %slice3A[0] : f32 from vector<1xf32>
        %mul3A_228 = arith.constant 16 : i32
        %mul3A_229 = arith.muli %scan3A_208, %mul3A_228 : i32
        %add3A_230 = arith.constant 0 : i32
        %add3A_231 = arith.addi %mul3A_229, %add3A_230 : i32
        %mul3A_232 = arith.constant 16 : i32
        %mul3A_233 = arith.muli %add3A_231, %mul3A_232 : i32
        %get3A_234 = arith.index_cast %mul3A_233 : i32 to index
        %get3A_235 = tpu.vector_load %arg5[%get3A_234] {strides = array<i32>} : memref<32768xf32, #tpu.memory_space<vmem>>, vector<16xf32>,
        %get3A_236 = vector.shape_cast %get3A_235 : vector<16xf32> to vector<16xf32>
        %mul3A_237 = vector.broadcast %squeeze3A : f32 to vector<16xf32>
        %mul3A_238 = arith.mulf %mul3A_237, %get3A_236 : vector<16xf32>
        %add3A_239 = arith.addf %scan3A_209, %mul3A_238 : vector<16xf32>
        %slice3A_240 = vector.extract_strided_slice %bitcast_convert_type3A_227 {offsets = [1], sizes = [1], strides = [1]} : vector<16xf32> to vector<1xf32>
        %squeeze3A_241 = vector.extract %slice3A_240[0] : f32 from vector<1xf32>
        %mul3A_242 = arith.constant 16 : i32
        %mul3A_243 = arith.muli %scan3A_208, %mul3A_242 : i32
        %add3A_244 = arith.constant 1 : i32
        %add3A_245 = arith.addi %mul3A_243, %add3A_244 : i32
        %mul3A_246 = arith.constant 16 : i32
        %mul3A_247 = arith.muli %add3A_245, %mul3A_246 : i32
        %get3A_248 = arith.index_cast %mul3A_247 : i32 to index
        %get3A_249 = tpu.vector_load %arg5[%get3A_248] {strides = array<i32>} : memref<32768xf32, #tpu.memory_space<vmem>>, vector<16xf32>,
        %get3A_250 = vector.shape_cast %get3A_249 : vector<16xf32> to vector<16xf32>
        %mul3A_251 = vector.broadcast %squeeze3A_241 : f32 to vector<16xf32>
        %mul3A_252 = arith.mulf %mul3A_251, %get3A_250 : vector<16xf32>
        %add3A_253 = arith.addf %add3A_239, %mul3A_252 : vector<16xf32>
        %slice3A_254 = vector.extract_strided_slice %bitcast_convert_type3A_227 {offsets = [2], sizes = [1], strides = [1]} : vector<16xf32> to vector<1xf32>
        %squeeze3A_255 = vector.extract %slice3A_254[0] : f32 from vector<1xf32>
        %mul3A_256 = arith.constant 16 : i32
        %mul3A_257 = arith.muli %scan3A_208, %mul3A_256 : i32
        %add3A_258 = arith.constant 2 : i32
        %add3A_259 = arith.addi %mul3A_257, %add3A_258 : i32
        %mul3A_260 = arith.constant 16 : i32
        %mul3A_261 = arith.muli %add3A_259, %mul3A_260 : i32
        %get3A_262 = arith.index_cast %mul3A_261 : i32 to index
        %get3A_263 = tpu.vector_load %arg5[%get3A_262] {strides = array<i32>} : memref<32768xf32, #tpu.memory_space<vmem>>, vector<16xf32>,
        %get3A_264 = vector.shape_cast %get3A_263 : vector<16xf32> to vector<16xf32>
        %mul3A_265 = vector.broadcast %squeeze3A_255 : f32 to vector<16xf32>
        %mul3A_266 = arith.mulf %mul3A_265, %get3A_264 : vector<16xf32>
        %add3A_267 = arith.addf %add3A_253, %mul3A_266 : vector<16xf32>
        %slice3A_268 = vector.extract_strided_slice %bitcast_convert_type3A_227 {offsets = [3], sizes = [1], strides = [1]} : vector<16xf32> to vector<1xf32>
        %squeeze3A_269 = vector.extract %slice3A_268[0] : f32 from vector<1xf32>
        %mul3A_270 = arith.constant 16 : i32
        %mul3A_271 = arith.muli %scan3A_208, %mul3A_270 : i32
        %add3A_272 = arith.constant 3 : i32
        %add3A_273 = arith.addi %mul3A_271, %add3A_272 : i32
        %mul3A_274 = arith.constant 16 : i32
        %mul3A_275 = arith.muli %add3A_273, %mul3A_274 : i32
        %get3A_276 = arith.index_cast %mul3A_275 : i32 to index
        %get3A_277 = tpu.vector_load %arg5[%get3A_276] {strides = array<i32>} : memref<32768xf32, #tpu.memory_space<vmem>>, vector<16xf32>,
        %get3A_278 = vector.shape_cast %get3A_277 : vector<16xf32> to vector<16xf32>
        %mul3A_279 = vector.broadcast %squeeze3A_269 : f32 to vector<16xf32>
        %mul3A_280 = arith.mulf %mul3A_279, %get3A_278 : vector<16xf32>
        %add3A_281 = arith.addf %add3A_267, %mul3A_280 : vector<16xf32>
        %slice3A_282 = vector.extract_strided_slice %bitcast_convert_type3A_227 {offsets = [4], sizes = [1], strides = [1]} : vector<16xf32> to vector<1xf32>
        %squeeze3A_283 = vector.extract %slice3A_282[0] : f32 from vector<1xf32>
        %mul3A_284 = arith.constant 16 : i32
        %mul3A_285 = arith.muli %scan3A_208, %mul3A_284 : i32
        %add3A_286 = arith.constant 4 : i32
        %add3A_287 = arith.addi %mul3A_285, %add3A_286 : i32
        %mul3A_288 = arith.constant 16 : i32
        %mul3A_289 = arith.muli %add3A_287, %mul3A_288 : i32
        %get3A_290 = arith.index_cast %mul3A_289 : i32 to index
        %get3A_291 = tpu.vector_load %arg5[%get3A_290] {strides = array<i32>} : memref<32768xf32, #tpu.memory_space<vmem>>, vector<16xf32>,
        %get3A_292 = vector.shape_cast %get3A_291 : vector<16xf32> to vector<16xf32>
        %mul3A_293 = vector.broadcast %squeeze3A_283 : f32 to vector<16xf32>
        %mul3A_294 = arith.mulf %mul3A_293, %get3A_292 : vector<16xf32>
        %add3A_295 = arith.addf %add3A_281, %mul3A_294 : vector<16xf32>
        %slice3A_296 = vector.extract_strided_slice %bitcast_convert_type3A_227 {offsets = [5], sizes = [1], strides = [1]} : vector<16xf32> to vector<1xf32>
        %squeeze3A_297 = vector.extract %slice3A_296[0] : f32 from vector<1xf32>
        %mul3A_298 = arith.constant 16 : i32
        %mul3A_299 = arith.muli %scan3A_208, %mul3A_298 : i32
        %add3A_300 = arith.constant 5 : i32
        %add3A_301 = arith.addi %mul3A_299, %add3A_300 : i32
        %mul3A_302 = arith.constant 16 : i32
        %mul3A_303 = arith.muli %add3A_301, %mul3A_302 : i32
        %get3A_304 = arith.index_cast %mul3A_303 : i32 to index
        %get3A_305 = tpu.vector_load %arg5[%get3A_304] {strides = array<i32>} : memref<32768xf32, #tpu.memory_space<vmem>>, vector<16xf32>,
        %get3A_306 = vector.shape_cast %get3A_305 : vector<16xf32> to vector<16xf32>
        %mul3A_307 = vector.broadcast %squeeze3A_297 : f32 to vector<16xf32>
        %mul3A_308 = arith.mulf %mul3A_307, %get3A_306 : vector<16xf32>
        %add3A_309 = arith.addf %add3A_295, %mul3A_308 : vector<16xf32>
        %slice3A_310 = vector.extract_strided_slice %bitcast_convert_type3A_227 {offsets = [6], sizes = [1], strides = [1]} : vector<16xf32> to vector<1xf32>
        %squeeze3A_311 = vector.extract %slice3A_310[0] : f32 from vector<1xf32>
        %mul3A_312 = arith.constant 16 : i32
        %mul3A_313 = arith.muli %scan3A_208, %mul3A_312 : i32
        %add3A_314 = arith.constant 6 : i32
        %add3A_315 = arith.addi %mul3A_313, %add3A_314 : i32
        %mul3A_316 = arith.constant 16 : i32
        %mul3A_317 = arith.muli %add3A_315, %mul3A_316 : i32
        %get3A_318 = arith.index_cast %mul3A_317 : i32 to index
        %get3A_319 = tpu.vector_load %arg5[%get3A_318] {strides = array<i32>} : memref<32768xf32, #tpu.memory_space<vmem>>, vector<16xf32>,
        %get3A_320 = vector.shape_cast %get3A_319 : vector<16xf32> to vector<16xf32>
        %mul3A_321 = vector.broadcast %squeeze3A_311 : f32 to vector<16xf32>
        %mul3A_322 = arith.mulf %mul3A_321, %get3A_320 : vector<16xf32>
        %add3A_323 = arith.addf %add3A_309, %mul3A_322 : vector<16xf32>
        %slice3A_324 = vector.extract_strided_slice %bitcast_convert_type3A_227 {offsets = [7], sizes = [1], strides = [1]} : vector<16xf32> to vector<1xf32>
        %squeeze3A_325 = vector.extract %slice3A_324[0] : f32 from vector<1xf32>
        %mul3A_326 = arith.constant 16 : i32
        %mul3A_327 = arith.muli %scan3A_208, %mul3A_326 : i32
        %add3A_328 = arith.constant 7 : i32
        %add3A_329 = arith.addi %mul3A_327, %add3A_328 : i32
        %mul3A_330 = arith.constant 16 : i32
        %mul3A_331 = arith.muli %add3A_329, %mul3A_330 : i32
        %get3A_332 = arith.index_cast %mul3A_331 : i32 to index
        %get3A_333 = tpu.vector_load %arg5[%get3A_332] {strides = array<i32>} : memref<32768xf32, #tpu.memory_space<vmem>>, vector<16xf32>,
        %get3A_334 = vector.shape_cast %get3A_333 : vector<16xf32> to vector<16xf32>
        %mul3A_335 = vector.broadcast %squeeze3A_325 : f32 to vector<16xf32>
        %mul3A_336 = arith.mulf %mul3A_335, %get3A_334 : vector<16xf32>
        %add3A_337 = arith.addf %add3A_323, %mul3A_336 : vector<16xf32>
        %slice3A_338 = vector.extract_strided_slice %bitcast_convert_type3A_227 {offsets = [8], sizes = [1], strides = [1]} : vector<16xf32> to vector<1xf32>
        %squeeze3A_339 = vector.extract %slice3A_338[0] : f32 from vector<1xf32>
        %mul3A_340 = arith.constant 16 : i32
        %mul3A_341 = arith.muli %scan3A_208, %mul3A_340 : i32
        %add3A_342 = arith.constant 8 : i32
        %add3A_343 = arith.addi %mul3A_341, %add3A_342 : i32
        %mul3A_344 = arith.constant 16 : i32
        %mul3A_345 = arith.muli %add3A_343, %mul3A_344 : i32
        %get3A_346 = arith.index_cast %mul3A_345 : i32 to index
        %get3A_347 = tpu.vector_load %arg5[%get3A_346] {strides = array<i32>} : memref<32768xf32, #tpu.memory_space<vmem>>, vector<16xf32>,
        %get3A_348 = vector.shape_cast %get3A_347 : vector<16xf32> to vector<16xf32>
        %mul3A_349 = vector.broadcast %squeeze3A_339 : f32 to vector<16xf32>
        %mul3A_350 = arith.mulf %mul3A_349, %get3A_348 : vector<16xf32>
        %add3A_351 = arith.addf %add3A_337, %mul3A_350 : vector<16xf32>
        %slice3A_352 = vector.extract_strided_slice %bitcast_convert_type3A_227 {offsets = [9], sizes = [1], strides = [1]} : vector<16xf32> to vector<1xf32>
        %squeeze3A_353 = vector.extract %slice3A_352[0] : f32 from vector<1xf32>
        %mul3A_354 = arith.constant 16 : i32
        %mul3A_355 = arith.muli %scan3A_208, %mul3A_354 : i32
        %add3A_356 = arith.constant 9 : i32
        %add3A_357 = arith.addi %mul3A_355, %add3A_356 : i32
        %mul3A_358 = arith.constant 16 : i32
        %mul3A_359 = arith.muli %add3A_357, %mul3A_358 : i32
        %get3A_360 = arith.index_cast %mul3A_359 : i32 to index
        %get3A_361 = tpu.vector_load %arg5[%get3A_360] {strides = array<i32>} : memref<32768xf32, #tpu.memory_space<vmem>>, vector<16xf32>,
        %get3A_362 = vector.shape_cast %get3A_361 : vector<16xf32> to vector<16xf32>
        %mul3A_363 = vector.broadcast %squeeze3A_353 : f32 to vector<16xf32>
        %mul3A_364 = arith.mulf %mul3A_363, %get3A_362 : vector<16xf32>
        %add3A_365 = arith.addf %add3A_351, %mul3A_364 : vector<16xf32>
        %slice3A_366 = vector.extract_strided_slice %bitcast_convert_type3A_227 {offsets = [10], sizes = [1], strides = [1]} : vector<16xf32> to vector<1xf32>
        %squeeze3A_367 = vector.extract %slice3A_366[0] : f32 from vector<1xf32>
        %mul3A_368 = arith.constant 16 : i32
        %mul3A_369 = arith.muli %scan3A_208, %mul3A_368 : i32
        %add3A_370 = arith.constant 10 : i32
        %add3A_371 = arith.addi %mul3A_369, %add3A_370 : i32
        %mul3A_372 = arith.constant 16 : i32
        %mul3A_373 = arith.muli %add3A_371, %mul3A_372 : i32
        %get3A_374 = arith.index_cast %mul3A_373 : i32 to index
        %get3A_375 = tpu.vector_load %arg5[%get3A_374] {strides = array<i32>} : memref<32768xf32, #tpu.memory_space<vmem>>, vector<16xf32>,
        %get3A_376 = vector.shape_cast %get3A_375 : vector<16xf32> to vector<16xf32>
        %mul3A_377 = vector.broadcast %squeeze3A_367 : f32 to vector<16xf32>
        %mul3A_378 = arith.mulf %mul3A_377, %get3A_376 : vector<16xf32>
        %add3A_379 = arith.addf %add3A_365, %mul3A_378 : vector<16xf32>
        %slice3A_380 = vector.extract_strided_slice %bitcast_convert_type3A_227 {offsets = [11], sizes = [1], strides = [1]} : vector<16xf32> to vector<1xf32>
        %squeeze3A_381 = vector.extract %slice3A_380[0] : f32 from vector<1xf32>
        %mul3A_382 = arith.constant 16 : i32
        %mul3A_383 = arith.muli %scan3A_208, %mul3A_382 : i32
        %add3A_384 = arith.constant 11 : i32
        %add3A_385 = arith.addi %mul3A_383, %add3A_384 : i32
        %mul3A_386 = arith.constant 16 : i32
        %mul3A_387 = arith.muli %add3A_385, %mul3A_386 : i32
        %get3A_388 = arith.index_cast %mul3A_387 : i32 to index
        %get3A_389 = tpu.vector_load %arg5[%get3A_388] {strides = array<i32>} : memref<32768xf32, #tpu.memory_space<vmem>>, vector<16xf32>,
        %get3A_390 = vector.shape_cast %get3A_389 : vector<16xf32> to vector<16xf32>
        %mul3A_391 = vector.broadcast %squeeze3A_381 : f32 to vector<16xf32>
        %mul3A_392 = arith.mulf %mul3A_391, %get3A_390 : vector<16xf32>
        %add3A_393 = arith.addf %add3A_379, %mul3A_392 : vector<16xf32>
        %slice3A_394 = vector.extract_strided_slice %bitcast_convert_type3A_227 {offsets = [12], sizes = [1], strides = [1]} : vector<16xf32> to vector<1xf32>
        %squeeze3A_395 = vector.extract %slice3A_394[0] : f32 from vector<1xf32>
        %mul3A_396 = arith.constant 16 : i32
        %mul3A_397 = arith.muli %scan3A_208, %mul3A_396 : i32
        %add3A_398 = arith.constant 12 : i32
        %add3A_399 = arith.addi %mul3A_397, %add3A_398 : i32
        %mul3A_400 = arith.constant 16 : i32
        %mul3A_401 = arith.muli %add3A_399, %mul3A_400 : i32
        %get3A_402 = arith.index_cast %mul3A_401 : i32 to index
        %get3A_403 = tpu.vector_load %arg5[%get3A_402] {strides = array<i32>} : memref<32768xf32, #tpu.memory_space<vmem>>, vector<16xf32>,
        %get3A_404 = vector.shape_cast %get3A_403 : vector<16xf32> to vector<16xf32>
        %mul3A_405 = vector.broadcast %squeeze3A_395 : f32 to vector<16xf32>
        %mul3A_406 = arith.mulf %mul3A_405, %get3A_404 : vector<16xf32>
        %add3A_407 = arith.addf %add3A_393, %mul3A_406 : vector<16xf32>
        %slice3A_408 = vector.extract_strided_slice %bitcast_convert_type3A_227 {offsets = [13], sizes = [1], strides = [1]} : vector<16xf32> to vector<1xf32>
        %squeeze3A_409 = vector.extract %slice3A_408[0] : f32 from vector<1xf32>
        %mul3A_410 = arith.constant 16 : i32
        %mul3A_411 = arith.muli %scan3A_208, %mul3A_410 : i32
        %add3A_412 = arith.constant 13 : i32
        %add3A_413 = arith.addi %mul3A_411, %add3A_412 : i32
        %mul3A_414 = arith.constant 16 : i32
        %mul3A_415 = arith.muli %add3A_413, %mul3A_414 : i32
        %get3A_416 = arith.index_cast %mul3A_415 : i32 to index
        %get3A_417 = tpu.vector_load %arg5[%get3A_416] {strides = array<i32>} : memref<32768xf32, #tpu.memory_space<vmem>>, vector<16xf32>,
        %get3A_418 = vector.shape_cast %get3A_417 : vector<16xf32> to vector<16xf32>
        %mul3A_419 = vector.broadcast %squeeze3A_409 : f32 to vector<16xf32>
        %mul3A_420 = arith.mulf %mul3A_419, %get3A_418 : vector<16xf32>
        %add3A_421 = arith.addf %add3A_407, %mul3A_420 : vector<16xf32>
        %slice3A_422 = vector.extract_strided_slice %bitcast_convert_type3A_227 {offsets = [14], sizes = [1], strides = [1]} : vector<16xf32> to vector<1xf32>
        %squeeze3A_423 = vector.extract %slice3A_422[0] : f32 from vector<1xf32>
        %mul3A_424 = arith.constant 16 : i32
        %mul3A_425 = arith.muli %scan3A_208, %mul3A_424 : i32
        %add3A_426 = arith.constant 14 : i32
        %add3A_427 = arith.addi %mul3A_425, %add3A_426 : i32
        %mul3A_428 = arith.constant 16 : i32
        %mul3A_429 = arith.muli %add3A_427, %mul3A_428 : i32
        %get3A_430 = arith.index_cast %mul3A_429 : i32 to index
        %get3A_431 = tpu.vector_load %arg5[%get3A_430] {strides = array<i32>} : memref<32768xf32, #tpu.memory_space<vmem>>, vector<16xf32>,
        %get3A_432 = vector.shape_cast %get3A_431 : vector<16xf32> to vector<16xf32>
        %mul3A_433 = vector.broadcast %squeeze3A_423 : f32 to vector<16xf32>
        %mul3A_434 = arith.mulf %mul3A_433, %get3A_432 : vector<16xf32>
        %add3A_435 = arith.addf %add3A_421, %mul3A_434 : vector<16xf32>
        %slice3A_436 = vector.extract_strided_slice %bitcast_convert_type3A_227 {offsets = [15], sizes = [1], strides = [1]} : vector<16xf32> to vector<1xf32>
        %squeeze3A_437 = vector.extract %slice3A_436[0] : f32 from vector<1xf32>
        %mul3A_438 = arith.constant 16 : i32
        %mul3A_439 = arith.muli %scan3A_208, %mul3A_438 : i32
        %add3A_440 = arith.constant 15 : i32
        %add3A_441 = arith.addi %mul3A_439, %add3A_440 : i32
        %mul3A_442 = arith.constant 16 : i32
        %mul3A_443 = arith.muli %add3A_441, %mul3A_442 : i32
        %get3A_444 = arith.index_cast %mul3A_443 : i32 to index
        %get3A_445 = tpu.vector_load %arg5[%get3A_444] {strides = array<i32>} : memref<32768xf32, #tpu.memory_space<vmem>>, vector<16xf32>,
        %get3A_446 = vector.shape_cast %get3A_445 : vector<16xf32> to vector<16xf32>
        %mul3A_447 = vector.broadcast %squeeze3A_437 : f32 to vector<16xf32>
        %mul3A_448 = arith.mulf %mul3A_447, %get3A_446 : vector<16xf32>
        %add3A_449 = arith.addf %add3A_435, %mul3A_448 : vector<16xf32>
        scf.yield %add3A_449 : vector<16xf32>
      }
      %scan3A_69 = arith.constant 128 : i32
      %swap3A_70 = arith.constant 64 : index
      %swap3A_71 = tpu.vector_load %arg7[%swap3A_70] {strides = array<i32>} : memref<256xf32, #tpu.memory_space<vmem>>, vector<16xf32>,
      %swap3A_72 = vector.shape_cast %swap3A_71 : vector<16xf32> to vector<16xf32>
      %swap3A_73 = vector.shape_cast %scan3A_68 : vector<16xf32> to vector<16xf32>
      tpu.vector_store %arg7[%swap3A_70], %swap3A_73 {strides = array<i32>} : memref<256xf32, #tpu.memory_space<vmem>>, vector<16xf32>,
      %broadcast_in_dim3A_74 = arith.constant 0.000000e+00 : f32
      %broadcast_in_dim3A_75 = vector.broadcast %broadcast_in_dim3A_74 : f32 to vector<16xf32>
      %scan3A_76 = arith.constant 0 : i32
      %scan3A_77 = arith.constant 128 : i32
      %scan3A_78 = arith.addi %scan3A_76, %scan3A_77 : i32
      %scan3A_79 = arith.constant 1 : i32
      %scan3A_80 = scf.for %scan3A_208 = %scan3A_76 to %scan3A_78 step %scan3A_79 iter_args(%scan3A_209 = %broadcast_in_dim3A_75) -> (vector<16xf32>)  : i32 {
        %mul3A_210 = arith.constant 16 : i32
        %mul3A_211 = arith.muli %scan3A_208, %mul3A_210 : i32
        %add3A_212 = arith.constant 10240 : i32
        %add3A_213 = arith.addi %add3A_212, %mul3A_211 : i32
        %get3A = arith.index_cast %add3A_213 : i32 to index
        %get3A_214 = tpu.vector_load %arg6[%get3A] {strides = array<i32>} : memref<32768xf32, #tpu.memory_space<vmem>>, vector<16xf32>,
        %get3A_215 = vector.shape_cast %get3A_214 : vector<16xf32> to vector<16xf32>
        %bitcast_convert_type3A = tpu.bitcast %get3A_215 : vector<16xf32> -> vector<16xi32>
        %shift_right_logical3A = arith.constant 16 : i32
        %shift_right_logical3A_216 = vector.broadcast %shift_right_logical3A : i32 to vector<16xi32>
        %shift_right_logical3A_217 = arith.shrui %bitcast_convert_type3A, %shift_right_logical3A_216 : vector<16xi32>
        %and3A = arith.constant 1 : i32
        %and3A_218 = vector.broadcast %and3A : i32 to vector<16xi32>
        %and3A_219 = arith.andi %shift_right_logical3A_217, %and3A_218 : vector<16xi32>
        %add3A_220 = arith.constant 32767 : i32
        %add3A_221 = vector.broadcast %add3A_220 : i32 to vector<16xi32>
        %add3A_222 = arith.addi %bitcast_convert_type3A, %add3A_221 : vector<16xi32>
        %add3A_223 = arith.addi %add3A_222, %and3A_219 : vector<16xi32>
        %and3A_224 = arith.constant -65536 : i32
        %and3A_225 = vector.broadcast %and3A_224 : i32 to vector<16xi32>
        %and3A_226 = arith.andi %add3A_223, %and3A_225 : vector<16xi32>
        %bitcast_convert_type3A_227 = tpu.bitcast %and3A_226 : vector<16xi32> -> vector<16xf32>
        %slice3A = vector.extract_strided_slice %bitcast_convert_type3A_227 {offsets = [0], sizes = [1], strides = [1]} : vector<16xf32> to vector<1xf32>
        %squeeze3A = vector.extract %slice3A[0] : f32 from vector<1xf32>
        %mul3A_228 = arith.constant 16 : i32
        %mul3A_229 = arith.muli %scan3A_208, %mul3A_228 : i32
        %add3A_230 = arith.constant 0 : i32
        %add3A_231 = arith.addi %mul3A_229, %add3A_230 : i32
        %mul3A_232 = arith.constant 16 : i32
        %mul3A_233 = arith.muli %add3A_231, %mul3A_232 : i32
        %get3A_234 = arith.index_cast %mul3A_233 : i32 to index
        %get3A_235 = tpu.vector_load %arg5[%get3A_234] {strides = array<i32>} : memref<32768xf32, #tpu.memory_space<vmem>>, vector<16xf32>,
        %get3A_236 = vector.shape_cast %get3A_235 : vector<16xf32> to vector<16xf32>
        %mul3A_237 = vector.broadcast %squeeze3A : f32 to vector<16xf32>
        %mul3A_238 = arith.mulf %mul3A_237, %get3A_236 : vector<16xf32>
        %add3A_239 = arith.addf %scan3A_209, %mul3A_238 : vector<16xf32>
        %slice3A_240 = vector.extract_strided_slice %bitcast_convert_type3A_227 {offsets = [1], sizes = [1], strides = [1]} : vector<16xf32> to vector<1xf32>
        %squeeze3A_241 = vector.extract %slice3A_240[0] : f32 from vector<1xf32>
        %mul3A_242 = arith.constant 16 : i32
        %mul3A_243 = arith.muli %scan3A_208, %mul3A_242 : i32
        %add3A_244 = arith.constant 1 : i32
        %add3A_245 = arith.addi %mul3A_243, %add3A_244 : i32
        %mul3A_246 = arith.constant 16 : i32
        %mul3A_247 = arith.muli %add3A_245, %mul3A_246 : i32
        %get3A_248 = arith.index_cast %mul3A_247 : i32 to index
        %get3A_249 = tpu.vector_load %arg5[%get3A_248] {strides = array<i32>} : memref<32768xf32, #tpu.memory_space<vmem>>, vector<16xf32>,
        %get3A_250 = vector.shape_cast %get3A_249 : vector<16xf32> to vector<16xf32>
        %mul3A_251 = vector.broadcast %squeeze3A_241 : f32 to vector<16xf32>
        %mul3A_252 = arith.mulf %mul3A_251, %get3A_250 : vector<16xf32>
        %add3A_253 = arith.addf %add3A_239, %mul3A_252 : vector<16xf32>
        %slice3A_254 = vector.extract_strided_slice %bitcast_convert_type3A_227 {offsets = [2], sizes = [1], strides = [1]} : vector<16xf32> to vector<1xf32>
        %squeeze3A_255 = vector.extract %slice3A_254[0] : f32 from vector<1xf32>
        %mul3A_256 = arith.constant 16 : i32
        %mul3A_257 = arith.muli %scan3A_208, %mul3A_256 : i32
        %add3A_258 = arith.constant 2 : i32
        %add3A_259 = arith.addi %mul3A_257, %add3A_258 : i32
        %mul3A_260 = arith.constant 16 : i32
        %mul3A_261 = arith.muli %add3A_259, %mul3A_260 : i32
        %get3A_262 = arith.index_cast %mul3A_261 : i32 to index
        %get3A_263 = tpu.vector_load %arg5[%get3A_262] {strides = array<i32>} : memref<32768xf32, #tpu.memory_space<vmem>>, vector<16xf32>,
        %get3A_264 = vector.shape_cast %get3A_263 : vector<16xf32> to vector<16xf32>
        %mul3A_265 = vector.broadcast %squeeze3A_255 : f32 to vector<16xf32>
        %mul3A_266 = arith.mulf %mul3A_265, %get3A_264 : vector<16xf32>
        %add3A_267 = arith.addf %add3A_253, %mul3A_266 : vector<16xf32>
        %slice3A_268 = vector.extract_strided_slice %bitcast_convert_type3A_227 {offsets = [3], sizes = [1], strides = [1]} : vector<16xf32> to vector<1xf32>
        %squeeze3A_269 = vector.extract %slice3A_268[0] : f32 from vector<1xf32>
        %mul3A_270 = arith.constant 16 : i32
        %mul3A_271 = arith.muli %scan3A_208, %mul3A_270 : i32
        %add3A_272 = arith.constant 3 : i32
        %add3A_273 = arith.addi %mul3A_271, %add3A_272 : i32
        %mul3A_274 = arith.constant 16 : i32
        %mul3A_275 = arith.muli %add3A_273, %mul3A_274 : i32
        %get3A_276 = arith.index_cast %mul3A_275 : i32 to index
        %get3A_277 = tpu.vector_load %arg5[%get3A_276] {strides = array<i32>} : memref<32768xf32, #tpu.memory_space<vmem>>, vector<16xf32>,
        %get3A_278 = vector.shape_cast %get3A_277 : vector<16xf32> to vector<16xf32>
        %mul3A_279 = vector.broadcast %squeeze3A_269 : f32 to vector<16xf32>
        %mul3A_280 = arith.mulf %mul3A_279, %get3A_278 : vector<16xf32>
        %add3A_281 = arith.addf %add3A_267, %mul3A_280 : vector<16xf32>
        %slice3A_282 = vector.extract_strided_slice %bitcast_convert_type3A_227 {offsets = [4], sizes = [1], strides = [1]} : vector<16xf32> to vector<1xf32>
        %squeeze3A_283 = vector.extract %slice3A_282[0] : f32 from vector<1xf32>
        %mul3A_284 = arith.constant 16 : i32
        %mul3A_285 = arith.muli %scan3A_208, %mul3A_284 : i32
        %add3A_286 = arith.constant 4 : i32
        %add3A_287 = arith.addi %mul3A_285, %add3A_286 : i32
        %mul3A_288 = arith.constant 16 : i32
        %mul3A_289 = arith.muli %add3A_287, %mul3A_288 : i32
        %get3A_290 = arith.index_cast %mul3A_289 : i32 to index
        %get3A_291 = tpu.vector_load %arg5[%get3A_290] {strides = array<i32>} : memref<32768xf32, #tpu.memory_space<vmem>>, vector<16xf32>,
        %get3A_292 = vector.shape_cast %get3A_291 : vector<16xf32> to vector<16xf32>
        %mul3A_293 = vector.broadcast %squeeze3A_283 : f32 to vector<16xf32>
        %mul3A_294 = arith.mulf %mul3A_293, %get3A_292 : vector<16xf32>
        %add3A_295 = arith.addf %add3A_281, %mul3A_294 : vector<16xf32>
        %slice3A_296 = vector.extract_strided_slice %bitcast_convert_type3A_227 {offsets = [5], sizes = [1], strides = [1]} : vector<16xf32> to vector<1xf32>
        %squeeze3A_297 = vector.extract %slice3A_296[0] : f32 from vector<1xf32>
        %mul3A_298 = arith.constant 16 : i32
        %mul3A_299 = arith.muli %scan3A_208, %mul3A_298 : i32
        %add3A_300 = arith.constant 5 : i32
        %add3A_301 = arith.addi %mul3A_299, %add3A_300 : i32
        %mul3A_302 = arith.constant 16 : i32
        %mul3A_303 = arith.muli %add3A_301, %mul3A_302 : i32
        %get3A_304 = arith.index_cast %mul3A_303 : i32 to index
        %get3A_305 = tpu.vector_load %arg5[%get3A_304] {strides = array<i32>} : memref<32768xf32, #tpu.memory_space<vmem>>, vector<16xf32>,
        %get3A_306 = vector.shape_cast %get3A_305 : vector<16xf32> to vector<16xf32>
        %mul3A_307 = vector.broadcast %squeeze3A_297 : f32 to vector<16xf32>
        %mul3A_308 = arith.mulf %mul3A_307, %get3A_306 : vector<16xf32>
        %add3A_309 = arith.addf %add3A_295, %mul3A_308 : vector<16xf32>
        %slice3A_310 = vector.extract_strided_slice %bitcast_convert_type3A_227 {offsets = [6], sizes = [1], strides = [1]} : vector<16xf32> to vector<1xf32>
        %squeeze3A_311 = vector.extract %slice3A_310[0] : f32 from vector<1xf32>
        %mul3A_312 = arith.constant 16 : i32
        %mul3A_313 = arith.muli %scan3A_208, %mul3A_312 : i32
        %add3A_314 = arith.constant 6 : i32
        %add3A_315 = arith.addi %mul3A_313, %add3A_314 : i32
        %mul3A_316 = arith.constant 16 : i32
        %mul3A_317 = arith.muli %add3A_315, %mul3A_316 : i32
        %get3A_318 = arith.index_cast %mul3A_317 : i32 to index
        %get3A_319 = tpu.vector_load %arg5[%get3A_318] {strides = array<i32>} : memref<32768xf32, #tpu.memory_space<vmem>>, vector<16xf32>,
        %get3A_320 = vector.shape_cast %get3A_319 : vector<16xf32> to vector<16xf32>
        %mul3A_321 = vector.broadcast %squeeze3A_311 : f32 to vector<16xf32>
        %mul3A_322 = arith.mulf %mul3A_321, %get3A_320 : vector<16xf32>
        %add3A_323 = arith.addf %add3A_309, %mul3A_322 : vector<16xf32>
        %slice3A_324 = vector.extract_strided_slice %bitcast_convert_type3A_227 {offsets = [7], sizes = [1], strides = [1]} : vector<16xf32> to vector<1xf32>
        %squeeze3A_325 = vector.extract %slice3A_324[0] : f32 from vector<1xf32>
        %mul3A_326 = arith.constant 16 : i32
        %mul3A_327 = arith.muli %scan3A_208, %mul3A_326 : i32
        %add3A_328 = arith.constant 7 : i32
        %add3A_329 = arith.addi %mul3A_327, %add3A_328 : i32
        %mul3A_330 = arith.constant 16 : i32
        %mul3A_331 = arith.muli %add3A_329, %mul3A_330 : i32
        %get3A_332 = arith.index_cast %mul3A_331 : i32 to index
        %get3A_333 = tpu.vector_load %arg5[%get3A_332] {strides = array<i32>} : memref<32768xf32, #tpu.memory_space<vmem>>, vector<16xf32>,
        %get3A_334 = vector.shape_cast %get3A_333 : vector<16xf32> to vector<16xf32>
        %mul3A_335 = vector.broadcast %squeeze3A_325 : f32 to vector<16xf32>
        %mul3A_336 = arith.mulf %mul3A_335, %get3A_334 : vector<16xf32>
        %add3A_337 = arith.addf %add3A_323, %mul3A_336 : vector<16xf32>
        %slice3A_338 = vector.extract_strided_slice %bitcast_convert_type3A_227 {offsets = [8], sizes = [1], strides = [1]} : vector<16xf32> to vector<1xf32>
        %squeeze3A_339 = vector.extract %slice3A_338[0] : f32 from vector<1xf32>
        %mul3A_340 = arith.constant 16 : i32
        %mul3A_341 = arith.muli %scan3A_208, %mul3A_340 : i32
        %add3A_342 = arith.constant 8 : i32
        %add3A_343 = arith.addi %mul3A_341, %add3A_342 : i32
        %mul3A_344 = arith.constant 16 : i32
        %mul3A_345 = arith.muli %add3A_343, %mul3A_344 : i32
        %get3A_346 = arith.index_cast %mul3A_345 : i32 to index
        %get3A_347 = tpu.vector_load %arg5[%get3A_346] {strides = array<i32>} : memref<32768xf32, #tpu.memory_space<vmem>>, vector<16xf32>,
        %get3A_348 = vector.shape_cast %get3A_347 : vector<16xf32> to vector<16xf32>
        %mul3A_349 = vector.broadcast %squeeze3A_339 : f32 to vector<16xf32>
        %mul3A_350 = arith.mulf %mul3A_349, %get3A_348 : vector<16xf32>
        %add3A_351 = arith.addf %add3A_337, %mul3A_350 : vector<16xf32>
        %slice3A_352 = vector.extract_strided_slice %bitcast_convert_type3A_227 {offsets = [9], sizes = [1], strides = [1]} : vector<16xf32> to vector<1xf32>
        %squeeze3A_353 = vector.extract %slice3A_352[0] : f32 from vector<1xf32>
        %mul3A_354 = arith.constant 16 : i32
        %mul3A_355 = arith.muli %scan3A_208, %mul3A_354 : i32
        %add3A_356 = arith.constant 9 : i32
        %add3A_357 = arith.addi %mul3A_355, %add3A_356 : i32
        %mul3A_358 = arith.constant 16 : i32
        %mul3A_359 = arith.muli %add3A_357, %mul3A_358 : i32
        %get3A_360 = arith.index_cast %mul3A_359 : i32 to index
        %get3A_361 = tpu.vector_load %arg5[%get3A_360] {strides = array<i32>} : memref<32768xf32, #tpu.memory_space<vmem>>, vector<16xf32>,
        %get3A_362 = vector.shape_cast %get3A_361 : vector<16xf32> to vector<16xf32>
        %mul3A_363 = vector.broadcast %squeeze3A_353 : f32 to vector<16xf32>
        %mul3A_364 = arith.mulf %mul3A_363, %get3A_362 : vector<16xf32>
        %add3A_365 = arith.addf %add3A_351, %mul3A_364 : vector<16xf32>
        %slice3A_366 = vector.extract_strided_slice %bitcast_convert_type3A_227 {offsets = [10], sizes = [1], strides = [1]} : vector<16xf32> to vector<1xf32>
        %squeeze3A_367 = vector.extract %slice3A_366[0] : f32 from vector<1xf32>
        %mul3A_368 = arith.constant 16 : i32
        %mul3A_369 = arith.muli %scan3A_208, %mul3A_368 : i32
        %add3A_370 = arith.constant 10 : i32
        %add3A_371 = arith.addi %mul3A_369, %add3A_370 : i32
        %mul3A_372 = arith.constant 16 : i32
        %mul3A_373 = arith.muli %add3A_371, %mul3A_372 : i32
        %get3A_374 = arith.index_cast %mul3A_373 : i32 to index
        %get3A_375 = tpu.vector_load %arg5[%get3A_374] {strides = array<i32>} : memref<32768xf32, #tpu.memory_space<vmem>>, vector<16xf32>,
        %get3A_376 = vector.shape_cast %get3A_375 : vector<16xf32> to vector<16xf32>
        %mul3A_377 = vector.broadcast %squeeze3A_367 : f32 to vector<16xf32>
        %mul3A_378 = arith.mulf %mul3A_377, %get3A_376 : vector<16xf32>
        %add3A_379 = arith.addf %add3A_365, %mul3A_378 : vector<16xf32>
        %slice3A_380 = vector.extract_strided_slice %bitcast_convert_type3A_227 {offsets = [11], sizes = [1], strides = [1]} : vector<16xf32> to vector<1xf32>
        %squeeze3A_381 = vector.extract %slice3A_380[0] : f32 from vector<1xf32>
        %mul3A_382 = arith.constant 16 : i32
        %mul3A_383 = arith.muli %scan3A_208, %mul3A_382 : i32
        %add3A_384 = arith.constant 11 : i32
        %add3A_385 = arith.addi %mul3A_383, %add3A_384 : i32
        %mul3A_386 = arith.constant 16 : i32
        %mul3A_387 = arith.muli %add3A_385, %mul3A_386 : i32
        %get3A_388 = arith.index_cast %mul3A_387 : i32 to index
        %get3A_389 = tpu.vector_load %arg5[%get3A_388] {strides = array<i32>} : memref<32768xf32, #tpu.memory_space<vmem>>, vector<16xf32>,
        %get3A_390 = vector.shape_cast %get3A_389 : vector<16xf32> to vector<16xf32>
        %mul3A_391 = vector.broadcast %squeeze3A_381 : f32 to vector<16xf32>
        %mul3A_392 = arith.mulf %mul3A_391, %get3A_390 : vector<16xf32>
        %add3A_393 = arith.addf %add3A_379, %mul3A_392 : vector<16xf32>
        %slice3A_394 = vector.extract_strided_slice %bitcast_convert_type3A_227 {offsets = [12], sizes = [1], strides = [1]} : vector<16xf32> to vector<1xf32>
        %squeeze3A_395 = vector.extract %slice3A_394[0] : f32 from vector<1xf32>
        %mul3A_396 = arith.constant 16 : i32
        %mul3A_397 = arith.muli %scan3A_208, %mul3A_396 : i32
        %add3A_398 = arith.constant 12 : i32
        %add3A_399 = arith.addi %mul3A_397, %add3A_398 : i32
        %mul3A_400 = arith.constant 16 : i32
        %mul3A_401 = arith.muli %add3A_399, %mul3A_400 : i32
        %get3A_402 = arith.index_cast %mul3A_401 : i32 to index
        %get3A_403 = tpu.vector_load %arg5[%get3A_402] {strides = array<i32>} : memref<32768xf32, #tpu.memory_space<vmem>>, vector<16xf32>,
        %get3A_404 = vector.shape_cast %get3A_403 : vector<16xf32> to vector<16xf32>
        %mul3A_405 = vector.broadcast %squeeze3A_395 : f32 to vector<16xf32>
        %mul3A_406 = arith.mulf %mul3A_405, %get3A_404 : vector<16xf32>
        %add3A_407 = arith.addf %add3A_393, %mul3A_406 : vector<16xf32>
        %slice3A_408 = vector.extract_strided_slice %bitcast_convert_type3A_227 {offsets = [13], sizes = [1], strides = [1]} : vector<16xf32> to vector<1xf32>
        %squeeze3A_409 = vector.extract %slice3A_408[0] : f32 from vector<1xf32>
        %mul3A_410 = arith.constant 16 : i32
        %mul3A_411 = arith.muli %scan3A_208, %mul3A_410 : i32
        %add3A_412 = arith.constant 13 : i32
        %add3A_413 = arith.addi %mul3A_411, %add3A_412 : i32
        %mul3A_414 = arith.constant 16 : i32
        %mul3A_415 = arith.muli %add3A_413, %mul3A_414 : i32
        %get3A_416 = arith.index_cast %mul3A_415 : i32 to index
        %get3A_417 = tpu.vector_load %arg5[%get3A_416] {strides = array<i32>} : memref<32768xf32, #tpu.memory_space<vmem>>, vector<16xf32>,
        %get3A_418 = vector.shape_cast %get3A_417 : vector<16xf32> to vector<16xf32>
        %mul3A_419 = vector.broadcast %squeeze3A_409 : f32 to vector<16xf32>
        %mul3A_420 = arith.mulf %mul3A_419, %get3A_418 : vector<16xf32>
        %add3A_421 = arith.addf %add3A_407, %mul3A_420 : vector<16xf32>
        %slice3A_422 = vector.extract_strided_slice %bitcast_convert_type3A_227 {offsets = [14], sizes = [1], strides = [1]} : vector<16xf32> to vector<1xf32>
        %squeeze3A_423 = vector.extract %slice3A_422[0] : f32 from vector<1xf32>
        %mul3A_424 = arith.constant 16 : i32
        %mul3A_425 = arith.muli %scan3A_208, %mul3A_424 : i32
        %add3A_426 = arith.constant 14 : i32
        %add3A_427 = arith.addi %mul3A_425, %add3A_426 : i32
        %mul3A_428 = arith.constant 16 : i32
        %mul3A_429 = arith.muli %add3A_427, %mul3A_428 : i32
        %get3A_430 = arith.index_cast %mul3A_429 : i32 to index
        %get3A_431 = tpu.vector_load %arg5[%get3A_430] {strides = array<i32>} : memref<32768xf32, #tpu.memory_space<vmem>>, vector<16xf32>,
        %get3A_432 = vector.shape_cast %get3A_431 : vector<16xf32> to vector<16xf32>
        %mul3A_433 = vector.broadcast %squeeze3A_423 : f32 to vector<16xf32>
        %mul3A_434 = arith.mulf %mul3A_433, %get3A_432 : vector<16xf32>
        %add3A_435 = arith.addf %add3A_421, %mul3A_434 : vector<16xf32>
        %slice3A_436 = vector.extract_strided_slice %bitcast_convert_type3A_227 {offsets = [15], sizes = [1], strides = [1]} : vector<16xf32> to vector<1xf32>
        %squeeze3A_437 = vector.extract %slice3A_436[0] : f32 from vector<1xf32>
        %mul3A_438 = arith.constant 16 : i32
        %mul3A_439 = arith.muli %scan3A_208, %mul3A_438 : i32
        %add3A_440 = arith.constant 15 : i32
        %add3A_441 = arith.addi %mul3A_439, %add3A_440 : i32
        %mul3A_442 = arith.constant 16 : i32
        %mul3A_443 = arith.muli %add3A_441, %mul3A_442 : i32
        %get3A_444 = arith.index_cast %mul3A_443 : i32 to index
        %get3A_445 = tpu.vector_load %arg5[%get3A_444] {strides = array<i32>} : memref<32768xf32, #tpu.memory_space<vmem>>, vector<16xf32>,
        %get3A_446 = vector.shape_cast %get3A_445 : vector<16xf32> to vector<16xf32>
        %mul3A_447 = vector.broadcast %squeeze3A_437 : f32 to vector<16xf32>
        %mul3A_448 = arith.mulf %mul3A_447, %get3A_446 : vector<16xf32>
        %add3A_449 = arith.addf %add3A_435, %mul3A_448 : vector<16xf32>
        scf.yield %add3A_449 : vector<16xf32>
      }
      %scan3A_81 = arith.constant 128 : i32
      %swap3A_82 = arith.constant 80 : index
      %swap3A_83 = tpu.vector_load %arg7[%swap3A_82] {strides = array<i32>} : memref<256xf32, #tpu.memory_space<vmem>>, vector<16xf32>,
      %swap3A_84 = vector.shape_cast %swap3A_83 : vector<16xf32> to vector<16xf32>
      %swap3A_85 = vector.shape_cast %scan3A_80 : vector<16xf32> to vector<16xf32>
      tpu.vector_store %arg7[%swap3A_82], %swap3A_85 {strides = array<i32>} : memref<256xf32, #tpu.memory_space<vmem>>, vector<16xf32>,
      %broadcast_in_dim3A_86 = arith.constant 0.000000e+00 : f32
      %broadcast_in_dim3A_87 = vector.broadcast %broadcast_in_dim3A_86 : f32 to vector<16xf32>
      %scan3A_88 = arith.constant 0 : i32
      %scan3A_89 = arith.constant 128 : i32
      %scan3A_90 = arith.addi %scan3A_88, %scan3A_89 : i32
      %scan3A_91 = arith.constant 1 : i32
      %scan3A_92 = scf.for %scan3A_208 = %scan3A_88 to %scan3A_90 step %scan3A_91 iter_args(%scan3A_209 = %broadcast_in_dim3A_87) -> (vector<16xf32>)  : i32 {
        %mul3A_210 = arith.constant 16 : i32
        %mul3A_211 = arith.muli %scan3A_208, %mul3A_210 : i32
        %add3A_212 = arith.constant 12288 : i32
        %add3A_213 = arith.addi %add3A_212, %mul3A_211 : i32
        %get3A = arith.index_cast %add3A_213 : i32 to index
        %get3A_214 = tpu.vector_load %arg6[%get3A] {strides = array<i32>} : memref<32768xf32, #tpu.memory_space<vmem>>, vector<16xf32>,
        %get3A_215 = vector.shape_cast %get3A_214 : vector<16xf32> to vector<16xf32>
        %bitcast_convert_type3A = tpu.bitcast %get3A_215 : vector<16xf32> -> vector<16xi32>
        %shift_right_logical3A = arith.constant 16 : i32
        %shift_right_logical3A_216 = vector.broadcast %shift_right_logical3A : i32 to vector<16xi32>
        %shift_right_logical3A_217 = arith.shrui %bitcast_convert_type3A, %shift_right_logical3A_216 : vector<16xi32>
        %and3A = arith.constant 1 : i32
        %and3A_218 = vector.broadcast %and3A : i32 to vector<16xi32>
        %and3A_219 = arith.andi %shift_right_logical3A_217, %and3A_218 : vector<16xi32>
        %add3A_220 = arith.constant 32767 : i32
        %add3A_221 = vector.broadcast %add3A_220 : i32 to vector<16xi32>
        %add3A_222 = arith.addi %bitcast_convert_type3A, %add3A_221 : vector<16xi32>
        %add3A_223 = arith.addi %add3A_222, %and3A_219 : vector<16xi32>
        %and3A_224 = arith.constant -65536 : i32
        %and3A_225 = vector.broadcast %and3A_224 : i32 to vector<16xi32>
        %and3A_226 = arith.andi %add3A_223, %and3A_225 : vector<16xi32>
        %bitcast_convert_type3A_227 = tpu.bitcast %and3A_226 : vector<16xi32> -> vector<16xf32>
        %slice3A = vector.extract_strided_slice %bitcast_convert_type3A_227 {offsets = [0], sizes = [1], strides = [1]} : vector<16xf32> to vector<1xf32>
        %squeeze3A = vector.extract %slice3A[0] : f32 from vector<1xf32>
        %mul3A_228 = arith.constant 16 : i32
        %mul3A_229 = arith.muli %scan3A_208, %mul3A_228 : i32
        %add3A_230 = arith.constant 0 : i32
        %add3A_231 = arith.addi %mul3A_229, %add3A_230 : i32
        %mul3A_232 = arith.constant 16 : i32
        %mul3A_233 = arith.muli %add3A_231, %mul3A_232 : i32
        %get3A_234 = arith.index_cast %mul3A_233 : i32 to index
        %get3A_235 = tpu.vector_load %arg5[%get3A_234] {strides = array<i32>} : memref<32768xf32, #tpu.memory_space<vmem>>, vector<16xf32>,
        %get3A_236 = vector.shape_cast %get3A_235 : vector<16xf32> to vector<16xf32>
        %mul3A_237 = vector.broadcast %squeeze3A : f32 to vector<16xf32>
        %mul3A_238 = arith.mulf %mul3A_237, %get3A_236 : vector<16xf32>
        %add3A_239 = arith.addf %scan3A_209, %mul3A_238 : vector<16xf32>
        %slice3A_240 = vector.extract_strided_slice %bitcast_convert_type3A_227 {offsets = [1], sizes = [1], strides = [1]} : vector<16xf32> to vector<1xf32>
        %squeeze3A_241 = vector.extract %slice3A_240[0] : f32 from vector<1xf32>
        %mul3A_242 = arith.constant 16 : i32
        %mul3A_243 = arith.muli %scan3A_208, %mul3A_242 : i32
        %add3A_244 = arith.constant 1 : i32
        %add3A_245 = arith.addi %mul3A_243, %add3A_244 : i32
        %mul3A_246 = arith.constant 16 : i32
        %mul3A_247 = arith.muli %add3A_245, %mul3A_246 : i32
        %get3A_248 = arith.index_cast %mul3A_247 : i32 to index
        %get3A_249 = tpu.vector_load %arg5[%get3A_248] {strides = array<i32>} : memref<32768xf32, #tpu.memory_space<vmem>>, vector<16xf32>,
        %get3A_250 = vector.shape_cast %get3A_249 : vector<16xf32> to vector<16xf32>
        %mul3A_251 = vector.broadcast %squeeze3A_241 : f32 to vector<16xf32>
        %mul3A_252 = arith.mulf %mul3A_251, %get3A_250 : vector<16xf32>
        %add3A_253 = arith.addf %add3A_239, %mul3A_252 : vector<16xf32>
        %slice3A_254 = vector.extract_strided_slice %bitcast_convert_type3A_227 {offsets = [2], sizes = [1], strides = [1]} : vector<16xf32> to vector<1xf32>
        %squeeze3A_255 = vector.extract %slice3A_254[0] : f32 from vector<1xf32>
        %mul3A_256 = arith.constant 16 : i32
        %mul3A_257 = arith.muli %scan3A_208, %mul3A_256 : i32
        %add3A_258 = arith.constant 2 : i32
        %add3A_259 = arith.addi %mul3A_257, %add3A_258 : i32
        %mul3A_260 = arith.constant 16 : i32
        %mul3A_261 = arith.muli %add3A_259, %mul3A_260 : i32
        %get3A_262 = arith.index_cast %mul3A_261 : i32 to index
        %get3A_263 = tpu.vector_load %arg5[%get3A_262] {strides = array<i32>} : memref<32768xf32, #tpu.memory_space<vmem>>, vector<16xf32>,
        %get3A_264 = vector.shape_cast %get3A_263 : vector<16xf32> to vector<16xf32>
        %mul3A_265 = vector.broadcast %squeeze3A_255 : f32 to vector<16xf32>
        %mul3A_266 = arith.mulf %mul3A_265, %get3A_264 : vector<16xf32>
        %add3A_267 = arith.addf %add3A_253, %mul3A_266 : vector<16xf32>
        %slice3A_268 = vector.extract_strided_slice %bitcast_convert_type3A_227 {offsets = [3], sizes = [1], strides = [1]} : vector<16xf32> to vector<1xf32>
        %squeeze3A_269 = vector.extract %slice3A_268[0] : f32 from vector<1xf32>
        %mul3A_270 = arith.constant 16 : i32
        %mul3A_271 = arith.muli %scan3A_208, %mul3A_270 : i32
        %add3A_272 = arith.constant 3 : i32
        %add3A_273 = arith.addi %mul3A_271, %add3A_272 : i32
        %mul3A_274 = arith.constant 16 : i32
        %mul3A_275 = arith.muli %add3A_273, %mul3A_274 : i32
        %get3A_276 = arith.index_cast %mul3A_275 : i32 to index
        %get3A_277 = tpu.vector_load %arg5[%get3A_276] {strides = array<i32>} : memref<32768xf32, #tpu.memory_space<vmem>>, vector<16xf32>,
        %get3A_278 = vector.shape_cast %get3A_277 : vector<16xf32> to vector<16xf32>
        %mul3A_279 = vector.broadcast %squeeze3A_269 : f32 to vector<16xf32>
        %mul3A_280 = arith.mulf %mul3A_279, %get3A_278 : vector<16xf32>
        %add3A_281 = arith.addf %add3A_267, %mul3A_280 : vector<16xf32>
        %slice3A_282 = vector.extract_strided_slice %bitcast_convert_type3A_227 {offsets = [4], sizes = [1], strides = [1]} : vector<16xf32> to vector<1xf32>
        %squeeze3A_283 = vector.extract %slice3A_282[0] : f32 from vector<1xf32>
        %mul3A_284 = arith.constant 16 : i32
        %mul3A_285 = arith.muli %scan3A_208, %mul3A_284 : i32
        %add3A_286 = arith.constant 4 : i32
        %add3A_287 = arith.addi %mul3A_285, %add3A_286 : i32
        %mul3A_288 = arith.constant 16 : i32
        %mul3A_289 = arith.muli %add3A_287, %mul3A_288 : i32
        %get3A_290 = arith.index_cast %mul3A_289 : i32 to index
        %get3A_291 = tpu.vector_load %arg5[%get3A_290] {strides = array<i32>} : memref<32768xf32, #tpu.memory_space<vmem>>, vector<16xf32>,
        %get3A_292 = vector.shape_cast %get3A_291 : vector<16xf32> to vector<16xf32>
        %mul3A_293 = vector.broadcast %squeeze3A_283 : f32 to vector<16xf32>
        %mul3A_294 = arith.mulf %mul3A_293, %get3A_292 : vector<16xf32>
        %add3A_295 = arith.addf %add3A_281, %mul3A_294 : vector<16xf32>
        %slice3A_296 = vector.extract_strided_slice %bitcast_convert_type3A_227 {offsets = [5], sizes = [1], strides = [1]} : vector<16xf32> to vector<1xf32>
        %squeeze3A_297 = vector.extract %slice3A_296[0] : f32 from vector<1xf32>
        %mul3A_298 = arith.constant 16 : i32
        %mul3A_299 = arith.muli %scan3A_208, %mul3A_298 : i32
        %add3A_300 = arith.constant 5 : i32
        %add3A_301 = arith.addi %mul3A_299, %add3A_300 : i32
        %mul3A_302 = arith.constant 16 : i32
        %mul3A_303 = arith.muli %add3A_301, %mul3A_302 : i32
        %get3A_304 = arith.index_cast %mul3A_303 : i32 to index
        %get3A_305 = tpu.vector_load %arg5[%get3A_304] {strides = array<i32>} : memref<32768xf32, #tpu.memory_space<vmem>>, vector<16xf32>,
        %get3A_306 = vector.shape_cast %get3A_305 : vector<16xf32> to vector<16xf32>
        %mul3A_307 = vector.broadcast %squeeze3A_297 : f32 to vector<16xf32>
        %mul3A_308 = arith.mulf %mul3A_307, %get3A_306 : vector<16xf32>
        %add3A_309 = arith.addf %add3A_295, %mul3A_308 : vector<16xf32>
        %slice3A_310 = vector.extract_strided_slice %bitcast_convert_type3A_227 {offsets = [6], sizes = [1], strides = [1]} : vector<16xf32> to vector<1xf32>
        %squeeze3A_311 = vector.extract %slice3A_310[0] : f32 from vector<1xf32>
        %mul3A_312 = arith.constant 16 : i32
        %mul3A_313 = arith.muli %scan3A_208, %mul3A_312 : i32
        %add3A_314 = arith.constant 6 : i32
        %add3A_315 = arith.addi %mul3A_313, %add3A_314 : i32
        %mul3A_316 = arith.constant 16 : i32
        %mul3A_317 = arith.muli %add3A_315, %mul3A_316 : i32
        %get3A_318 = arith.index_cast %mul3A_317 : i32 to index
        %get3A_319 = tpu.vector_load %arg5[%get3A_318] {strides = array<i32>} : memref<32768xf32, #tpu.memory_space<vmem>>, vector<16xf32>,
        %get3A_320 = vector.shape_cast %get3A_319 : vector<16xf32> to vector<16xf32>
        %mul3A_321 = vector.broadcast %squeeze3A_311 : f32 to vector<16xf32>
        %mul3A_322 = arith.mulf %mul3A_321, %get3A_320 : vector<16xf32>
        %add3A_323 = arith.addf %add3A_309, %mul3A_322 : vector<16xf32>
        %slice3A_324 = vector.extract_strided_slice %bitcast_convert_type3A_227 {offsets = [7], sizes = [1], strides = [1]} : vector<16xf32> to vector<1xf32>
        %squeeze3A_325 = vector.extract %slice3A_324[0] : f32 from vector<1xf32>
        %mul3A_326 = arith.constant 16 : i32
        %mul3A_327 = arith.muli %scan3A_208, %mul3A_326 : i32
        %add3A_328 = arith.constant 7 : i32
        %add3A_329 = arith.addi %mul3A_327, %add3A_328 : i32
        %mul3A_330 = arith.constant 16 : i32
        %mul3A_331 = arith.muli %add3A_329, %mul3A_330 : i32
        %get3A_332 = arith.index_cast %mul3A_331 : i32 to index
        %get3A_333 = tpu.vector_load %arg5[%get3A_332] {strides = array<i32>} : memref<32768xf32, #tpu.memory_space<vmem>>, vector<16xf32>,
        %get3A_334 = vector.shape_cast %get3A_333 : vector<16xf32> to vector<16xf32>
        %mul3A_335 = vector.broadcast %squeeze3A_325 : f32 to vector<16xf32>
        %mul3A_336 = arith.mulf %mul3A_335, %get3A_334 : vector<16xf32>
        %add3A_337 = arith.addf %add3A_323, %mul3A_336 : vector<16xf32>
        %slice3A_338 = vector.extract_strided_slice %bitcast_convert_type3A_227 {offsets = [8], sizes = [1], strides = [1]} : vector<16xf32> to vector<1xf32>
        %squeeze3A_339 = vector.extract %slice3A_338[0] : f32 from vector<1xf32>
        %mul3A_340 = arith.constant 16 : i32
        %mul3A_341 = arith.muli %scan3A_208, %mul3A_340 : i32
        %add3A_342 = arith.constant 8 : i32
        %add3A_343 = arith.addi %mul3A_341, %add3A_342 : i32
        %mul3A_344 = arith.constant 16 : i32
        %mul3A_345 = arith.muli %add3A_343, %mul3A_344 : i32
        %get3A_346 = arith.index_cast %mul3A_345 : i32 to index
        %get3A_347 = tpu.vector_load %arg5[%get3A_346] {strides = array<i32>} : memref<32768xf32, #tpu.memory_space<vmem>>, vector<16xf32>,
        %get3A_348 = vector.shape_cast %get3A_347 : vector<16xf32> to vector<16xf32>
        %mul3A_349 = vector.broadcast %squeeze3A_339 : f32 to vector<16xf32>
        %mul3A_350 = arith.mulf %mul3A_349, %get3A_348 : vector<16xf32>
        %add3A_351 = arith.addf %add3A_337, %mul3A_350 : vector<16xf32>
        %slice3A_352 = vector.extract_strided_slice %bitcast_convert_type3A_227 {offsets = [9], sizes = [1], strides = [1]} : vector<16xf32> to vector<1xf32>
        %squeeze3A_353 = vector.extract %slice3A_352[0] : f32 from vector<1xf32>
        %mul3A_354 = arith.constant 16 : i32
        %mul3A_355 = arith.muli %scan3A_208, %mul3A_354 : i32
        %add3A_356 = arith.constant 9 : i32
        %add3A_357 = arith.addi %mul3A_355, %add3A_356 : i32
        %mul3A_358 = arith.constant 16 : i32
        %mul3A_359 = arith.muli %add3A_357, %mul3A_358 : i32
        %get3A_360 = arith.index_cast %mul3A_359 : i32 to index
        %get3A_361 = tpu.vector_load %arg5[%get3A_360] {strides = array<i32>} : memref<32768xf32, #tpu.memory_space<vmem>>, vector<16xf32>,
        %get3A_362 = vector.shape_cast %get3A_361 : vector<16xf32> to vector<16xf32>
        %mul3A_363 = vector.broadcast %squeeze3A_353 : f32 to vector<16xf32>
        %mul3A_364 = arith.mulf %mul3A_363, %get3A_362 : vector<16xf32>
        %add3A_365 = arith.addf %add3A_351, %mul3A_364 : vector<16xf32>
        %slice3A_366 = vector.extract_strided_slice %bitcast_convert_type3A_227 {offsets = [10], sizes = [1], strides = [1]} : vector<16xf32> to vector<1xf32>
        %squeeze3A_367 = vector.extract %slice3A_366[0] : f32 from vector<1xf32>
        %mul3A_368 = arith.constant 16 : i32
        %mul3A_369 = arith.muli %scan3A_208, %mul3A_368 : i32
        %add3A_370 = arith.constant 10 : i32
        %add3A_371 = arith.addi %mul3A_369, %add3A_370 : i32
        %mul3A_372 = arith.constant 16 : i32
        %mul3A_373 = arith.muli %add3A_371, %mul3A_372 : i32
        %get3A_374 = arith.index_cast %mul3A_373 : i32 to index
        %get3A_375 = tpu.vector_load %arg5[%get3A_374] {strides = array<i32>} : memref<32768xf32, #tpu.memory_space<vmem>>, vector<16xf32>,
        %get3A_376 = vector.shape_cast %get3A_375 : vector<16xf32> to vector<16xf32>
        %mul3A_377 = vector.broadcast %squeeze3A_367 : f32 to vector<16xf32>
        %mul3A_378 = arith.mulf %mul3A_377, %get3A_376 : vector<16xf32>
        %add3A_379 = arith.addf %add3A_365, %mul3A_378 : vector<16xf32>
        %slice3A_380 = vector.extract_strided_slice %bitcast_convert_type3A_227 {offsets = [11], sizes = [1], strides = [1]} : vector<16xf32> to vector<1xf32>
        %squeeze3A_381 = vector.extract %slice3A_380[0] : f32 from vector<1xf32>
        %mul3A_382 = arith.constant 16 : i32
        %mul3A_383 = arith.muli %scan3A_208, %mul3A_382 : i32
        %add3A_384 = arith.constant 11 : i32
        %add3A_385 = arith.addi %mul3A_383, %add3A_384 : i32
        %mul3A_386 = arith.constant 16 : i32
        %mul3A_387 = arith.muli %add3A_385, %mul3A_386 : i32
        %get3A_388 = arith.index_cast %mul3A_387 : i32 to index
        %get3A_389 = tpu.vector_load %arg5[%get3A_388] {strides = array<i32>} : memref<32768xf32, #tpu.memory_space<vmem>>, vector<16xf32>,
        %get3A_390 = vector.shape_cast %get3A_389 : vector<16xf32> to vector<16xf32>
        %mul3A_391 = vector.broadcast %squeeze3A_381 : f32 to vector<16xf32>
        %mul3A_392 = arith.mulf %mul3A_391, %get3A_390 : vector<16xf32>
        %add3A_393 = arith.addf %add3A_379, %mul3A_392 : vector<16xf32>
        %slice3A_394 = vector.extract_strided_slice %bitcast_convert_type3A_227 {offsets = [12], sizes = [1], strides = [1]} : vector<16xf32> to vector<1xf32>
        %squeeze3A_395 = vector.extract %slice3A_394[0] : f32 from vector<1xf32>
        %mul3A_396 = arith.constant 16 : i32
        %mul3A_397 = arith.muli %scan3A_208, %mul3A_396 : i32
        %add3A_398 = arith.constant 12 : i32
        %add3A_399 = arith.addi %mul3A_397, %add3A_398 : i32
        %mul3A_400 = arith.constant 16 : i32
        %mul3A_401 = arith.muli %add3A_399, %mul3A_400 : i32
        %get3A_402 = arith.index_cast %mul3A_401 : i32 to index
        %get3A_403 = tpu.vector_load %arg5[%get3A_402] {strides = array<i32>} : memref<32768xf32, #tpu.memory_space<vmem>>, vector<16xf32>,
        %get3A_404 = vector.shape_cast %get3A_403 : vector<16xf32> to vector<16xf32>
        %mul3A_405 = vector.broadcast %squeeze3A_395 : f32 to vector<16xf32>
        %mul3A_406 = arith.mulf %mul3A_405, %get3A_404 : vector<16xf32>
        %add3A_407 = arith.addf %add3A_393, %mul3A_406 : vector<16xf32>
        %slice3A_408 = vector.extract_strided_slice %bitcast_convert_type3A_227 {offsets = [13], sizes = [1], strides = [1]} : vector<16xf32> to vector<1xf32>
        %squeeze3A_409 = vector.extract %slice3A_408[0] : f32 from vector<1xf32>
        %mul3A_410 = arith.constant 16 : i32
        %mul3A_411 = arith.muli %scan3A_208, %mul3A_410 : i32
        %add3A_412 = arith.constant 13 : i32
        %add3A_413 = arith.addi %mul3A_411, %add3A_412 : i32
        %mul3A_414 = arith.constant 16 : i32
        %mul3A_415 = arith.muli %add3A_413, %mul3A_414 : i32
        %get3A_416 = arith.index_cast %mul3A_415 : i32 to index
        %get3A_417 = tpu.vector_load %arg5[%get3A_416] {strides = array<i32>} : memref<32768xf32, #tpu.memory_space<vmem>>, vector<16xf32>,
        %get3A_418 = vector.shape_cast %get3A_417 : vector<16xf32> to vector<16xf32>
        %mul3A_419 = vector.broadcast %squeeze3A_409 : f32 to vector<16xf32>
        %mul3A_420 = arith.mulf %mul3A_419, %get3A_418 : vector<16xf32>
        %add3A_421 = arith.addf %add3A_407, %mul3A_420 : vector<16xf32>
        %slice3A_422 = vector.extract_strided_slice %bitcast_convert_type3A_227 {offsets = [14], sizes = [1], strides = [1]} : vector<16xf32> to vector<1xf32>
        %squeeze3A_423 = vector.extract %slice3A_422[0] : f32 from vector<1xf32>
        %mul3A_424 = arith.constant 16 : i32
        %mul3A_425 = arith.muli %scan3A_208, %mul3A_424 : i32
        %add3A_426 = arith.constant 14 : i32
        %add3A_427 = arith.addi %mul3A_425, %add3A_426 : i32
        %mul3A_428 = arith.constant 16 : i32
        %mul3A_429 = arith.muli %add3A_427, %mul3A_428 : i32
        %get3A_430 = arith.index_cast %mul3A_429 : i32 to index
        %get3A_431 = tpu.vector_load %arg5[%get3A_430] {strides = array<i32>} : memref<32768xf32, #tpu.memory_space<vmem>>, vector<16xf32>,
        %get3A_432 = vector.shape_cast %get3A_431 : vector<16xf32> to vector<16xf32>
        %mul3A_433 = vector.broadcast %squeeze3A_423 : f32 to vector<16xf32>
        %mul3A_434 = arith.mulf %mul3A_433, %get3A_432 : vector<16xf32>
        %add3A_435 = arith.addf %add3A_421, %mul3A_434 : vector<16xf32>
        %slice3A_436 = vector.extract_strided_slice %bitcast_convert_type3A_227 {offsets = [15], sizes = [1], strides = [1]} : vector<16xf32> to vector<1xf32>
        %squeeze3A_437 = vector.extract %slice3A_436[0] : f32 from vector<1xf32>
        %mul3A_438 = arith.constant 16 : i32
        %mul3A_439 = arith.muli %scan3A_208, %mul3A_438 : i32
        %add3A_440 = arith.constant 15 : i32
        %add3A_441 = arith.addi %mul3A_439, %add3A_440 : i32
        %mul3A_442 = arith.constant 16 : i32
        %mul3A_443 = arith.muli %add3A_441, %mul3A_442 : i32
        %get3A_444 = arith.index_cast %mul3A_443 : i32 to index
        %get3A_445 = tpu.vector_load %arg5[%get3A_444] {strides = array<i32>} : memref<32768xf32, #tpu.memory_space<vmem>>, vector<16xf32>,
        %get3A_446 = vector.shape_cast %get3A_445 : vector<16xf32> to vector<16xf32>
        %mul3A_447 = vector.broadcast %squeeze3A_437 : f32 to vector<16xf32>
        %mul3A_448 = arith.mulf %mul3A_447, %get3A_446 : vector<16xf32>
        %add3A_449 = arith.addf %add3A_435, %mul3A_448 : vector<16xf32>
        scf.yield %add3A_449 : vector<16xf32>
      }
      %scan3A_93 = arith.constant 128 : i32
      %swap3A_94 = arith.constant 96 : index
      %swap3A_95 = tpu.vector_load %arg7[%swap3A_94] {strides = array<i32>} : memref<256xf32, #tpu.memory_space<vmem>>, vector<16xf32>,
      %swap3A_96 = vector.shape_cast %swap3A_95 : vector<16xf32> to vector<16xf32>
      %swap3A_97 = vector.shape_cast %scan3A_92 : vector<16xf32> to vector<16xf32>
      tpu.vector_store %arg7[%swap3A_94], %swap3A_97 {strides = array<i32>} : memref<256xf32, #tpu.memory_space<vmem>>, vector<16xf32>,
      %broadcast_in_dim3A_98 = arith.constant 0.000000e+00 : f32
      %broadcast_in_dim3A_99 = vector.broadcast %broadcast_in_dim3A_98 : f32 to vector<16xf32>
      %scan3A_100 = arith.constant 0 : i32
      %scan3A_101 = arith.constant 128 : i32
      %scan3A_102 = arith.addi %scan3A_100, %scan3A_101 : i32
      %scan3A_103 = arith.constant 1 : i32
      %scan3A_104 = scf.for %scan3A_208 = %scan3A_100 to %scan3A_102 step %scan3A_103 iter_args(%scan3A_209 = %broadcast_in_dim3A_99) -> (vector<16xf32>)  : i32 {
        %mul3A_210 = arith.constant 16 : i32
        %mul3A_211 = arith.muli %scan3A_208, %mul3A_210 : i32
        %add3A_212 = arith.constant 14336 : i32
        %add3A_213 = arith.addi %add3A_212, %mul3A_211 : i32
        %get3A = arith.index_cast %add3A_213 : i32 to index
        %get3A_214 = tpu.vector_load %arg6[%get3A] {strides = array<i32>} : memref<32768xf32, #tpu.memory_space<vmem>>, vector<16xf32>,
        %get3A_215 = vector.shape_cast %get3A_214 : vector<16xf32> to vector<16xf32>
        %bitcast_convert_type3A = tpu.bitcast %get3A_215 : vector<16xf32> -> vector<16xi32>
        %shift_right_logical3A = arith.constant 16 : i32
        %shift_right_logical3A_216 = vector.broadcast %shift_right_logical3A : i32 to vector<16xi32>
        %shift_right_logical3A_217 = arith.shrui %bitcast_convert_type3A, %shift_right_logical3A_216 : vector<16xi32>
        %and3A = arith.constant 1 : i32
        %and3A_218 = vector.broadcast %and3A : i32 to vector<16xi32>
        %and3A_219 = arith.andi %shift_right_logical3A_217, %and3A_218 : vector<16xi32>
        %add3A_220 = arith.constant 32767 : i32
        %add3A_221 = vector.broadcast %add3A_220 : i32 to vector<16xi32>
        %add3A_222 = arith.addi %bitcast_convert_type3A, %add3A_221 : vector<16xi32>
        %add3A_223 = arith.addi %add3A_222, %and3A_219 : vector<16xi32>
        %and3A_224 = arith.constant -65536 : i32
        %and3A_225 = vector.broadcast %and3A_224 : i32 to vector<16xi32>
        %and3A_226 = arith.andi %add3A_223, %and3A_225 : vector<16xi32>
        %bitcast_convert_type3A_227 = tpu.bitcast %and3A_226 : vector<16xi32> -> vector<16xf32>
        %slice3A = vector.extract_strided_slice %bitcast_convert_type3A_227 {offsets = [0], sizes = [1], strides = [1]} : vector<16xf32> to vector<1xf32>
        %squeeze3A = vector.extract %slice3A[0] : f32 from vector<1xf32>
        %mul3A_228 = arith.constant 16 : i32
        %mul3A_229 = arith.muli %scan3A_208, %mul3A_228 : i32
        %add3A_230 = arith.constant 0 : i32
        %add3A_231 = arith.addi %mul3A_229, %add3A_230 : i32
        %mul3A_232 = arith.constant 16 : i32
        %mul3A_233 = arith.muli %add3A_231, %mul3A_232 : i32
        %get3A_234 = arith.index_cast %mul3A_233 : i32 to index
        %get3A_235 = tpu.vector_load %arg5[%get3A_234] {strides = array<i32>} : memref<32768xf32, #tpu.memory_space<vmem>>, vector<16xf32>,
        %get3A_236 = vector.shape_cast %get3A_235 : vector<16xf32> to vector<16xf32>
        %mul3A_237 = vector.broadcast %squeeze3A : f32 to vector<16xf32>
        %mul3A_238 = arith.mulf %mul3A_237, %get3A_236 : vector<16xf32>
        %add3A_239 = arith.addf %scan3A_209, %mul3A_238 : vector<16xf32>
        %slice3A_240 = vector.extract_strided_slice %bitcast_convert_type3A_227 {offsets = [1], sizes = [1], strides = [1]} : vector<16xf32> to vector<1xf32>
        %squeeze3A_241 = vector.extract %slice3A_240[0] : f32 from vector<1xf32>
        %mul3A_242 = arith.constant 16 : i32
        %mul3A_243 = arith.muli %scan3A_208, %mul3A_242 : i32
        %add3A_244 = arith.constant 1 : i32
        %add3A_245 = arith.addi %mul3A_243, %add3A_244 : i32
        %mul3A_246 = arith.constant 16 : i32
        %mul3A_247 = arith.muli %add3A_245, %mul3A_246 : i32
        %get3A_248 = arith.index_cast %mul3A_247 : i32 to index
        %get3A_249 = tpu.vector_load %arg5[%get3A_248] {strides = array<i32>} : memref<32768xf32, #tpu.memory_space<vmem>>, vector<16xf32>,
        %get3A_250 = vector.shape_cast %get3A_249 : vector<16xf32> to vector<16xf32>
        %mul3A_251 = vector.broadcast %squeeze3A_241 : f32 to vector<16xf32>
        %mul3A_252 = arith.mulf %mul3A_251, %get3A_250 : vector<16xf32>
        %add3A_253 = arith.addf %add3A_239, %mul3A_252 : vector<16xf32>
        %slice3A_254 = vector.extract_strided_slice %bitcast_convert_type3A_227 {offsets = [2], sizes = [1], strides = [1]} : vector<16xf32> to vector<1xf32>
        %squeeze3A_255 = vector.extract %slice3A_254[0] : f32 from vector<1xf32>
        %mul3A_256 = arith.constant 16 : i32
        %mul3A_257 = arith.muli %scan3A_208, %mul3A_256 : i32
        %add3A_258 = arith.constant 2 : i32
        %add3A_259 = arith.addi %mul3A_257, %add3A_258 : i32
        %mul3A_260 = arith.constant 16 : i32
        %mul3A_261 = arith.muli %add3A_259, %mul3A_260 : i32
        %get3A_262 = arith.index_cast %mul3A_261 : i32 to index
        %get3A_263 = tpu.vector_load %arg5[%get3A_262] {strides = array<i32>} : memref<32768xf32, #tpu.memory_space<vmem>>, vector<16xf32>,
        %get3A_264 = vector.shape_cast %get3A_263 : vector<16xf32> to vector<16xf32>
        %mul3A_265 = vector.broadcast %squeeze3A_255 : f32 to vector<16xf32>
        %mul3A_266 = arith.mulf %mul3A_265, %get3A_264 : vector<16xf32>
        %add3A_267 = arith.addf %add3A_253, %mul3A_266 : vector<16xf32>
        %slice3A_268 = vector.extract_strided_slice %bitcast_convert_type3A_227 {offsets = [3], sizes = [1], strides = [1]} : vector<16xf32> to vector<1xf32>
        %squeeze3A_269 = vector.extract %slice3A_268[0] : f32 from vector<1xf32>
        %mul3A_270 = arith.constant 16 : i32
        %mul3A_271 = arith.muli %scan3A_208, %mul3A_270 : i32
        %add3A_272 = arith.constant 3 : i32
        %add3A_273 = arith.addi %mul3A_271, %add3A_272 : i32
        %mul3A_274 = arith.constant 16 : i32
        %mul3A_275 = arith.muli %add3A_273, %mul3A_274 : i32
        %get3A_276 = arith.index_cast %mul3A_275 : i32 to index
        %get3A_277 = tpu.vector_load %arg5[%get3A_276] {strides = array<i32>} : memref<32768xf32, #tpu.memory_space<vmem>>, vector<16xf32>,
        %get3A_278 = vector.shape_cast %get3A_277 : vector<16xf32> to vector<16xf32>
        %mul3A_279 = vector.broadcast %squeeze3A_269 : f32 to vector<16xf32>
        %mul3A_280 = arith.mulf %mul3A_279, %get3A_278 : vector<16xf32>
        %add3A_281 = arith.addf %add3A_267, %mul3A_280 : vector<16xf32>
        %slice3A_282 = vector.extract_strided_slice %bitcast_convert_type3A_227 {offsets = [4], sizes = [1], strides = [1]} : vector<16xf32> to vector<1xf32>
        %squeeze3A_283 = vector.extract %slice3A_282[0] : f32 from vector<1xf32>
        %mul3A_284 = arith.constant 16 : i32
        %mul3A_285 = arith.muli %scan3A_208, %mul3A_284 : i32
        %add3A_286 = arith.constant 4 : i32
        %add3A_287 = arith.addi %mul3A_285, %add3A_286 : i32
        %mul3A_288 = arith.constant 16 : i32
        %mul3A_289 = arith.muli %add3A_287, %mul3A_288 : i32
        %get3A_290 = arith.index_cast %mul3A_289 : i32 to index
        %get3A_291 = tpu.vector_load %arg5[%get3A_290] {strides = array<i32>} : memref<32768xf32, #tpu.memory_space<vmem>>, vector<16xf32>,
        %get3A_292 = vector.shape_cast %get3A_291 : vector<16xf32> to vector<16xf32>
        %mul3A_293 = vector.broadcast %squeeze3A_283 : f32 to vector<16xf32>
        %mul3A_294 = arith.mulf %mul3A_293, %get3A_292 : vector<16xf32>
        %add3A_295 = arith.addf %add3A_281, %mul3A_294 : vector<16xf32>
        %slice3A_296 = vector.extract_strided_slice %bitcast_convert_type3A_227 {offsets = [5], sizes = [1], strides = [1]} : vector<16xf32> to vector<1xf32>
        %squeeze3A_297 = vector.extract %slice3A_296[0] : f32 from vector<1xf32>
        %mul3A_298 = arith.constant 16 : i32
        %mul3A_299 = arith.muli %scan3A_208, %mul3A_298 : i32
        %add3A_300 = arith.constant 5 : i32
        %add3A_301 = arith.addi %mul3A_299, %add3A_300 : i32
        %mul3A_302 = arith.constant 16 : i32
        %mul3A_303 = arith.muli %add3A_301, %mul3A_302 : i32
        %get3A_304 = arith.index_cast %mul3A_303 : i32 to index
        %get3A_305 = tpu.vector_load %arg5[%get3A_304] {strides = array<i32>} : memref<32768xf32, #tpu.memory_space<vmem>>, vector<16xf32>,
        %get3A_306 = vector.shape_cast %get3A_305 : vector<16xf32> to vector<16xf32>
        %mul3A_307 = vector.broadcast %squeeze3A_297 : f32 to vector<16xf32>
        %mul3A_308 = arith.mulf %mul3A_307, %get3A_306 : vector<16xf32>
        %add3A_309 = arith.addf %add3A_295, %mul3A_308 : vector<16xf32>
        %slice3A_310 = vector.extract_strided_slice %bitcast_convert_type3A_227 {offsets = [6], sizes = [1], strides = [1]} : vector<16xf32> to vector<1xf32>
        %squeeze3A_311 = vector.extract %slice3A_310[0] : f32 from vector<1xf32>
        %mul3A_312 = arith.constant 16 : i32
        %mul3A_313 = arith.muli %scan3A_208, %mul3A_312 : i32
        %add3A_314 = arith.constant 6 : i32
        %add3A_315 = arith.addi %mul3A_313, %add3A_314 : i32
        %mul3A_316 = arith.constant 16 : i32
        %mul3A_317 = arith.muli %add3A_315, %mul3A_316 : i32
        %get3A_318 = arith.index_cast %mul3A_317 : i32 to index
        %get3A_319 = tpu.vector_load %arg5[%get3A_318] {strides = array<i32>} : memref<32768xf32, #tpu.memory_space<vmem>>, vector<16xf32>,
        %get3A_320 = vector.shape_cast %get3A_319 : vector<16xf32> to vector<16xf32>
        %mul3A_321 = vector.broadcast %squeeze3A_311 : f32 to vector<16xf32>
        %mul3A_322 = arith.mulf %mul3A_321, %get3A_320 : vector<16xf32>
        %add3A_323 = arith.addf %add3A_309, %mul3A_322 : vector<16xf32>
        %slice3A_324 = vector.extract_strided_slice %bitcast_convert_type3A_227 {offsets = [7], sizes = [1], strides = [1]} : vector<16xf32> to vector<1xf32>
        %squeeze3A_325 = vector.extract %slice3A_324[0] : f32 from vector<1xf32>
        %mul3A_326 = arith.constant 16 : i32
        %mul3A_327 = arith.muli %scan3A_208, %mul3A_326 : i32
        %add3A_328 = arith.constant 7 : i32
        %add3A_329 = arith.addi %mul3A_327, %add3A_328 : i32
        %mul3A_330 = arith.constant 16 : i32
        %mul3A_331 = arith.muli %add3A_329, %mul3A_330 : i32
        %get3A_332 = arith.index_cast %mul3A_331 : i32 to index
        %get3A_333 = tpu.vector_load %arg5[%get3A_332] {strides = array<i32>} : memref<32768xf32, #tpu.memory_space<vmem>>, vector<16xf32>,
        %get3A_334 = vector.shape_cast %get3A_333 : vector<16xf32> to vector<16xf32>
        %mul3A_335 = vector.broadcast %squeeze3A_325 : f32 to vector<16xf32>
        %mul3A_336 = arith.mulf %mul3A_335, %get3A_334 : vector<16xf32>
        %add3A_337 = arith.addf %add3A_323, %mul3A_336 : vector<16xf32>
        %slice3A_338 = vector.extract_strided_slice %bitcast_convert_type3A_227 {offsets = [8], sizes = [1], strides = [1]} : vector<16xf32> to vector<1xf32>
        %squeeze3A_339 = vector.extract %slice3A_338[0] : f32 from vector<1xf32>
        %mul3A_340 = arith.constant 16 : i32
        %mul3A_341 = arith.muli %scan3A_208, %mul3A_340 : i32
        %add3A_342 = arith.constant 8 : i32
        %add3A_343 = arith.addi %mul3A_341, %add3A_342 : i32
        %mul3A_344 = arith.constant 16 : i32
        %mul3A_345 = arith.muli %add3A_343, %mul3A_344 : i32
        %get3A_346 = arith.index_cast %mul3A_345 : i32 to index
        %get3A_347 = tpu.vector_load %arg5[%get3A_346] {strides = array<i32>} : memref<32768xf32, #tpu.memory_space<vmem>>, vector<16xf32>,
        %get3A_348 = vector.shape_cast %get3A_347 : vector<16xf32> to vector<16xf32>
        %mul3A_349 = vector.broadcast %squeeze3A_339 : f32 to vector<16xf32>
        %mul3A_350 = arith.mulf %mul3A_349, %get3A_348 : vector<16xf32>
        %add3A_351 = arith.addf %add3A_337, %mul3A_350 : vector<16xf32>
        %slice3A_352 = vector.extract_strided_slice %bitcast_convert_type3A_227 {offsets = [9], sizes = [1], strides = [1]} : vector<16xf32> to vector<1xf32>
        %squeeze3A_353 = vector.extract %slice3A_352[0] : f32 from vector<1xf32>
        %mul3A_354 = arith.constant 16 : i32
        %mul3A_355 = arith.muli %scan3A_208, %mul3A_354 : i32
        %add3A_356 = arith.constant 9 : i32
        %add3A_357 = arith.addi %mul3A_355, %add3A_356 : i32
        %mul3A_358 = arith.constant 16 : i32
        %mul3A_359 = arith.muli %add3A_357, %mul3A_358 : i32
        %get3A_360 = arith.index_cast %mul3A_359 : i32 to index
        %get3A_361 = tpu.vector_load %arg5[%get3A_360] {strides = array<i32>} : memref<32768xf32, #tpu.memory_space<vmem>>, vector<16xf32>,
        %get3A_362 = vector.shape_cast %get3A_361 : vector<16xf32> to vector<16xf32>
        %mul3A_363 = vector.broadcast %squeeze3A_353 : f32 to vector<16xf32>
        %mul3A_364 = arith.mulf %mul3A_363, %get3A_362 : vector<16xf32>
        %add3A_365 = arith.addf %add3A_351, %mul3A_364 : vector<16xf32>
        %slice3A_366 = vector.extract_strided_slice %bitcast_convert_type3A_227 {offsets = [10], sizes = [1], strides = [1]} : vector<16xf32> to vector<1xf32>
        %squeeze3A_367 = vector.extract %slice3A_366[0] : f32 from vector<1xf32>
        %mul3A_368 = arith.constant 16 : i32
        %mul3A_369 = arith.muli %scan3A_208, %mul3A_368 : i32
        %add3A_370 = arith.constant 10 : i32
        %add3A_371 = arith.addi %mul3A_369, %add3A_370 : i32
        %mul3A_372 = arith.constant 16 : i32
        %mul3A_373 = arith.muli %add3A_371, %mul3A_372 : i32
        %get3A_374 = arith.index_cast %mul3A_373 : i32 to index
        %get3A_375 = tpu.vector_load %arg5[%get3A_374] {strides = array<i32>} : memref<32768xf32, #tpu.memory_space<vmem>>, vector<16xf32>,
        %get3A_376 = vector.shape_cast %get3A_375 : vector<16xf32> to vector<16xf32>
        %mul3A_377 = vector.broadcast %squeeze3A_367 : f32 to vector<16xf32>
        %mul3A_378 = arith.mulf %mul3A_377, %get3A_376 : vector<16xf32>
        %add3A_379 = arith.addf %add3A_365, %mul3A_378 : vector<16xf32>
        %slice3A_380 = vector.extract_strided_slice %bitcast_convert_type3A_227 {offsets = [11], sizes = [1], strides = [1]} : vector<16xf32> to vector<1xf32>
        %squeeze3A_381 = vector.extract %slice3A_380[0] : f32 from vector<1xf32>
        %mul3A_382 = arith.constant 16 : i32
        %mul3A_383 = arith.muli %scan3A_208, %mul3A_382 : i32
        %add3A_384 = arith.constant 11 : i32
        %add3A_385 = arith.addi %mul3A_383, %add3A_384 : i32
        %mul3A_386 = arith.constant 16 : i32
        %mul3A_387 = arith.muli %add3A_385, %mul3A_386 : i32
        %get3A_388 = arith.index_cast %mul3A_387 : i32 to index
        %get3A_389 = tpu.vector_load %arg5[%get3A_388] {strides = array<i32>} : memref<32768xf32, #tpu.memory_space<vmem>>, vector<16xf32>,
        %get3A_390 = vector.shape_cast %get3A_389 : vector<16xf32> to vector<16xf32>
        %mul3A_391 = vector.broadcast %squeeze3A_381 : f32 to vector<16xf32>
        %mul3A_392 = arith.mulf %mul3A_391, %get3A_390 : vector<16xf32>
        %add3A_393 = arith.addf %add3A_379, %mul3A_392 : vector<16xf32>
        %slice3A_394 = vector.extract_strided_slice %bitcast_convert_type3A_227 {offsets = [12], sizes = [1], strides = [1]} : vector<16xf32> to vector<1xf32>
        %squeeze3A_395 = vector.extract %slice3A_394[0] : f32 from vector<1xf32>
        %mul3A_396 = arith.constant 16 : i32
        %mul3A_397 = arith.muli %scan3A_208, %mul3A_396 : i32
        %add3A_398 = arith.constant 12 : i32
        %add3A_399 = arith.addi %mul3A_397, %add3A_398 : i32
        %mul3A_400 = arith.constant 16 : i32
        %mul3A_401 = arith.muli %add3A_399, %mul3A_400 : i32
        %get3A_402 = arith.index_cast %mul3A_401 : i32 to index
        %get3A_403 = tpu.vector_load %arg5[%get3A_402] {strides = array<i32>} : memref<32768xf32, #tpu.memory_space<vmem>>, vector<16xf32>,
        %get3A_404 = vector.shape_cast %get3A_403 : vector<16xf32> to vector<16xf32>
        %mul3A_405 = vector.broadcast %squeeze3A_395 : f32 to vector<16xf32>
        %mul3A_406 = arith.mulf %mul3A_405, %get3A_404 : vector<16xf32>
        %add3A_407 = arith.addf %add3A_393, %mul3A_406 : vector<16xf32>
        %slice3A_408 = vector.extract_strided_slice %bitcast_convert_type3A_227 {offsets = [13], sizes = [1], strides = [1]} : vector<16xf32> to vector<1xf32>
        %squeeze3A_409 = vector.extract %slice3A_408[0] : f32 from vector<1xf32>
        %mul3A_410 = arith.constant 16 : i32
        %mul3A_411 = arith.muli %scan3A_208, %mul3A_410 : i32
        %add3A_412 = arith.constant 13 : i32
        %add3A_413 = arith.addi %mul3A_411, %add3A_412 : i32
        %mul3A_414 = arith.constant 16 : i32
        %mul3A_415 = arith.muli %add3A_413, %mul3A_414 : i32
        %get3A_416 = arith.index_cast %mul3A_415 : i32 to index
        %get3A_417 = tpu.vector_load %arg5[%get3A_416] {strides = array<i32>} : memref<32768xf32, #tpu.memory_space<vmem>>, vector<16xf32>,
        %get3A_418 = vector.shape_cast %get3A_417 : vector<16xf32> to vector<16xf32>
        %mul3A_419 = vector.broadcast %squeeze3A_409 : f32 to vector<16xf32>
        %mul3A_420 = arith.mulf %mul3A_419, %get3A_418 : vector<16xf32>
        %add3A_421 = arith.addf %add3A_407, %mul3A_420 : vector<16xf32>
        %slice3A_422 = vector.extract_strided_slice %bitcast_convert_type3A_227 {offsets = [14], sizes = [1], strides = [1]} : vector<16xf32> to vector<1xf32>
        %squeeze3A_423 = vector.extract %slice3A_422[0] : f32 from vector<1xf32>
        %mul3A_424 = arith.constant 16 : i32
        %mul3A_425 = arith.muli %scan3A_208, %mul3A_424 : i32
        %add3A_426 = arith.constant 14 : i32
        %add3A_427 = arith.addi %mul3A_425, %add3A_426 : i32
        %mul3A_428 = arith.constant 16 : i32
        %mul3A_429 = arith.muli %add3A_427, %mul3A_428 : i32
        %get3A_430 = arith.index_cast %mul3A_429 : i32 to index
        %get3A_431 = tpu.vector_load %arg5[%get3A_430] {strides = array<i32>} : memref<32768xf32, #tpu.memory_space<vmem>>, vector<16xf32>,
        %get3A_432 = vector.shape_cast %get3A_431 : vector<16xf32> to vector<16xf32>
        %mul3A_433 = vector.broadcast %squeeze3A_423 : f32 to vector<16xf32>
        %mul3A_434 = arith.mulf %mul3A_433, %get3A_432 : vector<16xf32>
        %add3A_435 = arith.addf %add3A_421, %mul3A_434 : vector<16xf32>
        %slice3A_436 = vector.extract_strided_slice %bitcast_convert_type3A_227 {offsets = [15], sizes = [1], strides = [1]} : vector<16xf32> to vector<1xf32>
        %squeeze3A_437 = vector.extract %slice3A_436[0] : f32 from vector<1xf32>
        %mul3A_438 = arith.constant 16 : i32
        %mul3A_439 = arith.muli %scan3A_208, %mul3A_438 : i32
        %add3A_440 = arith.constant 15 : i32
        %add3A_441 = arith.addi %mul3A_439, %add3A_440 : i32
        %mul3A_442 = arith.constant 16 : i32
        %mul3A_443 = arith.muli %add3A_441, %mul3A_442 : i32
        %get3A_444 = arith.index_cast %mul3A_443 : i32 to index
        %get3A_445 = tpu.vector_load %arg5[%get3A_444] {strides = array<i32>} : memref<32768xf32, #tpu.memory_space<vmem>>, vector<16xf32>,
        %get3A_446 = vector.shape_cast %get3A_445 : vector<16xf32> to vector<16xf32>
        %mul3A_447 = vector.broadcast %squeeze3A_437 : f32 to vector<16xf32>
        %mul3A_448 = arith.mulf %mul3A_447, %get3A_446 : vector<16xf32>
        %add3A_449 = arith.addf %add3A_435, %mul3A_448 : vector<16xf32>
        scf.yield %add3A_449 : vector<16xf32>
      }
      %scan3A_105 = arith.constant 128 : i32
      %swap3A_106 = arith.constant 112 : index
      %swap3A_107 = tpu.vector_load %arg7[%swap3A_106] {strides = array<i32>} : memref<256xf32, #tpu.memory_space<vmem>>, vector<16xf32>,
      %swap3A_108 = vector.shape_cast %swap3A_107 : vector<16xf32> to vector<16xf32>
      %swap3A_109 = vector.shape_cast %scan3A_104 : vector<16xf32> to vector<16xf32>
      tpu.vector_store %arg7[%swap3A_106], %swap3A_109 {strides = array<i32>} : memref<256xf32, #tpu.memory_space<vmem>>, vector<16xf32>,
      %broadcast_in_dim3A_110 = arith.constant 0.000000e+00 : f32
      %broadcast_in_dim3A_111 = vector.broadcast %broadcast_in_dim3A_110 : f32 to vector<16xf32>
      %scan3A_112 = arith.constant 0 : i32
      %scan3A_113 = arith.constant 128 : i32
      %scan3A_114 = arith.addi %scan3A_112, %scan3A_113 : i32
      %scan3A_115 = arith.constant 1 : i32
      %scan3A_116 = scf.for %scan3A_208 = %scan3A_112 to %scan3A_114 step %scan3A_115 iter_args(%scan3A_209 = %broadcast_in_dim3A_111) -> (vector<16xf32>)  : i32 {
        %mul3A_210 = arith.constant 16 : i32
        %mul3A_211 = arith.muli %scan3A_208, %mul3A_210 : i32
        %add3A_212 = arith.constant 16384 : i32
        %add3A_213 = arith.addi %add3A_212, %mul3A_211 : i32
        %get3A = arith.index_cast %add3A_213 : i32 to index
        %get3A_214 = tpu.vector_load %arg6[%get3A] {strides = array<i32>} : memref<32768xf32, #tpu.memory_space<vmem>>, vector<16xf32>,
        %get3A_215 = vector.shape_cast %get3A_214 : vector<16xf32> to vector<16xf32>
        %bitcast_convert_type3A = tpu.bitcast %get3A_215 : vector<16xf32> -> vector<16xi32>
        %shift_right_logical3A = arith.constant 16 : i32
        %shift_right_logical3A_216 = vector.broadcast %shift_right_logical3A : i32 to vector<16xi32>
        %shift_right_logical3A_217 = arith.shrui %bitcast_convert_type3A, %shift_right_logical3A_216 : vector<16xi32>
        %and3A = arith.constant 1 : i32
        %and3A_218 = vector.broadcast %and3A : i32 to vector<16xi32>
        %and3A_219 = arith.andi %shift_right_logical3A_217, %and3A_218 : vector<16xi32>
        %add3A_220 = arith.constant 32767 : i32
        %add3A_221 = vector.broadcast %add3A_220 : i32 to vector<16xi32>
        %add3A_222 = arith.addi %bitcast_convert_type3A, %add3A_221 : vector<16xi32>
        %add3A_223 = arith.addi %add3A_222, %and3A_219 : vector<16xi32>
        %and3A_224 = arith.constant -65536 : i32
        %and3A_225 = vector.broadcast %and3A_224 : i32 to vector<16xi32>
        %and3A_226 = arith.andi %add3A_223, %and3A_225 : vector<16xi32>
        %bitcast_convert_type3A_227 = tpu.bitcast %and3A_226 : vector<16xi32> -> vector<16xf32>
        %slice3A = vector.extract_strided_slice %bitcast_convert_type3A_227 {offsets = [0], sizes = [1], strides = [1]} : vector<16xf32> to vector<1xf32>
        %squeeze3A = vector.extract %slice3A[0] : f32 from vector<1xf32>
        %mul3A_228 = arith.constant 16 : i32
        %mul3A_229 = arith.muli %scan3A_208, %mul3A_228 : i32
        %add3A_230 = arith.constant 0 : i32
        %add3A_231 = arith.addi %mul3A_229, %add3A_230 : i32
        %mul3A_232 = arith.constant 16 : i32
        %mul3A_233 = arith.muli %add3A_231, %mul3A_232 : i32
        %get3A_234 = arith.index_cast %mul3A_233 : i32 to index
        %get3A_235 = tpu.vector_load %arg5[%get3A_234] {strides = array<i32>} : memref<32768xf32, #tpu.memory_space<vmem>>, vector<16xf32>,
        %get3A_236 = vector.shape_cast %get3A_235 : vector<16xf32> to vector<16xf32>
        %mul3A_237 = vector.broadcast %squeeze3A : f32 to vector<16xf32>
        %mul3A_238 = arith.mulf %mul3A_237, %get3A_236 : vector<16xf32>
        %add3A_239 = arith.addf %scan3A_209, %mul3A_238 : vector<16xf32>
        %slice3A_240 = vector.extract_strided_slice %bitcast_convert_type3A_227 {offsets = [1], sizes = [1], strides = [1]} : vector<16xf32> to vector<1xf32>
        %squeeze3A_241 = vector.extract %slice3A_240[0] : f32 from vector<1xf32>
        %mul3A_242 = arith.constant 16 : i32
        %mul3A_243 = arith.muli %scan3A_208, %mul3A_242 : i32
        %add3A_244 = arith.constant 1 : i32
        %add3A_245 = arith.addi %mul3A_243, %add3A_244 : i32
        %mul3A_246 = arith.constant 16 : i32
        %mul3A_247 = arith.muli %add3A_245, %mul3A_246 : i32
        %get3A_248 = arith.index_cast %mul3A_247 : i32 to index
        %get3A_249 = tpu.vector_load %arg5[%get3A_248] {strides = array<i32>} : memref<32768xf32, #tpu.memory_space<vmem>>, vector<16xf32>,
        %get3A_250 = vector.shape_cast %get3A_249 : vector<16xf32> to vector<16xf32>
        %mul3A_251 = vector.broadcast %squeeze3A_241 : f32 to vector<16xf32>
        %mul3A_252 = arith.mulf %mul3A_251, %get3A_250 : vector<16xf32>
        %add3A_253 = arith.addf %add3A_239, %mul3A_252 : vector<16xf32>
        %slice3A_254 = vector.extract_strided_slice %bitcast_convert_type3A_227 {offsets = [2], sizes = [1], strides = [1]} : vector<16xf32> to vector<1xf32>
        %squeeze3A_255 = vector.extract %slice3A_254[0] : f32 from vector<1xf32>
        %mul3A_256 = arith.constant 16 : i32
        %mul3A_257 = arith.muli %scan3A_208, %mul3A_256 : i32
        %add3A_258 = arith.constant 2 : i32
        %add3A_259 = arith.addi %mul3A_257, %add3A_258 : i32
        %mul3A_260 = arith.constant 16 : i32
        %mul3A_261 = arith.muli %add3A_259, %mul3A_260 : i32
        %get3A_262 = arith.index_cast %mul3A_261 : i32 to index
        %get3A_263 = tpu.vector_load %arg5[%get3A_262] {strides = array<i32>} : memref<32768xf32, #tpu.memory_space<vmem>>, vector<16xf32>,
        %get3A_264 = vector.shape_cast %get3A_263 : vector<16xf32> to vector<16xf32>
        %mul3A_265 = vector.broadcast %squeeze3A_255 : f32 to vector<16xf32>
        %mul3A_266 = arith.mulf %mul3A_265, %get3A_264 : vector<16xf32>
        %add3A_267 = arith.addf %add3A_253, %mul3A_266 : vector<16xf32>
        %slice3A_268 = vector.extract_strided_slice %bitcast_convert_type3A_227 {offsets = [3], sizes = [1], strides = [1]} : vector<16xf32> to vector<1xf32>
        %squeeze3A_269 = vector.extract %slice3A_268[0] : f32 from vector<1xf32>
        %mul3A_270 = arith.constant 16 : i32
        %mul3A_271 = arith.muli %scan3A_208, %mul3A_270 : i32
        %add3A_272 = arith.constant 3 : i32
        %add3A_273 = arith.addi %mul3A_271, %add3A_272 : i32
        %mul3A_274 = arith.constant 16 : i32
        %mul3A_275 = arith.muli %add3A_273, %mul3A_274 : i32
        %get3A_276 = arith.index_cast %mul3A_275 : i32 to index
        %get3A_277 = tpu.vector_load %arg5[%get3A_276] {strides = array<i32>} : memref<32768xf32, #tpu.memory_space<vmem>>, vector<16xf32>,
        %get3A_278 = vector.shape_cast %get3A_277 : vector<16xf32> to vector<16xf32>
        %mul3A_279 = vector.broadcast %squeeze3A_269 : f32 to vector<16xf32>
        %mul3A_280 = arith.mulf %mul3A_279, %get3A_278 : vector<16xf32>
        %add3A_281 = arith.addf %add3A_267, %mul3A_280 : vector<16xf32>
        %slice3A_282 = vector.extract_strided_slice %bitcast_convert_type3A_227 {offsets = [4], sizes = [1], strides = [1]} : vector<16xf32> to vector<1xf32>
        %squeeze3A_283 = vector.extract %slice3A_282[0] : f32 from vector<1xf32>
        %mul3A_284 = arith.constant 16 : i32
        %mul3A_285 = arith.muli %scan3A_208, %mul3A_284 : i32
        %add3A_286 = arith.constant 4 : i32
        %add3A_287 = arith.addi %mul3A_285, %add3A_286 : i32
        %mul3A_288 = arith.constant 16 : i32
        %mul3A_289 = arith.muli %add3A_287, %mul3A_288 : i32
        %get3A_290 = arith.index_cast %mul3A_289 : i32 to index
        %get3A_291 = tpu.vector_load %arg5[%get3A_290] {strides = array<i32>} : memref<32768xf32, #tpu.memory_space<vmem>>, vector<16xf32>,
        %get3A_292 = vector.shape_cast %get3A_291 : vector<16xf32> to vector<16xf32>
        %mul3A_293 = vector.broadcast %squeeze3A_283 : f32 to vector<16xf32>
        %mul3A_294 = arith.mulf %mul3A_293, %get3A_292 : vector<16xf32>
        %add3A_295 = arith.addf %add3A_281, %mul3A_294 : vector<16xf32>
        %slice3A_296 = vector.extract_strided_slice %bitcast_convert_type3A_227 {offsets = [5], sizes = [1], strides = [1]} : vector<16xf32> to vector<1xf32>
        %squeeze3A_297 = vector.extract %slice3A_296[0] : f32 from vector<1xf32>
        %mul3A_298 = arith.constant 16 : i32
        %mul3A_299 = arith.muli %scan3A_208, %mul3A_298 : i32
        %add3A_300 = arith.constant 5 : i32
        %add3A_301 = arith.addi %mul3A_299, %add3A_300 : i32
        %mul3A_302 = arith.constant 16 : i32
        %mul3A_303 = arith.muli %add3A_301, %mul3A_302 : i32
        %get3A_304 = arith.index_cast %mul3A_303 : i32 to index
        %get3A_305 = tpu.vector_load %arg5[%get3A_304] {strides = array<i32>} : memref<32768xf32, #tpu.memory_space<vmem>>, vector<16xf32>,
        %get3A_306 = vector.shape_cast %get3A_305 : vector<16xf32> to vector<16xf32>
        %mul3A_307 = vector.broadcast %squeeze3A_297 : f32 to vector<16xf32>
        %mul3A_308 = arith.mulf %mul3A_307, %get3A_306 : vector<16xf32>
        %add3A_309 = arith.addf %add3A_295, %mul3A_308 : vector<16xf32>
        %slice3A_310 = vector.extract_strided_slice %bitcast_convert_type3A_227 {offsets = [6], sizes = [1], strides = [1]} : vector<16xf32> to vector<1xf32>
        %squeeze3A_311 = vector.extract %slice3A_310[0] : f32 from vector<1xf32>
        %mul3A_312 = arith.constant 16 : i32
        %mul3A_313 = arith.muli %scan3A_208, %mul3A_312 : i32
        %add3A_314 = arith.constant 6 : i32
        %add3A_315 = arith.addi %mul3A_313, %add3A_314 : i32
        %mul3A_316 = arith.constant 16 : i32
        %mul3A_317 = arith.muli %add3A_315, %mul3A_316 : i32
        %get3A_318 = arith.index_cast %mul3A_317 : i32 to index
        %get3A_319 = tpu.vector_load %arg5[%get3A_318] {strides = array<i32>} : memref<32768xf32, #tpu.memory_space<vmem>>, vector<16xf32>,
        %get3A_320 = vector.shape_cast %get3A_319 : vector<16xf32> to vector<16xf32>
        %mul3A_321 = vector.broadcast %squeeze3A_311 : f32 to vector<16xf32>
        %mul3A_322 = arith.mulf %mul3A_321, %get3A_320 : vector<16xf32>
        %add3A_323 = arith.addf %add3A_309, %mul3A_322 : vector<16xf32>
        %slice3A_324 = vector.extract_strided_slice %bitcast_convert_type3A_227 {offsets = [7], sizes = [1], strides = [1]} : vector<16xf32> to vector<1xf32>
        %squeeze3A_325 = vector.extract %slice3A_324[0] : f32 from vector<1xf32>
        %mul3A_326 = arith.constant 16 : i32
        %mul3A_327 = arith.muli %scan3A_208, %mul3A_326 : i32
        %add3A_328 = arith.constant 7 : i32
        %add3A_329 = arith.addi %mul3A_327, %add3A_328 : i32
        %mul3A_330 = arith.constant 16 : i32
        %mul3A_331 = arith.muli %add3A_329, %mul3A_330 : i32
        %get3A_332 = arith.index_cast %mul3A_331 : i32 to index
        %get3A_333 = tpu.vector_load %arg5[%get3A_332] {strides = array<i32>} : memref<32768xf32, #tpu.memory_space<vmem>>, vector<16xf32>,
        %get3A_334 = vector.shape_cast %get3A_333 : vector<16xf32> to vector<16xf32>
        %mul3A_335 = vector.broadcast %squeeze3A_325 : f32 to vector<16xf32>
        %mul3A_336 = arith.mulf %mul3A_335, %get3A_334 : vector<16xf32>
        %add3A_337 = arith.addf %add3A_323, %mul3A_336 : vector<16xf32>
        %slice3A_338 = vector.extract_strided_slice %bitcast_convert_type3A_227 {offsets = [8], sizes = [1], strides = [1]} : vector<16xf32> to vector<1xf32>
        %squeeze3A_339 = vector.extract %slice3A_338[0] : f32 from vector<1xf32>
        %mul3A_340 = arith.constant 16 : i32
        %mul3A_341 = arith.muli %scan3A_208, %mul3A_340 : i32
        %add3A_342 = arith.constant 8 : i32
        %add3A_343 = arith.addi %mul3A_341, %add3A_342 : i32
        %mul3A_344 = arith.constant 16 : i32
        %mul3A_345 = arith.muli %add3A_343, %mul3A_344 : i32
        %get3A_346 = arith.index_cast %mul3A_345 : i32 to index
        %get3A_347 = tpu.vector_load %arg5[%get3A_346] {strides = array<i32>} : memref<32768xf32, #tpu.memory_space<vmem>>, vector<16xf32>,
        %get3A_348 = vector.shape_cast %get3A_347 : vector<16xf32> to vector<16xf32>
        %mul3A_349 = vector.broadcast %squeeze3A_339 : f32 to vector<16xf32>
        %mul3A_350 = arith.mulf %mul3A_349, %get3A_348 : vector<16xf32>
        %add3A_351 = arith.addf %add3A_337, %mul3A_350 : vector<16xf32>
        %slice3A_352 = vector.extract_strided_slice %bitcast_convert_type3A_227 {offsets = [9], sizes = [1], strides = [1]} : vector<16xf32> to vector<1xf32>
        %squeeze3A_353 = vector.extract %slice3A_352[0] : f32 from vector<1xf32>
        %mul3A_354 = arith.constant 16 : i32
        %mul3A_355 = arith.muli %scan3A_208, %mul3A_354 : i32
        %add3A_356 = arith.constant 9 : i32
        %add3A_357 = arith.addi %mul3A_355, %add3A_356 : i32
        %mul3A_358 = arith.constant 16 : i32
        %mul3A_359 = arith.muli %add3A_357, %mul3A_358 : i32
        %get3A_360 = arith.index_cast %mul3A_359 : i32 to index
        %get3A_361 = tpu.vector_load %arg5[%get3A_360] {strides = array<i32>} : memref<32768xf32, #tpu.memory_space<vmem>>, vector<16xf32>,
        %get3A_362 = vector.shape_cast %get3A_361 : vector<16xf32> to vector<16xf32>
        %mul3A_363 = vector.broadcast %squeeze3A_353 : f32 to vector<16xf32>
        %mul3A_364 = arith.mulf %mul3A_363, %get3A_362 : vector<16xf32>
        %add3A_365 = arith.addf %add3A_351, %mul3A_364 : vector<16xf32>
        %slice3A_366 = vector.extract_strided_slice %bitcast_convert_type3A_227 {offsets = [10], sizes = [1], strides = [1]} : vector<16xf32> to vector<1xf32>
        %squeeze3A_367 = vector.extract %slice3A_366[0] : f32 from vector<1xf32>
        %mul3A_368 = arith.constant 16 : i32
        %mul3A_369 = arith.muli %scan3A_208, %mul3A_368 : i32
        %add3A_370 = arith.constant 10 : i32
        %add3A_371 = arith.addi %mul3A_369, %add3A_370 : i32
        %mul3A_372 = arith.constant 16 : i32
        %mul3A_373 = arith.muli %add3A_371, %mul3A_372 : i32
        %get3A_374 = arith.index_cast %mul3A_373 : i32 to index
        %get3A_375 = tpu.vector_load %arg5[%get3A_374] {strides = array<i32>} : memref<32768xf32, #tpu.memory_space<vmem>>, vector<16xf32>,
        %get3A_376 = vector.shape_cast %get3A_375 : vector<16xf32> to vector<16xf32>
        %mul3A_377 = vector.broadcast %squeeze3A_367 : f32 to vector<16xf32>
        %mul3A_378 = arith.mulf %mul3A_377, %get3A_376 : vector<16xf32>
        %add3A_379 = arith.addf %add3A_365, %mul3A_378 : vector<16xf32>
        %slice3A_380 = vector.extract_strided_slice %bitcast_convert_type3A_227 {offsets = [11], sizes = [1], strides = [1]} : vector<16xf32> to vector<1xf32>
        %squeeze3A_381 = vector.extract %slice3A_380[0] : f32 from vector<1xf32>
        %mul3A_382 = arith.constant 16 : i32
        %mul3A_383 = arith.muli %scan3A_208, %mul3A_382 : i32
        %add3A_384 = arith.constant 11 : i32
        %add3A_385 = arith.addi %mul3A_383, %add3A_384 : i32
        %mul3A_386 = arith.constant 16 : i32
        %mul3A_387 = arith.muli %add3A_385, %mul3A_386 : i32
        %get3A_388 = arith.index_cast %mul3A_387 : i32 to index
        %get3A_389 = tpu.vector_load %arg5[%get3A_388] {strides = array<i32>} : memref<32768xf32, #tpu.memory_space<vmem>>, vector<16xf32>,
        %get3A_390 = vector.shape_cast %get3A_389 : vector<16xf32> to vector<16xf32>
        %mul3A_391 = vector.broadcast %squeeze3A_381 : f32 to vector<16xf32>
        %mul3A_392 = arith.mulf %mul3A_391, %get3A_390 : vector<16xf32>
        %add3A_393 = arith.addf %add3A_379, %mul3A_392 : vector<16xf32>
        %slice3A_394 = vector.extract_strided_slice %bitcast_convert_type3A_227 {offsets = [12], sizes = [1], strides = [1]} : vector<16xf32> to vector<1xf32>
        %squeeze3A_395 = vector.extract %slice3A_394[0] : f32 from vector<1xf32>
        %mul3A_396 = arith.constant 16 : i32
        %mul3A_397 = arith.muli %scan3A_208, %mul3A_396 : i32
        %add3A_398 = arith.constant 12 : i32
        %add3A_399 = arith.addi %mul3A_397, %add3A_398 : i32
        %mul3A_400 = arith.constant 16 : i32
        %mul3A_401 = arith.muli %add3A_399, %mul3A_400 : i32
        %get3A_402 = arith.index_cast %mul3A_401 : i32 to index
        %get3A_403 = tpu.vector_load %arg5[%get3A_402] {strides = array<i32>} : memref<32768xf32, #tpu.memory_space<vmem>>, vector<16xf32>,
        %get3A_404 = vector.shape_cast %get3A_403 : vector<16xf32> to vector<16xf32>
        %mul3A_405 = vector.broadcast %squeeze3A_395 : f32 to vector<16xf32>
        %mul3A_406 = arith.mulf %mul3A_405, %get3A_404 : vector<16xf32>
        %add3A_407 = arith.addf %add3A_393, %mul3A_406 : vector<16xf32>
        %slice3A_408 = vector.extract_strided_slice %bitcast_convert_type3A_227 {offsets = [13], sizes = [1], strides = [1]} : vector<16xf32> to vector<1xf32>
        %squeeze3A_409 = vector.extract %slice3A_408[0] : f32 from vector<1xf32>
        %mul3A_410 = arith.constant 16 : i32
        %mul3A_411 = arith.muli %scan3A_208, %mul3A_410 : i32
        %add3A_412 = arith.constant 13 : i32
        %add3A_413 = arith.addi %mul3A_411, %add3A_412 : i32
        %mul3A_414 = arith.constant 16 : i32
        %mul3A_415 = arith.muli %add3A_413, %mul3A_414 : i32
        %get3A_416 = arith.index_cast %mul3A_415 : i32 to index
        %get3A_417 = tpu.vector_load %arg5[%get3A_416] {strides = array<i32>} : memref<32768xf32, #tpu.memory_space<vmem>>, vector<16xf32>,
        %get3A_418 = vector.shape_cast %get3A_417 : vector<16xf32> to vector<16xf32>
        %mul3A_419 = vector.broadcast %squeeze3A_409 : f32 to vector<16xf32>
        %mul3A_420 = arith.mulf %mul3A_419, %get3A_418 : vector<16xf32>
        %add3A_421 = arith.addf %add3A_407, %mul3A_420 : vector<16xf32>
        %slice3A_422 = vector.extract_strided_slice %bitcast_convert_type3A_227 {offsets = [14], sizes = [1], strides = [1]} : vector<16xf32> to vector<1xf32>
        %squeeze3A_423 = vector.extract %slice3A_422[0] : f32 from vector<1xf32>
        %mul3A_424 = arith.constant 16 : i32
        %mul3A_425 = arith.muli %scan3A_208, %mul3A_424 : i32
        %add3A_426 = arith.constant 14 : i32
        %add3A_427 = arith.addi %mul3A_425, %add3A_426 : i32
        %mul3A_428 = arith.constant 16 : i32
        %mul3A_429 = arith.muli %add3A_427, %mul3A_428 : i32
        %get3A_430 = arith.index_cast %mul3A_429 : i32 to index
        %get3A_431 = tpu.vector_load %arg5[%get3A_430] {strides = array<i32>} : memref<32768xf32, #tpu.memory_space<vmem>>, vector<16xf32>,
        %get3A_432 = vector.shape_cast %get3A_431 : vector<16xf32> to vector<16xf32>
        %mul3A_433 = vector.broadcast %squeeze3A_423 : f32 to vector<16xf32>
        %mul3A_434 = arith.mulf %mul3A_433, %get3A_432 : vector<16xf32>
        %add3A_435 = arith.addf %add3A_421, %mul3A_434 : vector<16xf32>
        %slice3A_436 = vector.extract_strided_slice %bitcast_convert_type3A_227 {offsets = [15], sizes = [1], strides = [1]} : vector<16xf32> to vector<1xf32>
        %squeeze3A_437 = vector.extract %slice3A_436[0] : f32 from vector<1xf32>
        %mul3A_438 = arith.constant 16 : i32
        %mul3A_439 = arith.muli %scan3A_208, %mul3A_438 : i32
        %add3A_440 = arith.constant 15 : i32
        %add3A_441 = arith.addi %mul3A_439, %add3A_440 : i32
        %mul3A_442 = arith.constant 16 : i32
        %mul3A_443 = arith.muli %add3A_441, %mul3A_442 : i32
        %get3A_444 = arith.index_cast %mul3A_443 : i32 to index
        %get3A_445 = tpu.vector_load %arg5[%get3A_444] {strides = array<i32>} : memref<32768xf32, #tpu.memory_space<vmem>>, vector<16xf32>,
        %get3A_446 = vector.shape_cast %get3A_445 : vector<16xf32> to vector<16xf32>
        %mul3A_447 = vector.broadcast %squeeze3A_437 : f32 to vector<16xf32>
        %mul3A_448 = arith.mulf %mul3A_447, %get3A_446 : vector<16xf32>
        %add3A_449 = arith.addf %add3A_435, %mul3A_448 : vector<16xf32>
        scf.yield %add3A_449 : vector<16xf32>
      }
      %scan3A_117 = arith.constant 128 : i32
      %swap3A_118 = arith.constant 128 : index
      %swap3A_119 = tpu.vector_load %arg7[%swap3A_118] {strides = array<i32>} : memref<256xf32, #tpu.memory_space<vmem>>, vector<16xf32>,
      %swap3A_120 = vector.shape_cast %swap3A_119 : vector<16xf32> to vector<16xf32>
      %swap3A_121 = vector.shape_cast %scan3A_116 : vector<16xf32> to vector<16xf32>
      tpu.vector_store %arg7[%swap3A_118], %swap3A_121 {strides = array<i32>} : memref<256xf32, #tpu.memory_space<vmem>>, vector<16xf32>,
      %broadcast_in_dim3A_122 = arith.constant 0.000000e+00 : f32
      %broadcast_in_dim3A_123 = vector.broadcast %broadcast_in_dim3A_122 : f32 to vector<16xf32>
      %scan3A_124 = arith.constant 0 : i32
      %scan3A_125 = arith.constant 128 : i32
      %scan3A_126 = arith.addi %scan3A_124, %scan3A_125 : i32
      %scan3A_127 = arith.constant 1 : i32
      %scan3A_128 = scf.for %scan3A_208 = %scan3A_124 to %scan3A_126 step %scan3A_127 iter_args(%scan3A_209 = %broadcast_in_dim3A_123) -> (vector<16xf32>)  : i32 {
        %mul3A_210 = arith.constant 16 : i32
        %mul3A_211 = arith.muli %scan3A_208, %mul3A_210 : i32
        %add3A_212 = arith.constant 18432 : i32
        %add3A_213 = arith.addi %add3A_212, %mul3A_211 : i32
        %get3A = arith.index_cast %add3A_213 : i32 to index
        %get3A_214 = tpu.vector_load %arg6[%get3A] {strides = array<i32>} : memref<32768xf32, #tpu.memory_space<vmem>>, vector<16xf32>,
        %get3A_215 = vector.shape_cast %get3A_214 : vector<16xf32> to vector<16xf32>
        %bitcast_convert_type3A = tpu.bitcast %get3A_215 : vector<16xf32> -> vector<16xi32>
        %shift_right_logical3A = arith.constant 16 : i32
        %shift_right_logical3A_216 = vector.broadcast %shift_right_logical3A : i32 to vector<16xi32>
        %shift_right_logical3A_217 = arith.shrui %bitcast_convert_type3A, %shift_right_logical3A_216 : vector<16xi32>
        %and3A = arith.constant 1 : i32
        %and3A_218 = vector.broadcast %and3A : i32 to vector<16xi32>
        %and3A_219 = arith.andi %shift_right_logical3A_217, %and3A_218 : vector<16xi32>
        %add3A_220 = arith.constant 32767 : i32
        %add3A_221 = vector.broadcast %add3A_220 : i32 to vector<16xi32>
        %add3A_222 = arith.addi %bitcast_convert_type3A, %add3A_221 : vector<16xi32>
        %add3A_223 = arith.addi %add3A_222, %and3A_219 : vector<16xi32>
        %and3A_224 = arith.constant -65536 : i32
        %and3A_225 = vector.broadcast %and3A_224 : i32 to vector<16xi32>
        %and3A_226 = arith.andi %add3A_223, %and3A_225 : vector<16xi32>
        %bitcast_convert_type3A_227 = tpu.bitcast %and3A_226 : vector<16xi32> -> vector<16xf32>
        %slice3A = vector.extract_strided_slice %bitcast_convert_type3A_227 {offsets = [0], sizes = [1], strides = [1]} : vector<16xf32> to vector<1xf32>
        %squeeze3A = vector.extract %slice3A[0] : f32 from vector<1xf32>
        %mul3A_228 = arith.constant 16 : i32
        %mul3A_229 = arith.muli %scan3A_208, %mul3A_228 : i32
        %add3A_230 = arith.constant 0 : i32
        %add3A_231 = arith.addi %mul3A_229, %add3A_230 : i32
        %mul3A_232 = arith.constant 16 : i32
        %mul3A_233 = arith.muli %add3A_231, %mul3A_232 : i32
        %get3A_234 = arith.index_cast %mul3A_233 : i32 to index
        %get3A_235 = tpu.vector_load %arg5[%get3A_234] {strides = array<i32>} : memref<32768xf32, #tpu.memory_space<vmem>>, vector<16xf32>,
        %get3A_236 = vector.shape_cast %get3A_235 : vector<16xf32> to vector<16xf32>
        %mul3A_237 = vector.broadcast %squeeze3A : f32 to vector<16xf32>
        %mul3A_238 = arith.mulf %mul3A_237, %get3A_236 : vector<16xf32>
        %add3A_239 = arith.addf %scan3A_209, %mul3A_238 : vector<16xf32>
        %slice3A_240 = vector.extract_strided_slice %bitcast_convert_type3A_227 {offsets = [1], sizes = [1], strides = [1]} : vector<16xf32> to vector<1xf32>
        %squeeze3A_241 = vector.extract %slice3A_240[0] : f32 from vector<1xf32>
        %mul3A_242 = arith.constant 16 : i32
        %mul3A_243 = arith.muli %scan3A_208, %mul3A_242 : i32
        %add3A_244 = arith.constant 1 : i32
        %add3A_245 = arith.addi %mul3A_243, %add3A_244 : i32
        %mul3A_246 = arith.constant 16 : i32
        %mul3A_247 = arith.muli %add3A_245, %mul3A_246 : i32
        %get3A_248 = arith.index_cast %mul3A_247 : i32 to index
        %get3A_249 = tpu.vector_load %arg5[%get3A_248] {strides = array<i32>} : memref<32768xf32, #tpu.memory_space<vmem>>, vector<16xf32>,
        %get3A_250 = vector.shape_cast %get3A_249 : vector<16xf32> to vector<16xf32>
        %mul3A_251 = vector.broadcast %squeeze3A_241 : f32 to vector<16xf32>
        %mul3A_252 = arith.mulf %mul3A_251, %get3A_250 : vector<16xf32>
        %add3A_253 = arith.addf %add3A_239, %mul3A_252 : vector<16xf32>
        %slice3A_254 = vector.extract_strided_slice %bitcast_convert_type3A_227 {offsets = [2], sizes = [1], strides = [1]} : vector<16xf32> to vector<1xf32>
        %squeeze3A_255 = vector.extract %slice3A_254[0] : f32 from vector<1xf32>
        %mul3A_256 = arith.constant 16 : i32
        %mul3A_257 = arith.muli %scan3A_208, %mul3A_256 : i32
        %add3A_258 = arith.constant 2 : i32
        %add3A_259 = arith.addi %mul3A_257, %add3A_258 : i32
        %mul3A_260 = arith.constant 16 : i32
        %mul3A_261 = arith.muli %add3A_259, %mul3A_260 : i32
        %get3A_262 = arith.index_cast %mul3A_261 : i32 to index
        %get3A_263 = tpu.vector_load %arg5[%get3A_262] {strides = array<i32>} : memref<32768xf32, #tpu.memory_space<vmem>>, vector<16xf32>,
        %get3A_264 = vector.shape_cast %get3A_263 : vector<16xf32> to vector<16xf32>
        %mul3A_265 = vector.broadcast %squeeze3A_255 : f32 to vector<16xf32>
        %mul3A_266 = arith.mulf %mul3A_265, %get3A_264 : vector<16xf32>
        %add3A_267 = arith.addf %add3A_253, %mul3A_266 : vector<16xf32>
        %slice3A_268 = vector.extract_strided_slice %bitcast_convert_type3A_227 {offsets = [3], sizes = [1], strides = [1]} : vector<16xf32> to vector<1xf32>
        %squeeze3A_269 = vector.extract %slice3A_268[0] : f32 from vector<1xf32>
        %mul3A_270 = arith.constant 16 : i32
        %mul3A_271 = arith.muli %scan3A_208, %mul3A_270 : i32
        %add3A_272 = arith.constant 3 : i32
        %add3A_273 = arith.addi %mul3A_271, %add3A_272 : i32
        %mul3A_274 = arith.constant 16 : i32
        %mul3A_275 = arith.muli %add3A_273, %mul3A_274 : i32
        %get3A_276 = arith.index_cast %mul3A_275 : i32 to index
        %get3A_277 = tpu.vector_load %arg5[%get3A_276] {strides = array<i32>} : memref<32768xf32, #tpu.memory_space<vmem>>, vector<16xf32>,
        %get3A_278 = vector.shape_cast %get3A_277 : vector<16xf32> to vector<16xf32>
        %mul3A_279 = vector.broadcast %squeeze3A_269 : f32 to vector<16xf32>
        %mul3A_280 = arith.mulf %mul3A_279, %get3A_278 : vector<16xf32>
        %add3A_281 = arith.addf %add3A_267, %mul3A_280 : vector<16xf32>
        %slice3A_282 = vector.extract_strided_slice %bitcast_convert_type3A_227 {offsets = [4], sizes = [1], strides = [1]} : vector<16xf32> to vector<1xf32>
        %squeeze3A_283 = vector.extract %slice3A_282[0] : f32 from vector<1xf32>
        %mul3A_284 = arith.constant 16 : i32
        %mul3A_285 = arith.muli %scan3A_208, %mul3A_284 : i32
        %add3A_286 = arith.constant 4 : i32
        %add3A_287 = arith.addi %mul3A_285, %add3A_286 : i32
        %mul3A_288 = arith.constant 16 : i32
        %mul3A_289 = arith.muli %add3A_287, %mul3A_288 : i32
        %get3A_290 = arith.index_cast %mul3A_289 : i32 to index
        %get3A_291 = tpu.vector_load %arg5[%get3A_290] {strides = array<i32>} : memref<32768xf32, #tpu.memory_space<vmem>>, vector<16xf32>,
        %get3A_292 = vector.shape_cast %get3A_291 : vector<16xf32> to vector<16xf32>
        %mul3A_293 = vector.broadcast %squeeze3A_283 : f32 to vector<16xf32>
        %mul3A_294 = arith.mulf %mul3A_293, %get3A_292 : vector<16xf32>
        %add3A_295 = arith.addf %add3A_281, %mul3A_294 : vector<16xf32>
        %slice3A_296 = vector.extract_strided_slice %bitcast_convert_type3A_227 {offsets = [5], sizes = [1], strides = [1]} : vector<16xf32> to vector<1xf32>
        %squeeze3A_297 = vector.extract %slice3A_296[0] : f32 from vector<1xf32>
        %mul3A_298 = arith.constant 16 : i32
        %mul3A_299 = arith.muli %scan3A_208, %mul3A_298 : i32
        %add3A_300 = arith.constant 5 : i32
        %add3A_301 = arith.addi %mul3A_299, %add3A_300 : i32
        %mul3A_302 = arith.constant 16 : i32
        %mul3A_303 = arith.muli %add3A_301, %mul3A_302 : i32
        %get3A_304 = arith.index_cast %mul3A_303 : i32 to index
        %get3A_305 = tpu.vector_load %arg5[%get3A_304] {strides = array<i32>} : memref<32768xf32, #tpu.memory_space<vmem>>, vector<16xf32>,
        %get3A_306 = vector.shape_cast %get3A_305 : vector<16xf32> to vector<16xf32>
        %mul3A_307 = vector.broadcast %squeeze3A_297 : f32 to vector<16xf32>
        %mul3A_308 = arith.mulf %mul3A_307, %get3A_306 : vector<16xf32>
        %add3A_309 = arith.addf %add3A_295, %mul3A_308 : vector<16xf32>
        %slice3A_310 = vector.extract_strided_slice %bitcast_convert_type3A_227 {offsets = [6], sizes = [1], strides = [1]} : vector<16xf32> to vector<1xf32>
        %squeeze3A_311 = vector.extract %slice3A_310[0] : f32 from vector<1xf32>
        %mul3A_312 = arith.constant 16 : i32
        %mul3A_313 = arith.muli %scan3A_208, %mul3A_312 : i32
        %add3A_314 = arith.constant 6 : i32
        %add3A_315 = arith.addi %mul3A_313, %add3A_314 : i32
        %mul3A_316 = arith.constant 16 : i32
        %mul3A_317 = arith.muli %add3A_315, %mul3A_316 : i32
        %get3A_318 = arith.index_cast %mul3A_317 : i32 to index
        %get3A_319 = tpu.vector_load %arg5[%get3A_318] {strides = array<i32>} : memref<32768xf32, #tpu.memory_space<vmem>>, vector<16xf32>,
        %get3A_320 = vector.shape_cast %get3A_319 : vector<16xf32> to vector<16xf32>
        %mul3A_321 = vector.broadcast %squeeze3A_311 : f32 to vector<16xf32>
        %mul3A_322 = arith.mulf %mul3A_321, %get3A_320 : vector<16xf32>
        %add3A_323 = arith.addf %add3A_309, %mul3A_322 : vector<16xf32>
        %slice3A_324 = vector.extract_strided_slice %bitcast_convert_type3A_227 {offsets = [7], sizes = [1], strides = [1]} : vector<16xf32> to vector<1xf32>
        %squeeze3A_325 = vector.extract %slice3A_324[0] : f32 from vector<1xf32>
        %mul3A_326 = arith.constant 16 : i32
        %mul3A_327 = arith.muli %scan3A_208, %mul3A_326 : i32
        %add3A_328 = arith.constant 7 : i32
        %add3A_329 = arith.addi %mul3A_327, %add3A_328 : i32
        %mul3A_330 = arith.constant 16 : i32
        %mul3A_331 = arith.muli %add3A_329, %mul3A_330 : i32
        %get3A_332 = arith.index_cast %mul3A_331 : i32 to index
        %get3A_333 = tpu.vector_load %arg5[%get3A_332] {strides = array<i32>} : memref<32768xf32, #tpu.memory_space<vmem>>, vector<16xf32>,
        %get3A_334 = vector.shape_cast %get3A_333 : vector<16xf32> to vector<16xf32>
        %mul3A_335 = vector.broadcast %squeeze3A_325 : f32 to vector<16xf32>
        %mul3A_336 = arith.mulf %mul3A_335, %get3A_334 : vector<16xf32>
        %add3A_337 = arith.addf %add3A_323, %mul3A_336 : vector<16xf32>
        %slice3A_338 = vector.extract_strided_slice %bitcast_convert_type3A_227 {offsets = [8], sizes = [1], strides = [1]} : vector<16xf32> to vector<1xf32>
        %squeeze3A_339 = vector.extract %slice3A_338[0] : f32 from vector<1xf32>
        %mul3A_340 = arith.constant 16 : i32
        %mul3A_341 = arith.muli %scan3A_208, %mul3A_340 : i32
        %add3A_342 = arith.constant 8 : i32
        %add3A_343 = arith.addi %mul3A_341, %add3A_342 : i32
        %mul3A_344 = arith.constant 16 : i32
        %mul3A_345 = arith.muli %add3A_343, %mul3A_344 : i32
        %get3A_346 = arith.index_cast %mul3A_345 : i32 to index
        %get3A_347 = tpu.vector_load %arg5[%get3A_346] {strides = array<i32>} : memref<32768xf32, #tpu.memory_space<vmem>>, vector<16xf32>,
        %get3A_348 = vector.shape_cast %get3A_347 : vector<16xf32> to vector<16xf32>
        %mul3A_349 = vector.broadcast %squeeze3A_339 : f32 to vector<16xf32>
        %mul3A_350 = arith.mulf %mul3A_349, %get3A_348 : vector<16xf32>
        %add3A_351 = arith.addf %add3A_337, %mul3A_350 : vector<16xf32>
        %slice3A_352 = vector.extract_strided_slice %bitcast_convert_type3A_227 {offsets = [9], sizes = [1], strides = [1]} : vector<16xf32> to vector<1xf32>
        %squeeze3A_353 = vector.extract %slice3A_352[0] : f32 from vector<1xf32>
        %mul3A_354 = arith.constant 16 : i32
        %mul3A_355 = arith.muli %scan3A_208, %mul3A_354 : i32
        %add3A_356 = arith.constant 9 : i32
        %add3A_357 = arith.addi %mul3A_355, %add3A_356 : i32
        %mul3A_358 = arith.constant 16 : i32
        %mul3A_359 = arith.muli %add3A_357, %mul3A_358 : i32
        %get3A_360 = arith.index_cast %mul3A_359 : i32 to index
        %get3A_361 = tpu.vector_load %arg5[%get3A_360] {strides = array<i32>} : memref<32768xf32, #tpu.memory_space<vmem>>, vector<16xf32>,
        %get3A_362 = vector.shape_cast %get3A_361 : vector<16xf32> to vector<16xf32>
        %mul3A_363 = vector.broadcast %squeeze3A_353 : f32 to vector<16xf32>
        %mul3A_364 = arith.mulf %mul3A_363, %get3A_362 : vector<16xf32>
        %add3A_365 = arith.addf %add3A_351, %mul3A_364 : vector<16xf32>
        %slice3A_366 = vector.extract_strided_slice %bitcast_convert_type3A_227 {offsets = [10], sizes = [1], strides = [1]} : vector<16xf32> to vector<1xf32>
        %squeeze3A_367 = vector.extract %slice3A_366[0] : f32 from vector<1xf32>
        %mul3A_368 = arith.constant 16 : i32
        %mul3A_369 = arith.muli %scan3A_208, %mul3A_368 : i32
        %add3A_370 = arith.constant 10 : i32
        %add3A_371 = arith.addi %mul3A_369, %add3A_370 : i32
        %mul3A_372 = arith.constant 16 : i32
        %mul3A_373 = arith.muli %add3A_371, %mul3A_372 : i32
        %get3A_374 = arith.index_cast %mul3A_373 : i32 to index
        %get3A_375 = tpu.vector_load %arg5[%get3A_374] {strides = array<i32>} : memref<32768xf32, #tpu.memory_space<vmem>>, vector<16xf32>,
        %get3A_376 = vector.shape_cast %get3A_375 : vector<16xf32> to vector<16xf32>
        %mul3A_377 = vector.broadcast %squeeze3A_367 : f32 to vector<16xf32>
        %mul3A_378 = arith.mulf %mul3A_377, %get3A_376 : vector<16xf32>
        %add3A_379 = arith.addf %add3A_365, %mul3A_378 : vector<16xf32>
        %slice3A_380 = vector.extract_strided_slice %bitcast_convert_type3A_227 {offsets = [11], sizes = [1], strides = [1]} : vector<16xf32> to vector<1xf32>
        %squeeze3A_381 = vector.extract %slice3A_380[0] : f32 from vector<1xf32>
        %mul3A_382 = arith.constant 16 : i32
        %mul3A_383 = arith.muli %scan3A_208, %mul3A_382 : i32
        %add3A_384 = arith.constant 11 : i32
        %add3A_385 = arith.addi %mul3A_383, %add3A_384 : i32
        %mul3A_386 = arith.constant 16 : i32
        %mul3A_387 = arith.muli %add3A_385, %mul3A_386 : i32
        %get3A_388 = arith.index_cast %mul3A_387 : i32 to index
        %get3A_389 = tpu.vector_load %arg5[%get3A_388] {strides = array<i32>} : memref<32768xf32, #tpu.memory_space<vmem>>, vector<16xf32>,
        %get3A_390 = vector.shape_cast %get3A_389 : vector<16xf32> to vector<16xf32>
        %mul3A_391 = vector.broadcast %squeeze3A_381 : f32 to vector<16xf32>
        %mul3A_392 = arith.mulf %mul3A_391, %get3A_390 : vector<16xf32>
        %add3A_393 = arith.addf %add3A_379, %mul3A_392 : vector<16xf32>
        %slice3A_394 = vector.extract_strided_slice %bitcast_convert_type3A_227 {offsets = [12], sizes = [1], strides = [1]} : vector<16xf32> to vector<1xf32>
        %squeeze3A_395 = vector.extract %slice3A_394[0] : f32 from vector<1xf32>
        %mul3A_396 = arith.constant 16 : i32
        %mul3A_397 = arith.muli %scan3A_208, %mul3A_396 : i32
        %add3A_398 = arith.constant 12 : i32
        %add3A_399 = arith.addi %mul3A_397, %add3A_398 : i32
        %mul3A_400 = arith.constant 16 : i32
        %mul3A_401 = arith.muli %add3A_399, %mul3A_400 : i32
        %get3A_402 = arith.index_cast %mul3A_401 : i32 to index
        %get3A_403 = tpu.vector_load %arg5[%get3A_402] {strides = array<i32>} : memref<32768xf32, #tpu.memory_space<vmem>>, vector<16xf32>,
        %get3A_404 = vector.shape_cast %get3A_403 : vector<16xf32> to vector<16xf32>
        %mul3A_405 = vector.broadcast %squeeze3A_395 : f32 to vector<16xf32>
        %mul3A_406 = arith.mulf %mul3A_405, %get3A_404 : vector<16xf32>
        %add3A_407 = arith.addf %add3A_393, %mul3A_406 : vector<16xf32>
        %slice3A_408 = vector.extract_strided_slice %bitcast_convert_type3A_227 {offsets = [13], sizes = [1], strides = [1]} : vector<16xf32> to vector<1xf32>
        %squeeze3A_409 = vector.extract %slice3A_408[0] : f32 from vector<1xf32>
        %mul3A_410 = arith.constant 16 : i32
        %mul3A_411 = arith.muli %scan3A_208, %mul3A_410 : i32
        %add3A_412 = arith.constant 13 : i32
        %add3A_413 = arith.addi %mul3A_411, %add3A_412 : i32
        %mul3A_414 = arith.constant 16 : i32
        %mul3A_415 = arith.muli %add3A_413, %mul3A_414 : i32
        %get3A_416 = arith.index_cast %mul3A_415 : i32 to index
        %get3A_417 = tpu.vector_load %arg5[%get3A_416] {strides = array<i32>} : memref<32768xf32, #tpu.memory_space<vmem>>, vector<16xf32>,
        %get3A_418 = vector.shape_cast %get3A_417 : vector<16xf32> to vector<16xf32>
        %mul3A_419 = vector.broadcast %squeeze3A_409 : f32 to vector<16xf32>
        %mul3A_420 = arith.mulf %mul3A_419, %get3A_418 : vector<16xf32>
        %add3A_421 = arith.addf %add3A_407, %mul3A_420 : vector<16xf32>
        %slice3A_422 = vector.extract_strided_slice %bitcast_convert_type3A_227 {offsets = [14], sizes = [1], strides = [1]} : vector<16xf32> to vector<1xf32>
        %squeeze3A_423 = vector.extract %slice3A_422[0] : f32 from vector<1xf32>
        %mul3A_424 = arith.constant 16 : i32
        %mul3A_425 = arith.muli %scan3A_208, %mul3A_424 : i32
        %add3A_426 = arith.constant 14 : i32
        %add3A_427 = arith.addi %mul3A_425, %add3A_426 : i32
        %mul3A_428 = arith.constant 16 : i32
        %mul3A_429 = arith.muli %add3A_427, %mul3A_428 : i32
        %get3A_430 = arith.index_cast %mul3A_429 : i32 to index
        %get3A_431 = tpu.vector_load %arg5[%get3A_430] {strides = array<i32>} : memref<32768xf32, #tpu.memory_space<vmem>>, vector<16xf32>,
        %get3A_432 = vector.shape_cast %get3A_431 : vector<16xf32> to vector<16xf32>
        %mul3A_433 = vector.broadcast %squeeze3A_423 : f32 to vector<16xf32>
        %mul3A_434 = arith.mulf %mul3A_433, %get3A_432 : vector<16xf32>
        %add3A_435 = arith.addf %add3A_421, %mul3A_434 : vector<16xf32>
        %slice3A_436 = vector.extract_strided_slice %bitcast_convert_type3A_227 {offsets = [15], sizes = [1], strides = [1]} : vector<16xf32> to vector<1xf32>
        %squeeze3A_437 = vector.extract %slice3A_436[0] : f32 from vector<1xf32>
        %mul3A_438 = arith.constant 16 : i32
        %mul3A_439 = arith.muli %scan3A_208, %mul3A_438 : i32
        %add3A_440 = arith.constant 15 : i32
        %add3A_441 = arith.addi %mul3A_439, %add3A_440 : i32
        %mul3A_442 = arith.constant 16 : i32
        %mul3A_443 = arith.muli %add3A_441, %mul3A_442 : i32
        %get3A_444 = arith.index_cast %mul3A_443 : i32 to index
        %get3A_445 = tpu.vector_load %arg5[%get3A_444] {strides = array<i32>} : memref<32768xf32, #tpu.memory_space<vmem>>, vector<16xf32>,
        %get3A_446 = vector.shape_cast %get3A_445 : vector<16xf32> to vector<16xf32>
        %mul3A_447 = vector.broadcast %squeeze3A_437 : f32 to vector<16xf32>
        %mul3A_448 = arith.mulf %mul3A_447, %get3A_446 : vector<16xf32>
        %add3A_449 = arith.addf %add3A_435, %mul3A_448 : vector<16xf32>
        scf.yield %add3A_449 : vector<16xf32>
      }
      %scan3A_129 = arith.constant 128 : i32
      %swap3A_130 = arith.constant 144 : index
      %swap3A_131 = tpu.vector_load %arg7[%swap3A_130] {strides = array<i32>} : memref<256xf32, #tpu.memory_space<vmem>>, vector<16xf32>,
      %swap3A_132 = vector.shape_cast %swap3A_131 : vector<16xf32> to vector<16xf32>
      %swap3A_133 = vector.shape_cast %scan3A_128 : vector<16xf32> to vector<16xf32>
      tpu.vector_store %arg7[%swap3A_130], %swap3A_133 {strides = array<i32>} : memref<256xf32, #tpu.memory_space<vmem>>, vector<16xf32>,
      %broadcast_in_dim3A_134 = arith.constant 0.000000e+00 : f32
      %broadcast_in_dim3A_135 = vector.broadcast %broadcast_in_dim3A_134 : f32 to vector<16xf32>
      %scan3A_136 = arith.constant 0 : i32
      %scan3A_137 = arith.constant 128 : i32
      %scan3A_138 = arith.addi %scan3A_136, %scan3A_137 : i32
      %scan3A_139 = arith.constant 1 : i32
      %scan3A_140 = scf.for %scan3A_208 = %scan3A_136 to %scan3A_138 step %scan3A_139 iter_args(%scan3A_209 = %broadcast_in_dim3A_135) -> (vector<16xf32>)  : i32 {
        %mul3A_210 = arith.constant 16 : i32
        %mul3A_211 = arith.muli %scan3A_208, %mul3A_210 : i32
        %add3A_212 = arith.constant 20480 : i32
        %add3A_213 = arith.addi %add3A_212, %mul3A_211 : i32
        %get3A = arith.index_cast %add3A_213 : i32 to index
        %get3A_214 = tpu.vector_load %arg6[%get3A] {strides = array<i32>} : memref<32768xf32, #tpu.memory_space<vmem>>, vector<16xf32>,
        %get3A_215 = vector.shape_cast %get3A_214 : vector<16xf32> to vector<16xf32>
        %bitcast_convert_type3A = tpu.bitcast %get3A_215 : vector<16xf32> -> vector<16xi32>
        %shift_right_logical3A = arith.constant 16 : i32
        %shift_right_logical3A_216 = vector.broadcast %shift_right_logical3A : i32 to vector<16xi32>
        %shift_right_logical3A_217 = arith.shrui %bitcast_convert_type3A, %shift_right_logical3A_216 : vector<16xi32>
        %and3A = arith.constant 1 : i32
        %and3A_218 = vector.broadcast %and3A : i32 to vector<16xi32>
        %and3A_219 = arith.andi %shift_right_logical3A_217, %and3A_218 : vector<16xi32>
        %add3A_220 = arith.constant 32767 : i32
        %add3A_221 = vector.broadcast %add3A_220 : i32 to vector<16xi32>
        %add3A_222 = arith.addi %bitcast_convert_type3A, %add3A_221 : vector<16xi32>
        %add3A_223 = arith.addi %add3A_222, %and3A_219 : vector<16xi32>
        %and3A_224 = arith.constant -65536 : i32
        %and3A_225 = vector.broadcast %and3A_224 : i32 to vector<16xi32>
        %and3A_226 = arith.andi %add3A_223, %and3A_225 : vector<16xi32>
        %bitcast_convert_type3A_227 = tpu.bitcast %and3A_226 : vector<16xi32> -> vector<16xf32>
        %slice3A = vector.extract_strided_slice %bitcast_convert_type3A_227 {offsets = [0], sizes = [1], strides = [1]} : vector<16xf32> to vector<1xf32>
        %squeeze3A = vector.extract %slice3A[0] : f32 from vector<1xf32>
        %mul3A_228 = arith.constant 16 : i32
        %mul3A_229 = arith.muli %scan3A_208, %mul3A_228 : i32
        %add3A_230 = arith.constant 0 : i32
        %add3A_231 = arith.addi %mul3A_229, %add3A_230 : i32
        %mul3A_232 = arith.constant 16 : i32
        %mul3A_233 = arith.muli %add3A_231, %mul3A_232 : i32
        %get3A_234 = arith.index_cast %mul3A_233 : i32 to index
        %get3A_235 = tpu.vector_load %arg5[%get3A_234] {strides = array<i32>} : memref<32768xf32, #tpu.memory_space<vmem>>, vector<16xf32>,
        %get3A_236 = vector.shape_cast %get3A_235 : vector<16xf32> to vector<16xf32>
        %mul3A_237 = vector.broadcast %squeeze3A : f32 to vector<16xf32>
        %mul3A_238 = arith.mulf %mul3A_237, %get3A_236 : vector<16xf32>
        %add3A_239 = arith.addf %scan3A_209, %mul3A_238 : vector<16xf32>
        %slice3A_240 = vector.extract_strided_slice %bitcast_convert_type3A_227 {offsets = [1], sizes = [1], strides = [1]} : vector<16xf32> to vector<1xf32>
        %squeeze3A_241 = vector.extract %slice3A_240[0] : f32 from vector<1xf32>
        %mul3A_242 = arith.constant 16 : i32
        %mul3A_243 = arith.muli %scan3A_208, %mul3A_242 : i32
        %add3A_244 = arith.constant 1 : i32
        %add3A_245 = arith.addi %mul3A_243, %add3A_244 : i32
        %mul3A_246 = arith.constant 16 : i32
        %mul3A_247 = arith.muli %add3A_245, %mul3A_246 : i32
        %get3A_248 = arith.index_cast %mul3A_247 : i32 to index
        %get3A_249 = tpu.vector_load %arg5[%get3A_248] {strides = array<i32>} : memref<32768xf32, #tpu.memory_space<vmem>>, vector<16xf32>,
        %get3A_250 = vector.shape_cast %get3A_249 : vector<16xf32> to vector<16xf32>
        %mul3A_251 = vector.broadcast %squeeze3A_241 : f32 to vector<16xf32>
        %mul3A_252 = arith.mulf %mul3A_251, %get3A_250 : vector<16xf32>
        %add3A_253 = arith.addf %add3A_239, %mul3A_252 : vector<16xf32>
        %slice3A_254 = vector.extract_strided_slice %bitcast_convert_type3A_227 {offsets = [2], sizes = [1], strides = [1]} : vector<16xf32> to vector<1xf32>
        %squeeze3A_255 = vector.extract %slice3A_254[0] : f32 from vector<1xf32>
        %mul3A_256 = arith.constant 16 : i32
        %mul3A_257 = arith.muli %scan3A_208, %mul3A_256 : i32
        %add3A_258 = arith.constant 2 : i32
        %add3A_259 = arith.addi %mul3A_257, %add3A_258 : i32
        %mul3A_260 = arith.constant 16 : i32
        %mul3A_261 = arith.muli %add3A_259, %mul3A_260 : i32
        %get3A_262 = arith.index_cast %mul3A_261 : i32 to index
        %get3A_263 = tpu.vector_load %arg5[%get3A_262] {strides = array<i32>} : memref<32768xf32, #tpu.memory_space<vmem>>, vector<16xf32>,
        %get3A_264 = vector.shape_cast %get3A_263 : vector<16xf32> to vector<16xf32>
        %mul3A_265 = vector.broadcast %squeeze3A_255 : f32 to vector<16xf32>
        %mul3A_266 = arith.mulf %mul3A_265, %get3A_264 : vector<16xf32>
        %add3A_267 = arith.addf %add3A_253, %mul3A_266 : vector<16xf32>
        %slice3A_268 = vector.extract_strided_slice %bitcast_convert_type3A_227 {offsets = [3], sizes = [1], strides = [1]} : vector<16xf32> to vector<1xf32>
        %squeeze3A_269 = vector.extract %slice3A_268[0] : f32 from vector<1xf32>
        %mul3A_270 = arith.constant 16 : i32
        %mul3A_271 = arith.muli %scan3A_208, %mul3A_270 : i32
        %add3A_272 = arith.constant 3 : i32
        %add3A_273 = arith.addi %mul3A_271, %add3A_272 : i32
        %mul3A_274 = arith.constant 16 : i32
        %mul3A_275 = arith.muli %add3A_273, %mul3A_274 : i32
        %get3A_276 = arith.index_cast %mul3A_275 : i32 to index
        %get3A_277 = tpu.vector_load %arg5[%get3A_276] {strides = array<i32>} : memref<32768xf32, #tpu.memory_space<vmem>>, vector<16xf32>,
        %get3A_278 = vector.shape_cast %get3A_277 : vector<16xf32> to vector<16xf32>
        %mul3A_279 = vector.broadcast %squeeze3A_269 : f32 to vector<16xf32>
        %mul3A_280 = arith.mulf %mul3A_279, %get3A_278 : vector<16xf32>
        %add3A_281 = arith.addf %add3A_267, %mul3A_280 : vector<16xf32>
        %slice3A_282 = vector.extract_strided_slice %bitcast_convert_type3A_227 {offsets = [4], sizes = [1], strides = [1]} : vector<16xf32> to vector<1xf32>
        %squeeze3A_283 = vector.extract %slice3A_282[0] : f32 from vector<1xf32>
        %mul3A_284 = arith.constant 16 : i32
        %mul3A_285 = arith.muli %scan3A_208, %mul3A_284 : i32
        %add3A_286 = arith.constant 4 : i32
        %add3A_287 = arith.addi %mul3A_285, %add3A_286 : i32
        %mul3A_288 = arith.constant 16 : i32
        %mul3A_289 = arith.muli %add3A_287, %mul3A_288 : i32
        %get3A_290 = arith.index_cast %mul3A_289 : i32 to index
        %get3A_291 = tpu.vector_load %arg5[%get3A_290] {strides = array<i32>} : memref<32768xf32, #tpu.memory_space<vmem>>, vector<16xf32>,
        %get3A_292 = vector.shape_cast %get3A_291 : vector<16xf32> to vector<16xf32>
        %mul3A_293 = vector.broadcast %squeeze3A_283 : f32 to vector<16xf32>
        %mul3A_294 = arith.mulf %mul3A_293, %get3A_292 : vector<16xf32>
        %add3A_295 = arith.addf %add3A_281, %mul3A_294 : vector<16xf32>
        %slice3A_296 = vector.extract_strided_slice %bitcast_convert_type3A_227 {offsets = [5], sizes = [1], strides = [1]} : vector<16xf32> to vector<1xf32>
        %squeeze3A_297 = vector.extract %slice3A_296[0] : f32 from vector<1xf32>
        %mul3A_298 = arith.constant 16 : i32
        %mul3A_299 = arith.muli %scan3A_208, %mul3A_298 : i32
        %add3A_300 = arith.constant 5 : i32
        %add3A_301 = arith.addi %mul3A_299, %add3A_300 : i32
        %mul3A_302 = arith.constant 16 : i32
        %mul3A_303 = arith.muli %add3A_301, %mul3A_302 : i32
        %get3A_304 = arith.index_cast %mul3A_303 : i32 to index
        %get3A_305 = tpu.vector_load %arg5[%get3A_304] {strides = array<i32>} : memref<32768xf32, #tpu.memory_space<vmem>>, vector<16xf32>,
        %get3A_306 = vector.shape_cast %get3A_305 : vector<16xf32> to vector<16xf32>
        %mul3A_307 = vector.broadcast %squeeze3A_297 : f32 to vector<16xf32>
        %mul3A_308 = arith.mulf %mul3A_307, %get3A_306 : vector<16xf32>
        %add3A_309 = arith.addf %add3A_295, %mul3A_308 : vector<16xf32>
        %slice3A_310 = vector.extract_strided_slice %bitcast_convert_type3A_227 {offsets = [6], sizes = [1], strides = [1]} : vector<16xf32> to vector<1xf32>
        %squeeze3A_311 = vector.extract %slice3A_310[0] : f32 from vector<1xf32>
        %mul3A_312 = arith.constant 16 : i32
        %mul3A_313 = arith.muli %scan3A_208, %mul3A_312 : i32
        %add3A_314 = arith.constant 6 : i32
        %add3A_315 = arith.addi %mul3A_313, %add3A_314 : i32
        %mul3A_316 = arith.constant 16 : i32
        %mul3A_317 = arith.muli %add3A_315, %mul3A_316 : i32
        %get3A_318 = arith.index_cast %mul3A_317 : i32 to index
        %get3A_319 = tpu.vector_load %arg5[%get3A_318] {strides = array<i32>} : memref<32768xf32, #tpu.memory_space<vmem>>, vector<16xf32>,
        %get3A_320 = vector.shape_cast %get3A_319 : vector<16xf32> to vector<16xf32>
        %mul3A_321 = vector.broadcast %squeeze3A_311 : f32 to vector<16xf32>
        %mul3A_322 = arith.mulf %mul3A_321, %get3A_320 : vector<16xf32>
        %add3A_323 = arith.addf %add3A_309, %mul3A_322 : vector<16xf32>
        %slice3A_324 = vector.extract_strided_slice %bitcast_convert_type3A_227 {offsets = [7], sizes = [1], strides = [1]} : vector<16xf32> to vector<1xf32>
        %squeeze3A_325 = vector.extract %slice3A_324[0] : f32 from vector<1xf32>
        %mul3A_326 = arith.constant 16 : i32
        %mul3A_327 = arith.muli %scan3A_208, %mul3A_326 : i32
        %add3A_328 = arith.constant 7 : i32
        %add3A_329 = arith.addi %mul3A_327, %add3A_328 : i32
        %mul3A_330 = arith.constant 16 : i32
        %mul3A_331 = arith.muli %add3A_329, %mul3A_330 : i32
        %get3A_332 = arith.index_cast %mul3A_331 : i32 to index
        %get3A_333 = tpu.vector_load %arg5[%get3A_332] {strides = array<i32>} : memref<32768xf32, #tpu.memory_space<vmem>>, vector<16xf32>,
        %get3A_334 = vector.shape_cast %get3A_333 : vector<16xf32> to vector<16xf32>
        %mul3A_335 = vector.broadcast %squeeze3A_325 : f32 to vector<16xf32>
        %mul3A_336 = arith.mulf %mul3A_335, %get3A_334 : vector<16xf32>
        %add3A_337 = arith.addf %add3A_323, %mul3A_336 : vector<16xf32>
        %slice3A_338 = vector.extract_strided_slice %bitcast_convert_type3A_227 {offsets = [8], sizes = [1], strides = [1]} : vector<16xf32> to vector<1xf32>
        %squeeze3A_339 = vector.extract %slice3A_338[0] : f32 from vector<1xf32>
        %mul3A_340 = arith.constant 16 : i32
        %mul3A_341 = arith.muli %scan3A_208, %mul3A_340 : i32
        %add3A_342 = arith.constant 8 : i32
        %add3A_343 = arith.addi %mul3A_341, %add3A_342 : i32
        %mul3A_344 = arith.constant 16 : i32
        %mul3A_345 = arith.muli %add3A_343, %mul3A_344 : i32
        %get3A_346 = arith.index_cast %mul3A_345 : i32 to index
        %get3A_347 = tpu.vector_load %arg5[%get3A_346] {strides = array<i32>} : memref<32768xf32, #tpu.memory_space<vmem>>, vector<16xf32>,
        %get3A_348 = vector.shape_cast %get3A_347 : vector<16xf32> to vector<16xf32>
        %mul3A_349 = vector.broadcast %squeeze3A_339 : f32 to vector<16xf32>
        %mul3A_350 = arith.mulf %mul3A_349, %get3A_348 : vector<16xf32>
        %add3A_351 = arith.addf %add3A_337, %mul3A_350 : vector<16xf32>
        %slice3A_352 = vector.extract_strided_slice %bitcast_convert_type3A_227 {offsets = [9], sizes = [1], strides = [1]} : vector<16xf32> to vector<1xf32>
        %squeeze3A_353 = vector.extract %slice3A_352[0] : f32 from vector<1xf32>
        %mul3A_354 = arith.constant 16 : i32
        %mul3A_355 = arith.muli %scan3A_208, %mul3A_354 : i32
        %add3A_356 = arith.constant 9 : i32
        %add3A_357 = arith.addi %mul3A_355, %add3A_356 : i32
        %mul3A_358 = arith.constant 16 : i32
        %mul3A_359 = arith.muli %add3A_357, %mul3A_358 : i32
        %get3A_360 = arith.index_cast %mul3A_359 : i32 to index
        %get3A_361 = tpu.vector_load %arg5[%get3A_360] {strides = array<i32>} : memref<32768xf32, #tpu.memory_space<vmem>>, vector<16xf32>,
        %get3A_362 = vector.shape_cast %get3A_361 : vector<16xf32> to vector<16xf32>
        %mul3A_363 = vector.broadcast %squeeze3A_353 : f32 to vector<16xf32>
        %mul3A_364 = arith.mulf %mul3A_363, %get3A_362 : vector<16xf32>
        %add3A_365 = arith.addf %add3A_351, %mul3A_364 : vector<16xf32>
        %slice3A_366 = vector.extract_strided_slice %bitcast_convert_type3A_227 {offsets = [10], sizes = [1], strides = [1]} : vector<16xf32> to vector<1xf32>
        %squeeze3A_367 = vector.extract %slice3A_366[0] : f32 from vector<1xf32>
        %mul3A_368 = arith.constant 16 : i32
        %mul3A_369 = arith.muli %scan3A_208, %mul3A_368 : i32
        %add3A_370 = arith.constant 10 : i32
        %add3A_371 = arith.addi %mul3A_369, %add3A_370 : i32
        %mul3A_372 = arith.constant 16 : i32
        %mul3A_373 = arith.muli %add3A_371, %mul3A_372 : i32
        %get3A_374 = arith.index_cast %mul3A_373 : i32 to index
        %get3A_375 = tpu.vector_load %arg5[%get3A_374] {strides = array<i32>} : memref<32768xf32, #tpu.memory_space<vmem>>, vector<16xf32>,
        %get3A_376 = vector.shape_cast %get3A_375 : vector<16xf32> to vector<16xf32>
        %mul3A_377 = vector.broadcast %squeeze3A_367 : f32 to vector<16xf32>
        %mul3A_378 = arith.mulf %mul3A_377, %get3A_376 : vector<16xf32>
        %add3A_379 = arith.addf %add3A_365, %mul3A_378 : vector<16xf32>
        %slice3A_380 = vector.extract_strided_slice %bitcast_convert_type3A_227 {offsets = [11], sizes = [1], strides = [1]} : vector<16xf32> to vector<1xf32>
        %squeeze3A_381 = vector.extract %slice3A_380[0] : f32 from vector<1xf32>
        %mul3A_382 = arith.constant 16 : i32
        %mul3A_383 = arith.muli %scan3A_208, %mul3A_382 : i32
        %add3A_384 = arith.constant 11 : i32
        %add3A_385 = arith.addi %mul3A_383, %add3A_384 : i32
        %mul3A_386 = arith.constant 16 : i32
        %mul3A_387 = arith.muli %add3A_385, %mul3A_386 : i32
        %get3A_388 = arith.index_cast %mul3A_387 : i32 to index
        %get3A_389 = tpu.vector_load %arg5[%get3A_388] {strides = array<i32>} : memref<32768xf32, #tpu.memory_space<vmem>>, vector<16xf32>,
        %get3A_390 = vector.shape_cast %get3A_389 : vector<16xf32> to vector<16xf32>
        %mul3A_391 = vector.broadcast %squeeze3A_381 : f32 to vector<16xf32>
        %mul3A_392 = arith.mulf %mul3A_391, %get3A_390 : vector<16xf32>
        %add3A_393 = arith.addf %add3A_379, %mul3A_392 : vector<16xf32>
        %slice3A_394 = vector.extract_strided_slice %bitcast_convert_type3A_227 {offsets = [12], sizes = [1], strides = [1]} : vector<16xf32> to vector<1xf32>
        %squeeze3A_395 = vector.extract %slice3A_394[0] : f32 from vector<1xf32>
        %mul3A_396 = arith.constant 16 : i32
        %mul3A_397 = arith.muli %scan3A_208, %mul3A_396 : i32
        %add3A_398 = arith.constant 12 : i32
        %add3A_399 = arith.addi %mul3A_397, %add3A_398 : i32
        %mul3A_400 = arith.constant 16 : i32
        %mul3A_401 = arith.muli %add3A_399, %mul3A_400 : i32
        %get3A_402 = arith.index_cast %mul3A_401 : i32 to index
        %get3A_403 = tpu.vector_load %arg5[%get3A_402] {strides = array<i32>} : memref<32768xf32, #tpu.memory_space<vmem>>, vector<16xf32>,
        %get3A_404 = vector.shape_cast %get3A_403 : vector<16xf32> to vector<16xf32>
        %mul3A_405 = vector.broadcast %squeeze3A_395 : f32 to vector<16xf32>
        %mul3A_406 = arith.mulf %mul3A_405, %get3A_404 : vector<16xf32>
        %add3A_407 = arith.addf %add3A_393, %mul3A_406 : vector<16xf32>
        %slice3A_408 = vector.extract_strided_slice %bitcast_convert_type3A_227 {offsets = [13], sizes = [1], strides = [1]} : vector<16xf32> to vector<1xf32>
        %squeeze3A_409 = vector.extract %slice3A_408[0] : f32 from vector<1xf32>
        %mul3A_410 = arith.constant 16 : i32
        %mul3A_411 = arith.muli %scan3A_208, %mul3A_410 : i32
        %add3A_412 = arith.constant 13 : i32
        %add3A_413 = arith.addi %mul3A_411, %add3A_412 : i32
        %mul3A_414 = arith.constant 16 : i32
        %mul3A_415 = arith.muli %add3A_413, %mul3A_414 : i32
        %get3A_416 = arith.index_cast %mul3A_415 : i32 to index
        %get3A_417 = tpu.vector_load %arg5[%get3A_416] {strides = array<i32>} : memref<32768xf32, #tpu.memory_space<vmem>>, vector<16xf32>,
        %get3A_418 = vector.shape_cast %get3A_417 : vector<16xf32> to vector<16xf32>
        %mul3A_419 = vector.broadcast %squeeze3A_409 : f32 to vector<16xf32>
        %mul3A_420 = arith.mulf %mul3A_419, %get3A_418 : vector<16xf32>
        %add3A_421 = arith.addf %add3A_407, %mul3A_420 : vector<16xf32>
        %slice3A_422 = vector.extract_strided_slice %bitcast_convert_type3A_227 {offsets = [14], sizes = [1], strides = [1]} : vector<16xf32> to vector<1xf32>
        %squeeze3A_423 = vector.extract %slice3A_422[0] : f32 from vector<1xf32>
        %mul3A_424 = arith.constant 16 : i32
        %mul3A_425 = arith.muli %scan3A_208, %mul3A_424 : i32
        %add3A_426 = arith.constant 14 : i32
        %add3A_427 = arith.addi %mul3A_425, %add3A_426 : i32
        %mul3A_428 = arith.constant 16 : i32
        %mul3A_429 = arith.muli %add3A_427, %mul3A_428 : i32
        %get3A_430 = arith.index_cast %mul3A_429 : i32 to index
        %get3A_431 = tpu.vector_load %arg5[%get3A_430] {strides = array<i32>} : memref<32768xf32, #tpu.memory_space<vmem>>, vector<16xf32>,
        %get3A_432 = vector.shape_cast %get3A_431 : vector<16xf32> to vector<16xf32>
        %mul3A_433 = vector.broadcast %squeeze3A_423 : f32 to vector<16xf32>
        %mul3A_434 = arith.mulf %mul3A_433, %get3A_432 : vector<16xf32>
        %add3A_435 = arith.addf %add3A_421, %mul3A_434 : vector<16xf32>
        %slice3A_436 = vector.extract_strided_slice %bitcast_convert_type3A_227 {offsets = [15], sizes = [1], strides = [1]} : vector<16xf32> to vector<1xf32>
        %squeeze3A_437 = vector.extract %slice3A_436[0] : f32 from vector<1xf32>
        %mul3A_438 = arith.constant 16 : i32
        %mul3A_439 = arith.muli %scan3A_208, %mul3A_438 : i32
        %add3A_440 = arith.constant 15 : i32
        %add3A_441 = arith.addi %mul3A_439, %add3A_440 : i32
        %mul3A_442 = arith.constant 16 : i32
        %mul3A_443 = arith.muli %add3A_441, %mul3A_442 : i32
        %get3A_444 = arith.index_cast %mul3A_443 : i32 to index
        %get3A_445 = tpu.vector_load %arg5[%get3A_444] {strides = array<i32>} : memref<32768xf32, #tpu.memory_space<vmem>>, vector<16xf32>,
        %get3A_446 = vector.shape_cast %get3A_445 : vector<16xf32> to vector<16xf32>
        %mul3A_447 = vector.broadcast %squeeze3A_437 : f32 to vector<16xf32>
        %mul3A_448 = arith.mulf %mul3A_447, %get3A_446 : vector<16xf32>
        %add3A_449 = arith.addf %add3A_435, %mul3A_448 : vector<16xf32>
        scf.yield %add3A_449 : vector<16xf32>
      }
      %scan3A_141 = arith.constant 128 : i32
      %swap3A_142 = arith.constant 160 : index
      %swap3A_143 = tpu.vector_load %arg7[%swap3A_142] {strides = array<i32>} : memref<256xf32, #tpu.memory_space<vmem>>, vector<16xf32>,
      %swap3A_144 = vector.shape_cast %swap3A_143 : vector<16xf32> to vector<16xf32>
      %swap3A_145 = vector.shape_cast %scan3A_140 : vector<16xf32> to vector<16xf32>
      tpu.vector_store %arg7[%swap3A_142], %swap3A_145 {strides = array<i32>} : memref<256xf32, #tpu.memory_space<vmem>>, vector<16xf32>,
      %broadcast_in_dim3A_146 = arith.constant 0.000000e+00 : f32
      %broadcast_in_dim3A_147 = vector.broadcast %broadcast_in_dim3A_146 : f32 to vector<16xf32>
      %scan3A_148 = arith.constant 0 : i32
      %scan3A_149 = arith.constant 128 : i32
      %scan3A_150 = arith.addi %scan3A_148, %scan3A_149 : i32
      %scan3A_151 = arith.constant 1 : i32
      %scan3A_152 = scf.for %scan3A_208 = %scan3A_148 to %scan3A_150 step %scan3A_151 iter_args(%scan3A_209 = %broadcast_in_dim3A_147) -> (vector<16xf32>)  : i32 {
        %mul3A_210 = arith.constant 16 : i32
        %mul3A_211 = arith.muli %scan3A_208, %mul3A_210 : i32
        %add3A_212 = arith.constant 22528 : i32
        %add3A_213 = arith.addi %add3A_212, %mul3A_211 : i32
        %get3A = arith.index_cast %add3A_213 : i32 to index
        %get3A_214 = tpu.vector_load %arg6[%get3A] {strides = array<i32>} : memref<32768xf32, #tpu.memory_space<vmem>>, vector<16xf32>,
        %get3A_215 = vector.shape_cast %get3A_214 : vector<16xf32> to vector<16xf32>
        %bitcast_convert_type3A = tpu.bitcast %get3A_215 : vector<16xf32> -> vector<16xi32>
        %shift_right_logical3A = arith.constant 16 : i32
        %shift_right_logical3A_216 = vector.broadcast %shift_right_logical3A : i32 to vector<16xi32>
        %shift_right_logical3A_217 = arith.shrui %bitcast_convert_type3A, %shift_right_logical3A_216 : vector<16xi32>
        %and3A = arith.constant 1 : i32
        %and3A_218 = vector.broadcast %and3A : i32 to vector<16xi32>
        %and3A_219 = arith.andi %shift_right_logical3A_217, %and3A_218 : vector<16xi32>
        %add3A_220 = arith.constant 32767 : i32
        %add3A_221 = vector.broadcast %add3A_220 : i32 to vector<16xi32>
        %add3A_222 = arith.addi %bitcast_convert_type3A, %add3A_221 : vector<16xi32>
        %add3A_223 = arith.addi %add3A_222, %and3A_219 : vector<16xi32>
        %and3A_224 = arith.constant -65536 : i32
        %and3A_225 = vector.broadcast %and3A_224 : i32 to vector<16xi32>
        %and3A_226 = arith.andi %add3A_223, %and3A_225 : vector<16xi32>
        %bitcast_convert_type3A_227 = tpu.bitcast %and3A_226 : vector<16xi32> -> vector<16xf32>
        %slice3A = vector.extract_strided_slice %bitcast_convert_type3A_227 {offsets = [0], sizes = [1], strides = [1]} : vector<16xf32> to vector<1xf32>
        %squeeze3A = vector.extract %slice3A[0] : f32 from vector<1xf32>
        %mul3A_228 = arith.constant 16 : i32
        %mul3A_229 = arith.muli %scan3A_208, %mul3A_228 : i32
        %add3A_230 = arith.constant 0 : i32
        %add3A_231 = arith.addi %mul3A_229, %add3A_230 : i32
        %mul3A_232 = arith.constant 16 : i32
        %mul3A_233 = arith.muli %add3A_231, %mul3A_232 : i32
        %get3A_234 = arith.index_cast %mul3A_233 : i32 to index
        %get3A_235 = tpu.vector_load %arg5[%get3A_234] {strides = array<i32>} : memref<32768xf32, #tpu.memory_space<vmem>>, vector<16xf32>,
        %get3A_236 = vector.shape_cast %get3A_235 : vector<16xf32> to vector<16xf32>
        %mul3A_237 = vector.broadcast %squeeze3A : f32 to vector<16xf32>
        %mul3A_238 = arith.mulf %mul3A_237, %get3A_236 : vector<16xf32>
        %add3A_239 = arith.addf %scan3A_209, %mul3A_238 : vector<16xf32>
        %slice3A_240 = vector.extract_strided_slice %bitcast_convert_type3A_227 {offsets = [1], sizes = [1], strides = [1]} : vector<16xf32> to vector<1xf32>
        %squeeze3A_241 = vector.extract %slice3A_240[0] : f32 from vector<1xf32>
        %mul3A_242 = arith.constant 16 : i32
        %mul3A_243 = arith.muli %scan3A_208, %mul3A_242 : i32
        %add3A_244 = arith.constant 1 : i32
        %add3A_245 = arith.addi %mul3A_243, %add3A_244 : i32
        %mul3A_246 = arith.constant 16 : i32
        %mul3A_247 = arith.muli %add3A_245, %mul3A_246 : i32
        %get3A_248 = arith.index_cast %mul3A_247 : i32 to index
        %get3A_249 = tpu.vector_load %arg5[%get3A_248] {strides = array<i32>} : memref<32768xf32, #tpu.memory_space<vmem>>, vector<16xf32>,
        %get3A_250 = vector.shape_cast %get3A_249 : vector<16xf32> to vector<16xf32>
        %mul3A_251 = vector.broadcast %squeeze3A_241 : f32 to vector<16xf32>
        %mul3A_252 = arith.mulf %mul3A_251, %get3A_250 : vector<16xf32>
        %add3A_253 = arith.addf %add3A_239, %mul3A_252 : vector<16xf32>
        %slice3A_254 = vector.extract_strided_slice %bitcast_convert_type3A_227 {offsets = [2], sizes = [1], strides = [1]} : vector<16xf32> to vector<1xf32>
        %squeeze3A_255 = vector.extract %slice3A_254[0] : f32 from vector<1xf32>
        %mul3A_256 = arith.constant 16 : i32
        %mul3A_257 = arith.muli %scan3A_208, %mul3A_256 : i32
        %add3A_258 = arith.constant 2 : i32
        %add3A_259 = arith.addi %mul3A_257, %add3A_258 : i32
        %mul3A_260 = arith.constant 16 : i32
        %mul3A_261 = arith.muli %add3A_259, %mul3A_260 : i32
        %get3A_262 = arith.index_cast %mul3A_261 : i32 to index
        %get3A_263 = tpu.vector_load %arg5[%get3A_262] {strides = array<i32>} : memref<32768xf32, #tpu.memory_space<vmem>>, vector<16xf32>,
        %get3A_264 = vector.shape_cast %get3A_263 : vector<16xf32> to vector<16xf32>
        %mul3A_265 = vector.broadcast %squeeze3A_255 : f32 to vector<16xf32>
        %mul3A_266 = arith.mulf %mul3A_265, %get3A_264 : vector<16xf32>
        %add3A_267 = arith.addf %add3A_253, %mul3A_266 : vector<16xf32>
        %slice3A_268 = vector.extract_strided_slice %bitcast_convert_type3A_227 {offsets = [3], sizes = [1], strides = [1]} : vector<16xf32> to vector<1xf32>
        %squeeze3A_269 = vector.extract %slice3A_268[0] : f32 from vector<1xf32>
        %mul3A_270 = arith.constant 16 : i32
        %mul3A_271 = arith.muli %scan3A_208, %mul3A_270 : i32
        %add3A_272 = arith.constant 3 : i32
        %add3A_273 = arith.addi %mul3A_271, %add3A_272 : i32
        %mul3A_274 = arith.constant 16 : i32
        %mul3A_275 = arith.muli %add3A_273, %mul3A_274 : i32
        %get3A_276 = arith.index_cast %mul3A_275 : i32 to index
        %get3A_277 = tpu.vector_load %arg5[%get3A_276] {strides = array<i32>} : memref<32768xf32, #tpu.memory_space<vmem>>, vector<16xf32>,
        %get3A_278 = vector.shape_cast %get3A_277 : vector<16xf32> to vector<16xf32>
        %mul3A_279 = vector.broadcast %squeeze3A_269 : f32 to vector<16xf32>
        %mul3A_280 = arith.mulf %mul3A_279, %get3A_278 : vector<16xf32>
        %add3A_281 = arith.addf %add3A_267, %mul3A_280 : vector<16xf32>
        %slice3A_282 = vector.extract_strided_slice %bitcast_convert_type3A_227 {offsets = [4], sizes = [1], strides = [1]} : vector<16xf32> to vector<1xf32>
        %squeeze3A_283 = vector.extract %slice3A_282[0] : f32 from vector<1xf32>
        %mul3A_284 = arith.constant 16 : i32
        %mul3A_285 = arith.muli %scan3A_208, %mul3A_284 : i32
        %add3A_286 = arith.constant 4 : i32
        %add3A_287 = arith.addi %mul3A_285, %add3A_286 : i32
        %mul3A_288 = arith.constant 16 : i32
        %mul3A_289 = arith.muli %add3A_287, %mul3A_288 : i32
        %get3A_290 = arith.index_cast %mul3A_289 : i32 to index
        %get3A_291 = tpu.vector_load %arg5[%get3A_290] {strides = array<i32>} : memref<32768xf32, #tpu.memory_space<vmem>>, vector<16xf32>,
        %get3A_292 = vector.shape_cast %get3A_291 : vector<16xf32> to vector<16xf32>
        %mul3A_293 = vector.broadcast %squeeze3A_283 : f32 to vector<16xf32>
        %mul3A_294 = arith.mulf %mul3A_293, %get3A_292 : vector<16xf32>
        %add3A_295 = arith.addf %add3A_281, %mul3A_294 : vector<16xf32>
        %slice3A_296 = vector.extract_strided_slice %bitcast_convert_type3A_227 {offsets = [5], sizes = [1], strides = [1]} : vector<16xf32> to vector<1xf32>
        %squeeze3A_297 = vector.extract %slice3A_296[0] : f32 from vector<1xf32>
        %mul3A_298 = arith.constant 16 : i32
        %mul3A_299 = arith.muli %scan3A_208, %mul3A_298 : i32
        %add3A_300 = arith.constant 5 : i32
        %add3A_301 = arith.addi %mul3A_299, %add3A_300 : i32
        %mul3A_302 = arith.constant 16 : i32
        %mul3A_303 = arith.muli %add3A_301, %mul3A_302 : i32
        %get3A_304 = arith.index_cast %mul3A_303 : i32 to index
        %get3A_305 = tpu.vector_load %arg5[%get3A_304] {strides = array<i32>} : memref<32768xf32, #tpu.memory_space<vmem>>, vector<16xf32>,
        %get3A_306 = vector.shape_cast %get3A_305 : vector<16xf32> to vector<16xf32>
        %mul3A_307 = vector.broadcast %squeeze3A_297 : f32 to vector<16xf32>
        %mul3A_308 = arith.mulf %mul3A_307, %get3A_306 : vector<16xf32>
        %add3A_309 = arith.addf %add3A_295, %mul3A_308 : vector<16xf32>
        %slice3A_310 = vector.extract_strided_slice %bitcast_convert_type3A_227 {offsets = [6], sizes = [1], strides = [1]} : vector<16xf32> to vector<1xf32>
        %squeeze3A_311 = vector.extract %slice3A_310[0] : f32 from vector<1xf32>
        %mul3A_312 = arith.constant 16 : i32
        %mul3A_313 = arith.muli %scan3A_208, %mul3A_312 : i32
        %add3A_314 = arith.constant 6 : i32
        %add3A_315 = arith.addi %mul3A_313, %add3A_314 : i32
        %mul3A_316 = arith.constant 16 : i32
        %mul3A_317 = arith.muli %add3A_315, %mul3A_316 : i32
        %get3A_318 = arith.index_cast %mul3A_317 : i32 to index
        %get3A_319 = tpu.vector_load %arg5[%get3A_318] {strides = array<i32>} : memref<32768xf32, #tpu.memory_space<vmem>>, vector<16xf32>,
        %get3A_320 = vector.shape_cast %get3A_319 : vector<16xf32> to vector<16xf32>
        %mul3A_321 = vector.broadcast %squeeze3A_311 : f32 to vector<16xf32>
        %mul3A_322 = arith.mulf %mul3A_321, %get3A_320 : vector<16xf32>
        %add3A_323 = arith.addf %add3A_309, %mul3A_322 : vector<16xf32>
        %slice3A_324 = vector.extract_strided_slice %bitcast_convert_type3A_227 {offsets = [7], sizes = [1], strides = [1]} : vector<16xf32> to vector<1xf32>
        %squeeze3A_325 = vector.extract %slice3A_324[0] : f32 from vector<1xf32>
        %mul3A_326 = arith.constant 16 : i32
        %mul3A_327 = arith.muli %scan3A_208, %mul3A_326 : i32
        %add3A_328 = arith.constant 7 : i32
        %add3A_329 = arith.addi %mul3A_327, %add3A_328 : i32
        %mul3A_330 = arith.constant 16 : i32
        %mul3A_331 = arith.muli %add3A_329, %mul3A_330 : i32
        %get3A_332 = arith.index_cast %mul3A_331 : i32 to index
        %get3A_333 = tpu.vector_load %arg5[%get3A_332] {strides = array<i32>} : memref<32768xf32, #tpu.memory_space<vmem>>, vector<16xf32>,
        %get3A_334 = vector.shape_cast %get3A_333 : vector<16xf32> to vector<16xf32>
        %mul3A_335 = vector.broadcast %squeeze3A_325 : f32 to vector<16xf32>
        %mul3A_336 = arith.mulf %mul3A_335, %get3A_334 : vector<16xf32>
        %add3A_337 = arith.addf %add3A_323, %mul3A_336 : vector<16xf32>
        %slice3A_338 = vector.extract_strided_slice %bitcast_convert_type3A_227 {offsets = [8], sizes = [1], strides = [1]} : vector<16xf32> to vector<1xf32>
        %squeeze3A_339 = vector.extract %slice3A_338[0] : f32 from vector<1xf32>
        %mul3A_340 = arith.constant 16 : i32
        %mul3A_341 = arith.muli %scan3A_208, %mul3A_340 : i32
        %add3A_342 = arith.constant 8 : i32
        %add3A_343 = arith.addi %mul3A_341, %add3A_342 : i32
        %mul3A_344 = arith.constant 16 : i32
        %mul3A_345 = arith.muli %add3A_343, %mul3A_344 : i32
        %get3A_346 = arith.index_cast %mul3A_345 : i32 to index
        %get3A_347 = tpu.vector_load %arg5[%get3A_346] {strides = array<i32>} : memref<32768xf32, #tpu.memory_space<vmem>>, vector<16xf32>,
        %get3A_348 = vector.shape_cast %get3A_347 : vector<16xf32> to vector<16xf32>
        %mul3A_349 = vector.broadcast %squeeze3A_339 : f32 to vector<16xf32>
        %mul3A_350 = arith.mulf %mul3A_349, %get3A_348 : vector<16xf32>
        %add3A_351 = arith.addf %add3A_337, %mul3A_350 : vector<16xf32>
        %slice3A_352 = vector.extract_strided_slice %bitcast_convert_type3A_227 {offsets = [9], sizes = [1], strides = [1]} : vector<16xf32> to vector<1xf32>
        %squeeze3A_353 = vector.extract %slice3A_352[0] : f32 from vector<1xf32>
        %mul3A_354 = arith.constant 16 : i32
        %mul3A_355 = arith.muli %scan3A_208, %mul3A_354 : i32
        %add3A_356 = arith.constant 9 : i32
        %add3A_357 = arith.addi %mul3A_355, %add3A_356 : i32
        %mul3A_358 = arith.constant 16 : i32
        %mul3A_359 = arith.muli %add3A_357, %mul3A_358 : i32
        %get3A_360 = arith.index_cast %mul3A_359 : i32 to index
        %get3A_361 = tpu.vector_load %arg5[%get3A_360] {strides = array<i32>} : memref<32768xf32, #tpu.memory_space<vmem>>, vector<16xf32>,
        %get3A_362 = vector.shape_cast %get3A_361 : vector<16xf32> to vector<16xf32>
        %mul3A_363 = vector.broadcast %squeeze3A_353 : f32 to vector<16xf32>
        %mul3A_364 = arith.mulf %mul3A_363, %get3A_362 : vector<16xf32>
        %add3A_365 = arith.addf %add3A_351, %mul3A_364 : vector<16xf32>
        %slice3A_366 = vector.extract_strided_slice %bitcast_convert_type3A_227 {offsets = [10], sizes = [1], strides = [1]} : vector<16xf32> to vector<1xf32>
        %squeeze3A_367 = vector.extract %slice3A_366[0] : f32 from vector<1xf32>
        %mul3A_368 = arith.constant 16 : i32
        %mul3A_369 = arith.muli %scan3A_208, %mul3A_368 : i32
        %add3A_370 = arith.constant 10 : i32
        %add3A_371 = arith.addi %mul3A_369, %add3A_370 : i32
        %mul3A_372 = arith.constant 16 : i32
        %mul3A_373 = arith.muli %add3A_371, %mul3A_372 : i32
        %get3A_374 = arith.index_cast %mul3A_373 : i32 to index
        %get3A_375 = tpu.vector_load %arg5[%get3A_374] {strides = array<i32>} : memref<32768xf32, #tpu.memory_space<vmem>>, vector<16xf32>,
        %get3A_376 = vector.shape_cast %get3A_375 : vector<16xf32> to vector<16xf32>
        %mul3A_377 = vector.broadcast %squeeze3A_367 : f32 to vector<16xf32>
        %mul3A_378 = arith.mulf %mul3A_377, %get3A_376 : vector<16xf32>
        %add3A_379 = arith.addf %add3A_365, %mul3A_378 : vector<16xf32>
        %slice3A_380 = vector.extract_strided_slice %bitcast_convert_type3A_227 {offsets = [11], sizes = [1], strides = [1]} : vector<16xf32> to vector<1xf32>
        %squeeze3A_381 = vector.extract %slice3A_380[0] : f32 from vector<1xf32>
        %mul3A_382 = arith.constant 16 : i32
        %mul3A_383 = arith.muli %scan3A_208, %mul3A_382 : i32
        %add3A_384 = arith.constant 11 : i32
        %add3A_385 = arith.addi %mul3A_383, %add3A_384 : i32
        %mul3A_386 = arith.constant 16 : i32
        %mul3A_387 = arith.muli %add3A_385, %mul3A_386 : i32
        %get3A_388 = arith.index_cast %mul3A_387 : i32 to index
        %get3A_389 = tpu.vector_load %arg5[%get3A_388] {strides = array<i32>} : memref<32768xf32, #tpu.memory_space<vmem>>, vector<16xf32>,
        %get3A_390 = vector.shape_cast %get3A_389 : vector<16xf32> to vector<16xf32>
        %mul3A_391 = vector.broadcast %squeeze3A_381 : f32 to vector<16xf32>
        %mul3A_392 = arith.mulf %mul3A_391, %get3A_390 : vector<16xf32>
        %add3A_393 = arith.addf %add3A_379, %mul3A_392 : vector<16xf32>
        %slice3A_394 = vector.extract_strided_slice %bitcast_convert_type3A_227 {offsets = [12], sizes = [1], strides = [1]} : vector<16xf32> to vector<1xf32>
        %squeeze3A_395 = vector.extract %slice3A_394[0] : f32 from vector<1xf32>
        %mul3A_396 = arith.constant 16 : i32
        %mul3A_397 = arith.muli %scan3A_208, %mul3A_396 : i32
        %add3A_398 = arith.constant 12 : i32
        %add3A_399 = arith.addi %mul3A_397, %add3A_398 : i32
        %mul3A_400 = arith.constant 16 : i32
        %mul3A_401 = arith.muli %add3A_399, %mul3A_400 : i32
        %get3A_402 = arith.index_cast %mul3A_401 : i32 to index
        %get3A_403 = tpu.vector_load %arg5[%get3A_402] {strides = array<i32>} : memref<32768xf32, #tpu.memory_space<vmem>>, vector<16xf32>,
        %get3A_404 = vector.shape_cast %get3A_403 : vector<16xf32> to vector<16xf32>
        %mul3A_405 = vector.broadcast %squeeze3A_395 : f32 to vector<16xf32>
        %mul3A_406 = arith.mulf %mul3A_405, %get3A_404 : vector<16xf32>
        %add3A_407 = arith.addf %add3A_393, %mul3A_406 : vector<16xf32>
        %slice3A_408 = vector.extract_strided_slice %bitcast_convert_type3A_227 {offsets = [13], sizes = [1], strides = [1]} : vector<16xf32> to vector<1xf32>
        %squeeze3A_409 = vector.extract %slice3A_408[0] : f32 from vector<1xf32>
        %mul3A_410 = arith.constant 16 : i32
        %mul3A_411 = arith.muli %scan3A_208, %mul3A_410 : i32
        %add3A_412 = arith.constant 13 : i32
        %add3A_413 = arith.addi %mul3A_411, %add3A_412 : i32
        %mul3A_414 = arith.constant 16 : i32
        %mul3A_415 = arith.muli %add3A_413, %mul3A_414 : i32
        %get3A_416 = arith.index_cast %mul3A_415 : i32 to index
        %get3A_417 = tpu.vector_load %arg5[%get3A_416] {strides = array<i32>} : memref<32768xf32, #tpu.memory_space<vmem>>, vector<16xf32>,
        %get3A_418 = vector.shape_cast %get3A_417 : vector<16xf32> to vector<16xf32>
        %mul3A_419 = vector.broadcast %squeeze3A_409 : f32 to vector<16xf32>
        %mul3A_420 = arith.mulf %mul3A_419, %get3A_418 : vector<16xf32>
        %add3A_421 = arith.addf %add3A_407, %mul3A_420 : vector<16xf32>
        %slice3A_422 = vector.extract_strided_slice %bitcast_convert_type3A_227 {offsets = [14], sizes = [1], strides = [1]} : vector<16xf32> to vector<1xf32>
        %squeeze3A_423 = vector.extract %slice3A_422[0] : f32 from vector<1xf32>
        %mul3A_424 = arith.constant 16 : i32
        %mul3A_425 = arith.muli %scan3A_208, %mul3A_424 : i32
        %add3A_426 = arith.constant 14 : i32
        %add3A_427 = arith.addi %mul3A_425, %add3A_426 : i32
        %mul3A_428 = arith.constant 16 : i32
        %mul3A_429 = arith.muli %add3A_427, %mul3A_428 : i32
        %get3A_430 = arith.index_cast %mul3A_429 : i32 to index
        %get3A_431 = tpu.vector_load %arg5[%get3A_430] {strides = array<i32>} : memref<32768xf32, #tpu.memory_space<vmem>>, vector<16xf32>,
        %get3A_432 = vector.shape_cast %get3A_431 : vector<16xf32> to vector<16xf32>
        %mul3A_433 = vector.broadcast %squeeze3A_423 : f32 to vector<16xf32>
        %mul3A_434 = arith.mulf %mul3A_433, %get3A_432 : vector<16xf32>
        %add3A_435 = arith.addf %add3A_421, %mul3A_434 : vector<16xf32>
        %slice3A_436 = vector.extract_strided_slice %bitcast_convert_type3A_227 {offsets = [15], sizes = [1], strides = [1]} : vector<16xf32> to vector<1xf32>
        %squeeze3A_437 = vector.extract %slice3A_436[0] : f32 from vector<1xf32>
        %mul3A_438 = arith.constant 16 : i32
        %mul3A_439 = arith.muli %scan3A_208, %mul3A_438 : i32
        %add3A_440 = arith.constant 15 : i32
        %add3A_441 = arith.addi %mul3A_439, %add3A_440 : i32
        %mul3A_442 = arith.constant 16 : i32
        %mul3A_443 = arith.muli %add3A_441, %mul3A_442 : i32
        %get3A_444 = arith.index_cast %mul3A_443 : i32 to index
        %get3A_445 = tpu.vector_load %arg5[%get3A_444] {strides = array<i32>} : memref<32768xf32, #tpu.memory_space<vmem>>, vector<16xf32>,
        %get3A_446 = vector.shape_cast %get3A_445 : vector<16xf32> to vector<16xf32>
        %mul3A_447 = vector.broadcast %squeeze3A_437 : f32 to vector<16xf32>
        %mul3A_448 = arith.mulf %mul3A_447, %get3A_446 : vector<16xf32>
        %add3A_449 = arith.addf %add3A_435, %mul3A_448 : vector<16xf32>
        scf.yield %add3A_449 : vector<16xf32>
      }
      %scan3A_153 = arith.constant 128 : i32
      %swap3A_154 = arith.constant 176 : index
      %swap3A_155 = tpu.vector_load %arg7[%swap3A_154] {strides = array<i32>} : memref<256xf32, #tpu.memory_space<vmem>>, vector<16xf32>,
      %swap3A_156 = vector.shape_cast %swap3A_155 : vector<16xf32> to vector<16xf32>
      %swap3A_157 = vector.shape_cast %scan3A_152 : vector<16xf32> to vector<16xf32>
      tpu.vector_store %arg7[%swap3A_154], %swap3A_157 {strides = array<i32>} : memref<256xf32, #tpu.memory_space<vmem>>, vector<16xf32>,
      %broadcast_in_dim3A_158 = arith.constant 0.000000e+00 : f32
      %broadcast_in_dim3A_159 = vector.broadcast %broadcast_in_dim3A_158 : f32 to vector<16xf32>
      %scan3A_160 = arith.constant 0 : i32
      %scan3A_161 = arith.constant 128 : i32
      %scan3A_162 = arith.addi %scan3A_160, %scan3A_161 : i32
      %scan3A_163 = arith.constant 1 : i32
      %scan3A_164 = scf.for %scan3A_208 = %scan3A_160 to %scan3A_162 step %scan3A_163 iter_args(%scan3A_209 = %broadcast_in_dim3A_159) -> (vector<16xf32>)  : i32 {
        %mul3A_210 = arith.constant 16 : i32
        %mul3A_211 = arith.muli %scan3A_208, %mul3A_210 : i32
        %add3A_212 = arith.constant 24576 : i32
        %add3A_213 = arith.addi %add3A_212, %mul3A_211 : i32
        %get3A = arith.index_cast %add3A_213 : i32 to index
        %get3A_214 = tpu.vector_load %arg6[%get3A] {strides = array<i32>} : memref<32768xf32, #tpu.memory_space<vmem>>, vector<16xf32>,
        %get3A_215 = vector.shape_cast %get3A_214 : vector<16xf32> to vector<16xf32>
        %bitcast_convert_type3A = tpu.bitcast %get3A_215 : vector<16xf32> -> vector<16xi32>
        %shift_right_logical3A = arith.constant 16 : i32
        %shift_right_logical3A_216 = vector.broadcast %shift_right_logical3A : i32 to vector<16xi32>
        %shift_right_logical3A_217 = arith.shrui %bitcast_convert_type3A, %shift_right_logical3A_216 : vector<16xi32>
        %and3A = arith.constant 1 : i32
        %and3A_218 = vector.broadcast %and3A : i32 to vector<16xi32>
        %and3A_219 = arith.andi %shift_right_logical3A_217, %and3A_218 : vector<16xi32>
        %add3A_220 = arith.constant 32767 : i32
        %add3A_221 = vector.broadcast %add3A_220 : i32 to vector<16xi32>
        %add3A_222 = arith.addi %bitcast_convert_type3A, %add3A_221 : vector<16xi32>
        %add3A_223 = arith.addi %add3A_222, %and3A_219 : vector<16xi32>
        %and3A_224 = arith.constant -65536 : i32
        %and3A_225 = vector.broadcast %and3A_224 : i32 to vector<16xi32>
        %and3A_226 = arith.andi %add3A_223, %and3A_225 : vector<16xi32>
        %bitcast_convert_type3A_227 = tpu.bitcast %and3A_226 : vector<16xi32> -> vector<16xf32>
        %slice3A = vector.extract_strided_slice %bitcast_convert_type3A_227 {offsets = [0], sizes = [1], strides = [1]} : vector<16xf32> to vector<1xf32>
        %squeeze3A = vector.extract %slice3A[0] : f32 from vector<1xf32>
        %mul3A_228 = arith.constant 16 : i32
        %mul3A_229 = arith.muli %scan3A_208, %mul3A_228 : i32
        %add3A_230 = arith.constant 0 : i32
        %add3A_231 = arith.addi %mul3A_229, %add3A_230 : i32
        %mul3A_232 = arith.constant 16 : i32
        %mul3A_233 = arith.muli %add3A_231, %mul3A_232 : i32
        %get3A_234 = arith.index_cast %mul3A_233 : i32 to index
        %get3A_235 = tpu.vector_load %arg5[%get3A_234] {strides = array<i32>} : memref<32768xf32, #tpu.memory_space<vmem>>, vector<16xf32>,
        %get3A_236 = vector.shape_cast %get3A_235 : vector<16xf32> to vector<16xf32>
        %mul3A_237 = vector.broadcast %squeeze3A : f32 to vector<16xf32>
        %mul3A_238 = arith.mulf %mul3A_237, %get3A_236 : vector<16xf32>
        %add3A_239 = arith.addf %scan3A_209, %mul3A_238 : vector<16xf32>
        %slice3A_240 = vector.extract_strided_slice %bitcast_convert_type3A_227 {offsets = [1], sizes = [1], strides = [1]} : vector<16xf32> to vector<1xf32>
        %squeeze3A_241 = vector.extract %slice3A_240[0] : f32 from vector<1xf32>
        %mul3A_242 = arith.constant 16 : i32
        %mul3A_243 = arith.muli %scan3A_208, %mul3A_242 : i32
        %add3A_244 = arith.constant 1 : i32
        %add3A_245 = arith.addi %mul3A_243, %add3A_244 : i32
        %mul3A_246 = arith.constant 16 : i32
        %mul3A_247 = arith.muli %add3A_245, %mul3A_246 : i32
        %get3A_248 = arith.index_cast %mul3A_247 : i32 to index
        %get3A_249 = tpu.vector_load %arg5[%get3A_248] {strides = array<i32>} : memref<32768xf32, #tpu.memory_space<vmem>>, vector<16xf32>,
        %get3A_250 = vector.shape_cast %get3A_249 : vector<16xf32> to vector<16xf32>
        %mul3A_251 = vector.broadcast %squeeze3A_241 : f32 to vector<16xf32>
        %mul3A_252 = arith.mulf %mul3A_251, %get3A_250 : vector<16xf32>
        %add3A_253 = arith.addf %add3A_239, %mul3A_252 : vector<16xf32>
        %slice3A_254 = vector.extract_strided_slice %bitcast_convert_type3A_227 {offsets = [2], sizes = [1], strides = [1]} : vector<16xf32> to vector<1xf32>
        %squeeze3A_255 = vector.extract %slice3A_254[0] : f32 from vector<1xf32>
        %mul3A_256 = arith.constant 16 : i32
        %mul3A_257 = arith.muli %scan3A_208, %mul3A_256 : i32
        %add3A_258 = arith.constant 2 : i32
        %add3A_259 = arith.addi %mul3A_257, %add3A_258 : i32
        %mul3A_260 = arith.constant 16 : i32
        %mul3A_261 = arith.muli %add3A_259, %mul3A_260 : i32
        %get3A_262 = arith.index_cast %mul3A_261 : i32 to index
        %get3A_263 = tpu.vector_load %arg5[%get3A_262] {strides = array<i32>} : memref<32768xf32, #tpu.memory_space<vmem>>, vector<16xf32>,
        %get3A_264 = vector.shape_cast %get3A_263 : vector<16xf32> to vector<16xf32>
        %mul3A_265 = vector.broadcast %squeeze3A_255 : f32 to vector<16xf32>
        %mul3A_266 = arith.mulf %mul3A_265, %get3A_264 : vector<16xf32>
        %add3A_267 = arith.addf %add3A_253, %mul3A_266 : vector<16xf32>
        %slice3A_268 = vector.extract_strided_slice %bitcast_convert_type3A_227 {offsets = [3], sizes = [1], strides = [1]} : vector<16xf32> to vector<1xf32>
        %squeeze3A_269 = vector.extract %slice3A_268[0] : f32 from vector<1xf32>
        %mul3A_270 = arith.constant 16 : i32
        %mul3A_271 = arith.muli %scan3A_208, %mul3A_270 : i32
        %add3A_272 = arith.constant 3 : i32
        %add3A_273 = arith.addi %mul3A_271, %add3A_272 : i32
        %mul3A_274 = arith.constant 16 : i32
        %mul3A_275 = arith.muli %add3A_273, %mul3A_274 : i32
        %get3A_276 = arith.index_cast %mul3A_275 : i32 to index
        %get3A_277 = tpu.vector_load %arg5[%get3A_276] {strides = array<i32>} : memref<32768xf32, #tpu.memory_space<vmem>>, vector<16xf32>,
        %get3A_278 = vector.shape_cast %get3A_277 : vector<16xf32> to vector<16xf32>
        %mul3A_279 = vector.broadcast %squeeze3A_269 : f32 to vector<16xf32>
        %mul3A_280 = arith.mulf %mul3A_279, %get3A_278 : vector<16xf32>
        %add3A_281 = arith.addf %add3A_267, %mul3A_280 : vector<16xf32>
        %slice3A_282 = vector.extract_strided_slice %bitcast_convert_type3A_227 {offsets = [4], sizes = [1], strides = [1]} : vector<16xf32> to vector<1xf32>
        %squeeze3A_283 = vector.extract %slice3A_282[0] : f32 from vector<1xf32>
        %mul3A_284 = arith.constant 16 : i32
        %mul3A_285 = arith.muli %scan3A_208, %mul3A_284 : i32
        %add3A_286 = arith.constant 4 : i32
        %add3A_287 = arith.addi %mul3A_285, %add3A_286 : i32
        %mul3A_288 = arith.constant 16 : i32
        %mul3A_289 = arith.muli %add3A_287, %mul3A_288 : i32
        %get3A_290 = arith.index_cast %mul3A_289 : i32 to index
        %get3A_291 = tpu.vector_load %arg5[%get3A_290] {strides = array<i32>} : memref<32768xf32, #tpu.memory_space<vmem>>, vector<16xf32>,
        %get3A_292 = vector.shape_cast %get3A_291 : vector<16xf32> to vector<16xf32>
        %mul3A_293 = vector.broadcast %squeeze3A_283 : f32 to vector<16xf32>
        %mul3A_294 = arith.mulf %mul3A_293, %get3A_292 : vector<16xf32>
        %add3A_295 = arith.addf %add3A_281, %mul3A_294 : vector<16xf32>
        %slice3A_296 = vector.extract_strided_slice %bitcast_convert_type3A_227 {offsets = [5], sizes = [1], strides = [1]} : vector<16xf32> to vector<1xf32>
        %squeeze3A_297 = vector.extract %slice3A_296[0] : f32 from vector<1xf32>
        %mul3A_298 = arith.constant 16 : i32
        %mul3A_299 = arith.muli %scan3A_208, %mul3A_298 : i32
        %add3A_300 = arith.constant 5 : i32
        %add3A_301 = arith.addi %mul3A_299, %add3A_300 : i32
        %mul3A_302 = arith.constant 16 : i32
        %mul3A_303 = arith.muli %add3A_301, %mul3A_302 : i32
        %get3A_304 = arith.index_cast %mul3A_303 : i32 to index
        %get3A_305 = tpu.vector_load %arg5[%get3A_304] {strides = array<i32>} : memref<32768xf32, #tpu.memory_space<vmem>>, vector<16xf32>,
        %get3A_306 = vector.shape_cast %get3A_305 : vector<16xf32> to vector<16xf32>
        %mul3A_307 = vector.broadcast %squeeze3A_297 : f32 to vector<16xf32>
        %mul3A_308 = arith.mulf %mul3A_307, %get3A_306 : vector<16xf32>
        %add3A_309 = arith.addf %add3A_295, %mul3A_308 : vector<16xf32>
        %slice3A_310 = vector.extract_strided_slice %bitcast_convert_type3A_227 {offsets = [6], sizes = [1], strides = [1]} : vector<16xf32> to vector<1xf32>
        %squeeze3A_311 = vector.extract %slice3A_310[0] : f32 from vector<1xf32>
        %mul3A_312 = arith.constant 16 : i32
        %mul3A_313 = arith.muli %scan3A_208, %mul3A_312 : i32
        %add3A_314 = arith.constant 6 : i32
        %add3A_315 = arith.addi %mul3A_313, %add3A_314 : i32
        %mul3A_316 = arith.constant 16 : i32
        %mul3A_317 = arith.muli %add3A_315, %mul3A_316 : i32
        %get3A_318 = arith.index_cast %mul3A_317 : i32 to index
        %get3A_319 = tpu.vector_load %arg5[%get3A_318] {strides = array<i32>} : memref<32768xf32, #tpu.memory_space<vmem>>, vector<16xf32>,
        %get3A_320 = vector.shape_cast %get3A_319 : vector<16xf32> to vector<16xf32>
        %mul3A_321 = vector.broadcast %squeeze3A_311 : f32 to vector<16xf32>
        %mul3A_322 = arith.mulf %mul3A_321, %get3A_320 : vector<16xf32>
        %add3A_323 = arith.addf %add3A_309, %mul3A_322 : vector<16xf32>
        %slice3A_324 = vector.extract_strided_slice %bitcast_convert_type3A_227 {offsets = [7], sizes = [1], strides = [1]} : vector<16xf32> to vector<1xf32>
        %squeeze3A_325 = vector.extract %slice3A_324[0] : f32 from vector<1xf32>
        %mul3A_326 = arith.constant 16 : i32
        %mul3A_327 = arith.muli %scan3A_208, %mul3A_326 : i32
        %add3A_328 = arith.constant 7 : i32
        %add3A_329 = arith.addi %mul3A_327, %add3A_328 : i32
        %mul3A_330 = arith.constant 16 : i32
        %mul3A_331 = arith.muli %add3A_329, %mul3A_330 : i32
        %get3A_332 = arith.index_cast %mul3A_331 : i32 to index
        %get3A_333 = tpu.vector_load %arg5[%get3A_332] {strides = array<i32>} : memref<32768xf32, #tpu.memory_space<vmem>>, vector<16xf32>,
        %get3A_334 = vector.shape_cast %get3A_333 : vector<16xf32> to vector<16xf32>
        %mul3A_335 = vector.broadcast %squeeze3A_325 : f32 to vector<16xf32>
        %mul3A_336 = arith.mulf %mul3A_335, %get3A_334 : vector<16xf32>
        %add3A_337 = arith.addf %add3A_323, %mul3A_336 : vector<16xf32>
        %slice3A_338 = vector.extract_strided_slice %bitcast_convert_type3A_227 {offsets = [8], sizes = [1], strides = [1]} : vector<16xf32> to vector<1xf32>
        %squeeze3A_339 = vector.extract %slice3A_338[0] : f32 from vector<1xf32>
        %mul3A_340 = arith.constant 16 : i32
        %mul3A_341 = arith.muli %scan3A_208, %mul3A_340 : i32
        %add3A_342 = arith.constant 8 : i32
        %add3A_343 = arith.addi %mul3A_341, %add3A_342 : i32
        %mul3A_344 = arith.constant 16 : i32
        %mul3A_345 = arith.muli %add3A_343, %mul3A_344 : i32
        %get3A_346 = arith.index_cast %mul3A_345 : i32 to index
        %get3A_347 = tpu.vector_load %arg5[%get3A_346] {strides = array<i32>} : memref<32768xf32, #tpu.memory_space<vmem>>, vector<16xf32>,
        %get3A_348 = vector.shape_cast %get3A_347 : vector<16xf32> to vector<16xf32>
        %mul3A_349 = vector.broadcast %squeeze3A_339 : f32 to vector<16xf32>
        %mul3A_350 = arith.mulf %mul3A_349, %get3A_348 : vector<16xf32>
        %add3A_351 = arith.addf %add3A_337, %mul3A_350 : vector<16xf32>
        %slice3A_352 = vector.extract_strided_slice %bitcast_convert_type3A_227 {offsets = [9], sizes = [1], strides = [1]} : vector<16xf32> to vector<1xf32>
        %squeeze3A_353 = vector.extract %slice3A_352[0] : f32 from vector<1xf32>
        %mul3A_354 = arith.constant 16 : i32
        %mul3A_355 = arith.muli %scan3A_208, %mul3A_354 : i32
        %add3A_356 = arith.constant 9 : i32
        %add3A_357 = arith.addi %mul3A_355, %add3A_356 : i32
        %mul3A_358 = arith.constant 16 : i32
        %mul3A_359 = arith.muli %add3A_357, %mul3A_358 : i32
        %get3A_360 = arith.index_cast %mul3A_359 : i32 to index
        %get3A_361 = tpu.vector_load %arg5[%get3A_360] {strides = array<i32>} : memref<32768xf32, #tpu.memory_space<vmem>>, vector<16xf32>,
        %get3A_362 = vector.shape_cast %get3A_361 : vector<16xf32> to vector<16xf32>
        %mul3A_363 = vector.broadcast %squeeze3A_353 : f32 to vector<16xf32>
        %mul3A_364 = arith.mulf %mul3A_363, %get3A_362 : vector<16xf32>
        %add3A_365 = arith.addf %add3A_351, %mul3A_364 : vector<16xf32>
        %slice3A_366 = vector.extract_strided_slice %bitcast_convert_type3A_227 {offsets = [10], sizes = [1], strides = [1]} : vector<16xf32> to vector<1xf32>
        %squeeze3A_367 = vector.extract %slice3A_366[0] : f32 from vector<1xf32>
        %mul3A_368 = arith.constant 16 : i32
        %mul3A_369 = arith.muli %scan3A_208, %mul3A_368 : i32
        %add3A_370 = arith.constant 10 : i32
        %add3A_371 = arith.addi %mul3A_369, %add3A_370 : i32
        %mul3A_372 = arith.constant 16 : i32
        %mul3A_373 = arith.muli %add3A_371, %mul3A_372 : i32
        %get3A_374 = arith.index_cast %mul3A_373 : i32 to index
        %get3A_375 = tpu.vector_load %arg5[%get3A_374] {strides = array<i32>} : memref<32768xf32, #tpu.memory_space<vmem>>, vector<16xf32>,
        %get3A_376 = vector.shape_cast %get3A_375 : vector<16xf32> to vector<16xf32>
        %mul3A_377 = vector.broadcast %squeeze3A_367 : f32 to vector<16xf32>
        %mul3A_378 = arith.mulf %mul3A_377, %get3A_376 : vector<16xf32>
        %add3A_379 = arith.addf %add3A_365, %mul3A_378 : vector<16xf32>
        %slice3A_380 = vector.extract_strided_slice %bitcast_convert_type3A_227 {offsets = [11], sizes = [1], strides = [1]} : vector<16xf32> to vector<1xf32>
        %squeeze3A_381 = vector.extract %slice3A_380[0] : f32 from vector<1xf32>
        %mul3A_382 = arith.constant 16 : i32
        %mul3A_383 = arith.muli %scan3A_208, %mul3A_382 : i32
        %add3A_384 = arith.constant 11 : i32
        %add3A_385 = arith.addi %mul3A_383, %add3A_384 : i32
        %mul3A_386 = arith.constant 16 : i32
        %mul3A_387 = arith.muli %add3A_385, %mul3A_386 : i32
        %get3A_388 = arith.index_cast %mul3A_387 : i32 to index
        %get3A_389 = tpu.vector_load %arg5[%get3A_388] {strides = array<i32>} : memref<32768xf32, #tpu.memory_space<vmem>>, vector<16xf32>,
        %get3A_390 = vector.shape_cast %get3A_389 : vector<16xf32> to vector<16xf32>
        %mul3A_391 = vector.broadcast %squeeze3A_381 : f32 to vector<16xf32>
        %mul3A_392 = arith.mulf %mul3A_391, %get3A_390 : vector<16xf32>
        %add3A_393 = arith.addf %add3A_379, %mul3A_392 : vector<16xf32>
        %slice3A_394 = vector.extract_strided_slice %bitcast_convert_type3A_227 {offsets = [12], sizes = [1], strides = [1]} : vector<16xf32> to vector<1xf32>
        %squeeze3A_395 = vector.extract %slice3A_394[0] : f32 from vector<1xf32>
        %mul3A_396 = arith.constant 16 : i32
        %mul3A_397 = arith.muli %scan3A_208, %mul3A_396 : i32
        %add3A_398 = arith.constant 12 : i32
        %add3A_399 = arith.addi %mul3A_397, %add3A_398 : i32
        %mul3A_400 = arith.constant 16 : i32
        %mul3A_401 = arith.muli %add3A_399, %mul3A_400 : i32
        %get3A_402 = arith.index_cast %mul3A_401 : i32 to index
        %get3A_403 = tpu.vector_load %arg5[%get3A_402] {strides = array<i32>} : memref<32768xf32, #tpu.memory_space<vmem>>, vector<16xf32>,
        %get3A_404 = vector.shape_cast %get3A_403 : vector<16xf32> to vector<16xf32>
        %mul3A_405 = vector.broadcast %squeeze3A_395 : f32 to vector<16xf32>
        %mul3A_406 = arith.mulf %mul3A_405, %get3A_404 : vector<16xf32>
        %add3A_407 = arith.addf %add3A_393, %mul3A_406 : vector<16xf32>
        %slice3A_408 = vector.extract_strided_slice %bitcast_convert_type3A_227 {offsets = [13], sizes = [1], strides = [1]} : vector<16xf32> to vector<1xf32>
        %squeeze3A_409 = vector.extract %slice3A_408[0] : f32 from vector<1xf32>
        %mul3A_410 = arith.constant 16 : i32
        %mul3A_411 = arith.muli %scan3A_208, %mul3A_410 : i32
        %add3A_412 = arith.constant 13 : i32
        %add3A_413 = arith.addi %mul3A_411, %add3A_412 : i32
        %mul3A_414 = arith.constant 16 : i32
        %mul3A_415 = arith.muli %add3A_413, %mul3A_414 : i32
        %get3A_416 = arith.index_cast %mul3A_415 : i32 to index
        %get3A_417 = tpu.vector_load %arg5[%get3A_416] {strides = array<i32>} : memref<32768xf32, #tpu.memory_space<vmem>>, vector<16xf32>,
        %get3A_418 = vector.shape_cast %get3A_417 : vector<16xf32> to vector<16xf32>
        %mul3A_419 = vector.broadcast %squeeze3A_409 : f32 to vector<16xf32>
        %mul3A_420 = arith.mulf %mul3A_419, %get3A_418 : vector<16xf32>
        %add3A_421 = arith.addf %add3A_407, %mul3A_420 : vector<16xf32>
        %slice3A_422 = vector.extract_strided_slice %bitcast_convert_type3A_227 {offsets = [14], sizes = [1], strides = [1]} : vector<16xf32> to vector<1xf32>
        %squeeze3A_423 = vector.extract %slice3A_422[0] : f32 from vector<1xf32>
        %mul3A_424 = arith.constant 16 : i32
        %mul3A_425 = arith.muli %scan3A_208, %mul3A_424 : i32
        %add3A_426 = arith.constant 14 : i32
        %add3A_427 = arith.addi %mul3A_425, %add3A_426 : i32
        %mul3A_428 = arith.constant 16 : i32
        %mul3A_429 = arith.muli %add3A_427, %mul3A_428 : i32
        %get3A_430 = arith.index_cast %mul3A_429 : i32 to index
        %get3A_431 = tpu.vector_load %arg5[%get3A_430] {strides = array<i32>} : memref<32768xf32, #tpu.memory_space<vmem>>, vector<16xf32>,
        %get3A_432 = vector.shape_cast %get3A_431 : vector<16xf32> to vector<16xf32>
        %mul3A_433 = vector.broadcast %squeeze3A_423 : f32 to vector<16xf32>
        %mul3A_434 = arith.mulf %mul3A_433, %get3A_432 : vector<16xf32>
        %add3A_435 = arith.addf %add3A_421, %mul3A_434 : vector<16xf32>
        %slice3A_436 = vector.extract_strided_slice %bitcast_convert_type3A_227 {offsets = [15], sizes = [1], strides = [1]} : vector<16xf32> to vector<1xf32>
        %squeeze3A_437 = vector.extract %slice3A_436[0] : f32 from vector<1xf32>
        %mul3A_438 = arith.constant 16 : i32
        %mul3A_439 = arith.muli %scan3A_208, %mul3A_438 : i32
        %add3A_440 = arith.constant 15 : i32
        %add3A_441 = arith.addi %mul3A_439, %add3A_440 : i32
        %mul3A_442 = arith.constant 16 : i32
        %mul3A_443 = arith.muli %add3A_441, %mul3A_442 : i32
        %get3A_444 = arith.index_cast %mul3A_443 : i32 to index
        %get3A_445 = tpu.vector_load %arg5[%get3A_444] {strides = array<i32>} : memref<32768xf32, #tpu.memory_space<vmem>>, vector<16xf32>,
        %get3A_446 = vector.shape_cast %get3A_445 : vector<16xf32> to vector<16xf32>
        %mul3A_447 = vector.broadcast %squeeze3A_437 : f32 to vector<16xf32>
        %mul3A_448 = arith.mulf %mul3A_447, %get3A_446 : vector<16xf32>
        %add3A_449 = arith.addf %add3A_435, %mul3A_448 : vector<16xf32>
        scf.yield %add3A_449 : vector<16xf32>
      }
      %scan3A_165 = arith.constant 128 : i32
      %swap3A_166 = arith.constant 192 : index
      %swap3A_167 = tpu.vector_load %arg7[%swap3A_166] {strides = array<i32>} : memref<256xf32, #tpu.memory_space<vmem>>, vector<16xf32>,
      %swap3A_168 = vector.shape_cast %swap3A_167 : vector<16xf32> to vector<16xf32>
      %swap3A_169 = vector.shape_cast %scan3A_164 : vector<16xf32> to vector<16xf32>
      tpu.vector_store %arg7[%swap3A_166], %swap3A_169 {strides = array<i32>} : memref<256xf32, #tpu.memory_space<vmem>>, vector<16xf32>,
      %broadcast_in_dim3A_170 = arith.constant 0.000000e+00 : f32
      %broadcast_in_dim3A_171 = vector.broadcast %broadcast_in_dim3A_170 : f32 to vector<16xf32>
      %scan3A_172 = arith.constant 0 : i32
      %scan3A_173 = arith.constant 128 : i32
      %scan3A_174 = arith.addi %scan3A_172, %scan3A_173 : i32
      %scan3A_175 = arith.constant 1 : i32
      %scan3A_176 = scf.for %scan3A_208 = %scan3A_172 to %scan3A_174 step %scan3A_175 iter_args(%scan3A_209 = %broadcast_in_dim3A_171) -> (vector<16xf32>)  : i32 {
        %mul3A_210 = arith.constant 16 : i32
        %mul3A_211 = arith.muli %scan3A_208, %mul3A_210 : i32
        %add3A_212 = arith.constant 26624 : i32
        %add3A_213 = arith.addi %add3A_212, %mul3A_211 : i32
        %get3A = arith.index_cast %add3A_213 : i32 to index
        %get3A_214 = tpu.vector_load %arg6[%get3A] {strides = array<i32>} : memref<32768xf32, #tpu.memory_space<vmem>>, vector<16xf32>,
        %get3A_215 = vector.shape_cast %get3A_214 : vector<16xf32> to vector<16xf32>
        %bitcast_convert_type3A = tpu.bitcast %get3A_215 : vector<16xf32> -> vector<16xi32>
        %shift_right_logical3A = arith.constant 16 : i32
        %shift_right_logical3A_216 = vector.broadcast %shift_right_logical3A : i32 to vector<16xi32>
        %shift_right_logical3A_217 = arith.shrui %bitcast_convert_type3A, %shift_right_logical3A_216 : vector<16xi32>
        %and3A = arith.constant 1 : i32
        %and3A_218 = vector.broadcast %and3A : i32 to vector<16xi32>
        %and3A_219 = arith.andi %shift_right_logical3A_217, %and3A_218 : vector<16xi32>
        %add3A_220 = arith.constant 32767 : i32
        %add3A_221 = vector.broadcast %add3A_220 : i32 to vector<16xi32>
        %add3A_222 = arith.addi %bitcast_convert_type3A, %add3A_221 : vector<16xi32>
        %add3A_223 = arith.addi %add3A_222, %and3A_219 : vector<16xi32>
        %and3A_224 = arith.constant -65536 : i32
        %and3A_225 = vector.broadcast %and3A_224 : i32 to vector<16xi32>
        %and3A_226 = arith.andi %add3A_223, %and3A_225 : vector<16xi32>
        %bitcast_convert_type3A_227 = tpu.bitcast %and3A_226 : vector<16xi32> -> vector<16xf32>
        %slice3A = vector.extract_strided_slice %bitcast_convert_type3A_227 {offsets = [0], sizes = [1], strides = [1]} : vector<16xf32> to vector<1xf32>
        %squeeze3A = vector.extract %slice3A[0] : f32 from vector<1xf32>
        %mul3A_228 = arith.constant 16 : i32
        %mul3A_229 = arith.muli %scan3A_208, %mul3A_228 : i32
        %add3A_230 = arith.constant 0 : i32
        %add3A_231 = arith.addi %mul3A_229, %add3A_230 : i32
        %mul3A_232 = arith.constant 16 : i32
        %mul3A_233 = arith.muli %add3A_231, %mul3A_232 : i32
        %get3A_234 = arith.index_cast %mul3A_233 : i32 to index
        %get3A_235 = tpu.vector_load %arg5[%get3A_234] {strides = array<i32>} : memref<32768xf32, #tpu.memory_space<vmem>>, vector<16xf32>,
        %get3A_236 = vector.shape_cast %get3A_235 : vector<16xf32> to vector<16xf32>
        %mul3A_237 = vector.broadcast %squeeze3A : f32 to vector<16xf32>
        %mul3A_238 = arith.mulf %mul3A_237, %get3A_236 : vector<16xf32>
        %add3A_239 = arith.addf %scan3A_209, %mul3A_238 : vector<16xf32>
        %slice3A_240 = vector.extract_strided_slice %bitcast_convert_type3A_227 {offsets = [1], sizes = [1], strides = [1]} : vector<16xf32> to vector<1xf32>
        %squeeze3A_241 = vector.extract %slice3A_240[0] : f32 from vector<1xf32>
        %mul3A_242 = arith.constant 16 : i32
        %mul3A_243 = arith.muli %scan3A_208, %mul3A_242 : i32
        %add3A_244 = arith.constant 1 : i32
        %add3A_245 = arith.addi %mul3A_243, %add3A_244 : i32
        %mul3A_246 = arith.constant 16 : i32
        %mul3A_247 = arith.muli %add3A_245, %mul3A_246 : i32
        %get3A_248 = arith.index_cast %mul3A_247 : i32 to index
        %get3A_249 = tpu.vector_load %arg5[%get3A_248] {strides = array<i32>} : memref<32768xf32, #tpu.memory_space<vmem>>, vector<16xf32>,
        %get3A_250 = vector.shape_cast %get3A_249 : vector<16xf32> to vector<16xf32>
        %mul3A_251 = vector.broadcast %squeeze3A_241 : f32 to vector<16xf32>
        %mul3A_252 = arith.mulf %mul3A_251, %get3A_250 : vector<16xf32>
        %add3A_253 = arith.addf %add3A_239, %mul3A_252 : vector<16xf32>
        %slice3A_254 = vector.extract_strided_slice %bitcast_convert_type3A_227 {offsets = [2], sizes = [1], strides = [1]} : vector<16xf32> to vector<1xf32>
        %squeeze3A_255 = vector.extract %slice3A_254[0] : f32 from vector<1xf32>
        %mul3A_256 = arith.constant 16 : i32
        %mul3A_257 = arith.muli %scan3A_208, %mul3A_256 : i32
        %add3A_258 = arith.constant 2 : i32
        %add3A_259 = arith.addi %mul3A_257, %add3A_258 : i32
        %mul3A_260 = arith.constant 16 : i32
        %mul3A_261 = arith.muli %add3A_259, %mul3A_260 : i32
        %get3A_262 = arith.index_cast %mul3A_261 : i32 to index
        %get3A_263 = tpu.vector_load %arg5[%get3A_262] {strides = array<i32>} : memref<32768xf32, #tpu.memory_space<vmem>>, vector<16xf32>,
        %get3A_264 = vector.shape_cast %get3A_263 : vector<16xf32> to vector<16xf32>
        %mul3A_265 = vector.broadcast %squeeze3A_255 : f32 to vector<16xf32>
        %mul3A_266 = arith.mulf %mul3A_265, %get3A_264 : vector<16xf32>
        %add3A_267 = arith.addf %add3A_253, %mul3A_266 : vector<16xf32>
        %slice3A_268 = vector.extract_strided_slice %bitcast_convert_type3A_227 {offsets = [3], sizes = [1], strides = [1]} : vector<16xf32> to vector<1xf32>
        %squeeze3A_269 = vector.extract %slice3A_268[0] : f32 from vector<1xf32>
        %mul3A_270 = arith.constant 16 : i32
        %mul3A_271 = arith.muli %scan3A_208, %mul3A_270 : i32
        %add3A_272 = arith.constant 3 : i32
        %add3A_273 = arith.addi %mul3A_271, %add3A_272 : i32
        %mul3A_274 = arith.constant 16 : i32
        %mul3A_275 = arith.muli %add3A_273, %mul3A_274 : i32
        %get3A_276 = arith.index_cast %mul3A_275 : i32 to index
        %get3A_277 = tpu.vector_load %arg5[%get3A_276] {strides = array<i32>} : memref<32768xf32, #tpu.memory_space<vmem>>, vector<16xf32>,
        %get3A_278 = vector.shape_cast %get3A_277 : vector<16xf32> to vector<16xf32>
        %mul3A_279 = vector.broadcast %squeeze3A_269 : f32 to vector<16xf32>
        %mul3A_280 = arith.mulf %mul3A_279, %get3A_278 : vector<16xf32>
        %add3A_281 = arith.addf %add3A_267, %mul3A_280 : vector<16xf32>
        %slice3A_282 = vector.extract_strided_slice %bitcast_convert_type3A_227 {offsets = [4], sizes = [1], strides = [1]} : vector<16xf32> to vector<1xf32>
        %squeeze3A_283 = vector.extract %slice3A_282[0] : f32 from vector<1xf32>
        %mul3A_284 = arith.constant 16 : i32
        %mul3A_285 = arith.muli %scan3A_208, %mul3A_284 : i32
        %add3A_286 = arith.constant 4 : i32
        %add3A_287 = arith.addi %mul3A_285, %add3A_286 : i32
        %mul3A_288 = arith.constant 16 : i32
        %mul3A_289 = arith.muli %add3A_287, %mul3A_288 : i32
        %get3A_290 = arith.index_cast %mul3A_289 : i32 to index
        %get3A_291 = tpu.vector_load %arg5[%get3A_290] {strides = array<i32>} : memref<32768xf32, #tpu.memory_space<vmem>>, vector<16xf32>,
        %get3A_292 = vector.shape_cast %get3A_291 : vector<16xf32> to vector<16xf32>
        %mul3A_293 = vector.broadcast %squeeze3A_283 : f32 to vector<16xf32>
        %mul3A_294 = arith.mulf %mul3A_293, %get3A_292 : vector<16xf32>
        %add3A_295 = arith.addf %add3A_281, %mul3A_294 : vector<16xf32>
        %slice3A_296 = vector.extract_strided_slice %bitcast_convert_type3A_227 {offsets = [5], sizes = [1], strides = [1]} : vector<16xf32> to vector<1xf32>
        %squeeze3A_297 = vector.extract %slice3A_296[0] : f32 from vector<1xf32>
        %mul3A_298 = arith.constant 16 : i32
        %mul3A_299 = arith.muli %scan3A_208, %mul3A_298 : i32
        %add3A_300 = arith.constant 5 : i32
        %add3A_301 = arith.addi %mul3A_299, %add3A_300 : i32
        %mul3A_302 = arith.constant 16 : i32
        %mul3A_303 = arith.muli %add3A_301, %mul3A_302 : i32
        %get3A_304 = arith.index_cast %mul3A_303 : i32 to index
        %get3A_305 = tpu.vector_load %arg5[%get3A_304] {strides = array<i32>} : memref<32768xf32, #tpu.memory_space<vmem>>, vector<16xf32>,
        %get3A_306 = vector.shape_cast %get3A_305 : vector<16xf32> to vector<16xf32>
        %mul3A_307 = vector.broadcast %squeeze3A_297 : f32 to vector<16xf32>
        %mul3A_308 = arith.mulf %mul3A_307, %get3A_306 : vector<16xf32>
        %add3A_309 = arith.addf %add3A_295, %mul3A_308 : vector<16xf32>
        %slice3A_310 = vector.extract_strided_slice %bitcast_convert_type3A_227 {offsets = [6], sizes = [1], strides = [1]} : vector<16xf32> to vector<1xf32>
        %squeeze3A_311 = vector.extract %slice3A_310[0] : f32 from vector<1xf32>
        %mul3A_312 = arith.constant 16 : i32
        %mul3A_313 = arith.muli %scan3A_208, %mul3A_312 : i32
        %add3A_314 = arith.constant 6 : i32
        %add3A_315 = arith.addi %mul3A_313, %add3A_314 : i32
        %mul3A_316 = arith.constant 16 : i32
        %mul3A_317 = arith.muli %add3A_315, %mul3A_316 : i32
        %get3A_318 = arith.index_cast %mul3A_317 : i32 to index
        %get3A_319 = tpu.vector_load %arg5[%get3A_318] {strides = array<i32>} : memref<32768xf32, #tpu.memory_space<vmem>>, vector<16xf32>,
        %get3A_320 = vector.shape_cast %get3A_319 : vector<16xf32> to vector<16xf32>
        %mul3A_321 = vector.broadcast %squeeze3A_311 : f32 to vector<16xf32>
        %mul3A_322 = arith.mulf %mul3A_321, %get3A_320 : vector<16xf32>
        %add3A_323 = arith.addf %add3A_309, %mul3A_322 : vector<16xf32>
        %slice3A_324 = vector.extract_strided_slice %bitcast_convert_type3A_227 {offsets = [7], sizes = [1], strides = [1]} : vector<16xf32> to vector<1xf32>
        %squeeze3A_325 = vector.extract %slice3A_324[0] : f32 from vector<1xf32>
        %mul3A_326 = arith.constant 16 : i32
        %mul3A_327 = arith.muli %scan3A_208, %mul3A_326 : i32
        %add3A_328 = arith.constant 7 : i32
        %add3A_329 = arith.addi %mul3A_327, %add3A_328 : i32
        %mul3A_330 = arith.constant 16 : i32
        %mul3A_331 = arith.muli %add3A_329, %mul3A_330 : i32
        %get3A_332 = arith.index_cast %mul3A_331 : i32 to index
        %get3A_333 = tpu.vector_load %arg5[%get3A_332] {strides = array<i32>} : memref<32768xf32, #tpu.memory_space<vmem>>, vector<16xf32>,
        %get3A_334 = vector.shape_cast %get3A_333 : vector<16xf32> to vector<16xf32>
        %mul3A_335 = vector.broadcast %squeeze3A_325 : f32 to vector<16xf32>
        %mul3A_336 = arith.mulf %mul3A_335, %get3A_334 : vector<16xf32>
        %add3A_337 = arith.addf %add3A_323, %mul3A_336 : vector<16xf32>
        %slice3A_338 = vector.extract_strided_slice %bitcast_convert_type3A_227 {offsets = [8], sizes = [1], strides = [1]} : vector<16xf32> to vector<1xf32>
        %squeeze3A_339 = vector.extract %slice3A_338[0] : f32 from vector<1xf32>
        %mul3A_340 = arith.constant 16 : i32
        %mul3A_341 = arith.muli %scan3A_208, %mul3A_340 : i32
        %add3A_342 = arith.constant 8 : i32
        %add3A_343 = arith.addi %mul3A_341, %add3A_342 : i32
        %mul3A_344 = arith.constant 16 : i32
        %mul3A_345 = arith.muli %add3A_343, %mul3A_344 : i32
        %get3A_346 = arith.index_cast %mul3A_345 : i32 to index
        %get3A_347 = tpu.vector_load %arg5[%get3A_346] {strides = array<i32>} : memref<32768xf32, #tpu.memory_space<vmem>>, vector<16xf32>,
        %get3A_348 = vector.shape_cast %get3A_347 : vector<16xf32> to vector<16xf32>
        %mul3A_349 = vector.broadcast %squeeze3A_339 : f32 to vector<16xf32>
        %mul3A_350 = arith.mulf %mul3A_349, %get3A_348 : vector<16xf32>
        %add3A_351 = arith.addf %add3A_337, %mul3A_350 : vector<16xf32>
        %slice3A_352 = vector.extract_strided_slice %bitcast_convert_type3A_227 {offsets = [9], sizes = [1], strides = [1]} : vector<16xf32> to vector<1xf32>
        %squeeze3A_353 = vector.extract %slice3A_352[0] : f32 from vector<1xf32>
        %mul3A_354 = arith.constant 16 : i32
        %mul3A_355 = arith.muli %scan3A_208, %mul3A_354 : i32
        %add3A_356 = arith.constant 9 : i32
        %add3A_357 = arith.addi %mul3A_355, %add3A_356 : i32
        %mul3A_358 = arith.constant 16 : i32
        %mul3A_359 = arith.muli %add3A_357, %mul3A_358 : i32
        %get3A_360 = arith.index_cast %mul3A_359 : i32 to index
        %get3A_361 = tpu.vector_load %arg5[%get3A_360] {strides = array<i32>} : memref<32768xf32, #tpu.memory_space<vmem>>, vector<16xf32>,
        %get3A_362 = vector.shape_cast %get3A_361 : vector<16xf32> to vector<16xf32>
        %mul3A_363 = vector.broadcast %squeeze3A_353 : f32 to vector<16xf32>
        %mul3A_364 = arith.mulf %mul3A_363, %get3A_362 : vector<16xf32>
        %add3A_365 = arith.addf %add3A_351, %mul3A_364 : vector<16xf32>
        %slice3A_366 = vector.extract_strided_slice %bitcast_convert_type3A_227 {offsets = [10], sizes = [1], strides = [1]} : vector<16xf32> to vector<1xf32>
        %squeeze3A_367 = vector.extract %slice3A_366[0] : f32 from vector<1xf32>
        %mul3A_368 = arith.constant 16 : i32
        %mul3A_369 = arith.muli %scan3A_208, %mul3A_368 : i32
        %add3A_370 = arith.constant 10 : i32
        %add3A_371 = arith.addi %mul3A_369, %add3A_370 : i32
        %mul3A_372 = arith.constant 16 : i32
        %mul3A_373 = arith.muli %add3A_371, %mul3A_372 : i32
        %get3A_374 = arith.index_cast %mul3A_373 : i32 to index
        %get3A_375 = tpu.vector_load %arg5[%get3A_374] {strides = array<i32>} : memref<32768xf32, #tpu.memory_space<vmem>>, vector<16xf32>,
        %get3A_376 = vector.shape_cast %get3A_375 : vector<16xf32> to vector<16xf32>
        %mul3A_377 = vector.broadcast %squeeze3A_367 : f32 to vector<16xf32>
        %mul3A_378 = arith.mulf %mul3A_377, %get3A_376 : vector<16xf32>
        %add3A_379 = arith.addf %add3A_365, %mul3A_378 : vector<16xf32>
        %slice3A_380 = vector.extract_strided_slice %bitcast_convert_type3A_227 {offsets = [11], sizes = [1], strides = [1]} : vector<16xf32> to vector<1xf32>
        %squeeze3A_381 = vector.extract %slice3A_380[0] : f32 from vector<1xf32>
        %mul3A_382 = arith.constant 16 : i32
        %mul3A_383 = arith.muli %scan3A_208, %mul3A_382 : i32
        %add3A_384 = arith.constant 11 : i32
        %add3A_385 = arith.addi %mul3A_383, %add3A_384 : i32
        %mul3A_386 = arith.constant 16 : i32
        %mul3A_387 = arith.muli %add3A_385, %mul3A_386 : i32
        %get3A_388 = arith.index_cast %mul3A_387 : i32 to index
        %get3A_389 = tpu.vector_load %arg5[%get3A_388] {strides = array<i32>} : memref<32768xf32, #tpu.memory_space<vmem>>, vector<16xf32>,
        %get3A_390 = vector.shape_cast %get3A_389 : vector<16xf32> to vector<16xf32>
        %mul3A_391 = vector.broadcast %squeeze3A_381 : f32 to vector<16xf32>
        %mul3A_392 = arith.mulf %mul3A_391, %get3A_390 : vector<16xf32>
        %add3A_393 = arith.addf %add3A_379, %mul3A_392 : vector<16xf32>
        %slice3A_394 = vector.extract_strided_slice %bitcast_convert_type3A_227 {offsets = [12], sizes = [1], strides = [1]} : vector<16xf32> to vector<1xf32>
        %squeeze3A_395 = vector.extract %slice3A_394[0] : f32 from vector<1xf32>
        %mul3A_396 = arith.constant 16 : i32
        %mul3A_397 = arith.muli %scan3A_208, %mul3A_396 : i32
        %add3A_398 = arith.constant 12 : i32
        %add3A_399 = arith.addi %mul3A_397, %add3A_398 : i32
        %mul3A_400 = arith.constant 16 : i32
        %mul3A_401 = arith.muli %add3A_399, %mul3A_400 : i32
        %get3A_402 = arith.index_cast %mul3A_401 : i32 to index
        %get3A_403 = tpu.vector_load %arg5[%get3A_402] {strides = array<i32>} : memref<32768xf32, #tpu.memory_space<vmem>>, vector<16xf32>,
        %get3A_404 = vector.shape_cast %get3A_403 : vector<16xf32> to vector<16xf32>
        %mul3A_405 = vector.broadcast %squeeze3A_395 : f32 to vector<16xf32>
        %mul3A_406 = arith.mulf %mul3A_405, %get3A_404 : vector<16xf32>
        %add3A_407 = arith.addf %add3A_393, %mul3A_406 : vector<16xf32>
        %slice3A_408 = vector.extract_strided_slice %bitcast_convert_type3A_227 {offsets = [13], sizes = [1], strides = [1]} : vector<16xf32> to vector<1xf32>
        %squeeze3A_409 = vector.extract %slice3A_408[0] : f32 from vector<1xf32>
        %mul3A_410 = arith.constant 16 : i32
        %mul3A_411 = arith.muli %scan3A_208, %mul3A_410 : i32
        %add3A_412 = arith.constant 13 : i32
        %add3A_413 = arith.addi %mul3A_411, %add3A_412 : i32
        %mul3A_414 = arith.constant 16 : i32
        %mul3A_415 = arith.muli %add3A_413, %mul3A_414 : i32
        %get3A_416 = arith.index_cast %mul3A_415 : i32 to index
        %get3A_417 = tpu.vector_load %arg5[%get3A_416] {strides = array<i32>} : memref<32768xf32, #tpu.memory_space<vmem>>, vector<16xf32>,
        %get3A_418 = vector.shape_cast %get3A_417 : vector<16xf32> to vector<16xf32>
        %mul3A_419 = vector.broadcast %squeeze3A_409 : f32 to vector<16xf32>
        %mul3A_420 = arith.mulf %mul3A_419, %get3A_418 : vector<16xf32>
        %add3A_421 = arith.addf %add3A_407, %mul3A_420 : vector<16xf32>
        %slice3A_422 = vector.extract_strided_slice %bitcast_convert_type3A_227 {offsets = [14], sizes = [1], strides = [1]} : vector<16xf32> to vector<1xf32>
        %squeeze3A_423 = vector.extract %slice3A_422[0] : f32 from vector<1xf32>
        %mul3A_424 = arith.constant 16 : i32
        %mul3A_425 = arith.muli %scan3A_208, %mul3A_424 : i32
        %add3A_426 = arith.constant 14 : i32
        %add3A_427 = arith.addi %mul3A_425, %add3A_426 : i32
        %mul3A_428 = arith.constant 16 : i32
        %mul3A_429 = arith.muli %add3A_427, %mul3A_428 : i32
        %get3A_430 = arith.index_cast %mul3A_429 : i32 to index
        %get3A_431 = tpu.vector_load %arg5[%get3A_430] {strides = array<i32>} : memref<32768xf32, #tpu.memory_space<vmem>>, vector<16xf32>,
        %get3A_432 = vector.shape_cast %get3A_431 : vector<16xf32> to vector<16xf32>
        %mul3A_433 = vector.broadcast %squeeze3A_423 : f32 to vector<16xf32>
        %mul3A_434 = arith.mulf %mul3A_433, %get3A_432 : vector<16xf32>
        %add3A_435 = arith.addf %add3A_421, %mul3A_434 : vector<16xf32>
        %slice3A_436 = vector.extract_strided_slice %bitcast_convert_type3A_227 {offsets = [15], sizes = [1], strides = [1]} : vector<16xf32> to vector<1xf32>
        %squeeze3A_437 = vector.extract %slice3A_436[0] : f32 from vector<1xf32>
        %mul3A_438 = arith.constant 16 : i32
        %mul3A_439 = arith.muli %scan3A_208, %mul3A_438 : i32
        %add3A_440 = arith.constant 15 : i32
        %add3A_441 = arith.addi %mul3A_439, %add3A_440 : i32
        %mul3A_442 = arith.constant 16 : i32
        %mul3A_443 = arith.muli %add3A_441, %mul3A_442 : i32
        %get3A_444 = arith.index_cast %mul3A_443 : i32 to index
        %get3A_445 = tpu.vector_load %arg5[%get3A_444] {strides = array<i32>} : memref<32768xf32, #tpu.memory_space<vmem>>, vector<16xf32>,
        %get3A_446 = vector.shape_cast %get3A_445 : vector<16xf32> to vector<16xf32>
        %mul3A_447 = vector.broadcast %squeeze3A_437 : f32 to vector<16xf32>
        %mul3A_448 = arith.mulf %mul3A_447, %get3A_446 : vector<16xf32>
        %add3A_449 = arith.addf %add3A_435, %mul3A_448 : vector<16xf32>
        scf.yield %add3A_449 : vector<16xf32>
      }
      %scan3A_177 = arith.constant 128 : i32
      %swap3A_178 = arith.constant 208 : index
      %swap3A_179 = tpu.vector_load %arg7[%swap3A_178] {strides = array<i32>} : memref<256xf32, #tpu.memory_space<vmem>>, vector<16xf32>,
      %swap3A_180 = vector.shape_cast %swap3A_179 : vector<16xf32> to vector<16xf32>
      %swap3A_181 = vector.shape_cast %scan3A_176 : vector<16xf32> to vector<16xf32>
      tpu.vector_store %arg7[%swap3A_178], %swap3A_181 {strides = array<i32>} : memref<256xf32, #tpu.memory_space<vmem>>, vector<16xf32>,
      %broadcast_in_dim3A_182 = arith.constant 0.000000e+00 : f32
      %broadcast_in_dim3A_183 = vector.broadcast %broadcast_in_dim3A_182 : f32 to vector<16xf32>
      %scan3A_184 = arith.constant 0 : i32
      %scan3A_185 = arith.constant 128 : i32
      %scan3A_186 = arith.addi %scan3A_184, %scan3A_185 : i32
      %scan3A_187 = arith.constant 1 : i32
      %scan3A_188 = scf.for %scan3A_208 = %scan3A_184 to %scan3A_186 step %scan3A_187 iter_args(%scan3A_209 = %broadcast_in_dim3A_183) -> (vector<16xf32>)  : i32 {
        %mul3A_210 = arith.constant 16 : i32
        %mul3A_211 = arith.muli %scan3A_208, %mul3A_210 : i32
        %add3A_212 = arith.constant 28672 : i32
        %add3A_213 = arith.addi %add3A_212, %mul3A_211 : i32
        %get3A = arith.index_cast %add3A_213 : i32 to index
        %get3A_214 = tpu.vector_load %arg6[%get3A] {strides = array<i32>} : memref<32768xf32, #tpu.memory_space<vmem>>, vector<16xf32>,
        %get3A_215 = vector.shape_cast %get3A_214 : vector<16xf32> to vector<16xf32>
        %bitcast_convert_type3A = tpu.bitcast %get3A_215 : vector<16xf32> -> vector<16xi32>
        %shift_right_logical3A = arith.constant 16 : i32
        %shift_right_logical3A_216 = vector.broadcast %shift_right_logical3A : i32 to vector<16xi32>
        %shift_right_logical3A_217 = arith.shrui %bitcast_convert_type3A, %shift_right_logical3A_216 : vector<16xi32>
        %and3A = arith.constant 1 : i32
        %and3A_218 = vector.broadcast %and3A : i32 to vector<16xi32>
        %and3A_219 = arith.andi %shift_right_logical3A_217, %and3A_218 : vector<16xi32>
        %add3A_220 = arith.constant 32767 : i32
        %add3A_221 = vector.broadcast %add3A_220 : i32 to vector<16xi32>
        %add3A_222 = arith.addi %bitcast_convert_type3A, %add3A_221 : vector<16xi32>
        %add3A_223 = arith.addi %add3A_222, %and3A_219 : vector<16xi32>
        %and3A_224 = arith.constant -65536 : i32
        %and3A_225 = vector.broadcast %and3A_224 : i32 to vector<16xi32>
        %and3A_226 = arith.andi %add3A_223, %and3A_225 : vector<16xi32>
        %bitcast_convert_type3A_227 = tpu.bitcast %and3A_226 : vector<16xi32> -> vector<16xf32>
        %slice3A = vector.extract_strided_slice %bitcast_convert_type3A_227 {offsets = [0], sizes = [1], strides = [1]} : vector<16xf32> to vector<1xf32>
        %squeeze3A = vector.extract %slice3A[0] : f32 from vector<1xf32>
        %mul3A_228 = arith.constant 16 : i32
        %mul3A_229 = arith.muli %scan3A_208, %mul3A_228 : i32
        %add3A_230 = arith.constant 0 : i32
        %add3A_231 = arith.addi %mul3A_229, %add3A_230 : i32
        %mul3A_232 = arith.constant 16 : i32
        %mul3A_233 = arith.muli %add3A_231, %mul3A_232 : i32
        %get3A_234 = arith.index_cast %mul3A_233 : i32 to index
        %get3A_235 = tpu.vector_load %arg5[%get3A_234] {strides = array<i32>} : memref<32768xf32, #tpu.memory_space<vmem>>, vector<16xf32>,
        %get3A_236 = vector.shape_cast %get3A_235 : vector<16xf32> to vector<16xf32>
        %mul3A_237 = vector.broadcast %squeeze3A : f32 to vector<16xf32>
        %mul3A_238 = arith.mulf %mul3A_237, %get3A_236 : vector<16xf32>
        %add3A_239 = arith.addf %scan3A_209, %mul3A_238 : vector<16xf32>
        %slice3A_240 = vector.extract_strided_slice %bitcast_convert_type3A_227 {offsets = [1], sizes = [1], strides = [1]} : vector<16xf32> to vector<1xf32>
        %squeeze3A_241 = vector.extract %slice3A_240[0] : f32 from vector<1xf32>
        %mul3A_242 = arith.constant 16 : i32
        %mul3A_243 = arith.muli %scan3A_208, %mul3A_242 : i32
        %add3A_244 = arith.constant 1 : i32
        %add3A_245 = arith.addi %mul3A_243, %add3A_244 : i32
        %mul3A_246 = arith.constant 16 : i32
        %mul3A_247 = arith.muli %add3A_245, %mul3A_246 : i32
        %get3A_248 = arith.index_cast %mul3A_247 : i32 to index
        %get3A_249 = tpu.vector_load %arg5[%get3A_248] {strides = array<i32>} : memref<32768xf32, #tpu.memory_space<vmem>>, vector<16xf32>,
        %get3A_250 = vector.shape_cast %get3A_249 : vector<16xf32> to vector<16xf32>
        %mul3A_251 = vector.broadcast %squeeze3A_241 : f32 to vector<16xf32>
        %mul3A_252 = arith.mulf %mul3A_251, %get3A_250 : vector<16xf32>
        %add3A_253 = arith.addf %add3A_239, %mul3A_252 : vector<16xf32>
        %slice3A_254 = vector.extract_strided_slice %bitcast_convert_type3A_227 {offsets = [2], sizes = [1], strides = [1]} : vector<16xf32> to vector<1xf32>
        %squeeze3A_255 = vector.extract %slice3A_254[0] : f32 from vector<1xf32>
        %mul3A_256 = arith.constant 16 : i32
        %mul3A_257 = arith.muli %scan3A_208, %mul3A_256 : i32
        %add3A_258 = arith.constant 2 : i32
        %add3A_259 = arith.addi %mul3A_257, %add3A_258 : i32
        %mul3A_260 = arith.constant 16 : i32
        %mul3A_261 = arith.muli %add3A_259, %mul3A_260 : i32
        %get3A_262 = arith.index_cast %mul3A_261 : i32 to index
        %get3A_263 = tpu.vector_load %arg5[%get3A_262] {strides = array<i32>} : memref<32768xf32, #tpu.memory_space<vmem>>, vector<16xf32>,
        %get3A_264 = vector.shape_cast %get3A_263 : vector<16xf32> to vector<16xf32>
        %mul3A_265 = vector.broadcast %squeeze3A_255 : f32 to vector<16xf32>
        %mul3A_266 = arith.mulf %mul3A_265, %get3A_264 : vector<16xf32>
        %add3A_267 = arith.addf %add3A_253, %mul3A_266 : vector<16xf32>
        %slice3A_268 = vector.extract_strided_slice %bitcast_convert_type3A_227 {offsets = [3], sizes = [1], strides = [1]} : vector<16xf32> to vector<1xf32>
        %squeeze3A_269 = vector.extract %slice3A_268[0] : f32 from vector<1xf32>
        %mul3A_270 = arith.constant 16 : i32
        %mul3A_271 = arith.muli %scan3A_208, %mul3A_270 : i32
        %add3A_272 = arith.constant 3 : i32
        %add3A_273 = arith.addi %mul3A_271, %add3A_272 : i32
        %mul3A_274 = arith.constant 16 : i32
        %mul3A_275 = arith.muli %add3A_273, %mul3A_274 : i32
        %get3A_276 = arith.index_cast %mul3A_275 : i32 to index
        %get3A_277 = tpu.vector_load %arg5[%get3A_276] {strides = array<i32>} : memref<32768xf32, #tpu.memory_space<vmem>>, vector<16xf32>,
        %get3A_278 = vector.shape_cast %get3A_277 : vector<16xf32> to vector<16xf32>
        %mul3A_279 = vector.broadcast %squeeze3A_269 : f32 to vector<16xf32>
        %mul3A_280 = arith.mulf %mul3A_279, %get3A_278 : vector<16xf32>
        %add3A_281 = arith.addf %add3A_267, %mul3A_280 : vector<16xf32>
        %slice3A_282 = vector.extract_strided_slice %bitcast_convert_type3A_227 {offsets = [4], sizes = [1], strides = [1]} : vector<16xf32> to vector<1xf32>
        %squeeze3A_283 = vector.extract %slice3A_282[0] : f32 from vector<1xf32>
        %mul3A_284 = arith.constant 16 : i32
        %mul3A_285 = arith.muli %scan3A_208, %mul3A_284 : i32
        %add3A_286 = arith.constant 4 : i32
        %add3A_287 = arith.addi %mul3A_285, %add3A_286 : i32
        %mul3A_288 = arith.constant 16 : i32
        %mul3A_289 = arith.muli %add3A_287, %mul3A_288 : i32
        %get3A_290 = arith.index_cast %mul3A_289 : i32 to index
        %get3A_291 = tpu.vector_load %arg5[%get3A_290] {strides = array<i32>} : memref<32768xf32, #tpu.memory_space<vmem>>, vector<16xf32>,
        %get3A_292 = vector.shape_cast %get3A_291 : vector<16xf32> to vector<16xf32>
        %mul3A_293 = vector.broadcast %squeeze3A_283 : f32 to vector<16xf32>
        %mul3A_294 = arith.mulf %mul3A_293, %get3A_292 : vector<16xf32>
        %add3A_295 = arith.addf %add3A_281, %mul3A_294 : vector<16xf32>
        %slice3A_296 = vector.extract_strided_slice %bitcast_convert_type3A_227 {offsets = [5], sizes = [1], strides = [1]} : vector<16xf32> to vector<1xf32>
        %squeeze3A_297 = vector.extract %slice3A_296[0] : f32 from vector<1xf32>
        %mul3A_298 = arith.constant 16 : i32
        %mul3A_299 = arith.muli %scan3A_208, %mul3A_298 : i32
        %add3A_300 = arith.constant 5 : i32
        %add3A_301 = arith.addi %mul3A_299, %add3A_300 : i32
        %mul3A_302 = arith.constant 16 : i32
        %mul3A_303 = arith.muli %add3A_301, %mul3A_302 : i32
        %get3A_304 = arith.index_cast %mul3A_303 : i32 to index
        %get3A_305 = tpu.vector_load %arg5[%get3A_304] {strides = array<i32>} : memref<32768xf32, #tpu.memory_space<vmem>>, vector<16xf32>,
        %get3A_306 = vector.shape_cast %get3A_305 : vector<16xf32> to vector<16xf32>
        %mul3A_307 = vector.broadcast %squeeze3A_297 : f32 to vector<16xf32>
        %mul3A_308 = arith.mulf %mul3A_307, %get3A_306 : vector<16xf32>
        %add3A_309 = arith.addf %add3A_295, %mul3A_308 : vector<16xf32>
        %slice3A_310 = vector.extract_strided_slice %bitcast_convert_type3A_227 {offsets = [6], sizes = [1], strides = [1]} : vector<16xf32> to vector<1xf32>
        %squeeze3A_311 = vector.extract %slice3A_310[0] : f32 from vector<1xf32>
        %mul3A_312 = arith.constant 16 : i32
        %mul3A_313 = arith.muli %scan3A_208, %mul3A_312 : i32
        %add3A_314 = arith.constant 6 : i32
        %add3A_315 = arith.addi %mul3A_313, %add3A_314 : i32
        %mul3A_316 = arith.constant 16 : i32
        %mul3A_317 = arith.muli %add3A_315, %mul3A_316 : i32
        %get3A_318 = arith.index_cast %mul3A_317 : i32 to index
        %get3A_319 = tpu.vector_load %arg5[%get3A_318] {strides = array<i32>} : memref<32768xf32, #tpu.memory_space<vmem>>, vector<16xf32>,
        %get3A_320 = vector.shape_cast %get3A_319 : vector<16xf32> to vector<16xf32>
        %mul3A_321 = vector.broadcast %squeeze3A_311 : f32 to vector<16xf32>
        %mul3A_322 = arith.mulf %mul3A_321, %get3A_320 : vector<16xf32>
        %add3A_323 = arith.addf %add3A_309, %mul3A_322 : vector<16xf32>
        %slice3A_324 = vector.extract_strided_slice %bitcast_convert_type3A_227 {offsets = [7], sizes = [1], strides = [1]} : vector<16xf32> to vector<1xf32>
        %squeeze3A_325 = vector.extract %slice3A_324[0] : f32 from vector<1xf32>
        %mul3A_326 = arith.constant 16 : i32
        %mul3A_327 = arith.muli %scan3A_208, %mul3A_326 : i32
        %add3A_328 = arith.constant 7 : i32
        %add3A_329 = arith.addi %mul3A_327, %add3A_328 : i32
        %mul3A_330 = arith.constant 16 : i32
        %mul3A_331 = arith.muli %add3A_329, %mul3A_330 : i32
        %get3A_332 = arith.index_cast %mul3A_331 : i32 to index
        %get3A_333 = tpu.vector_load %arg5[%get3A_332] {strides = array<i32>} : memref<32768xf32, #tpu.memory_space<vmem>>, vector<16xf32>,
        %get3A_334 = vector.shape_cast %get3A_333 : vector<16xf32> to vector<16xf32>
        %mul3A_335 = vector.broadcast %squeeze3A_325 : f32 to vector<16xf32>
        %mul3A_336 = arith.mulf %mul3A_335, %get3A_334 : vector<16xf32>
        %add3A_337 = arith.addf %add3A_323, %mul3A_336 : vector<16xf32>
        %slice3A_338 = vector.extract_strided_slice %bitcast_convert_type3A_227 {offsets = [8], sizes = [1], strides = [1]} : vector<16xf32> to vector<1xf32>
        %squeeze3A_339 = vector.extract %slice3A_338[0] : f32 from vector<1xf32>
        %mul3A_340 = arith.constant 16 : i32
        %mul3A_341 = arith.muli %scan3A_208, %mul3A_340 : i32
        %add3A_342 = arith.constant 8 : i32
        %add3A_343 = arith.addi %mul3A_341, %add3A_342 : i32
        %mul3A_344 = arith.constant 16 : i32
        %mul3A_345 = arith.muli %add3A_343, %mul3A_344 : i32
        %get3A_346 = arith.index_cast %mul3A_345 : i32 to index
        %get3A_347 = tpu.vector_load %arg5[%get3A_346] {strides = array<i32>} : memref<32768xf32, #tpu.memory_space<vmem>>, vector<16xf32>,
        %get3A_348 = vector.shape_cast %get3A_347 : vector<16xf32> to vector<16xf32>
        %mul3A_349 = vector.broadcast %squeeze3A_339 : f32 to vector<16xf32>
        %mul3A_350 = arith.mulf %mul3A_349, %get3A_348 : vector<16xf32>
        %add3A_351 = arith.addf %add3A_337, %mul3A_350 : vector<16xf32>
        %slice3A_352 = vector.extract_strided_slice %bitcast_convert_type3A_227 {offsets = [9], sizes = [1], strides = [1]} : vector<16xf32> to vector<1xf32>
        %squeeze3A_353 = vector.extract %slice3A_352[0] : f32 from vector<1xf32>
        %mul3A_354 = arith.constant 16 : i32
        %mul3A_355 = arith.muli %scan3A_208, %mul3A_354 : i32
        %add3A_356 = arith.constant 9 : i32
        %add3A_357 = arith.addi %mul3A_355, %add3A_356 : i32
        %mul3A_358 = arith.constant 16 : i32
        %mul3A_359 = arith.muli %add3A_357, %mul3A_358 : i32
        %get3A_360 = arith.index_cast %mul3A_359 : i32 to index
        %get3A_361 = tpu.vector_load %arg5[%get3A_360] {strides = array<i32>} : memref<32768xf32, #tpu.memory_space<vmem>>, vector<16xf32>,
        %get3A_362 = vector.shape_cast %get3A_361 : vector<16xf32> to vector<16xf32>
        %mul3A_363 = vector.broadcast %squeeze3A_353 : f32 to vector<16xf32>
        %mul3A_364 = arith.mulf %mul3A_363, %get3A_362 : vector<16xf32>
        %add3A_365 = arith.addf %add3A_351, %mul3A_364 : vector<16xf32>
        %slice3A_366 = vector.extract_strided_slice %bitcast_convert_type3A_227 {offsets = [10], sizes = [1], strides = [1]} : vector<16xf32> to vector<1xf32>
        %squeeze3A_367 = vector.extract %slice3A_366[0] : f32 from vector<1xf32>
        %mul3A_368 = arith.constant 16 : i32
        %mul3A_369 = arith.muli %scan3A_208, %mul3A_368 : i32
        %add3A_370 = arith.constant 10 : i32
        %add3A_371 = arith.addi %mul3A_369, %add3A_370 : i32
        %mul3A_372 = arith.constant 16 : i32
        %mul3A_373 = arith.muli %add3A_371, %mul3A_372 : i32
        %get3A_374 = arith.index_cast %mul3A_373 : i32 to index
        %get3A_375 = tpu.vector_load %arg5[%get3A_374] {strides = array<i32>} : memref<32768xf32, #tpu.memory_space<vmem>>, vector<16xf32>,
        %get3A_376 = vector.shape_cast %get3A_375 : vector<16xf32> to vector<16xf32>
        %mul3A_377 = vector.broadcast %squeeze3A_367 : f32 to vector<16xf32>
        %mul3A_378 = arith.mulf %mul3A_377, %get3A_376 : vector<16xf32>
        %add3A_379 = arith.addf %add3A_365, %mul3A_378 : vector<16xf32>
        %slice3A_380 = vector.extract_strided_slice %bitcast_convert_type3A_227 {offsets = [11], sizes = [1], strides = [1]} : vector<16xf32> to vector<1xf32>
        %squeeze3A_381 = vector.extract %slice3A_380[0] : f32 from vector<1xf32>
        %mul3A_382 = arith.constant 16 : i32
        %mul3A_383 = arith.muli %scan3A_208, %mul3A_382 : i32
        %add3A_384 = arith.constant 11 : i32
        %add3A_385 = arith.addi %mul3A_383, %add3A_384 : i32
        %mul3A_386 = arith.constant 16 : i32
        %mul3A_387 = arith.muli %add3A_385, %mul3A_386 : i32
        %get3A_388 = arith.index_cast %mul3A_387 : i32 to index
        %get3A_389 = tpu.vector_load %arg5[%get3A_388] {strides = array<i32>} : memref<32768xf32, #tpu.memory_space<vmem>>, vector<16xf32>,
        %get3A_390 = vector.shape_cast %get3A_389 : vector<16xf32> to vector<16xf32>
        %mul3A_391 = vector.broadcast %squeeze3A_381 : f32 to vector<16xf32>
        %mul3A_392 = arith.mulf %mul3A_391, %get3A_390 : vector<16xf32>
        %add3A_393 = arith.addf %add3A_379, %mul3A_392 : vector<16xf32>
        %slice3A_394 = vector.extract_strided_slice %bitcast_convert_type3A_227 {offsets = [12], sizes = [1], strides = [1]} : vector<16xf32> to vector<1xf32>
        %squeeze3A_395 = vector.extract %slice3A_394[0] : f32 from vector<1xf32>
        %mul3A_396 = arith.constant 16 : i32
        %mul3A_397 = arith.muli %scan3A_208, %mul3A_396 : i32
        %add3A_398 = arith.constant 12 : i32
        %add3A_399 = arith.addi %mul3A_397, %add3A_398 : i32
        %mul3A_400 = arith.constant 16 : i32
        %mul3A_401 = arith.muli %add3A_399, %mul3A_400 : i32
        %get3A_402 = arith.index_cast %mul3A_401 : i32 to index
        %get3A_403 = tpu.vector_load %arg5[%get3A_402] {strides = array<i32>} : memref<32768xf32, #tpu.memory_space<vmem>>, vector<16xf32>,
        %get3A_404 = vector.shape_cast %get3A_403 : vector<16xf32> to vector<16xf32>
        %mul3A_405 = vector.broadcast %squeeze3A_395 : f32 to vector<16xf32>
        %mul3A_406 = arith.mulf %mul3A_405, %get3A_404 : vector<16xf32>
        %add3A_407 = arith.addf %add3A_393, %mul3A_406 : vector<16xf32>
        %slice3A_408 = vector.extract_strided_slice %bitcast_convert_type3A_227 {offsets = [13], sizes = [1], strides = [1]} : vector<16xf32> to vector<1xf32>
        %squeeze3A_409 = vector.extract %slice3A_408[0] : f32 from vector<1xf32>
        %mul3A_410 = arith.constant 16 : i32
        %mul3A_411 = arith.muli %scan3A_208, %mul3A_410 : i32
        %add3A_412 = arith.constant 13 : i32
        %add3A_413 = arith.addi %mul3A_411, %add3A_412 : i32
        %mul3A_414 = arith.constant 16 : i32
        %mul3A_415 = arith.muli %add3A_413, %mul3A_414 : i32
        %get3A_416 = arith.index_cast %mul3A_415 : i32 to index
        %get3A_417 = tpu.vector_load %arg5[%get3A_416] {strides = array<i32>} : memref<32768xf32, #tpu.memory_space<vmem>>, vector<16xf32>,
        %get3A_418 = vector.shape_cast %get3A_417 : vector<16xf32> to vector<16xf32>
        %mul3A_419 = vector.broadcast %squeeze3A_409 : f32 to vector<16xf32>
        %mul3A_420 = arith.mulf %mul3A_419, %get3A_418 : vector<16xf32>
        %add3A_421 = arith.addf %add3A_407, %mul3A_420 : vector<16xf32>
        %slice3A_422 = vector.extract_strided_slice %bitcast_convert_type3A_227 {offsets = [14], sizes = [1], strides = [1]} : vector<16xf32> to vector<1xf32>
        %squeeze3A_423 = vector.extract %slice3A_422[0] : f32 from vector<1xf32>
        %mul3A_424 = arith.constant 16 : i32
        %mul3A_425 = arith.muli %scan3A_208, %mul3A_424 : i32
        %add3A_426 = arith.constant 14 : i32
        %add3A_427 = arith.addi %mul3A_425, %add3A_426 : i32
        %mul3A_428 = arith.constant 16 : i32
        %mul3A_429 = arith.muli %add3A_427, %mul3A_428 : i32
        %get3A_430 = arith.index_cast %mul3A_429 : i32 to index
        %get3A_431 = tpu.vector_load %arg5[%get3A_430] {strides = array<i32>} : memref<32768xf32, #tpu.memory_space<vmem>>, vector<16xf32>,
        %get3A_432 = vector.shape_cast %get3A_431 : vector<16xf32> to vector<16xf32>
        %mul3A_433 = vector.broadcast %squeeze3A_423 : f32 to vector<16xf32>
        %mul3A_434 = arith.mulf %mul3A_433, %get3A_432 : vector<16xf32>
        %add3A_435 = arith.addf %add3A_421, %mul3A_434 : vector<16xf32>
        %slice3A_436 = vector.extract_strided_slice %bitcast_convert_type3A_227 {offsets = [15], sizes = [1], strides = [1]} : vector<16xf32> to vector<1xf32>
        %squeeze3A_437 = vector.extract %slice3A_436[0] : f32 from vector<1xf32>
        %mul3A_438 = arith.constant 16 : i32
        %mul3A_439 = arith.muli %scan3A_208, %mul3A_438 : i32
        %add3A_440 = arith.constant 15 : i32
        %add3A_441 = arith.addi %mul3A_439, %add3A_440 : i32
        %mul3A_442 = arith.constant 16 : i32
        %mul3A_443 = arith.muli %add3A_441, %mul3A_442 : i32
        %get3A_444 = arith.index_cast %mul3A_443 : i32 to index
        %get3A_445 = tpu.vector_load %arg5[%get3A_444] {strides = array<i32>} : memref<32768xf32, #tpu.memory_space<vmem>>, vector<16xf32>,
        %get3A_446 = vector.shape_cast %get3A_445 : vector<16xf32> to vector<16xf32>
        %mul3A_447 = vector.broadcast %squeeze3A_437 : f32 to vector<16xf32>
        %mul3A_448 = arith.mulf %mul3A_447, %get3A_446 : vector<16xf32>
        %add3A_449 = arith.addf %add3A_435, %mul3A_448 : vector<16xf32>
        scf.yield %add3A_449 : vector<16xf32>
      }
      %scan3A_189 = arith.constant 128 : i32
      %swap3A_190 = arith.constant 224 : index
      %swap3A_191 = tpu.vector_load %arg7[%swap3A_190] {strides = array<i32>} : memref<256xf32, #tpu.memory_space<vmem>>, vector<16xf32>,
      %swap3A_192 = vector.shape_cast %swap3A_191 : vector<16xf32> to vector<16xf32>
      %swap3A_193 = vector.shape_cast %scan3A_188 : vector<16xf32> to vector<16xf32>
      tpu.vector_store %arg7[%swap3A_190], %swap3A_193 {strides = array<i32>} : memref<256xf32, #tpu.memory_space<vmem>>, vector<16xf32>,
      %broadcast_in_dim3A_194 = arith.constant 0.000000e+00 : f32
      %broadcast_in_dim3A_195 = vector.broadcast %broadcast_in_dim3A_194 : f32 to vector<16xf32>
      %scan3A_196 = arith.constant 0 : i32
      %scan3A_197 = arith.constant 128 : i32
      %scan3A_198 = arith.addi %scan3A_196, %scan3A_197 : i32
      %scan3A_199 = arith.constant 1 : i32
      %scan3A_200 = scf.for %scan3A_208 = %scan3A_196 to %scan3A_198 step %scan3A_199 iter_args(%scan3A_209 = %broadcast_in_dim3A_195) -> (vector<16xf32>)  : i32 {
        %mul3A_210 = arith.constant 16 : i32
        %mul3A_211 = arith.muli %scan3A_208, %mul3A_210 : i32
        %add3A_212 = arith.constant 30720 : i32
        %add3A_213 = arith.addi %add3A_212, %mul3A_211 : i32
        %get3A = arith.index_cast %add3A_213 : i32 to index
        %get3A_214 = tpu.vector_load %arg6[%get3A] {strides = array<i32>} : memref<32768xf32, #tpu.memory_space<vmem>>, vector<16xf32>,
        %get3A_215 = vector.shape_cast %get3A_214 : vector<16xf32> to vector<16xf32>
        %bitcast_convert_type3A = tpu.bitcast %get3A_215 : vector<16xf32> -> vector<16xi32>
        %shift_right_logical3A = arith.constant 16 : i32
        %shift_right_logical3A_216 = vector.broadcast %shift_right_logical3A : i32 to vector<16xi32>
        %shift_right_logical3A_217 = arith.shrui %bitcast_convert_type3A, %shift_right_logical3A_216 : vector<16xi32>
        %and3A = arith.constant 1 : i32
        %and3A_218 = vector.broadcast %and3A : i32 to vector<16xi32>
        %and3A_219 = arith.andi %shift_right_logical3A_217, %and3A_218 : vector<16xi32>
        %add3A_220 = arith.constant 32767 : i32
        %add3A_221 = vector.broadcast %add3A_220 : i32 to vector<16xi32>
        %add3A_222 = arith.addi %bitcast_convert_type3A, %add3A_221 : vector<16xi32>
        %add3A_223 = arith.addi %add3A_222, %and3A_219 : vector<16xi32>
        %and3A_224 = arith.constant -65536 : i32
        %and3A_225 = vector.broadcast %and3A_224 : i32 to vector<16xi32>
        %and3A_226 = arith.andi %add3A_223, %and3A_225 : vector<16xi32>
        %bitcast_convert_type3A_227 = tpu.bitcast %and3A_226 : vector<16xi32> -> vector<16xf32>
        %slice3A = vector.extract_strided_slice %bitcast_convert_type3A_227 {offsets = [0], sizes = [1], strides = [1]} : vector<16xf32> to vector<1xf32>
        %squeeze3A = vector.extract %slice3A[0] : f32 from vector<1xf32>
        %mul3A_228 = arith.constant 16 : i32
        %mul3A_229 = arith.muli %scan3A_208, %mul3A_228 : i32
        %add3A_230 = arith.constant 0 : i32
        %add3A_231 = arith.addi %mul3A_229, %add3A_230 : i32
        %mul3A_232 = arith.constant 16 : i32
        %mul3A_233 = arith.muli %add3A_231, %mul3A_232 : i32
        %get3A_234 = arith.index_cast %mul3A_233 : i32 to index
        %get3A_235 = tpu.vector_load %arg5[%get3A_234] {strides = array<i32>} : memref<32768xf32, #tpu.memory_space<vmem>>, vector<16xf32>,
        %get3A_236 = vector.shape_cast %get3A_235 : vector<16xf32> to vector<16xf32>
        %mul3A_237 = vector.broadcast %squeeze3A : f32 to vector<16xf32>
        %mul3A_238 = arith.mulf %mul3A_237, %get3A_236 : vector<16xf32>
        %add3A_239 = arith.addf %scan3A_209, %mul3A_238 : vector<16xf32>
        %slice3A_240 = vector.extract_strided_slice %bitcast_convert_type3A_227 {offsets = [1], sizes = [1], strides = [1]} : vector<16xf32> to vector<1xf32>
        %squeeze3A_241 = vector.extract %slice3A_240[0] : f32 from vector<1xf32>
        %mul3A_242 = arith.constant 16 : i32
        %mul3A_243 = arith.muli %scan3A_208, %mul3A_242 : i32
        %add3A_244 = arith.constant 1 : i32
        %add3A_245 = arith.addi %mul3A_243, %add3A_244 : i32
        %mul3A_246 = arith.constant 16 : i32
        %mul3A_247 = arith.muli %add3A_245, %mul3A_246 : i32
        %get3A_248 = arith.index_cast %mul3A_247 : i32 to index
        %get3A_249 = tpu.vector_load %arg5[%get3A_248] {strides = array<i32>} : memref<32768xf32, #tpu.memory_space<vmem>>, vector<16xf32>,
        %get3A_250 = vector.shape_cast %get3A_249 : vector<16xf32> to vector<16xf32>
        %mul3A_251 = vector.broadcast %squeeze3A_241 : f32 to vector<16xf32>
        %mul3A_252 = arith.mulf %mul3A_251, %get3A_250 : vector<16xf32>
        %add3A_253 = arith.addf %add3A_239, %mul3A_252 : vector<16xf32>
        %slice3A_254 = vector.extract_strided_slice %bitcast_convert_type3A_227 {offsets = [2], sizes = [1], strides = [1]} : vector<16xf32> to vector<1xf32>
        %squeeze3A_255 = vector.extract %slice3A_254[0] : f32 from vector<1xf32>
        %mul3A_256 = arith.constant 16 : i32
        %mul3A_257 = arith.muli %scan3A_208, %mul3A_256 : i32
        %add3A_258 = arith.constant 2 : i32
        %add3A_259 = arith.addi %mul3A_257, %add3A_258 : i32
        %mul3A_260 = arith.constant 16 : i32
        %mul3A_261 = arith.muli %add3A_259, %mul3A_260 : i32
        %get3A_262 = arith.index_cast %mul3A_261 : i32 to index
        %get3A_263 = tpu.vector_load %arg5[%get3A_262] {strides = array<i32>} : memref<32768xf32, #tpu.memory_space<vmem>>, vector<16xf32>,
        %get3A_264 = vector.shape_cast %get3A_263 : vector<16xf32> to vector<16xf32>
        %mul3A_265 = vector.broadcast %squeeze3A_255 : f32 to vector<16xf32>
        %mul3A_266 = arith.mulf %mul3A_265, %get3A_264 : vector<16xf32>
        %add3A_267 = arith.addf %add3A_253, %mul3A_266 : vector<16xf32>
        %slice3A_268 = vector.extract_strided_slice %bitcast_convert_type3A_227 {offsets = [3], sizes = [1], strides = [1]} : vector<16xf32> to vector<1xf32>
        %squeeze3A_269 = vector.extract %slice3A_268[0] : f32 from vector<1xf32>
        %mul3A_270 = arith.constant 16 : i32
        %mul3A_271 = arith.muli %scan3A_208, %mul3A_270 : i32
        %add3A_272 = arith.constant 3 : i32
        %add3A_273 = arith.addi %mul3A_271, %add3A_272 : i32
        %mul3A_274 = arith.constant 16 : i32
        %mul3A_275 = arith.muli %add3A_273, %mul3A_274 : i32
        %get3A_276 = arith.index_cast %mul3A_275 : i32 to index
        %get3A_277 = tpu.vector_load %arg5[%get3A_276] {strides = array<i32>} : memref<32768xf32, #tpu.memory_space<vmem>>, vector<16xf32>,
        %get3A_278 = vector.shape_cast %get3A_277 : vector<16xf32> to vector<16xf32>
        %mul3A_279 = vector.broadcast %squeeze3A_269 : f32 to vector<16xf32>
        %mul3A_280 = arith.mulf %mul3A_279, %get3A_278 : vector<16xf32>
        %add3A_281 = arith.addf %add3A_267, %mul3A_280 : vector<16xf32>
        %slice3A_282 = vector.extract_strided_slice %bitcast_convert_type3A_227 {offsets = [4], sizes = [1], strides = [1]} : vector<16xf32> to vector<1xf32>
        %squeeze3A_283 = vector.extract %slice3A_282[0] : f32 from vector<1xf32>
        %mul3A_284 = arith.constant 16 : i32
        %mul3A_285 = arith.muli %scan3A_208, %mul3A_284 : i32
        %add3A_286 = arith.constant 4 : i32
        %add3A_287 = arith.addi %mul3A_285, %add3A_286 : i32
        %mul3A_288 = arith.constant 16 : i32
        %mul3A_289 = arith.muli %add3A_287, %mul3A_288 : i32
        %get3A_290 = arith.index_cast %mul3A_289 : i32 to index
        %get3A_291 = tpu.vector_load %arg5[%get3A_290] {strides = array<i32>} : memref<32768xf32, #tpu.memory_space<vmem>>, vector<16xf32>,
        %get3A_292 = vector.shape_cast %get3A_291 : vector<16xf32> to vector<16xf32>
        %mul3A_293 = vector.broadcast %squeeze3A_283 : f32 to vector<16xf32>
        %mul3A_294 = arith.mulf %mul3A_293, %get3A_292 : vector<16xf32>
        %add3A_295 = arith.addf %add3A_281, %mul3A_294 : vector<16xf32>
        %slice3A_296 = vector.extract_strided_slice %bitcast_convert_type3A_227 {offsets = [5], sizes = [1], strides = [1]} : vector<16xf32> to vector<1xf32>
        %squeeze3A_297 = vector.extract %slice3A_296[0] : f32 from vector<1xf32>
        %mul3A_298 = arith.constant 16 : i32
        %mul3A_299 = arith.muli %scan3A_208, %mul3A_298 : i32
        %add3A_300 = arith.constant 5 : i32
        %add3A_301 = arith.addi %mul3A_299, %add3A_300 : i32
        %mul3A_302 = arith.constant 16 : i32
        %mul3A_303 = arith.muli %add3A_301, %mul3A_302 : i32
        %get3A_304 = arith.index_cast %mul3A_303 : i32 to index
        %get3A_305 = tpu.vector_load %arg5[%get3A_304] {strides = array<i32>} : memref<32768xf32, #tpu.memory_space<vmem>>, vector<16xf32>,
        %get3A_306 = vector.shape_cast %get3A_305 : vector<16xf32> to vector<16xf32>
        %mul3A_307 = vector.broadcast %squeeze3A_297 : f32 to vector<16xf32>
        %mul3A_308 = arith.mulf %mul3A_307, %get3A_306 : vector<16xf32>
        %add3A_309 = arith.addf %add3A_295, %mul3A_308 : vector<16xf32>
        %slice3A_310 = vector.extract_strided_slice %bitcast_convert_type3A_227 {offsets = [6], sizes = [1], strides = [1]} : vector<16xf32> to vector<1xf32>
        %squeeze3A_311 = vector.extract %slice3A_310[0] : f32 from vector<1xf32>
        %mul3A_312 = arith.constant 16 : i32
        %mul3A_313 = arith.muli %scan3A_208, %mul3A_312 : i32
        %add3A_314 = arith.constant 6 : i32
        %add3A_315 = arith.addi %mul3A_313, %add3A_314 : i32
        %mul3A_316 = arith.constant 16 : i32
        %mul3A_317 = arith.muli %add3A_315, %mul3A_316 : i32
        %get3A_318 = arith.index_cast %mul3A_317 : i32 to index
        %get3A_319 = tpu.vector_load %arg5[%get3A_318] {strides = array<i32>} : memref<32768xf32, #tpu.memory_space<vmem>>, vector<16xf32>,
        %get3A_320 = vector.shape_cast %get3A_319 : vector<16xf32> to vector<16xf32>
        %mul3A_321 = vector.broadcast %squeeze3A_311 : f32 to vector<16xf32>
        %mul3A_322 = arith.mulf %mul3A_321, %get3A_320 : vector<16xf32>
        %add3A_323 = arith.addf %add3A_309, %mul3A_322 : vector<16xf32>
        %slice3A_324 = vector.extract_strided_slice %bitcast_convert_type3A_227 {offsets = [7], sizes = [1], strides = [1]} : vector<16xf32> to vector<1xf32>
        %squeeze3A_325 = vector.extract %slice3A_324[0] : f32 from vector<1xf32>
        %mul3A_326 = arith.constant 16 : i32
        %mul3A_327 = arith.muli %scan3A_208, %mul3A_326 : i32
        %add3A_328 = arith.constant 7 : i32
        %add3A_329 = arith.addi %mul3A_327, %add3A_328 : i32
        %mul3A_330 = arith.constant 16 : i32
        %mul3A_331 = arith.muli %add3A_329, %mul3A_330 : i32
        %get3A_332 = arith.index_cast %mul3A_331 : i32 to index
        %get3A_333 = tpu.vector_load %arg5[%get3A_332] {strides = array<i32>} : memref<32768xf32, #tpu.memory_space<vmem>>, vector<16xf32>,
        %get3A_334 = vector.shape_cast %get3A_333 : vector<16xf32> to vector<16xf32>
        %mul3A_335 = vector.broadcast %squeeze3A_325 : f32 to vector<16xf32>
        %mul3A_336 = arith.mulf %mul3A_335, %get3A_334 : vector<16xf32>
        %add3A_337 = arith.addf %add3A_323, %mul3A_336 : vector<16xf32>
        %slice3A_338 = vector.extract_strided_slice %bitcast_convert_type3A_227 {offsets = [8], sizes = [1], strides = [1]} : vector<16xf32> to vector<1xf32>
        %squeeze3A_339 = vector.extract %slice3A_338[0] : f32 from vector<1xf32>
        %mul3A_340 = arith.constant 16 : i32
        %mul3A_341 = arith.muli %scan3A_208, %mul3A_340 : i32
        %add3A_342 = arith.constant 8 : i32
        %add3A_343 = arith.addi %mul3A_341, %add3A_342 : i32
        %mul3A_344 = arith.constant 16 : i32
        %mul3A_345 = arith.muli %add3A_343, %mul3A_344 : i32
        %get3A_346 = arith.index_cast %mul3A_345 : i32 to index
        %get3A_347 = tpu.vector_load %arg5[%get3A_346] {strides = array<i32>} : memref<32768xf32, #tpu.memory_space<vmem>>, vector<16xf32>,
        %get3A_348 = vector.shape_cast %get3A_347 : vector<16xf32> to vector<16xf32>
        %mul3A_349 = vector.broadcast %squeeze3A_339 : f32 to vector<16xf32>
        %mul3A_350 = arith.mulf %mul3A_349, %get3A_348 : vector<16xf32>
        %add3A_351 = arith.addf %add3A_337, %mul3A_350 : vector<16xf32>
        %slice3A_352 = vector.extract_strided_slice %bitcast_convert_type3A_227 {offsets = [9], sizes = [1], strides = [1]} : vector<16xf32> to vector<1xf32>
        %squeeze3A_353 = vector.extract %slice3A_352[0] : f32 from vector<1xf32>
        %mul3A_354 = arith.constant 16 : i32
        %mul3A_355 = arith.muli %scan3A_208, %mul3A_354 : i32
        %add3A_356 = arith.constant 9 : i32
        %add3A_357 = arith.addi %mul3A_355, %add3A_356 : i32
        %mul3A_358 = arith.constant 16 : i32
        %mul3A_359 = arith.muli %add3A_357, %mul3A_358 : i32
        %get3A_360 = arith.index_cast %mul3A_359 : i32 to index
        %get3A_361 = tpu.vector_load %arg5[%get3A_360] {strides = array<i32>} : memref<32768xf32, #tpu.memory_space<vmem>>, vector<16xf32>,
        %get3A_362 = vector.shape_cast %get3A_361 : vector<16xf32> to vector<16xf32>
        %mul3A_363 = vector.broadcast %squeeze3A_353 : f32 to vector<16xf32>
        %mul3A_364 = arith.mulf %mul3A_363, %get3A_362 : vector<16xf32>
        %add3A_365 = arith.addf %add3A_351, %mul3A_364 : vector<16xf32>
        %slice3A_366 = vector.extract_strided_slice %bitcast_convert_type3A_227 {offsets = [10], sizes = [1], strides = [1]} : vector<16xf32> to vector<1xf32>
        %squeeze3A_367 = vector.extract %slice3A_366[0] : f32 from vector<1xf32>
        %mul3A_368 = arith.constant 16 : i32
        %mul3A_369 = arith.muli %scan3A_208, %mul3A_368 : i32
        %add3A_370 = arith.constant 10 : i32
        %add3A_371 = arith.addi %mul3A_369, %add3A_370 : i32
        %mul3A_372 = arith.constant 16 : i32
        %mul3A_373 = arith.muli %add3A_371, %mul3A_372 : i32
        %get3A_374 = arith.index_cast %mul3A_373 : i32 to index
        %get3A_375 = tpu.vector_load %arg5[%get3A_374] {strides = array<i32>} : memref<32768xf32, #tpu.memory_space<vmem>>, vector<16xf32>,
        %get3A_376 = vector.shape_cast %get3A_375 : vector<16xf32> to vector<16xf32>
        %mul3A_377 = vector.broadcast %squeeze3A_367 : f32 to vector<16xf32>
        %mul3A_378 = arith.mulf %mul3A_377, %get3A_376 : vector<16xf32>
        %add3A_379 = arith.addf %add3A_365, %mul3A_378 : vector<16xf32>
        %slice3A_380 = vector.extract_strided_slice %bitcast_convert_type3A_227 {offsets = [11], sizes = [1], strides = [1]} : vector<16xf32> to vector<1xf32>
        %squeeze3A_381 = vector.extract %slice3A_380[0] : f32 from vector<1xf32>
        %mul3A_382 = arith.constant 16 : i32
        %mul3A_383 = arith.muli %scan3A_208, %mul3A_382 : i32
        %add3A_384 = arith.constant 11 : i32
        %add3A_385 = arith.addi %mul3A_383, %add3A_384 : i32
        %mul3A_386 = arith.constant 16 : i32
        %mul3A_387 = arith.muli %add3A_385, %mul3A_386 : i32
        %get3A_388 = arith.index_cast %mul3A_387 : i32 to index
        %get3A_389 = tpu.vector_load %arg5[%get3A_388] {strides = array<i32>} : memref<32768xf32, #tpu.memory_space<vmem>>, vector<16xf32>,
        %get3A_390 = vector.shape_cast %get3A_389 : vector<16xf32> to vector<16xf32>
        %mul3A_391 = vector.broadcast %squeeze3A_381 : f32 to vector<16xf32>
        %mul3A_392 = arith.mulf %mul3A_391, %get3A_390 : vector<16xf32>
        %add3A_393 = arith.addf %add3A_379, %mul3A_392 : vector<16xf32>
        %slice3A_394 = vector.extract_strided_slice %bitcast_convert_type3A_227 {offsets = [12], sizes = [1], strides = [1]} : vector<16xf32> to vector<1xf32>
        %squeeze3A_395 = vector.extract %slice3A_394[0] : f32 from vector<1xf32>
        %mul3A_396 = arith.constant 16 : i32
        %mul3A_397 = arith.muli %scan3A_208, %mul3A_396 : i32
        %add3A_398 = arith.constant 12 : i32
        %add3A_399 = arith.addi %mul3A_397, %add3A_398 : i32
        %mul3A_400 = arith.constant 16 : i32
        %mul3A_401 = arith.muli %add3A_399, %mul3A_400 : i32
        %get3A_402 = arith.index_cast %mul3A_401 : i32 to index
        %get3A_403 = tpu.vector_load %arg5[%get3A_402] {strides = array<i32>} : memref<32768xf32, #tpu.memory_space<vmem>>, vector<16xf32>,
        %get3A_404 = vector.shape_cast %get3A_403 : vector<16xf32> to vector<16xf32>
        %mul3A_405 = vector.broadcast %squeeze3A_395 : f32 to vector<16xf32>
        %mul3A_406 = arith.mulf %mul3A_405, %get3A_404 : vector<16xf32>
        %add3A_407 = arith.addf %add3A_393, %mul3A_406 : vector<16xf32>
        %slice3A_408 = vector.extract_strided_slice %bitcast_convert_type3A_227 {offsets = [13], sizes = [1], strides = [1]} : vector<16xf32> to vector<1xf32>
        %squeeze3A_409 = vector.extract %slice3A_408[0] : f32 from vector<1xf32>
        %mul3A_410 = arith.constant 16 : i32
        %mul3A_411 = arith.muli %scan3A_208, %mul3A_410 : i32
        %add3A_412 = arith.constant 13 : i32
        %add3A_413 = arith.addi %mul3A_411, %add3A_412 : i32
        %mul3A_414 = arith.constant 16 : i32
        %mul3A_415 = arith.muli %add3A_413, %mul3A_414 : i32
        %get3A_416 = arith.index_cast %mul3A_415 : i32 to index
        %get3A_417 = tpu.vector_load %arg5[%get3A_416] {strides = array<i32>} : memref<32768xf32, #tpu.memory_space<vmem>>, vector<16xf32>,
        %get3A_418 = vector.shape_cast %get3A_417 : vector<16xf32> to vector<16xf32>
        %mul3A_419 = vector.broadcast %squeeze3A_409 : f32 to vector<16xf32>
        %mul3A_420 = arith.mulf %mul3A_419, %get3A_418 : vector<16xf32>
        %add3A_421 = arith.addf %add3A_407, %mul3A_420 : vector<16xf32>
        %slice3A_422 = vector.extract_strided_slice %bitcast_convert_type3A_227 {offsets = [14], sizes = [1], strides = [1]} : vector<16xf32> to vector<1xf32>
        %squeeze3A_423 = vector.extract %slice3A_422[0] : f32 from vector<1xf32>
        %mul3A_424 = arith.constant 16 : i32
        %mul3A_425 = arith.muli %scan3A_208, %mul3A_424 : i32
        %add3A_426 = arith.constant 14 : i32
        %add3A_427 = arith.addi %mul3A_425, %add3A_426 : i32
        %mul3A_428 = arith.constant 16 : i32
        %mul3A_429 = arith.muli %add3A_427, %mul3A_428 : i32
        %get3A_430 = arith.index_cast %mul3A_429 : i32 to index
        %get3A_431 = tpu.vector_load %arg5[%get3A_430] {strides = array<i32>} : memref<32768xf32, #tpu.memory_space<vmem>>, vector<16xf32>,
        %get3A_432 = vector.shape_cast %get3A_431 : vector<16xf32> to vector<16xf32>
        %mul3A_433 = vector.broadcast %squeeze3A_423 : f32 to vector<16xf32>
        %mul3A_434 = arith.mulf %mul3A_433, %get3A_432 : vector<16xf32>
        %add3A_435 = arith.addf %add3A_421, %mul3A_434 : vector<16xf32>
        %slice3A_436 = vector.extract_strided_slice %bitcast_convert_type3A_227 {offsets = [15], sizes = [1], strides = [1]} : vector<16xf32> to vector<1xf32>
        %squeeze3A_437 = vector.extract %slice3A_436[0] : f32 from vector<1xf32>
        %mul3A_438 = arith.constant 16 : i32
        %mul3A_439 = arith.muli %scan3A_208, %mul3A_438 : i32
        %add3A_440 = arith.constant 15 : i32
        %add3A_441 = arith.addi %mul3A_439, %add3A_440 : i32
        %mul3A_442 = arith.constant 16 : i32
        %mul3A_443 = arith.muli %add3A_441, %mul3A_442 : i32
        %get3A_444 = arith.index_cast %mul3A_443 : i32 to index
        %get3A_445 = tpu.vector_load %arg5[%get3A_444] {strides = array<i32>} : memref<32768xf32, #tpu.memory_space<vmem>>, vector<16xf32>,
        %get3A_446 = vector.shape_cast %get3A_445 : vector<16xf32> to vector<16xf32>
        %mul3A_447 = vector.broadcast %squeeze3A_437 : f32 to vector<16xf32>
        %mul3A_448 = arith.mulf %mul3A_447, %get3A_446 : vector<16xf32>
        %add3A_449 = arith.addf %add3A_435, %mul3A_448 : vector<16xf32>
        scf.yield %add3A_449 : vector<16xf32>
      }
      %scan3A_201 = arith.constant 128 : i32
      %swap3A_202 = arith.constant 240 : index
      %swap3A_203 = tpu.vector_load %arg7[%swap3A_202] {strides = array<i32>} : memref<256xf32, #tpu.memory_space<vmem>>, vector<16xf32>,
      %swap3A_204 = vector.shape_cast %swap3A_203 : vector<16xf32> to vector<16xf32>
      %swap3A_205 = vector.shape_cast %scan3A_200 : vector<16xf32> to vector<16xf32>
      tpu.vector_store %arg7[%swap3A_202], %swap3A_205 {strides = array<i32>} : memref<256xf32, #tpu.memory_space<vmem>>, vector<16xf32>,
      %mul3A_206 = arith.constant 16 : i32
      %mul3A_207 = arith.muli %add3A_11, %mul3A_206 : i32
      "tpu.region"() ({
        %run_scoped3A = tpu.sem_alloc : memref<!tpu.dma_semaphore, #tpu.memory_space<semaphore_mem>>
        %dma_start3A = tpu.memref_slice %arg4[%mul3A_207] : memref<16384xf32, #tpu.memory_space<hbm>> -> memref<256xf32, #tpu.memory_space<hbm>>
        %dma_start3A_208 = tpu.memref_slice %arg4[%mul3A_207] : memref<16384xf32, #tpu.memory_space<hbm>> -> memref<256xf32, #tpu.memory_space<hbm>>
        tpu.enqueue_dma source(%arg7 : memref<256xf32, #tpu.memory_space<vmem>>) target(%dma_start3A_208 : memref<256xf32, #tpu.memory_space<hbm>>) target_semaphore(%run_scoped3A : memref<!tpu.dma_semaphore, #tpu.memory_space<semaphore_mem>>)
        %dma_wait3A = tpu.memref_slice %arg4[%mul3A_207] : memref<16384xf32, #tpu.memory_space<hbm>> -> memref<256xf32, #tpu.memory_space<hbm>>
        %dma_wait3A_209 = tpu.memref_slice %arg4[%mul3A_207] : memref<16384xf32, #tpu.memory_space<hbm>> -> memref<256xf32, #tpu.memory_space<hbm>>
        tpu.wait_dma2 semaphore(%run_scoped3A : memref<!tpu.dma_semaphore, #tpu.memory_space<semaphore_mem>>) src(%arg7 : memref<256xf32, #tpu.memory_space<vmem>>) dst(%dma_wait3A_209 : memref<256xf32, #tpu.memory_space<hbm>>)
        tpu.yield
      }) : () -> ()
    }
    %scan3A_5 = arith.constant 2 : i32
    return
  }
}

module attributes {stable_mosaic.version = 14 : i64} {
  func.func @_router_block(%arg0: i32, %arg1: memref<1024x2048xf32, #tpu.memory_space<vmem>>, %arg2: memref<16x2048xf32, #tpu.memory_space<vmem>>, %arg3: memref<16x1024xf32, #tpu.memory_space<vmem>>, %arg4: memref<2x1024xf32, #tpu.memory_space<vmem>>, %arg5: memref<2x1024xi32, #tpu.memory_space<vmem>>) attributes {dimension_semantics = [#tpu.dimension_semantics<arbitrary>], iteration_bounds = array<i64: 31>, scalar_prefetch = 0 : i64, scratch_operands = 0 : i64, tpu.core_type = #tpu.core_type<tc>, window_params = [{transform_indices = @transform_0, window_bounds = array<i64: 1024, 2048>}, {pipeline_mode = #tpu.pipeline_mode<synchronous>, transform_indices = @transform_1, window_bounds = array<i64: 16, 2048>}, {transform_indices = @transform_2, window_bounds = array<i64: 16, 1024>}, {transform_indices = @transform_3, window_bounds = array<i64: 2, 1024>}, {transform_indices = @transform_4, window_bounds = array<i64: 2, 1024>}]} {
    %get3A = arith.constant 0 : index
    %get3A_0 = arith.constant 0 : index
    %get3A_1 = vector.load %arg1[%get3A, %get3A_0] : memref<1024x2048xf32, #tpu.memory_space<vmem>>, vector<1024x2048xf32>
    %get3A_2 = arith.constant 0 : index
    %get3A_3 = arith.constant 0 : index
    %get3A_4 = vector.load %arg2[%get3A_2, %get3A_3] : memref<16x2048xf32, #tpu.memory_space<vmem>>, vector<16x2048xf32>
    %dot_general3A = arith.constant dense<0.000000e+00> : vector<16x1024xf32>
    %dot_general3A_5 = tpu.matmul %get3A_4, %get3A_1, %dot_general3A {dimension_numbers = #tpu.dot_dimension_numbers<[1], [1], [0], [0], [0, 0, 1, 0], [], []>, transpose_lhs_hint = false} : vector<16x2048xf32>, vector<1024x2048xf32>, vector<16x1024xf32> -> vector<16x1024xf32>
    %reduce_max3A = arith.constant dense<0xFF800000> : vector<1024xf32>
    %reduce_max3A_6 = vector.multi_reduction <maximumf>, %dot_general3A_5, %reduce_max3A [0] : vector<16x1024xf32> to vector<1024xf32>
    %broadcast_in_dim3A = vector.shape_cast %reduce_max3A_6 : vector<1024xf32> to vector<1x1024xf32>
    %sub3A = vector.broadcast %broadcast_in_dim3A : vector<1x1024xf32> to vector<16x1024xf32>
    %sub3A_7 = arith.subf %dot_general3A_5, %sub3A : vector<16x1024xf32>
    %exp3A = math.exp %sub3A_7 : vector<16x1024xf32>
    %reduce_sum3A = arith.constant dense<0.000000e+00> : vector<1024xf32>
    %reduce_sum3A_8 = vector.multi_reduction <add>, %exp3A, %reduce_sum3A [0] : vector<16x1024xf32> to vector<1024xf32>
    %broadcast_in_dim3A_9 = vector.shape_cast %reduce_sum3A_8 : vector<1024xf32> to vector<1x1024xf32>
    %div3A = arith.constant 1.000000e+00 : f32
    %div3A_10 = vector.broadcast %div3A : f32 to vector<1x1024xf32>
    %div3A_11 = arith.divf %div3A_10, %broadcast_in_dim3A_9 : vector<1x1024xf32>
    %mul3A = vector.broadcast %div3A_11 : vector<1x1024xf32> to vector<16x1024xf32>
    %mul3A_12 = arith.mulf %exp3A, %mul3A : vector<16x1024xf32>
    %iota3A = tpu.iota {dimensions = array<i32: 0>} : vector<16x1024xi32>
    %eq3A = vector.broadcast %broadcast_in_dim3A : vector<1x1024xf32> to vector<16x1024xf32>
    %eq3A_13 = arith.cmpf oeq, %dot_general3A_5, %eq3A : vector<16x1024xf32>
    %jit3A = arith.constant 16 : i32
    %broadcast_in_dim3A_14 = vector.broadcast %jit3A : i32 to vector<16x1024xi32>
    %select_n3A = arith.select %eq3A_13, %iota3A, %broadcast_in_dim3A_14 : vector<16x1024xi1>, vector<16x1024xi32>
    %reduce_min3A = arith.constant dense<2147483647> : vector<1024xi32>
    %reduce_min3A_15 = vector.multi_reduction <minsi>, %select_n3A, %reduce_min3A [0] : vector<16x1024xi32> to vector<1024xi32>
    %broadcast_in_dim3A_16 = vector.shape_cast %reduce_min3A_15 : vector<1024xi32> to vector<1x1024xi32>
    %eq3A_17 = vector.broadcast %broadcast_in_dim3A_16 : vector<1x1024xi32> to vector<16x1024xi32>
    %eq3A_18 = arith.cmpi eq, %iota3A, %eq3A_17 : vector<16x1024xi32>
    %jit3A_19 = arith.constant 0xFF800000 : f32
    %broadcast_in_dim3A_20 = vector.broadcast %jit3A_19 : f32 to vector<16x1024xf32>
    %select_n3A_21 = arith.select %eq3A_18, %broadcast_in_dim3A_20, %dot_general3A_5 : vector<16x1024xi1>, vector<16x1024xf32>
    %reduce_max3A_22 = arith.constant dense<0xFF800000> : vector<1024xf32>
    %reduce_max3A_23 = vector.multi_reduction <maximumf>, %select_n3A_21, %reduce_max3A_22 [0] : vector<16x1024xf32> to vector<1024xf32>
    %broadcast_in_dim3A_24 = vector.shape_cast %reduce_max3A_23 : vector<1024xf32> to vector<1x1024xf32>
    %eq3A_25 = vector.broadcast %broadcast_in_dim3A_24 : vector<1x1024xf32> to vector<16x1024xf32>
    %eq3A_26 = arith.cmpf oeq, %select_n3A_21, %eq3A_25 : vector<16x1024xf32>
    %jit3A_27 = arith.constant 16 : i32
    %broadcast_in_dim3A_28 = vector.broadcast %jit3A_27 : i32 to vector<16x1024xi32>
    %select_n3A_29 = arith.select %eq3A_26, %iota3A, %broadcast_in_dim3A_28 : vector<16x1024xi1>, vector<16x1024xi32>
    %reduce_min3A_30 = arith.constant dense<2147483647> : vector<1024xi32>
    %reduce_min3A_31 = vector.multi_reduction <minsi>, %select_n3A_29, %reduce_min3A_30 [0] : vector<16x1024xi32> to vector<1024xi32>
    %broadcast_in_dim3A_32 = vector.shape_cast %reduce_min3A_31 : vector<1024xi32> to vector<1x1024xi32>
    %sub3A_33 = arith.subf %broadcast_in_dim3A_24, %broadcast_in_dim3A : vector<1x1024xf32>
    %exp3A_34 = math.exp %sub3A_33 : vector<1x1024xf32>
    %add3A = arith.constant 1.000000e+00 : f32
    %add3A_35 = vector.broadcast %add3A : f32 to vector<1x1024xf32>
    %add3A_36 = arith.addf %add3A_35, %exp3A_34 : vector<1x1024xf32>
    %div3A_37 = arith.constant 1.000000e+00 : f32
    %div3A_38 = vector.broadcast %div3A_37 : f32 to vector<1x1024xf32>
    %div3A_39 = arith.divf %div3A_38, %add3A_36 : vector<1x1024xf32>
    %mul3A_40 = arith.mulf %exp3A_34, %div3A_39 : vector<1x1024xf32>
    %concatenate3A = tpu.concatenate %div3A_39, %mul3A_40 in 0 : vector<1x1024xf32>, vector<1x1024xf32> -> vector<2x1024xf32>
    %concatenate3A_41 = tpu.concatenate %broadcast_in_dim3A_16, %broadcast_in_dim3A_32 in 0 : vector<1x1024xi32>, vector<1x1024xi32> -> vector<2x1024xi32>
    %swap3A = arith.constant 0 : index
    %swap3A_42 = arith.constant 0 : index
    %swap3A_43 = vector.load %arg3[%swap3A, %swap3A_42] : memref<16x1024xf32, #tpu.memory_space<vmem>>, vector<16x1024xf32>
    tpu.vector_store %arg3[%swap3A, %swap3A_42], %mul3A_12 {strides = array<i32>} : memref<16x1024xf32, #tpu.memory_space<vmem>>, vector<16x1024xf32>,
    %swap3A_44 = arith.constant 0 : index
    %swap3A_45 = arith.constant 0 : index
    %swap3A_46 = vector.load %arg4[%swap3A_44, %swap3A_45] : memref<2x1024xf32, #tpu.memory_space<vmem>>, vector<2x1024xf32>
    tpu.vector_store %arg4[%swap3A_44, %swap3A_45], %concatenate3A {strides = array<i32>} : memref<2x1024xf32, #tpu.memory_space<vmem>>, vector<2x1024xf32>,
    %swap3A_47 = arith.constant 0 : index
    %swap3A_48 = arith.constant 0 : index
    %swap3A_49 = vector.load %arg5[%swap3A_47, %swap3A_48] : memref<2x1024xi32, #tpu.memory_space<vmem>>, vector<2x1024xi32>
    tpu.vector_store %arg5[%swap3A_47, %swap3A_48], %concatenate3A_41 {strides = array<i32>} : memref<2x1024xi32, #tpu.memory_space<vmem>>, vector<2x1024xi32>,
    return
  }
  func.func @transform_0(%arg0: i32) -> (i32, i32) {
    %c0_i32 = arith.constant 0 : i32
    %c0_i32_0 = arith.constant 0 : i32
    return %arg0, %c0_i32 : i32, i32
  }
  func.func @transform_1(%arg0: i32) -> (i32, i32) {
    %c0_i32 = arith.constant 0 : i32
    %c0_i32_0 = arith.constant 0 : i32
    %c0_i32_1 = arith.constant 0 : i32
    return %c0_i32, %c0_i32_0 : i32, i32
  }
  func.func @transform_2(%arg0: i32) -> (i32, i32) {
    %c0_i32 = arith.constant 0 : i32
    %c0_i32_0 = arith.constant 0 : i32
    return %c0_i32, %arg0 : i32, i32
  }
  func.func @transform_3(%arg0: i32) -> (i32, i32) {
    %c0_i32 = arith.constant 0 : i32
    %c0_i32_0 = arith.constant 0 : i32
    return %c0_i32, %arg0 : i32, i32
  }
  func.func @transform_4(%arg0: i32) -> (i32, i32) {
    %c0_i32 = arith.constant 0 : i32
    %c0_i32_0 = arith.constant 0 : i32
    return %c0_i32, %arg0 : i32, i32
  }
}

module attributes {stable_mosaic.version = 14 : i64} {
  func.func @_sc_epilogue_block(%arg0: i32, %arg1: memref<16x1024xf32, #tpu.memory_space<vmem>>, %arg2: memref<16x1024xf32, #tpu.memory_space<vmem>>, %arg3: memref<2x1024xf32, #tpu.memory_space<vmem>>, %arg4: memref<2x1024xi32, #tpu.memory_space<vmem>>) attributes {dimension_semantics = [#tpu.dimension_semantics<arbitrary>], iteration_bounds = array<i64: 1>, scalar_prefetch = 0 : i64, scratch_operands = 0 : i64, tpu.core_type = #tpu.core_type<tc>, window_params = [{pipeline_mode = #tpu.pipeline_mode<synchronous>, transform_indices = @transform_0, window_bounds = array<i64: 16, 1024>}, {pipeline_mode = #tpu.pipeline_mode<synchronous>, transform_indices = @transform_1, window_bounds = array<i64: 16, 1024>}, {pipeline_mode = #tpu.pipeline_mode<synchronous>, transform_indices = @transform_2, window_bounds = array<i64: 2, 1024>}, {pipeline_mode = #tpu.pipeline_mode<synchronous>, transform_indices = @transform_3, window_bounds = array<i64: 2, 1024>}]} {
    %get3A = arith.constant 0 : index
    %get3A_0 = arith.constant 0 : index
    %get3A_1 = vector.load %arg1[%get3A, %get3A_0] : memref<16x1024xf32, #tpu.memory_space<vmem>>, vector<16x1024xf32>
    %reduce_max3A = arith.constant dense<0xFF800000> : vector<1024xf32>
    %reduce_max3A_2 = vector.multi_reduction <maximumf>, %get3A_1, %reduce_max3A [0] : vector<16x1024xf32> to vector<1024xf32>
    %broadcast_in_dim3A = vector.shape_cast %reduce_max3A_2 : vector<1024xf32> to vector<1x1024xf32>
    %sub3A = vector.broadcast %broadcast_in_dim3A : vector<1x1024xf32> to vector<16x1024xf32>
    %sub3A_3 = arith.subf %get3A_1, %sub3A : vector<16x1024xf32>
    %exp3A = math.exp %sub3A_3 : vector<16x1024xf32>
    %reduce_sum3A = arith.constant dense<0.000000e+00> : vector<1024xf32>
    %reduce_sum3A_4 = vector.multi_reduction <add>, %exp3A, %reduce_sum3A [0] : vector<16x1024xf32> to vector<1024xf32>
    %broadcast_in_dim3A_5 = vector.shape_cast %reduce_sum3A_4 : vector<1024xf32> to vector<1x1024xf32>
    %div3A = arith.constant 1.000000e+00 : f32
    %div3A_6 = vector.broadcast %div3A : f32 to vector<1x1024xf32>
    %div3A_7 = arith.divf %div3A_6, %broadcast_in_dim3A_5 : vector<1x1024xf32>
    %mul3A = vector.broadcast %div3A_7 : vector<1x1024xf32> to vector<16x1024xf32>
    %mul3A_8 = arith.mulf %exp3A, %mul3A : vector<16x1024xf32>
    %iota3A = tpu.iota {dimensions = array<i32: 0>} : vector<16x1024xi32>
    %eq3A = vector.broadcast %broadcast_in_dim3A : vector<1x1024xf32> to vector<16x1024xf32>
    %eq3A_9 = arith.cmpf oeq, %get3A_1, %eq3A : vector<16x1024xf32>
    %jit3A = arith.constant 16 : i32
    %broadcast_in_dim3A_10 = vector.broadcast %jit3A : i32 to vector<16x1024xi32>
    %select_n3A = arith.select %eq3A_9, %iota3A, %broadcast_in_dim3A_10 : vector<16x1024xi1>, vector<16x1024xi32>
    %reduce_min3A = arith.constant dense<2147483647> : vector<1024xi32>
    %reduce_min3A_11 = vector.multi_reduction <minsi>, %select_n3A, %reduce_min3A [0] : vector<16x1024xi32> to vector<1024xi32>
    %broadcast_in_dim3A_12 = vector.shape_cast %reduce_min3A_11 : vector<1024xi32> to vector<1x1024xi32>
    %eq3A_13 = vector.broadcast %broadcast_in_dim3A_12 : vector<1x1024xi32> to vector<16x1024xi32>
    %eq3A_14 = arith.cmpi eq, %iota3A, %eq3A_13 : vector<16x1024xi32>
    %jit3A_15 = arith.constant 0xFF800000 : f32
    %broadcast_in_dim3A_16 = vector.broadcast %jit3A_15 : f32 to vector<16x1024xf32>
    %select_n3A_17 = arith.select %eq3A_14, %broadcast_in_dim3A_16, %get3A_1 : vector<16x1024xi1>, vector<16x1024xf32>
    %reduce_max3A_18 = arith.constant dense<0xFF800000> : vector<1024xf32>
    %reduce_max3A_19 = vector.multi_reduction <maximumf>, %select_n3A_17, %reduce_max3A_18 [0] : vector<16x1024xf32> to vector<1024xf32>
    %broadcast_in_dim3A_20 = vector.shape_cast %reduce_max3A_19 : vector<1024xf32> to vector<1x1024xf32>
    %eq3A_21 = vector.broadcast %broadcast_in_dim3A_20 : vector<1x1024xf32> to vector<16x1024xf32>
    %eq3A_22 = arith.cmpf oeq, %select_n3A_17, %eq3A_21 : vector<16x1024xf32>
    %jit3A_23 = arith.constant 16 : i32
    %broadcast_in_dim3A_24 = vector.broadcast %jit3A_23 : i32 to vector<16x1024xi32>
    %select_n3A_25 = arith.select %eq3A_22, %iota3A, %broadcast_in_dim3A_24 : vector<16x1024xi1>, vector<16x1024xi32>
    %reduce_min3A_26 = arith.constant dense<2147483647> : vector<1024xi32>
    %reduce_min3A_27 = vector.multi_reduction <minsi>, %select_n3A_25, %reduce_min3A_26 [0] : vector<16x1024xi32> to vector<1024xi32>
    %broadcast_in_dim3A_28 = vector.shape_cast %reduce_min3A_27 : vector<1024xi32> to vector<1x1024xi32>
    %sub3A_29 = arith.subf %broadcast_in_dim3A_20, %broadcast_in_dim3A : vector<1x1024xf32>
    %exp3A_30 = math.exp %sub3A_29 : vector<1x1024xf32>
    %add3A = arith.constant 1.000000e+00 : f32
    %add3A_31 = vector.broadcast %add3A : f32 to vector<1x1024xf32>
    %add3A_32 = arith.addf %add3A_31, %exp3A_30 : vector<1x1024xf32>
    %div3A_33 = arith.constant 1.000000e+00 : f32
    %div3A_34 = vector.broadcast %div3A_33 : f32 to vector<1x1024xf32>
    %div3A_35 = arith.divf %div3A_34, %add3A_32 : vector<1x1024xf32>
    %mul3A_36 = arith.mulf %exp3A_30, %div3A_35 : vector<1x1024xf32>
    %concatenate3A = tpu.concatenate %div3A_35, %mul3A_36 in 0 : vector<1x1024xf32>, vector<1x1024xf32> -> vector<2x1024xf32>
    %concatenate3A_37 = tpu.concatenate %broadcast_in_dim3A_12, %broadcast_in_dim3A_28 in 0 : vector<1x1024xi32>, vector<1x1024xi32> -> vector<2x1024xi32>
    %swap3A = arith.constant 0 : index
    %swap3A_38 = arith.constant 0 : index
    %swap3A_39 = vector.load %arg2[%swap3A, %swap3A_38] : memref<16x1024xf32, #tpu.memory_space<vmem>>, vector<16x1024xf32>
    tpu.vector_store %arg2[%swap3A, %swap3A_38], %mul3A_8 {strides = array<i32>} : memref<16x1024xf32, #tpu.memory_space<vmem>>, vector<16x1024xf32>,
    %swap3A_40 = arith.constant 0 : index
    %swap3A_41 = arith.constant 0 : index
    %swap3A_42 = vector.load %arg3[%swap3A_40, %swap3A_41] : memref<2x1024xf32, #tpu.memory_space<vmem>>, vector<2x1024xf32>
    tpu.vector_store %arg3[%swap3A_40, %swap3A_41], %concatenate3A {strides = array<i32>} : memref<2x1024xf32, #tpu.memory_space<vmem>>, vector<2x1024xf32>,
    %swap3A_43 = arith.constant 0 : index
    %swap3A_44 = arith.constant 0 : index
    %swap3A_45 = vector.load %arg4[%swap3A_43, %swap3A_44] : memref<2x1024xi32, #tpu.memory_space<vmem>>, vector<2x1024xi32>
    tpu.vector_store %arg4[%swap3A_43, %swap3A_44], %concatenate3A_37 {strides = array<i32>} : memref<2x1024xi32, #tpu.memory_space<vmem>>, vector<2x1024xi32>,
    return
  }
  func.func @transform_0(%arg0: i32) -> (i32, i32) {
    %c0_i32 = arith.constant 0 : i32
    %c0_i32_0 = arith.constant 0 : i32
    %c0_i32_1 = arith.constant 0 : i32
    return %c0_i32, %c0_i32_0 : i32, i32
  }
  func.func @transform_1(%arg0: i32) -> (i32, i32) {
    %c0_i32 = arith.constant 0 : i32
    %c0_i32_0 = arith.constant 0 : i32
    %c0_i32_1 = arith.constant 0 : i32
    return %c0_i32, %c0_i32_0 : i32, i32
  }
  func.func @transform_2(%arg0: i32) -> (i32, i32) {
    %c0_i32 = arith.constant 0 : i32
    %c0_i32_0 = arith.constant 0 : i32
    %c0_i32_1 = arith.constant 0 : i32
    return %c0_i32, %c0_i32_0 : i32, i32
  }
  func.func @transform_3(%arg0: i32) -> (i32, i32) {
    %c0_i32 = arith.constant 0 : i32
    %c0_i32_0 = arith.constant 0 : i32
    %c0_i32_1 = arith.constant 0 : i32
    return %c0_i32, %c0_i32_0 : i32, i32
  }
}

</mosaic_0001>

<sc_bundles>
// kernel: _router.5.cloned.1.call-start
scs
__scs_entry_jumppad:
0x0: {  	(pc) =	sbr.rel $0x88, $3  }
0x1: {  	(tag) =	ssettag $0x0;
	lr =	simm.s32 $0x1  }
0x2: {  	[smem:$0x3F9F] =	sst lr;
	_ =	strace $0xD0000000  }
0x3: {  	_ = 	snop  }
0x4: {  	_ = 	snop  }
0x5: {  	_ = 	snop  }
0x6: {  	_ = 	snop  }
0x7: {  	_ = 	snop  }
__scs_overlays_trampoline_lowered:
0x8: {  	[smem:$0x3FAE] =	sst s0  }
0x9: {  	[smem:$0x3FAF] =	sst s1  }
0xa: {  	[smem:$0x3FB0] =	sst s2  }
0xb: {  	[smem:$0x3FB1] =	sst s3  }
0xc: {  	[smem:$0x3FB2] =	sst s4  }
0xd: {  	[smem:$0x3FB3] =	sst s5  }
0xe: {  	[smem:$0x3FB4] =	sst s6  }
0xf: {  	[smem:$0x3FB5] =	sst s7  }
0x10: {  	[smem:$0x3FB6] =	sst s8  }
0x11: {  	[smem:$0x3FB7] =	sst s9;
	s0 =	simm.s32 @!p0 $0x0  }
0x12: {  	s1 =	sld [smem:$0x3F9D];
	s0 =	simm.s32 @p0 $0x1  }
0x13: {  	[smem:$0x3FB8] =	sst s0;
	s0 =	simm.s32 @!p1 $0x0  }
0x14: {  	s2 =	sld [smem:$0x3F9C];
	s0 =	simm.s32 @p1 $0x1  }
0x15: {  	[smem:$0x3FB9] =	sst s0;
	s0 =	simm.s32 @!p2 $0x0  }
0x16: {  	s3 =	sld [smem:$0x3FDB];
	s0 =	simm.s32 @p2 $0x1  }
0x17: {  	s4 =	simm.s32 $0x1BF5;
	[smem:$0x3FBB] =	sst s0  }
0x18: {  	s0 =	sld [smem:$0x3F9E];
	_ =	swait.ge [sflag:s4], $0x0  }
0x19: {  	s7 =	sld [smem:$0x3F9F]  }
0x1a: {  	s8 =	sadd.s32 $0xFFFFE003, lr  }
0x1b: {  	s9 =	sadd.s32 $0xFFFFFEF7, lr;
	s5 =	simm.s32 $0xFFFFFFFF;
	p2 =	slt.u32 s8, $0xFFFFF086  }
0x1c: {  	p1 =	slt.u32 s9, $0xF7A;
	s5 =	simm.s32 @!p2 $0x0  }
0x1d: {  	s5 =	simm.s32 @p1 $0x1;
	p0 =	seq.s32 s7, s2  }
0x1e: {  	s7 =	smul.u32 @!p0 $0xF7A, s2;
	p2 =	seq.s32 @!p0 s5, $0x0  }
0x1f: {  	s9 =	smul.u32 $0xF7A, s1;
	s8 =	simm.s32 @!p0 $0x1BF5;
	p2 =	por !p2, p0  }
0x20: {  	[sflag:s8] =	ssyncset.s32 @!p0 $0xFFFFF086;
	s6 =	sadd.s32 @!p0 s3, s7;
	s7 =	simm.s32 @!p0 $0x108  }
0x21: {  	s3 =	sadd.s32 s3, s9;
	s6 =	sadd.s32 @!p0 $0x88, s6;
	s7 =	simm.s32 @p2 $0x1082  }
0x22: {  	[simem:s7], [sflag:s8] =	dma.local @!p0 [hbm:s6], $0xF7A  }
0x23: {  	s9 =	sor.u32 $0xD0000000, s2;
	s6 =	simm.s32 $0x108;
	_ =	swait.ge @!p0 [sflag:s8], $0x0  }
0x24: {  	s3 =	sadd.s32 $0x88, s3;
	s6 =	simm.s32 @!p1 $0x1082;
	[sflag:s4] =	ssyncset.s32 $0xFFFFF086  }
0x25: {  	[simem:s6], [sflag:s4] =	dma.local [hbm:s3], $0xF7A  }
0x26: {  	[smem:$0x3F9F] =	sst s1;
	(tag) =	ssettag s2;
	_ =	strace s9  }
0x27: {  	s1 =	sld [smem:$0x3FAF]  }
0x28: {  	s2 =	sld [smem:$0x3FB0]  }
0x29: {  	s4 =	sld [smem:$0x3FB2]  }
0x2a: {  	p0 =	seq.s32 s5, $0x0;
	s5 =	sld [smem:$0x3FB3]  }
0x2b: {  	s6 =	sld [smem:$0x3FB4]  }
0x2c: {  	s7 =	sld [smem:$0x3FB5]  }
0x2d: {  	s3 =	simm.s32 $0x108;
	s8 =	sld [smem:$0x3FB6]  }
0x2e: {  	s3 =	simm.s32 @!p0 $0x1082;
	s9 =	sld [smem:$0x3FB7]  }
0x2f: {  	lr =	sadd.s32 s0, s3;
	s0 =	sld [smem:$0x3FAE]  }
0x30: {  	s3 =	sld [smem:$0x3FB1]  }
0x31: {  	[smem:$0x3FBA] =	sst s10  }
0x32: {  	s10 =	sld [smem:$0x3FB8];
	_ =	sdelay $0x3  }
0x33: {  	p0 =	seq.s32 s10, $0x1;
	s10 =	sld [smem:$0x3FBA];
	_ =	sdelay $0x3  }
0x34: {  	[smem:$0x3FBA] =	sst s10  }
0x35: {  	s10 =	sld [smem:$0x3FB9];
	_ =	sdelay $0x3  }
0x36: {  	p1 =	seq.s32 s10, $0x1;
	s10 =	sld [smem:$0x3FBA];
	_ =	sdelay $0x3  }
0x37: {  	[smem:$0x3FBA] =	sst s10  }
0x38: {  	s10 =	sld [smem:$0x3FBB]  }
0x39: {  	_ = 	snop;
	(pc) =	sbr.ind lr, $3  }
0x3a: {  	_ = 	snop  }
0x3b: {  	_ = 	snop  }
0x3c: {  	p2 =	seq.s32 s10, $0x1;
	s10 =	sld [smem:$0x3FBA]  }
0x3d: {  	_ =	shalt  }
0x3e: {  	_ =	shalt  }
0x3f: {  	_ =	shalt  }
0x40: {  	_ =	shalt  }
0x41: {  	_ =	shalt  }
0x42: {  	_ =	shalt  }
0x43: {  	_ =	shalt  }
0x44: {  	_ =	shalt  }
0x45: {  	_ =	shalt  }
0x46: {  	_ =	shalt  }
0x47: {  	_ =	shalt  }
0x48: {  	_ =	shalt  }
0x49: {  	_ =	shalt  }
0x4a: {  	_ =	shalt  }
0x4b: {  	_ =	shalt  }
0x4c: {  	_ =	shalt  }
0x4d: {  	_ =	shalt  }
0x4e: {  	_ =	shalt  }
0x4f: {  	_ =	shalt  }
0x50: {  	_ =	shalt  }
0x51: {  	_ =	shalt  }
0x52: {  	_ =	shalt  }
0x53: {  	_ =	shalt  }
0x54: {  	_ =	shalt  }
0x55: {  	_ =	shalt  }
0x56: {  	_ =	shalt  }
0x57: {  	_ =	shalt  }
0x58: {  	_ =	shalt  }
0x59: {  	_ =	shalt  }
0x5a: {  	_ =	shalt  }
0x5b: {  	_ =	shalt  }
0x5c: {  	_ =	shalt  }
0x5d: {  	_ =	shalt  }
0x5e: {  	_ =	shalt  }
0x5f: {  	_ =	shalt  }
0x60: {  	_ =	shalt  }
0x61: {  	_ =	shalt  }
0x62: {  	_ =	shalt  }
0x63: {  	_ =	shalt  }
0x64: {  	_ =	shalt  }
0x65: {  	_ =	shalt  }
0x66: {  	_ =	shalt  }
0x67: {  	_ =	shalt  }
0x68: {  	_ =	shalt  }
0x69: {  	_ =	shalt  }
0x6a: {  	_ =	shalt  }
0x6b: {  	_ =	shalt  }
0x6c: {  	_ =	shalt  }
0x6d: {  	_ =	shalt  }
0x6e: {  	_ =	shalt  }
0x6f: {  	_ =	shalt  }
0x70: {  	_ =	shalt  }
0x71: {  	_ =	shalt  }
0x72: {  	_ =	shalt  }
0x73: {  	_ =	shalt  }
0x74: {  	_ =	shalt  }
0x75: {  	_ =	shalt  }
0x76: {  	_ =	shalt  }
0x77: {  	_ =	shalt  }
0x78: {  	_ =	shalt  }
0x79: {  	_ =	shalt  }
0x7a: {  	_ =	shalt  }
0x7b: {  	_ =	shalt  }
0x7c: {  	_ =	shalt  }
0x7d: {  	_ =	shalt  }
0x7e: {  	_ =	shalt  }
0x7f: {  	_ =	shalt  }
0x80: {  	_ =	shalt  }
0x81: {  	_ =	shalt  }
0x82: {  	_ =	shalt  }
0x83: {  	_ =	shalt  }
0x84: {  	_ =	shalt  }
0x85: {  	_ =	shalt  }
0x86: {  	_ =	shalt  }
0x87: {  	_ =	shalt  }
.Lfunc_end0:
.L_simem_size_0:
called_computation.1_lowered:
.L_overlay_start_0:
0x88: {  	s2 =	sld [smem:$0x3FD9]  }
0x89: {  	s3 =	sld [smem:$0x3FFE];
	_ =	sdelay $0x1  }
0x8a: {  	s1 =	srdreg.scid  }
0x8b: {  	s0 =	sand.u32 $0x1, s1  }
0x8c: {  	s14 =	sshll.u32 s0, $0xA;
	s2 =	sadd.s32 s3, s2  }
0x8d: {  	s2 =	sadd.s32 s2, s14  }
0x8e: {  	[smem:$0x3FC6] =	sst s2  }
0x8f: {  	_ = 	snop  }
0x90: {  	s2 =	sld [smem:$0x3FD0];
	_ =	sdelay $0x2  }
0x91: {  	s15 =	simm.s32 $0xA;
	s4 =	simm.s32 $0x10  }
0x92: {  	[smem:s4], [sflag:s15] =	dma.local [hbm:s2], $0x1  }
0x93: {  	_ =	swait.eq [sflag:s15], $0x1  }
0x94: {  	[sflag:s15] =	ssyncset.done $0x0  }
0x95: {  	s16 =	sld [smem:$0x11];
	[sflag:s15] =	ssyncadd.s32 $0xFFFFFFFF  }
0x96: {  	s17 =	sld [smem:$0x12];
	(tm) =	ssettm $0x1  }
0x97: {  	s18 =	sld [smem:$0x3FFB];
	_ =	sdelay $0x3  }
0x98: {  	_ =	strace s18  }
0x99: {  	s4 =	sld [smem:$0x3FFC];
	_ =	sdelay $0x3  }
0x9a: {  	_ =	strace s4  }
0x9b: {  	s4 =	sld [smem:$0x3FFD];
	_ =	sdelay $0x3  }
0x9c: {  	_ =	strace s4  }
0x9d: {  	_ =	strace $0x8FFFFFFF  }
0x9e: {  	s19 =	sld [smem:$0x3FDB];
	_ =	sdelay $0x1  }
0x9f: {  	s5 =	simm.s32 $_scs_section_size  }
0xa0: {  	s6 =	simm.s32 $_size__tile_overlayer_lowered;
	s7 =	simm.s32 $_tile_overlayer_lowered  }
0xa1: {  	s22 =	simm.s32 $0x1BFF;
	s21 =	sshll.u32 s7, $0x1;
	s4 =	sadd.s32 s5, s19  }
0xa2: {  	s8 =	simm.s32 $0x0;
	s20 =	sshll.u32 s6, $0x1;
	s6 =	sadd.s32 s21, s4  }
0xa3: {  	[timem:s8], [sflag:s22] =	dma.local [hbm:s6], s20  }
0xa4: {  	_ =	swait.ge [sflag:s22], s20  }
0xa5: {  	s5 =	ssub.s32 $0x0, s20;
	[sflag:s22] =	ssyncset.done $0x0  }
0xa6: {  	[sflag:s22] =	ssyncadd.s32 s5;
	_ =	sdelay $0x1  }
0xa7: {  	s23 =	simm.s32 $0x1B8B  }
0xa8: {  	_ =	swait.ge [sflag:s23], $0x1  }
0xa9: {  	[sflag:s23] =	ssyncset.done $0x0  }
0xaa: {  	s25 =	simm.s32 $0x1B8E;
	s24 =	sld [smem:$0x3FFE];
	[sflag:s23] =	ssyncadd.s32 $0xFFFFFFFF  }
0xab: {  	s26 =	simm.s32 $execute0_lowered;
	[smem:$0x3FD2] =	sst s25  }
0xac: {  	s6 =	sshll.u32 s26, $0x1;
	_ =	strace $0x80000049;
	[dreg:$0x1] =	wrdreg $0xFFFFFFFF  }
0xad: {  	s28 =	simm.s32 $_size_execute0_lowered;
	s4 =	sadd.s32 s4, s6;
	[dreg:$0x0] =	wrdreg $0x0  }
0xae: {  	s6 =	sshll.u32 s28, $0x1;
	[dreg:$0x2] =	wrdreg s4  }
0xaf: {  	[dreg:$0x3] =	wrdreg s6  }
0xb0: {  	[dreg:$0x4] =	wrdreg $0xC0  }
0xb1: {  	_ =	task [dreg:s8], $0x5FFFF  }
0xb2: {  	[dreg:$0x1] =	wrdreg $0xFFFFFFFF  }
0xb3: {  	[dreg:$0x0] =	wrdreg $0x60  }
0xb4: {  	[dreg:$0x2] =	wrdreg s24  }
0xb5: {  	[dreg:$0x3] =	wrdreg s17  }
0xb6: {  	[dreg:$0x4] =	wrdreg s16  }
0xb7: {  	[dreg:$0x5] =	wrdreg $0x9  }
0xb8: {  	_ =	task.clear_ibuf [dreg:s8], $0x6FFFF;
	_ =	strace $0x90000049  }
0xb9: {  	s29 =	simm.s32 $0x9;
	_ =	strace $0x8000004B  }
0xba: {  	_ =	swait.ge [sflag:s29], $0x1  }
0xbb: {  	[sflag:s29] =	ssyncadd.s32 $0xFFFFFFFF  }
0xbc: {  	_ =	strace $0x9000004B  }
0xbd: {  	_ =	sfence  }
0xbe: {  	s30 =	sld [smem:$0x0];
	_ =	sdelay $0x2  }
0xbf: {  	s31 =	sshll.u32 s1, $0xD;
	s1 =	sshrl.u32 s1, $0x2  }
0xc0: {  	s3 =	sand.u32 $0x4000, s31;
	s1 =	sadd.s32 s1, s30  }
0xc1: {  	s0 =	sor.u32 s3, s0;
	s1 =	sshll.u32 s1, $0x11  }
0xc2: {  	s0 =	sor.u32 s1, s0  }
0xc3: {  	s0 =	sadd.s32 $0x8F2B, s0  }
0xc4: {  	[sflag:s0] =	ssyncadd.remote.s32 $0x1  }
0xc5: {  	_ =	sfence.sel $0xFFFF  }
0xc6: {  	[dreg:$0x0] =	wrdreg $0xFFFFFFFF;
	(pc) =	sbr.abs _section_cstart, $3  }
0xc7: {  	[dreg:$0x1] =	wrdreg $0xFFFFFFFF  }
0xc8: {  	_ =	task.clear_ibuf [dreg:s8], $0x2FFFF;
	_ =	strace $0x9FFFFFFF  }
0xc9: {  	(tm) =	ssettm $0x7FFFFFFF  }
tec
execute0_lowered:
.L_overlay_start_1:
0x0: {  	(tag) =	ssettag $0x1  }
0x1: {  	s6 =	rddreg [dreg:$0x0]  }
0x2: {  	s1 =	rddreg [dreg:$0x1]  }
0x3: {  	s2 =	rddreg [dreg:$0x2];
	s3 =	srdreg.scid  }
0x4: {  	s0 =	rddreg [dreg:$0x3];
	s4 =	simm.s32 $0x0;
	s10 =	simm.s32 $0x10000  }
0x5: {  	s11 =	simm.s32 $0x0;
	s5 =	sand.u32 $0x1, s3;
	[smem:$0x7FF] =	sst s4  }
0x6: {  	s3 =	stileid.u32;
	s6 =	sadd.s32 $0x7C1000, s6;
	s7 =	ssub.s32 $0x2, s5  }
0x7: {  	s9 =	sshll.u32 s3, $0x6;
	s5 =	sshll.u32 s5, $0x5;
	s8 =	sshrl.u32 s7, $0x1  }
0x8: {  	_ =	strace $0x8000004A;
	s5 =	sor.u32 s5, s9;
	s7 =	ssub.s32 s7, s8  }
0x9: {  	s9 =	simm.s32 $0x8000;
	s8 =	simm.s32 $0x1;
	s7 =	smax.u32 s7, $0x1  }
.LBB2_1:
0xa: {  	[tilespmem:s4], [sflag:$0x1] =	stream.linear.gather [hbm4b:s1+s4], $0x8000, $0x38;
	[tilespmem:$0x10100] =	vst v63  }
0xb: {  	_ =	swait.ge [sflag:s8], $0x8000  }
0xc: {  	[sflag:s8] =	ssyncset.done $0x0  }
0xd: {  	p1 =	por $0x1, $0x1;
	s12 =	simm.s32 $0x0;
	[sflag:s8] =	ssyncadd.s32 $0xFFFF8000  }
.LBB2_2:
0xe: {  	s12 =	sor.u32 s5, s12  }
0xf: {  	s13 =	sshll.u32 s12, $0x8  }
0x10: {  	s14 =	simm.s32 $0x0;
	s13 =	sadd.s32 s13, s6  }
0x11: {  	[tilespmem:s9], [sflag:$0x1] =	stream.linear.gather [hbm4b:s13+s14], $0x8000, $0x38;
	[tilespmem:$0x10100] =	vst v63  }
0x12: {  	_ =	swait.ge [sflag:s8], $0x8000  }
0x13: {  	[sflag:s8] =	ssyncset.done $0x0  }
0x14: {  	s30 =	simm.s32 $0x0;
	[sflag:s8] =	ssyncadd.s32 $0xFFFF8000  }
0x15: {  	v0 =	vld [tilespmem:s30+$0x8000];
	_ =	sdelay $0x4  }
0x16: {  	v1 =	vshrl.u32 v0, $0x10  }
0x17: {  	s13 =	simm.s32 $0x80;
	v1 =	vand.u32 $0x1, v1  }
0x18: {  	v0 =	vadd.s32 v1, v0;
	v1 =	vld [tilespmem:s13+$0xFFFFFF80]  }
0x19: {  	v0 =	vadd.s32 $0x7FFF, v0  }
0x1a: {  	v2 =	vld [tilespmem:s13+$0xFFFFFF90];
	v0 =	vand.u32 $0xFFFF0000, v0  }
0x1b: {  	v3 =	vbroadcast v0, $0x0  }
0x1c: {  	v4 =	vld [tilespmem:s13+$0xFFFFFFA0]  }
0x1d: {  	v1 =	vmul.f32 v3, v1;
	v3 =	vbroadcast v0, $0x1  }
0x1e: {  	v5 =	vimm.f32 $0.0e+00;
	v6 =	vld [tilespmem:s13+$0xFFFFFFB0]  }
0x1f: {  	v1 =	vadd.f32 v1, v5;
	v2 =	vmul.f32 v3, v2;
	v3 =	vbroadcast v0, $0x2  }
0x20: {  	v5 =	vld [tilespmem:s13+$0xFFFFFFC0]  }
0x21: {  	v1 =	vadd.f32 v1, v2;
	v2 =	vmul.f32 v3, v4;
	v3 =	vbroadcast v0, $0x3  }
0x22: {  	v4 =	vld [tilespmem:s13+$0xFFFFFFD0]  }
0x23: {  	v1 =	vadd.f32 v1, v2;
	v2 =	vmul.f32 v3, v6;
	v3 =	vbroadcast v0, $0x4  }
0x24: {  	v6 =	vld [tilespmem:s13+$0xFFFFFFE0]  }
0x25: {  	v1 =	vadd.f32 v1, v2;
	v2 =	vmul.f32 v3, v5;
	v3 =	vbroadcast v0, $0x5  }
0x26: {  	v5 =	vld [tilespmem:s13+$0xFFFFFFF0]  }
0x27: {  	v1 =	vadd.f32 v1, v2;
	v2 =	vmul.f32 v4, v3;
	v3 =	vbroadcast v0, $0x6  }
0x28: {  	v4 =	vld [tilespmem:s13+$0x0]  }
0x29: {  	v1 =	vadd.f32 v1, v2;
	v2 =	vmul.f32 v6, v3;
	v3 =	vbroadcast v0, $0x7  }
0x2a: {  	v6 =	vld [tilespmem:s13+$0x10]  }
0x2b: {  	v7 =	vadd.f32 v1, v2;
	v3 =	vmul.f32 v5, v3;
	v5 =	vbroadcast v0, $0x8  }
0x2c: {  	s31 =	simm.s32 $0x10;
	v2 =	vld [tilespmem:s13+$0x20]  }
0x2d: {  	v8 =	vbroadcast v0, $0x9;
	v1 =	vld [tilespmem:s31+$0x8000];
	v7 =	vadd.f32 v7, v3;
	v4 =	vmul.f32 v4, v5  }
0x2e: {  	v3 =	vld [tilespmem:s13+$0x30]  }
0x2f: {  	v6 =	vmul.f32 v6, v8;
	v5 =	vadd.f32 v7, v4;
	v7 =	vbroadcast v0, $0xA  }
0x30: {  	p0 =	por p1, p1;
	s14 =	simm.s32 $0x80;
	v4 =	vld [tilespmem:s13+$0x40]  }
.LBB2_3:
0x31: {  	p1 =	sne.s32 s14, $0x1FC0;
	v5 =	vadd.f32 v5, v6;
	v2 =	vmul.f32 v2, v7;
	v6 =	vbroadcast v0, $0xB  }
0x32: {  	v7 =	vshrl.u32 v1, $0x10;
	v8 =	vld [tilespmem:s13+$0x50]  }
0x33: {  	v2 =	vadd.f32 v5, v2;
	v3 =	vmul.f32 v3, v6;
	v5 =	vbroadcast v0, $0xC  }
0x34: {  	v6 =	vand.u32 $0x1, v7;
	v7 =	vld [tilespmem:s13+$0x60]  }
0x35: {  	v2 =	vadd.f32 v2, v3;
	v3 =	vmul.f32 v4, v5;
	v4 =	vbroadcast v0, $0xD  }
0x36: {  	v1 =	vadd.s32 v6, v1;
	v5 =	vld [tilespmem:s13+$0x70]  }
0x37: {  	s13 =	sadd.s32 $0x100, s13;
	v2 =	vadd.f32 v2, v3;
	v3 =	vmul.f32 v8, v4;
	v4 =	vbroadcast v0, $0xE  }
0x38: {  	v1 =	vadd.s32 $0x7FFF, v1;
	v6 =	vld [tilespmem:s13+$0xFFFFFF80]  }
0x39: {  	v2 =	vadd.f32 v2, v3;
	v3 =	vmul.f32 v7, v4;
	v4 =	vbroadcast v0, $0xF  }
0x3a: {  	v0 =	vand.u32 $0xFFFF0000, v1;
	v1 =	vld [tilespmem:s13+$0xFFFFFF90]  }
0x3b: {  	v7 =	vbroadcast v0, $0x0;
	v2 =	vadd.f32 v2, v3;
	v3 =	vmul.f32 v5, v4  }
0x3c: {  	v4 =	vld [tilespmem:s13+$0xFFFFFFA0]  }
0x3d: {  	v5 =	vmul.f32 v7, v6;
	v6 =	vbroadcast v0, $0x1;
	v2 =	vadd.f32 v2, v3  }
0x3e: {  	v3 =	vld [tilespmem:s13+$0xFFFFFFB0]  }
0x3f: {  	v2 =	vadd.f32 v5, v2;
	v1 =	vmul.f32 v6, v1;
	v5 =	vbroadcast v0, $0x2  }
0x40: {  	v6 =	vld [tilespmem:s13+$0xFFFFFFC0]  }
0x41: {  	v1 =	vadd.f32 v2, v1;
	v2 =	vmul.f32 v5, v4;
	v4 =	vbroadcast v0, $0x3  }
0x42: {  	v5 =	vld [tilespmem:s13+$0xFFFFFFD0]  }
0x43: {  	v1 =	vadd.f32 v1, v2;
	v2 =	vmul.f32 v4, v3;
	v3 =	vbroadcast v0, $0x4  }
0x44: {  	v4 =	vld [tilespmem:s13+$0xFFFFFFE0]  }
0x45: {  	v1 =	vadd.f32 v1, v2;
	v2 =	vmul.f32 v3, v6;
	v3 =	vbroadcast v0, $0x5  }
0x46: {  	v6 =	vld [tilespmem:s13+$0xFFFFFFF0]  }
0x47: {  	v1 =	vadd.f32 v1, v2;
	v2 =	vmul.f32 v5, v3;
	v3 =	vbroadcast v0, $0x6  }
0x48: {  	v5 =	vld [tilespmem:s13+$0x0]  }
0x49: {  	v1 =	vadd.f32 v1, v2;
	v2 =	vmul.f32 v4, v3;
	v3 =	vbroadcast v0, $0x7  }
0x4a: {  	v4 =	vld [tilespmem:s13+$0x10]  }
0x4b: {  	v7 =	vadd.f32 v1, v2;
	v3 =	vmul.f32 v6, v3;
	v6 =	vbroadcast v0, $0x8  }
.Ltmp0:
0x4c: {  	s15 =	sshra.s32 s14, $0x2;
	v2 =	vld [tilespmem:s13+$0x20];
	(pc) =	sbr.rel @p1 .LBB2_3-.Ltmp0, $4  }
0x4d: {  	v1 =	vld [tilespmem:s15+$0x8000];
	v7 =	vadd.f32 v7, v3;
	v5 =	vmul.f32 v5, v6;
	v6 =	vbroadcast v0, $0x9  }
0x4e: {  	v3 =	vld [tilespmem:s13+$0x30]  }
0x4f: {  	v5 =	vadd.f32 v7, v5;
	v6 =	vmul.f32 v4, v6;
	v7 =	vbroadcast v0, $0xA  }
0x50: {  	s14 =	sadd.s32 $0x40, s14;
	v4 =	vld [tilespmem:s13+$0x40]  }
0x51: {  	v5 =	vadd.f32 v5, v6;
	v2 =	vmul.f32 v2, v7;
	v6 =	vbroadcast v0, $0xB  }
0x52: {  	v8 =	vld [tilespmem:s13+$0x50];
	v7 =	vshrl.u32 v1, $0x10  }
0x53: {  	v2 =	vadd.f32 v5, v2;
	v3 =	vmul.f32 v3, v6;
	v5 =	vbroadcast v0, $0xC  }
0x54: {  	v6 =	vand.u32 $0x1, v7;
	v7 =	vld [tilespmem:s13+$0x60]  }
0x55: {  	v2 =	vadd.f32 v2, v3;
	v3 =	vmul.f32 v4, v5;
	v4 =	vbroadcast v0, $0xD  }
0x56: {  	v1 =	vadd.s32 v6, v1;
	v5 =	vld [tilespmem:s13+$0x70]  }
0x57: {  	s30 =	sadd.s32 $0x100, s13;
	v2 =	vadd.f32 v2, v3;
	v3 =	vmul.f32 v8, v4;
	v4 =	vbroadcast v0, $0xE  }
0x58: {  	v6 =	vld [tilespmem:s30+$0xFFFFFF80];
	v1 =	vadd.s32 $0x7FFF, v1  }
0x59: {  	v0 =	vbroadcast v0, $0xF;
	v2 =	vadd.f32 v2, v3;
	v3 =	vmul.f32 v7, v4  }
0x5a: {  	v1 =	vand.u32 $0xFFFF0000, v1;
	v4 =	vld [tilespmem:s30+$0xFFFFFF90]  }
0x5b: {  	v7 =	vbroadcast v1, $0x0;
	v0 =	vmul.f32 v5, v0;
	v2 =	vadd.f32 v2, v3  }
0x5c: {  	v3 =	vld [tilespmem:s30+$0xFFFFFFA0]  }
0x5d: {  	v5 =	vmul.f32 v7, v6;
	v6 =	vbroadcast v1, $0x1;
	v0 =	vadd.f32 v2, v0  }
0x5e: {  	v2 =	vld [tilespmem:s30+$0xFFFFFFB0]  }
0x5f: {  	v4 =	vmul.f32 v6, v4;
	v0 =	vadd.f32 v5, v0;
	v5 =	vbroadcast v1, $0x2  }
0x60: {  	v6 =	vld [tilespmem:s30+$0xFFFFFFC0]  }
0x61: {  	v0 =	vadd.f32 v0, v4;
	v3 =	vmul.f32 v5, v3;
	v4 =	vbroadcast v1, $0x3  }
0x62: {  	v5 =	vld [tilespmem:s30+$0xFFFFFFD0]  }
0x63: {  	v0 =	vadd.f32 v0, v3;
	v2 =	vmul.f32 v4, v2;
	v3 =	vbroadcast v1, $0x4  }
0x64: {  	v4 =	vld [tilespmem:s30+$0xFFFFFFE0]  }
0x65: {  	v0 =	vadd.f32 v0, v2;
	v2 =	vmul.f32 v3, v6;
	v3 =	vbroadcast v1, $0x5  }
0x66: {  	v6 =	vld [tilespmem:s30+$0xFFFFFFF0]  }
0x67: {  	v0 =	vadd.f32 v0, v2;
	v2 =	vmul.f32 v5, v3;
	v3 =	vbroadcast v1, $0x6  }
0x68: {  	v5 =	vld [tilespmem:s30+$0x0]  }
0x69: {  	v0 =	vadd.f32 v0, v2;
	v2 =	vmul.f32 v4, v3;
	v3 =	vbroadcast v1, $0x7  }
0x6a: {  	v4 =	vld [tilespmem:s30+$0x10]  }
0x6b: {  	v0 =	vadd.f32 v0, v2;
	v2 =	vmul.f32 v6, v3;
	v3 =	vbroadcast v1, $0x8  }
0x6c: {  	v6 =	vld [tilespmem:s30+$0x20]  }
0x6d: {  	v0 =	vadd.f32 v0, v2;
	v2 =	vmul.f32 v5, v3;
	v3 =	vbroadcast v1, $0x9  }
0x6e: {  	v5 =	vld [tilespmem:s30+$0x30]  }
0x6f: {  	v0 =	vadd.f32 v0, v2;
	v2 =	vmul.f32 v4, v3;
	v3 =	vbroadcast v1, $0xA  }
0x70: {  	v4 =	vld [tilespmem:s30+$0x40]  }
0x71: {  	v0 =	vadd.f32 v0, v2;
	v2 =	vmul.f32 v6, v3;
	v3 =	vbroadcast v1, $0xB  }
0x72: {  	v6 =	vld [tilespmem:s30+$0x50]  }
0x73: {  	v0 =	vadd.f32 v0, v2;
	v2 =	vmul.f32 v5, v3;
	v3 =	vbroadcast v1, $0xC  }
0x74: {  	v5 =	vld [tilespmem:s30+$0x60]  }
0x75: {  	v0 =	vadd.f32 v0, v2;
	v2 =	vmul.f32 v4, v3;
	v3 =	vbroadcast v1, $0xD  }
0x76: {  	v4 =	vld [tilespmem:s30+$0x70]  }
0x77: {  	v0 =	vadd.f32 v0, v2;
	v2 =	vmul.f32 v6, v3;
	v3 =	vbroadcast v1, $0xE;
	_ =	sdelay $0x1  }
0x78: {  	v1 =	vbroadcast v1, $0xF;
	v0 =	vadd.f32 v0, v2;
	v2 =	vmul.f32 v5, v3;
	_ =	sdelay $0x1  }
0x79: {  	v1 =	vmul.f32 v4, v1;
	v0 =	vadd.f32 v0, v2;
	_ =	sdelay $0x1  }
0x7a: {  	v0 =	vadd.f32 v0, v1  }
0x7b: {  	s31 =	simm.s32 $0x0  }
0x7c: {  	s13 =	sand.u32 $0x7F0, s31;
	[tilespmem:$0x10000] =	vst v0  }
0x7d: {  	v0 =	vld [tilespmem:s13+$0x8800];
	_ =	sdelay $0x4  }
0x7e: {  	v1 =	vshrl.u32 v0, $0x10  }
0x7f: {  	s13 =	simm.s32 $0x80;
	v1 =	vand.u32 $0x1, v1  }
0x80: {  	v0 =	vadd.s32 v1, v0;
	v1 =	vld [tilespmem:s13+$0xFFFFFF80]  }
0x81: {  	v0 =	vadd.s32 $0x7FFF, v0  }
0x82: {  	v2 =	vld [tilespmem:s13+$0xFFFFFF90];
	v0 =	vand.u32 $0xFFFF0000, v0  }
0x83: {  	v3 =	vbroadcast v0, $0x0  }
0x84: {  	v4 =	vld [tilespmem:s13+$0xFFFFFFA0]  }
0x85: {  	v1 =	vmul.f32 v3, v1;
	v3 =	vbroadcast v0, $0x1  }
0x86: {  	v5 =	vimm.f32 $0.0e+00;
	v6 =	vld [tilespmem:s13+$0xFFFFFFB0]  }
0x87: {  	v1 =	vadd.f32 v1, v5;
	v2 =	vmul.f32 v3, v2;
	v3 =	vbroadcast v0, $0x2  }
0x88: {  	v5 =	vld [tilespmem:s13+$0xFFFFFFC0]  }
0x89: {  	v1 =	vadd.f32 v1, v2;
	v2 =	vmul.f32 v3, v4;
	v3 =	vbroadcast v0, $0x3  }
0x8a: {  	v4 =	vld [tilespmem:s13+$0xFFFFFFD0]  }
0x8b: {  	v1 =	vadd.f32 v1, v2;
	v2 =	vmul.f32 v3, v6;
	v3 =	vbroadcast v0, $0x4  }
0x8c: {  	v6 =	vld [tilespmem:s13+$0xFFFFFFE0]  }
0x8d: {  	v1 =	vadd.f32 v1, v2;
	v2 =	vmul.f32 v3, v5;
	v3 =	vbroadcast v0, $0x5  }
0x8e: {  	v5 =	vld [tilespmem:s13+$0xFFFFFFF0]  }
0x8f: {  	v1 =	vadd.f32 v1, v2;
	v2 =	vmul.f32 v4, v3;
	v3 =	vbroadcast v0, $0x6  }
0x90: {  	v4 =	vld [tilespmem:s13+$0x0]  }
0x91: {  	v1 =	vadd.f32 v1, v2;
	v2 =	vmul.f32 v6, v3;
	v3 =	vbroadcast v0, $0x7  }
0x92: {  	v6 =	vld [tilespmem:s13+$0x10]  }
0x93: {  	s14 =	simm.s32 $0x10;
	v7 =	vadd.f32 v1, v2;
	v3 =	vmul.f32 v5, v3;
	v5 =	vbroadcast v0, $0x8  }
0x94: {  	s14 =	sand.u32 $0x7F0, s14;
	v2 =	vld [tilespmem:s13+$0x20]  }
0x95: {  	v8 =	vbroadcast v0, $0x9;
	v1 =	vld [tilespmem:s14+$0x8800];
	v7 =	vadd.f32 v7, v3;
	v4 =	vmul.f32 v4, v5  }
0x96: {  	v3 =	vld [tilespmem:s13+$0x30]  }
0x97: {  	v6 =	vmul.f32 v6, v8;
	v5 =	vadd.f32 v7, v4;
	v7 =	vbroadcast v0, $0xA  }
0x98: {  	s14 =	simm.s32 $0x20;
	v4 =	vld [tilespmem:s13+$0x40]  }
.LBB2_5:
0x99: {  	p1 =	sne.s32 s14, $0x7F0;
	v5 =	vadd.f32 v5, v6;
	v2 =	vmul.f32 v2, v7;
	v6 =	vbroadcast v0, $0xB  }
0x9a: {  	v7 =	vshrl.u32 v1, $0x10;
	v8 =	vld [tilespmem:s13+$0x50]  }
0x9b: {  	v2 =	vadd.f32 v5, v2;
	v3 =	vmul.f32 v3, v6;
	v5 =	vbroadcast v0, $0xC  }
0x9c: {  	v6 =	vand.u32 $0x1, v7;
	v7 =	vld [tilespmem:s13+$0x60]  }
0x9d: {  	v2 =	vadd.f32 v2, v3;
	v3 =	vmul.f32 v4, v5;
	v4 =	vbroadcast v0, $0xD  }
0x9e: {  	v1 =	vadd.s32 v6, v1;
	v5 =	vld [tilespmem:s13+$0x70]  }
0x9f: {  	s13 =	sadd.s32 $0x100, s13;
	v2 =	vadd.f32 v2, v3;
	v3 =	vmul.f32 v8, v4;
	v4 =	vbroadcast v0, $0xE  }
0xa0: {  	v1 =	vadd.s32 $0x7FFF, v1;
	v6 =	vld [tilespmem:s13+$0xFFFFFF80]  }
0xa1: {  	v2 =	vadd.f32 v2, v3;
	v3 =	vmul.f32 v7, v4;
	v4 =	vbroadcast v0, $0xF  }
0xa2: {  	v0 =	vand.u32 $0xFFFF0000, v1;
	v1 =	vld [tilespmem:s13+$0xFFFFFF90]  }
0xa3: {  	v7 =	vbroadcast v0, $0x0;
	v2 =	vadd.f32 v2, v3;
	v3 =	vmul.f32 v5, v4  }
0xa4: {  	v4 =	vld [tilespmem:s13+$0xFFFFFFA0]  }
0xa5: {  	v5 =	vmul.f32 v7, v6;
	v6 =	vbroadcast v0, $0x1;
	v2 =	vadd.f32 v2, v3  }
0xa6: {  	v3 =	vld [tilespmem:s13+$0xFFFFFFB0]  }
0xa7: {  	v2 =	vadd.f32 v5, v2;
	v1 =	vmul.f32 v6, v1;
	v5 =	vbroadcast v0, $0x2  }
0xa8: {  	v6 =	vld [tilespmem:s13+$0xFFFFFFC0]  }
0xa9: {  	v1 =	vadd.f32 v2, v1;
	v2 =	vmul.f32 v5, v4;
	v4 =	vbroadcast v0, $0x3  }
0xaa: {  	v5 =	vld [tilespmem:s13+$0xFFFFFFD0]  }
0xab: {  	v1 =	vadd.f32 v1, v2;
	v2 =	vmul.f32 v4, v3;
	v3 =	vbroadcast v0, $0x4  }
0xac: {  	v4 =	vld [tilespmem:s13+$0xFFFFFFE0]  }
0xad: {  	v1 =	vadd.f32 v1, v2;
	v2 =	vmul.f32 v3, v6;
	v3 =	vbroadcast v0, $0x5  }
0xae: {  	v6 =	vld [tilespmem:s13+$0xFFFFFFF0]  }
0xaf: {  	v1 =	vadd.f32 v1, v2;
	v2 =	vmul.f32 v5, v3;
	v3 =	vbroadcast v0, $0x6  }
0xb0: {  	v5 =	vld [tilespmem:s13+$0x0]  }
0xb1: {  	v1 =	vadd.f32 v1, v2;
	v2 =	vmul.f32 v4, v3;
	v3 =	vbroadcast v0, $0x7  }
0xb2: {  	v4 =	vld [tilespmem:s13+$0x10]  }
0xb3: {  	v7 =	vadd.f32 v1, v2;
	v3 =	vmul.f32 v6, v3;
	v6 =	vbroadcast v0, $0x8  }
.Ltmp1:
0xb4: {  	s15 =	sand.u32 $0x7F0, s14;
	v2 =	vld [tilespmem:s13+$0x20];
	(pc) =	sbr.rel @p1 .LBB2_5-.Ltmp1, $4  }
0xb5: {  	v1 =	vld [tilespmem:s15+$0x8800];
	v7 =	vadd.f32 v7, v3;
	v5 =	vmul.f32 v5, v6;
	v6 =	vbroadcast v0, $0x9  }
0xb6: {  	v3 =	vld [tilespmem:s13+$0x30]  }
0xb7: {  	v5 =	vadd.f32 v7, v5;
	v6 =	vmul.f32 v4, v6;
	v7 =	vbroadcast v0, $0xA  }
0xb8: {  	s14 =	sadd.s32 $0x10, s14;
	v4 =	vld [tilespmem:s13+$0x40]  }
0xb9: {  	v5 =	vadd.f32 v5, v6;
	v2 =	vmul.f32 v2, v7;
	v6 =	vbroadcast v0, $0xB  }
0xba: {  	v8 =	vld [tilespmem:s13+$0x50];
	v7 =	vshrl.u32 v1, $0x10  }
0xbb: {  	v2 =	vadd.f32 v5, v2;
	v3 =	vmul.f32 v3, v6;
	v5 =	vbroadcast v0, $0xC  }
0xbc: {  	v6 =	vand.u32 $0x1, v7;
	v7 =	vld [tilespmem:s13+$0x60]  }
0xbd: {  	v2 =	vadd.f32 v2, v3;
	v3 =	vmul.f32 v4, v5;
	v4 =	vbroadcast v0, $0xD  }
0xbe: {  	v1 =	vadd.s32 v6, v1;
	v5 =	vld [tilespmem:s13+$0x70]  }
0xbf: {  	s30 =	sadd.s32 $0x100, s13;
	v2 =	vadd.f32 v2, v3;
	v3 =	vmul.f32 v8, v4;
	v4 =	vbroadcast v0, $0xE  }
0xc0: {  	v6 =	vld [tilespmem:s30+$0xFFFFFF80];
	v1 =	vadd.s32 $0x7FFF, v1  }
0xc1: {  	v0 =	vbroadcast v0, $0xF;
	v2 =	vadd.f32 v2, v3;
	v3 =	vmul.f32 v7, v4  }
0xc2: {  	v1 =	vand.u32 $0xFFFF0000, v1;
	v4 =	vld [tilespmem:s30+$0xFFFFFF90]  }
0xc3: {  	v7 =	vbroadcast v1, $0x0;
	v0 =	vmul.f32 v5, v0;
	v2 =	vadd.f32 v2, v3  }
0xc4: {  	v3 =	vld [tilespmem:s30+$0xFFFFFFA0]  }
0xc5: {  	v5 =	vmul.f32 v7, v6;
	v6 =	vbroadcast v1, $0x1;
	v0 =	vadd.f32 v2, v0  }
0xc6: {  	v2 =	vld [tilespmem:s30+$0xFFFFFFB0]  }
0xc7: {  	v4 =	vmul.f32 v6, v4;
	v0 =	vadd.f32 v5, v0;
	v5 =	vbroadcast v1, $0x2  }
0xc8: {  	v6 =	vld [tilespmem:s30+$0xFFFFFFC0]  }
0xc9: {  	v0 =	vadd.f32 v0, v4;
	v3 =	vmul.f32 v5, v3;
	v4 =	vbroadcast v1, $0x3  }
0xca: {  	v5 =	vld [tilespmem:s30+$0xFFFFFFD0]  }
0xcb: {  	v0 =	vadd.f32 v0, v3;
	v2 =	vmul.f32 v4, v2;
	v3 =	vbroadcast v1, $0x4  }
0xcc: {  	v4 =	vld [tilespmem:s30+$0xFFFFFFE0]  }
0xcd: {  	v0 =	vadd.f32 v0, v2;
	v2 =	vmul.f32 v3, v6;
	v3 =	vbroadcast v1, $0x5  }
0xce: {  	v6 =	vld [tilespmem:s30+$0xFFFFFFF0]  }
0xcf: {  	v0 =	vadd.f32 v0, v2;
	v2 =	vmul.f32 v5, v3;
	v3 =	vbroadcast v1, $0x6  }
0xd0: {  	v5 =	vld [tilespmem:s30+$0x0]  }
0xd1: {  	v0 =	vadd.f32 v0, v2;
	v2 =	vmul.f32 v4, v3;
	v3 =	vbroadcast v1, $0x7  }
0xd2: {  	v4 =	vld [tilespmem:s30+$0x10]  }
0xd3: {  	v0 =	vadd.f32 v0, v2;
	v2 =	vmul.f32 v6, v3;
	v3 =	vbroadcast v1, $0x8  }
0xd4: {  	v6 =	vld [tilespmem:s30+$0x20]  }
0xd5: {  	v0 =	vadd.f32 v0, v2;
	v2 =	vmul.f32 v5, v3;
	v3 =	vbroadcast v1, $0x9  }
0xd6: {  	v5 =	vld [tilespmem:s30+$0x30]  }
0xd7: {  	v0 =	vadd.f32 v0, v2;
	v2 =	vmul.f32 v4, v3;
	v3 =	vbroadcast v1, $0xA  }
0xd8: {  	v4 =	vld [tilespmem:s30+$0x40]  }
0xd9: {  	v0 =	vadd.f32 v0, v2;
	v2 =	vmul.f32 v6, v3;
	v3 =	vbroadcast v1, $0xB  }
0xda: {  	v6 =	vld [tilespmem:s30+$0x50]  }
0xdb: {  	v0 =	vadd.f32 v0, v2;
	v2 =	vmul.f32 v5, v3;
	v3 =	vbroadcast v1, $0xC  }
0xdc: {  	v5 =	vld [tilespmem:s30+$0x60]  }
0xdd: {  	v0 =	vadd.f32 v0, v2;
	v2 =	vmul.f32 v4, v3;
	v3 =	vbroadcast v1, $0xD  }
0xde: {  	v4 =	vld [tilespmem:s30+$0x70]  }
0xdf: {  	v0 =	vadd.f32 v0, v2;
	v2 =	vmul.f32 v6, v3;
	v3 =	vbroadcast v1, $0xE;
	_ =	sdelay $0x1  }
0xe0: {  	v1 =	vbroadcast v1, $0xF;
	v0 =	vadd.f32 v0, v2;
	v2 =	vmul.f32 v5, v3;
	_ =	sdelay $0x1  }
0xe1: {  	v1 =	vmul.f32 v4, v1;
	v0 =	vadd.f32 v0, v2;
	_ =	sdelay $0x1  }
0xe2: {  	v0 =	vadd.f32 v0, v1  }
0xe3: {  	s31 =	simm.s32 $0x0  }
0xe4: {  	s13 =	sand.u32 $0x7F0, s31;
	[tilespmem:$0x10010] =	vst v0  }
0xe5: {  	v0 =	vld [tilespmem:s13+$0x9000];
	_ =	sdelay $0x4  }
0xe6: {  	v1 =	vshrl.u32 v0, $0x10  }
0xe7: {  	s13 =	simm.s32 $0x80;
	v1 =	vand.u32 $0x1, v1  }
0xe8: {  	v0 =	vadd.s32 v1, v0;
	v1 =	vld [tilespmem:s13+$0xFFFFFF80]  }
0xe9: {  	v0 =	vadd.s32 $0x7FFF, v0  }
0xea: {  	v2 =	vld [tilespmem:s13+$0xFFFFFF90];
	v0 =	vand.u32 $0xFFFF0000, v0  }
0xeb: {  	v3 =	vbroadcast v0, $0x0  }
0xec: {  	v4 =	vld [tilespmem:s13+$0xFFFFFFA0]  }
0xed: {  	v1 =	vmul.f32 v3, v1;
	v3 =	vbroadcast v0, $0x1  }
0xee: {  	v5 =	vimm.f32 $0.0e+00;
	v6 =	vld [tilespmem:s13+$0xFFFFFFB0]  }
0xef: {  	v1 =	vadd.f32 v1, v5;
	v2 =	vmul.f32 v3, v2;
	v3 =	vbroadcast v0, $0x2  }
0xf0: {  	v5 =	vld [tilespmem:s13+$0xFFFFFFC0]  }
0xf1: {  	v1 =	vadd.f32 v1, v2;
	v2 =	vmul.f32 v3, v4;
	v3 =	vbroadcast v0, $0x3  }
0xf2: {  	v4 =	vld [tilespmem:s13+$0xFFFFFFD0]  }
0xf3: {  	v1 =	vadd.f32 v1, v2;
	v2 =	vmul.f32 v3, v6;
	v3 =	vbroadcast v0, $0x4  }
0xf4: {  	v6 =	vld [tilespmem:s13+$0xFFFFFFE0]  }
0xf5: {  	v1 =	vadd.f32 v1, v2;
	v2 =	vmul.f32 v3, v5;
	v3 =	vbroadcast v0, $0x5  }
0xf6: {  	v5 =	vld [tilespmem:s13+$0xFFFFFFF0]  }
0xf7: {  	v1 =	vadd.f32 v1, v2;
	v2 =	vmul.f32 v4, v3;
	v3 =	vbroadcast v0, $0x6  }
0xf8: {  	v4 =	vld [tilespmem:s13+$0x0]  }
0xf9: {  	v1 =	vadd.f32 v1, v2;
	v2 =	vmul.f32 v6, v3;
	v3 =	vbroadcast v0, $0x7  }
0xfa: {  	v6 =	vld [tilespmem:s13+$0x10]  }
0xfb: {  	s14 =	simm.s32 $0x10;
	v7 =	vadd.f32 v1, v2;
	v3 =	vmul.f32 v5, v3;
	v5 =	vbroadcast v0, $0x8  }
0xfc: {  	s14 =	sand.u32 $0x7F0, s14;
	v2 =	vld [tilespmem:s13+$0x20]  }
0xfd: {  	v8 =	vbroadcast v0, $0x9;
	v1 =	vld [tilespmem:s14+$0x9000];
	v7 =	vadd.f32 v7, v3;
	v4 =	vmul.f32 v4, v5  }
0xfe: {  	v3 =	vld [tilespmem:s13+$0x30]  }
0xff: {  	v6 =	vmul.f32 v6, v8;
	v5 =	vadd.f32 v7, v4;
	v7 =	vbroadcast v0, $0xA  }
0x100: {  	s14 =	simm.s32 $0x20;
	v4 =	vld [tilespmem:s13+$0x40]  }
.LBB2_7:
0x101: {  	p1 =	sne.s32 s14, $0x7F0;
	v5 =	vadd.f32 v5, v6;
	v2 =	vmul.f32 v2, v7;
	v6 =	vbroadcast v0, $0xB  }
0x102: {  	v7 =	vshrl.u32 v1, $0x10;
	v8 =	vld [tilespmem:s13+$0x50]  }
0x103: {  	v2 =	vadd.f32 v5, v2;
	v3 =	vmul.f32 v3, v6;
	v5 =	vbroadcast v0, $0xC  }
0x104: {  	v6 =	vand.u32 $0x1, v7;
	v7 =	vld [tilespmem:s13+$0x60]  }
0x105: {  	v2 =	vadd.f32 v2, v3;
	v3 =	vmul.f32 v4, v5;
	v4 =	vbroadcast v0, $0xD  }
0x106: {  	v1 =	vadd.s32 v6, v1;
	v5 =	vld [tilespmem:s13+$0x70]  }
0x107: {  	s13 =	sadd.s32 $0x100, s13;
	v2 =	vadd.f32 v2, v3;
	v3 =	vmul.f32 v8, v4;
	v4 =	vbroadcast v0, $0xE  }
0x108: {  	v1 =	vadd.s32 $0x7FFF, v1;
	v6 =	vld [tilespmem:s13+$0xFFFFFF80]  }
0x109: {  	v2 =	vadd.f32 v2, v3;
	v3 =	vmul.f32 v7, v4;
	v4 =	vbroadcast v0, $0xF  }
0x10a: {  	v0 =	vand.u32 $0xFFFF0000, v1;
	v1 =	vld [tilespmem:s13+$0xFFFFFF90]  }
0x10b: {  	v7 =	vbroadcast v0, $0x0;
	v2 =	vadd.f32 v2, v3;
	v3 =	vmul.f32 v5, v4  }
0x10c: {  	v4 =	vld [tilespmem:s13+$0xFFFFFFA0]  }
0x10d: {  	v5 =	vmul.f32 v7, v6;
	v6 =	vbroadcast v0, $0x1;
	v2 =	vadd.f32 v2, v3  }
0x10e: {  	v3 =	vld [tilespmem:s13+$0xFFFFFFB0]  }
0x10f: {  	v2 =	vadd.f32 v5, v2;
	v1 =	vmul.f32 v6, v1;
	v5 =	vbroadcast v0, $0x2  }
0x110: {  	v6 =	vld [tilespmem:s13+$0xFFFFFFC0]  }
0x111: {  	v1 =	vadd.f32 v2, v1;
	v2 =	vmul.f32 v5, v4;
	v4 =	vbroadcast v0, $0x3  }
0x112: {  	v5 =	vld [tilespmem:s13+$0xFFFFFFD0]  }
0x113: {  	v1 =	vadd.f32 v1, v2;
	v2 =	vmul.f32 v4, v3;
	v3 =	vbroadcast v0, $0x4  }
0x114: {  	v4 =	vld [tilespmem:s13+$0xFFFFFFE0]  }
0x115: {  	v1 =	vadd.f32 v1, v2;
	v2 =	vmul.f32 v3, v6;
	v3 =	vbroadcast v0, $0x5  }
0x116: {  	v6 =	vld [tilespmem:s13+$0xFFFFFFF0]  }
0x117: {  	v1 =	vadd.f32 v1, v2;
	v2 =	vmul.f32 v5, v3;
	v3 =	vbroadcast v0, $0x6  }
0x118: {  	v5 =	vld [tilespmem:s13+$0x0]  }
0x119: {  	v1 =	vadd.f32 v1, v2;
	v2 =	vmul.f32 v4, v3;
	v3 =	vbroadcast v0, $0x7  }
0x11a: {  	v4 =	vld [tilespmem:s13+$0x10]  }
0x11b: {  	v7 =	vadd.f32 v1, v2;
	v3 =	vmul.f32 v6, v3;
	v6 =	vbroadcast v0, $0x8  }
.Ltmp2:
0x11c: {  	s15 =	sand.u32 $0x7F0, s14;
	v2 =	vld [tilespmem:s13+$0x20];
	(pc) =	sbr.rel @p1 .LBB2_7-.Ltmp2, $4  }
0x11d: {  	v1 =	vld [tilespmem:s15+$0x9000];
	v7 =	vadd.f32 v7, v3;
	v5 =	vmul.f32 v5, v6;
	v6 =	vbroadcast v0, $0x9  }
0x11e: {  	v3 =	vld [tilespmem:s13+$0x30]  }
0x11f: {  	v5 =	vadd.f32 v7, v5;
	v6 =	vmul.f32 v4, v6;
	v7 =	vbroadcast v0, $0xA  }
0x120: {  	s14 =	sadd.s32 $0x10, s14;
	v4 =	vld [tilespmem:s13+$0x40]  }
0x121: {  	v5 =	vadd.f32 v5, v6;
	v2 =	vmul.f32 v2, v7;
	v6 =	vbroadcast v0, $0xB  }
0x122: {  	v8 =	vld [tilespmem:s13+$0x50];
	v7 =	vshrl.u32 v1, $0x10  }
0x123: {  	v2 =	vadd.f32 v5, v2;
	v3 =	vmul.f32 v3, v6;
	v5 =	vbroadcast v0, $0xC  }
0x124: {  	v6 =	vand.u32 $0x1, v7;
	v7 =	vld [tilespmem:s13+$0x60]  }
0x125: {  	v2 =	vadd.f32 v2, v3;
	v3 =	vmul.f32 v4, v5;
	v4 =	vbroadcast v0, $0xD  }
0x126: {  	v1 =	vadd.s32 v6, v1;
	v5 =	vld [tilespmem:s13+$0x70]  }
0x127: {  	s30 =	sadd.s32 $0x100, s13;
	v2 =	vadd.f32 v2, v3;
	v3 =	vmul.f32 v8, v4;
	v4 =	vbroadcast v0, $0xE  }
0x128: {  	v6 =	vld [tilespmem:s30+$0xFFFFFF80];
	v1 =	vadd.s32 $0x7FFF, v1  }
0x129: {  	v0 =	vbroadcast v0, $0xF;
	v2 =	vadd.f32 v2, v3;
	v3 =	vmul.f32 v7, v4  }
0x12a: {  	v1 =	vand.u32 $0xFFFF0000, v1;
	v4 =	vld [tilespmem:s30+$0xFFFFFF90]  }
0x12b: {  	v7 =	vbroadcast v1, $0x0;
	v0 =	vmul.f32 v5, v0;
	v2 =	vadd.f32 v2, v3  }
0x12c: {  	v3 =	vld [tilespmem:s30+$0xFFFFFFA0]  }
0x12d: {  	v5 =	vmul.f32 v7, v6;
	v6 =	vbroadcast v1, $0x1;
	v0 =	vadd.f32 v2, v0  }
0x12e: {  	v2 =	vld [tilespmem:s30+$0xFFFFFFB0]  }
0x12f: {  	v4 =	vmul.f32 v6, v4;
	v0 =	vadd.f32 v5, v0;
	v5 =	vbroadcast v1, $0x2  }
0x130: {  	v6 =	vld [tilespmem:s30+$0xFFFFFFC0]  }
0x131: {  	v0 =	vadd.f32 v0, v4;
	v3 =	vmul.f32 v5, v3;
	v4 =	vbroadcast v1, $0x3  }
0x132: {  	v5 =	vld [tilespmem:s30+$0xFFFFFFD0]  }
0x133: {  	v0 =	vadd.f32 v0, v3;
	v2 =	vmul.f32 v4, v2;
	v3 =	vbroadcast v1, $0x4  }
0x134: {  	v4 =	vld [tilespmem:s30+$0xFFFFFFE0]  }
0x135: {  	v0 =	vadd.f32 v0, v2;
	v2 =	vmul.f32 v3, v6;
	v3 =	vbroadcast v1, $0x5  }
0x136: {  	v6 =	vld [tilespmem:s30+$0xFFFFFFF0]  }
0x137: {  	v0 =	vadd.f32 v0, v2;
	v2 =	vmul.f32 v5, v3;
	v3 =	vbroadcast v1, $0x6  }
0x138: {  	v5 =	vld [tilespmem:s30+$0x0]  }
0x139: {  	v0 =	vadd.f32 v0, v2;
	v2 =	vmul.f32 v4, v3;
	v3 =	vbroadcast v1, $0x7  }
0x13a: {  	v4 =	vld [tilespmem:s30+$0x10]  }
0x13b: {  	v0 =	vadd.f32 v0, v2;
	v2 =	vmul.f32 v6, v3;
	v3 =	vbroadcast v1, $0x8  }
0x13c: {  	v6 =	vld [tilespmem:s30+$0x20]  }
0x13d: {  	v0 =	vadd.f32 v0, v2;
	v2 =	vmul.f32 v5, v3;
	v3 =	vbroadcast v1, $0x9  }
0x13e: {  	v5 =	vld [tilespmem:s30+$0x30]  }
0x13f: {  	v0 =	vadd.f32 v0, v2;
	v2 =	vmul.f32 v4, v3;
	v3 =	vbroadcast v1, $0xA  }
0x140: {  	v4 =	vld [tilespmem:s30+$0x40]  }
0x141: {  	v0 =	vadd.f32 v0, v2;
	v2 =	vmul.f32 v6, v3;
	v3 =	vbroadcast v1, $0xB  }
0x142: {  	v6 =	vld [tilespmem:s30+$0x50]  }
0x143: {  	v0 =	vadd.f32 v0, v2;
	v2 =	vmul.f32 v5, v3;
	v3 =	vbroadcast v1, $0xC  }
0x144: {  	v5 =	vld [tilespmem:s30+$0x60]  }
0x145: {  	v0 =	vadd.f32 v0, v2;
	v2 =	vmul.f32 v4, v3;
	v3 =	vbroadcast v1, $0xD  }
0x146: {  	v4 =	vld [tilespmem:s30+$0x70]  }
0x147: {  	v0 =	vadd.f32 v0, v2;
	v2 =	vmul.f32 v6, v3;
	v3 =	vbroadcast v1, $0xE;
	_ =	sdelay $0x1  }
0x148: {  	v1 =	vbroadcast v1, $0xF;
	v0 =	vadd.f32 v0, v2;
	v2 =	vmul.f32 v5, v3;
	_ =	sdelay $0x1  }
0x149: {  	v1 =	vmul.f32 v4, v1;
	v0 =	vadd.f32 v0, v2;
	_ =	sdelay $0x1  }
0x14a: {  	v0 =	vadd.f32 v0, v1  }
0x14b: {  	s31 =	simm.s32 $0x0  }
0x14c: {  	s13 =	sand.u32 $0x7F0, s31;
	[tilespmem:$0x10020] =	vst v0  }
0x14d: {  	v0 =	vld [tilespmem:s13+$0x9800];
	_ =	sdelay $0x4  }
0x14e: {  	v1 =	vshrl.u32 v0, $0x10  }
0x14f: {  	s13 =	simm.s32 $0x80;
	v1 =	vand.u32 $0x1, v1  }
0x150: {  	v0 =	vadd.s32 v1, v0;
	v1 =	vld [tilespmem:s13+$0xFFFFFF80]  }
0x151: {  	v0 =	vadd.s32 $0x7FFF, v0  }
0x152: {  	v2 =	vld [tilespmem:s13+$0xFFFFFF90];
	v0 =	vand.u32 $0xFFFF0000, v0  }
0x153: {  	v3 =	vbroadcast v0, $0x0  }
0x154: {  	v4 =	vld [tilespmem:s13+$0xFFFFFFA0]  }
0x155: {  	v1 =	vmul.f32 v3, v1;
	v3 =	vbroadcast v0, $0x1  }
0x156: {  	v5 =	vimm.f32 $0.0e+00;
	v6 =	vld [tilespmem:s13+$0xFFFFFFB0]  }
0x157: {  	v1 =	vadd.f32 v1, v5;
	v2 =	vmul.f32 v3, v2;
	v3 =	vbroadcast v0, $0x2  }
0x158: {  	v5 =	vld [tilespmem:s13+$0xFFFFFFC0]  }
0x159: {  	v1 =	vadd.f32 v1, v2;
	v2 =	vmul.f32 v3, v4;
	v3 =	vbroadcast v0, $0x3  }
0x15a: {  	v4 =	vld [tilespmem:s13+$0xFFFFFFD0]  }
0x15b: {  	v1 =	vadd.f32 v1, v2;
	v2 =	vmul.f32 v3, v6;
	v3 =	vbroadcast v0, $0x4  }
0x15c: {  	v6 =	vld [tilespmem:s13+$0xFFFFFFE0]  }
0x15d: {  	v1 =	vadd.f32 v1, v2;
	v2 =	vmul.f32 v3, v5;
	v3 =	vbroadcast v0, $0x5  }
0x15e: {  	v5 =	vld [tilespmem:s13+$0xFFFFFFF0]  }
0x15f: {  	v1 =	vadd.f32 v1, v2;
	v2 =	vmul.f32 v4, v3;
	v3 =	vbroadcast v0, $0x6  }
0x160: {  	v4 =	vld [tilespmem:s13+$0x0]  }
0x161: {  	v1 =	vadd.f32 v1, v2;
	v2 =	vmul.f32 v6, v3;
	v3 =	vbroadcast v0, $0x7  }
0x162: {  	v6 =	vld [tilespmem:s13+$0x10]  }
0x163: {  	s14 =	simm.s32 $0x10;
	v7 =	vadd.f32 v1, v2;
	v3 =	vmul.f32 v5, v3;
	v5 =	vbroadcast v0, $0x8  }
0x164: {  	s14 =	sand.u32 $0x7F0, s14;
	v2 =	vld [tilespmem:s13+$0x20]  }
0x165: {  	v8 =	vbroadcast v0, $0x9;
	v1 =	vld [tilespmem:s14+$0x9800];
	v7 =	vadd.f32 v7, v3;
	v4 =	vmul.f32 v4, v5  }
0x166: {  	v3 =	vld [tilespmem:s13+$0x30]  }
0x167: {  	v6 =	vmul.f32 v6, v8;
	v5 =	vadd.f32 v7, v4;
	v7 =	vbroadcast v0, $0xA  }
0x168: {  	s14 =	simm.s32 $0x20;
	v4 =	vld [tilespmem:s13+$0x40]  }
.LBB2_9:
0x169: {  	p1 =	sne.s32 s14, $0x7F0;
	v5 =	vadd.f32 v5, v6;
	v2 =	vmul.f32 v2, v7;
	v6 =	vbroadcast v0, $0xB  }
0x16a: {  	v7 =	vshrl.u32 v1, $0x10;
	v8 =	vld [tilespmem:s13+$0x50]  }
0x16b: {  	v2 =	vadd.f32 v5, v2;
	v3 =	vmul.f32 v3, v6;
	v5 =	vbroadcast v0, $0xC  }
0x16c: {  	v6 =	vand.u32 $0x1, v7;
	v7 =	vld [tilespmem:s13+$0x60]  }
0x16d: {  	v2 =	vadd.f32 v2, v3;
	v3 =	vmul.f32 v4, v5;
	v4 =	vbroadcast v0, $0xD  }
0x16e: {  	v1 =	vadd.s32 v6, v1;
	v5 =	vld [tilespmem:s13+$0x70]  }
0x16f: {  	s13 =	sadd.s32 $0x100, s13;
	v2 =	vadd.f32 v2, v3;
	v3 =	vmul.f32 v8, v4;
	v4 =	vbroadcast v0, $0xE  }
0x170: {  	v1 =	vadd.s32 $0x7FFF, v1;
	v6 =	vld [tilespmem:s13+$0xFFFFFF80]  }
0x171: {  	v2 =	vadd.f32 v2, v3;
	v3 =	vmul.f32 v7, v4;
	v4 =	vbroadcast v0, $0xF  }
0x172: {  	v0 =	vand.u32 $0xFFFF0000, v1;
	v1 =	vld [tilespmem:s13+$0xFFFFFF90]  }
0x173: {  	v7 =	vbroadcast v0, $0x0;
	v2 =	vadd.f32 v2, v3;
	v3 =	vmul.f32 v5, v4  }
0x174: {  	v4 =	vld [tilespmem:s13+$0xFFFFFFA0]  }
0x175: {  	v5 =	vmul.f32 v7, v6;
	v6 =	vbroadcast v0, $0x1;
	v2 =	vadd.f32 v2, v3  }
0x176: {  	v3 =	vld [tilespmem:s13+$0xFFFFFFB0]  }
0x177: {  	v2 =	vadd.f32 v5, v2;
	v1 =	vmul.f32 v6, v1;
	v5 =	vbroadcast v0, $0x2  }
0x178: {  	v6 =	vld [tilespmem:s13+$0xFFFFFFC0]  }
0x179: {  	v1 =	vadd.f32 v2, v1;
	v2 =	vmul.f32 v5, v4;
	v4 =	vbroadcast v0, $0x3  }
0x17a: {  	v5 =	vld [tilespmem:s13+$0xFFFFFFD0]  }
0x17b: {  	v1 =	vadd.f32 v1, v2;
	v2 =	vmul.f32 v4, v3;
	v3 =	vbroadcast v0, $0x4  }
0x17c: {  	v4 =	vld [tilespmem:s13+$0xFFFFFFE0]  }
0x17d: {  	v1 =	vadd.f32 v1, v2;
	v2 =	vmul.f32 v3, v6;
	v3 =	vbroadcast v0, $0x5  }
0x17e: {  	v6 =	vld [tilespmem:s13+$0xFFFFFFF0]  }
0x17f: {  	v1 =	vadd.f32 v1, v2;
	v2 =	vmul.f32 v5, v3;
	v3 =	vbroadcast v0, $0x6  }
0x180: {  	v5 =	vld [tilespmem:s13+$0x0]  }
0x181: {  	v1 =	vadd.f32 v1, v2;
	v2 =	vmul.f32 v4, v3;
	v3 =	vbroadcast v0, $0x7  }
0x182: {  	v4 =	vld [tilespmem:s13+$0x10]  }
0x183: {  	v7 =	vadd.f32 v1, v2;
	v3 =	vmul.f32 v6, v3;
	v6 =	vbroadcast v0, $0x8  }
.Ltmp3:
0x184: {  	s15 =	sand.u32 $0x7F0, s14;
	v2 =	vld [tilespmem:s13+$0x20];
	(pc) =	sbr.rel @p1 .LBB2_9-.Ltmp3, $4  }
0x185: {  	v1 =	vld [tilespmem:s15+$0x9800];
	v7 =	vadd.f32 v7, v3;
	v5 =	vmul.f32 v5, v6;
	v6 =	vbroadcast v0, $0x9  }
0x186: {  	v3 =	vld [tilespmem:s13+$0x30]  }
0x187: {  	v5 =	vadd.f32 v7, v5;
	v6 =	vmul.f32 v4, v6;
	v7 =	vbroadcast v0, $0xA  }
0x188: {  	s14 =	sadd.s32 $0x10, s14;
	v4 =	vld [tilespmem:s13+$0x40]  }
0x189: {  	v5 =	vadd.f32 v5, v6;
	v2 =	vmul.f32 v2, v7;
	v6 =	vbroadcast v0, $0xB  }
0x18a: {  	v8 =	vld [tilespmem:s13+$0x50];
	v7 =	vshrl.u32 v1, $0x10  }
0x18b: {  	v2 =	vadd.f32 v5, v2;
	v3 =	vmul.f32 v3, v6;
	v5 =	vbroadcast v0, $0xC  }
0x18c: {  	v6 =	vand.u32 $0x1, v7;
	v7 =	vld [tilespmem:s13+$0x60]  }
0x18d: {  	v2 =	vadd.f32 v2, v3;
	v3 =	vmul.f32 v4, v5;
	v4 =	vbroadcast v0, $0xD  }
0x18e: {  	v1 =	vadd.s32 v6, v1;
	v5 =	vld [tilespmem:s13+$0x70]  }
0x18f: {  	s30 =	sadd.s32 $0x100, s13;
	v2 =	vadd.f32 v2, v3;
	v3 =	vmul.f32 v8, v4;
	v4 =	vbroadcast v0, $0xE  }
0x190: {  	v6 =	vld [tilespmem:s30+$0xFFFFFF80];
	v1 =	vadd.s32 $0x7FFF, v1  }
0x191: {  	v0 =	vbroadcast v0, $0xF;
	v2 =	vadd.f32 v2, v3;
	v3 =	vmul.f32 v7, v4  }
0x192: {  	v1 =	vand.u32 $0xFFFF0000, v1;
	v4 =	vld [tilespmem:s30+$0xFFFFFF90]  }
0x193: {  	v7 =	vbroadcast v1, $0x0;
	v0 =	vmul.f32 v5, v0;
	v2 =	vadd.f32 v2, v3  }
0x194: {  	v3 =	vld [tilespmem:s30+$0xFFFFFFA0]  }
0x195: {  	v5 =	vmul.f32 v7, v6;
	v6 =	vbroadcast v1, $0x1;
	v0 =	vadd.f32 v2, v0  }
0x196: {  	v2 =	vld [tilespmem:s30+$0xFFFFFFB0]  }
0x197: {  	v4 =	vmul.f32 v6, v4;
	v0 =	vadd.f32 v5, v0;
	v5 =	vbroadcast v1, $0x2  }
0x198: {  	v6 =	vld [tilespmem:s30+$0xFFFFFFC0]  }
0x199: {  	v0 =	vadd.f32 v0, v4;
	v3 =	vmul.f32 v5, v3;
	v4 =	vbroadcast v1, $0x3  }
0x19a: {  	v5 =	vld [tilespmem:s30+$0xFFFFFFD0]  }
0x19b: {  	v0 =	vadd.f32 v0, v3;
	v2 =	vmul.f32 v4, v2;
	v3 =	vbroadcast v1, $0x4  }
0x19c: {  	v4 =	vld [tilespmem:s30+$0xFFFFFFE0]  }
0x19d: {  	v0 =	vadd.f32 v0, v2;
	v2 =	vmul.f32 v3, v6;
	v3 =	vbroadcast v1, $0x5  }
0x19e: {  	v6 =	vld [tilespmem:s30+$0xFFFFFFF0]  }
0x19f: {  	v0 =	vadd.f32 v0, v2;
	v2 =	vmul.f32 v5, v3;
	v3 =	vbroadcast v1, $0x6  }
0x1a0: {  	v5 =	vld [tilespmem:s30+$0x0]  }
0x1a1: {  	v0 =	vadd.f32 v0, v2;
	v2 =	vmul.f32 v4, v3;
	v3 =	vbroadcast v1, $0x7  }
0x1a2: {  	v4 =	vld [tilespmem:s30+$0x10]  }
0x1a3: {  	v0 =	vadd.f32 v0, v2;
	v2 =	vmul.f32 v6, v3;
	v3 =	vbroadcast v1, $0x8  }
0x1a4: {  	v6 =	vld [tilespmem:s30+$0x20]  }
0x1a5: {  	v0 =	vadd.f32 v0, v2;
	v2 =	vmul.f32 v5, v3;
	v3 =	vbroadcast v1, $0x9  }
0x1a6: {  	v5 =	vld [tilespmem:s30+$0x30]  }
0x1a7: {  	v0 =	vadd.f32 v0, v2;
	v2 =	vmul.f32 v4, v3;
	v3 =	vbroadcast v1, $0xA  }
0x1a8: {  	v4 =	vld [tilespmem:s30+$0x40]  }
0x1a9: {  	v0 =	vadd.f32 v0, v2;
	v2 =	vmul.f32 v6, v3;
	v3 =	vbroadcast v1, $0xB  }
0x1aa: {  	v6 =	vld [tilespmem:s30+$0x50]  }
0x1ab: {  	v0 =	vadd.f32 v0, v2;
	v2 =	vmul.f32 v5, v3;
	v3 =	vbroadcast v1, $0xC  }
0x1ac: {  	v5 =	vld [tilespmem:s30+$0x60]  }
0x1ad: {  	v0 =	vadd.f32 v0, v2;
	v2 =	vmul.f32 v4, v3;
	v3 =	vbroadcast v1, $0xD  }
0x1ae: {  	v4 =	vld [tilespmem:s30+$0x70]  }
0x1af: {  	v0 =	vadd.f32 v0, v2;
	v2 =	vmul.f32 v6, v3;
	v3 =	vbroadcast v1, $0xE;
	_ =	sdelay $0x1  }
0x1b0: {  	v1 =	vbroadcast v1, $0xF;
	v0 =	vadd.f32 v0, v2;
	v2 =	vmul.f32 v5, v3;
	_ =	sdelay $0x1  }
0x1b1: {  	v1 =	vmul.f32 v4, v1;
	v0 =	vadd.f32 v0, v2;
	_ =	sdelay $0x1  }
0x1b2: {  	v0 =	vadd.f32 v0, v1  }
0x1b3: {  	s31 =	simm.s32 $0x0  }
0x1b4: {  	s13 =	sand.u32 $0x7F0, s31;
	[tilespmem:$0x10030] =	vst v0  }
0x1b5: {  	v0 =	vld [tilespmem:s13+$0xA000];
	_ =	sdelay $0x4  }
0x1b6: {  	v1 =	vshrl.u32 v0, $0x10  }
0x1b7: {  	s13 =	simm.s32 $0x80;
	v1 =	vand.u32 $0x1, v1  }
0x1b8: {  	v0 =	vadd.s32 v1, v0;
	v1 =	vld [tilespmem:s13+$0xFFFFFF80]  }
0x1b9: {  	v0 =	vadd.s32 $0x7FFF, v0  }
0x1ba: {  	v2 =	vld [tilespmem:s13+$0xFFFFFF90];
	v0 =	vand.u32 $0xFFFF0000, v0  }
0x1bb: {  	v3 =	vbroadcast v0, $0x0  }
0x1bc: {  	v4 =	vld [tilespmem:s13+$0xFFFFFFA0]  }
0x1bd: {  	v1 =	vmul.f32 v3, v1;
	v3 =	vbroadcast v0, $0x1  }
0x1be: {  	v5 =	vimm.f32 $0.0e+00;
	v6 =	vld [tilespmem:s13+$0xFFFFFFB0]  }
0x1bf: {  	v1 =	vadd.f32 v1, v5;
	v2 =	vmul.f32 v3, v2;
	v3 =	vbroadcast v0, $0x2  }
0x1c0: {  	v5 =	vld [tilespmem:s13+$0xFFFFFFC0]  }
0x1c1: {  	v1 =	vadd.f32 v1, v2;
	v2 =	vmul.f32 v3, v4;
	v3 =	vbroadcast v0, $0x3  }
0x1c2: {  	v4 =	vld [tilespmem:s13+$0xFFFFFFD0]  }
0x1c3: {  	v1 =	vadd.f32 v1, v2;
	v2 =	vmul.f32 v3, v6;
	v3 =	vbroadcast v0, $0x4  }
0x1c4: {  	v6 =	vld [tilespmem:s13+$0xFFFFFFE0]  }
0x1c5: {  	v1 =	vadd.f32 v1, v2;
	v2 =	vmul.f32 v3, v5;
	v3 =	vbroadcast v0, $0x5  }
0x1c6: {  	v5 =	vld [tilespmem:s13+$0xFFFFFFF0]  }
0x1c7: {  	v1 =	vadd.f32 v1, v2;
	v2 =	vmul.f32 v4, v3;
	v3 =	vbroadcast v0, $0x6  }
0x1c8: {  	v4 =	vld [tilespmem:s13+$0x0]  }
0x1c9: {  	v1 =	vadd.f32 v1, v2;
	v2 =	vmul.f32 v6, v3;
	v3 =	vbroadcast v0, $0x7  }
0x1ca: {  	v6 =	vld [tilespmem:s13+$0x10]  }
0x1cb: {  	s14 =	simm.s32 $0x10;
	v7 =	vadd.f32 v1, v2;
	v3 =	vmul.f32 v5, v3;
	v5 =	vbroadcast v0, $0x8  }
0x1cc: {  	s14 =	sand.u32 $0x7F0, s14;
	v2 =	vld [tilespmem:s13+$0x20]  }
0x1cd: {  	v8 =	vbroadcast v0, $0x9;
	v1 =	vld [tilespmem:s14+$0xA000];
	v7 =	vadd.f32 v7, v3;
	v4 =	vmul.f32 v4, v5  }
0x1ce: {  	v3 =	vld [tilespmem:s13+$0x30]  }
0x1cf: {  	v6 =	vmul.f32 v6, v8;
	v5 =	vadd.f32 v7, v4;
	v7 =	vbroadcast v0, $0xA  }
0x1d0: {  	s14 =	simm.s32 $0x20;
	v4 =	vld [tilespmem:s13+$0x40]  }
.LBB2_11:
0x1d1: {  	p1 =	sne.s32 s14, $0x7F0;
	v5 =	vadd.f32 v5, v6;
	v2 =	vmul.f32 v2, v7;
	v6 =	vbroadcast v0, $0xB  }
0x1d2: {  	v7 =	vshrl.u32 v1, $0x10;
	v8 =	vld [tilespmem:s13+$0x50]  }
0x1d3: {  	v2 =	vadd.f32 v5, v2;
	v3 =	vmul.f32 v3, v6;
	v5 =	vbroadcast v0, $0xC  }
0x1d4: {  	v6 =	vand.u32 $0x1, v7;
	v7 =	vld [tilespmem:s13+$0x60]  }
0x1d5: {  	v2 =	vadd.f32 v2, v3;
	v3 =	vmul.f32 v4, v5;
	v4 =	vbroadcast v0, $0xD  }
0x1d6: {  	v1 =	vadd.s32 v6, v1;
	v5 =	vld [tilespmem:s13+$0x70]  }
0x1d7: {  	s13 =	sadd.s32 $0x100, s13;
	v2 =	vadd.f32 v2, v3;
	v3 =	vmul.f32 v8, v4;
	v4 =	vbroadcast v0, $0xE  }
0x1d8: {  	v1 =	vadd.s32 $0x7FFF, v1;
	v6 =	vld [tilespmem:s13+$0xFFFFFF80]  }
0x1d9: {  	v2 =	vadd.f32 v2, v3;
	v3 =	vmul.f32 v7, v4;
	v4 =	vbroadcast v0, $0xF  }
0x1da: {  	v0 =	vand.u32 $0xFFFF0000, v1;
	v1 =	vld [tilespmem:s13+$0xFFFFFF90]  }
0x1db: {  	v7 =	vbroadcast v0, $0x0;
	v2 =	vadd.f32 v2, v3;
	v3 =	vmul.f32 v5, v4  }
0x1dc: {  	v4 =	vld [tilespmem:s13+$0xFFFFFFA0]  }
0x1dd: {  	v5 =	vmul.f32 v7, v6;
	v6 =	vbroadcast v0, $0x1;
	v2 =	vadd.f32 v2, v3  }
0x1de: {  	v3 =	vld [tilespmem:s13+$0xFFFFFFB0]  }
0x1df: {  	v2 =	vadd.f32 v5, v2;
	v1 =	vmul.f32 v6, v1;
	v5 =	vbroadcast v0, $0x2  }
0x1e0: {  	v6 =	vld [tilespmem:s13+$0xFFFFFFC0]  }
0x1e1: {  	v1 =	vadd.f32 v2, v1;
	v2 =	vmul.f32 v5, v4;
	v4 =	vbroadcast v0, $0x3  }
0x1e2: {  	v5 =	vld [tilespmem:s13+$0xFFFFFFD0]  }
0x1e3: {  	v1 =	vadd.f32 v1, v2;
	v2 =	vmul.f32 v4, v3;
	v3 =	vbroadcast v0, $0x4  }
0x1e4: {  	v4 =	vld [tilespmem:s13+$0xFFFFFFE0]  }
0x1e5: {  	v1 =	vadd.f32 v1, v2;
	v2 =	vmul.f32 v3, v6;
	v3 =	vbroadcast v0, $0x5  }
0x1e6: {  	v6 =	vld [tilespmem:s13+$0xFFFFFFF0]  }
0x1e7: {  	v1 =	vadd.f32 v1, v2;
	v2 =	vmul.f32 v5, v3;
	v3 =	vbroadcast v0, $0x6  }
0x1e8: {  	v5 =	vld [tilespmem:s13+$0x0]  }
0x1e9: {  	v1 =	vadd.f32 v1, v2;
	v2 =	vmul.f32 v4, v3;
	v3 =	vbroadcast v0, $0x7  }
0x1ea: {  	v4 =	vld [tilespmem:s13+$0x10]  }
0x1eb: {  	v7 =	vadd.f32 v1, v2;
	v3 =	vmul.f32 v6, v3;
	v6 =	vbroadcast v0, $0x8  }
.Ltmp4:
0x1ec: {  	s15 =	sand.u32 $0x7F0, s14;
	v2 =	vld [tilespmem:s13+$0x20];
	(pc) =	sbr.rel @p1 .LBB2_11-.Ltmp4, $4  }
0x1ed: {  	v1 =	vld [tilespmem:s15+$0xA000];
	v7 =	vadd.f32 v7, v3;
	v5 =	vmul.f32 v5, v6;
	v6 =	vbroadcast v0, $0x9  }
0x1ee: {  	v3 =	vld [tilespmem:s13+$0x30]  }
0x1ef: {  	v5 =	vadd.f32 v7, v5;
	v6 =	vmul.f32 v4, v6;
	v7 =	vbroadcast v0, $0xA  }
0x1f0: {  	s14 =	sadd.s32 $0x10, s14;
	v4 =	vld [tilespmem:s13+$0x40]  }
0x1f1: {  	v5 =	vadd.f32 v5, v6;
	v2 =	vmul.f32 v2, v7;
	v6 =	vbroadcast v0, $0xB  }
0x1f2: {  	v8 =	vld [tilespmem:s13+$0x50];
	v7 =	vshrl.u32 v1, $0x10  }
0x1f3: {  	v2 =	vadd.f32 v5, v2;
	v3 =	vmul.f32 v3, v6;
	v5 =	vbroadcast v0, $0xC  }
0x1f4: {  	v6 =	vand.u32 $0x1, v7;
	v7 =	vld [tilespmem:s13+$0x60]  }
0x1f5: {  	v2 =	vadd.f32 v2, v3;
	v3 =	vmul.f32 v4, v5;
	v4 =	vbroadcast v0, $0xD  }
0x1f6: {  	v1 =	vadd.s32 v6, v1;
	v5 =	vld [tilespmem:s13+$0x70]  }
0x1f7: {  	s30 =	sadd.s32 $0x100, s13;
	v2 =	vadd.f32 v2, v3;
	v3 =	vmul.f32 v8, v4;
	v4 =	vbroadcast v0, $0xE  }
0x1f8: {  	v6 =	vld [tilespmem:s30+$0xFFFFFF80];
	v1 =	vadd.s32 $0x7FFF, v1  }
0x1f9: {  	v0 =	vbroadcast v0, $0xF;
	v2 =	vadd.f32 v2, v3;
	v3 =	vmul.f32 v7, v4  }
0x1fa: {  	v1 =	vand.u32 $0xFFFF0000, v1;
	v4 =	vld [tilespmem:s30+$0xFFFFFF90]  }
0x1fb: {  	v7 =	vbroadcast v1, $0x0;
	v0 =	vmul.f32 v5, v0;
	v2 =	vadd.f32 v2, v3  }
0x1fc: {  	v3 =	vld [tilespmem:s30+$0xFFFFFFA0]  }
0x1fd: {  	v5 =	vmul.f32 v7, v6;
	v6 =	vbroadcast v1, $0x1;
	v0 =	vadd.f32 v2, v0  }
0x1fe: {  	v2 =	vld [tilespmem:s30+$0xFFFFFFB0]  }
0x1ff: {  	v4 =	vmul.f32 v6, v4;
	v0 =	vadd.f32 v5, v0;
	v5 =	vbroadcast v1, $0x2  }
0x200: {  	v6 =	vld [tilespmem:s30+$0xFFFFFFC0]  }
0x201: {  	v0 =	vadd.f32 v0, v4;
	v3 =	vmul.f32 v5, v3;
	v4 =	vbroadcast v1, $0x3  }
0x202: {  	v5 =	vld [tilespmem:s30+$0xFFFFFFD0]  }
0x203: {  	v0 =	vadd.f32 v0, v3;
	v2 =	vmul.f32 v4, v2;
	v3 =	vbroadcast v1, $0x4  }
0x204: {  	v4 =	vld [tilespmem:s30+$0xFFFFFFE0]  }
0x205: {  	v0 =	vadd.f32 v0, v2;
	v2 =	vmul.f32 v3, v6;
	v3 =	vbroadcast v1, $0x5  }
0x206: {  	v6 =	vld [tilespmem:s30+$0xFFFFFFF0]  }
0x207: {  	v0 =	vadd.f32 v0, v2;
	v2 =	vmul.f32 v5, v3;
	v3 =	vbroadcast v1, $0x6  }
0x208: {  	v5 =	vld [tilespmem:s30+$0x0]  }
0x209: {  	v0 =	vadd.f32 v0, v2;
	v2 =	vmul.f32 v4, v3;
	v3 =	vbroadcast v1, $0x7  }
0x20a: {  	v4 =	vld [tilespmem:s30+$0x10]  }
0x20b: {  	v0 =	vadd.f32 v0, v2;
	v2 =	vmul.f32 v6, v3;
	v3 =	vbroadcast v1, $0x8  }
0x20c: {  	v6 =	vld [tilespmem:s30+$0x20]  }
0x20d: {  	v0 =	vadd.f32 v0, v2;
	v2 =	vmul.f32 v5, v3;
	v3 =	vbroadcast v1, $0x9  }
0x20e: {  	v5 =	vld [tilespmem:s30+$0x30]  }
0x20f: {  	v0 =	vadd.f32 v0, v2;
	v2 =	vmul.f32 v4, v3;
	v3 =	vbroadcast v1, $0xA  }
0x210: {  	v4 =	vld [tilespmem:s30+$0x40]  }
0x211: {  	v0 =	vadd.f32 v0, v2;
	v2 =	vmul.f32 v6, v3;
	v3 =	vbroadcast v1, $0xB  }
0x212: {  	v6 =	vld [tilespmem:s30+$0x50]  }
0x213: {  	v0 =	vadd.f32 v0, v2;
	v2 =	vmul.f32 v5, v3;
	v3 =	vbroadcast v1, $0xC  }
0x214: {  	v5 =	vld [tilespmem:s30+$0x60]  }
0x215: {  	v0 =	vadd.f32 v0, v2;
	v2 =	vmul.f32 v4, v3;
	v3 =	vbroadcast v1, $0xD  }
0x216: {  	v4 =	vld [tilespmem:s30+$0x70]  }
0x217: {  	v0 =	vadd.f32 v0, v2;
	v2 =	vmul.f32 v6, v3;
	v3 =	vbroadcast v1, $0xE;
	_ =	sdelay $0x1  }
0x218: {  	v1 =	vbroadcast v1, $0xF;
	v0 =	vadd.f32 v0, v2;
	v2 =	vmul.f32 v5, v3;
	_ =	sdelay $0x1  }
0x219: {  	v1 =	vmul.f32 v4, v1;
	v0 =	vadd.f32 v0, v2;
	_ =	sdelay $0x1  }
0x21a: {  	v0 =	vadd.f32 v0, v1  }
0x21b: {  	s31 =	simm.s32 $0x0  }
0x21c: {  	s13 =	sand.u32 $0x7F0, s31;
	[tilespmem:$0x10040] =	vst v0  }
0x21d: {  	v0 =	vld [tilespmem:s13+$0xA800];
	_ =	sdelay $0x4  }
0x21e: {  	v1 =	vshrl.u32 v0, $0x10  }
0x21f: {  	s13 =	simm.s32 $0x80;
	v1 =	vand.u32 $0x1, v1  }
0x220: {  	v0 =	vadd.s32 v1, v0;
	v1 =	vld [tilespmem:s13+$0xFFFFFF80]  }
0x221: {  	v0 =	vadd.s32 $0x7FFF, v0  }
0x222: {  	v2 =	vld [tilespmem:s13+$0xFFFFFF90];
	v0 =	vand.u32 $0xFFFF0000, v0  }
0x223: {  	v3 =	vbroadcast v0, $0x0  }
0x224: {  	v4 =	vld [tilespmem:s13+$0xFFFFFFA0]  }
0x225: {  	v1 =	vmul.f32 v3, v1;
	v3 =	vbroadcast v0, $0x1  }
0x226: {  	v5 =	vimm.f32 $0.0e+00;
	v6 =	vld [tilespmem:s13+$0xFFFFFFB0]  }
0x227: {  	v1 =	vadd.f32 v1, v5;
	v2 =	vmul.f32 v3, v2;
	v3 =	vbroadcast v0, $0x2  }
0x228: {  	v5 =	vld [tilespmem:s13+$0xFFFFFFC0]  }
0x229: {  	v1 =	vadd.f32 v1, v2;
	v2 =	vmul.f32 v3, v4;
	v3 =	vbroadcast v0, $0x3  }
0x22a: {  	v4 =	vld [tilespmem:s13+$0xFFFFFFD0]  }
0x22b: {  	v1 =	vadd.f32 v1, v2;
	v2 =	vmul.f32 v3, v6;
	v3 =	vbroadcast v0, $0x4  }
0x22c: {  	v6 =	vld [tilespmem:s13+$0xFFFFFFE0]  }
0x22d: {  	v1 =	vadd.f32 v1, v2;
	v2 =	vmul.f32 v3, v5;
	v3 =	vbroadcast v0, $0x5  }
0x22e: {  	v5 =	vld [tilespmem:s13+$0xFFFFFFF0]  }
0x22f: {  	v1 =	vadd.f32 v1, v2;
	v2 =	vmul.f32 v4, v3;
	v3 =	vbroadcast v0, $0x6  }
0x230: {  	v4 =	vld [tilespmem:s13+$0x0]  }
0x231: {  	v1 =	vadd.f32 v1, v2;
	v2 =	vmul.f32 v6, v3;
	v3 =	vbroadcast v0, $0x7  }
0x232: {  	v6 =	vld [tilespmem:s13+$0x10]  }
0x233: {  	s14 =	simm.s32 $0x10;
	v7 =	vadd.f32 v1, v2;
	v3 =	vmul.f32 v5, v3;
	v5 =	vbroadcast v0, $0x8  }
0x234: {  	s14 =	sand.u32 $0x7F0, s14;
	v2 =	vld [tilespmem:s13+$0x20]  }
0x235: {  	v8 =	vbroadcast v0, $0x9;
	v1 =	vld [tilespmem:s14+$0xA800];
	v7 =	vadd.f32 v7, v3;
	v4 =	vmul.f32 v4, v5  }
0x236: {  	v3 =	vld [tilespmem:s13+$0x30]  }
0x237: {  	v6 =	vmul.f32 v6, v8;
	v5 =	vadd.f32 v7, v4;
	v7 =	vbroadcast v0, $0xA  }
0x238: {  	s14 =	simm.s32 $0x20;
	v4 =	vld [tilespmem:s13+$0x40]  }
.LBB2_13:
0x239: {  	p1 =	sne.s32 s14, $0x7F0;
	v5 =	vadd.f32 v5, v6;
	v2 =	vmul.f32 v2, v7;
	v6 =	vbroadcast v0, $0xB  }
0x23a: {  	v7 =	vshrl.u32 v1, $0x10;
	v8 =	vld [tilespmem:s13+$0x50]  }
0x23b: {  	v2 =	vadd.f32 v5, v2;
	v3 =	vmul.f32 v3, v6;
	v5 =	vbroadcast v0, $0xC  }
0x23c: {  	v6 =	vand.u32 $0x1, v7;
	v7 =	vld [tilespmem:s13+$0x60]  }
0x23d: {  	v2 =	vadd.f32 v2, v3;
	v3 =	vmul.f32 v4, v5;
	v4 =	vbroadcast v0, $0xD  }
0x23e: {  	v1 =	vadd.s32 v6, v1;
	v5 =	vld [tilespmem:s13+$0x70]  }
0x23f: {  	s13 =	sadd.s32 $0x100, s13;
	v2 =	vadd.f32 v2, v3;
	v3 =	vmul.f32 v8, v4;
	v4 =	vbroadcast v0, $0xE  }
0x240: {  	v1 =	vadd.s32 $0x7FFF, v1;
	v6 =	vld [tilespmem:s13+$0xFFFFFF80]  }
0x241: {  	v2 =	vadd.f32 v2, v3;
	v3 =	vmul.f32 v7, v4;
	v4 =	vbroadcast v0, $0xF  }
0x242: {  	v0 =	vand.u32 $0xFFFF0000, v1;
	v1 =	vld [tilespmem:s13+$0xFFFFFF90]  }
0x243: {  	v7 =	vbroadcast v0, $0x0;
	v2 =	vadd.f32 v2, v3;
	v3 =	vmul.f32 v5, v4  }
0x244: {  	v4 =	vld [tilespmem:s13+$0xFFFFFFA0]  }
0x245: {  	v5 =	vmul.f32 v7, v6;
	v6 =	vbroadcast v0, $0x1;
	v2 =	vadd.f32 v2, v3  }
0x246: {  	v3 =	vld [tilespmem:s13+$0xFFFFFFB0]  }
0x247: {  	v2 =	vadd.f32 v5, v2;
	v1 =	vmul.f32 v6, v1;
	v5 =	vbroadcast v0, $0x2  }
0x248: {  	v6 =	vld [tilespmem:s13+$0xFFFFFFC0]  }
0x249: {  	v1 =	vadd.f32 v2, v1;
	v2 =	vmul.f32 v5, v4;
	v4 =	vbroadcast v0, $0x3  }
0x24a: {  	v5 =	vld [tilespmem:s13+$0xFFFFFFD0]  }
0x24b: {  	v1 =	vadd.f32 v1, v2;
	v2 =	vmul.f32 v4, v3;
	v3 =	vbroadcast v0, $0x4  }
0x24c: {  	v4 =	vld [tilespmem:s13+$0xFFFFFFE0]  }
0x24d: {  	v1 =	vadd.f32 v1, v2;
	v2 =	vmul.f32 v3, v6;
	v3 =	vbroadcast v0, $0x5  }
0x24e: {  	v6 =	vld [tilespmem:s13+$0xFFFFFFF0]  }
0x24f: {  	v1 =	vadd.f32 v1, v2;
	v2 =	vmul.f32 v5, v3;
	v3 =	vbroadcast v0, $0x6  }
0x250: {  	v5 =	vld [tilespmem:s13+$0x0]  }
0x251: {  	v1 =	vadd.f32 v1, v2;
	v2 =	vmul.f32 v4, v3;
	v3 =	vbroadcast v0, $0x7  }
0x252: {  	v4 =	vld [tilespmem:s13+$0x10]  }
0x253: {  	v7 =	vadd.f32 v1, v2;
	v3 =	vmul.f32 v6, v3;
	v6 =	vbroadcast v0, $0x8  }
.Ltmp5:
0x254: {  	s15 =	sand.u32 $0x7F0, s14;
	v2 =	vld [tilespmem:s13+$0x20];
	(pc) =	sbr.rel @p1 .LBB2_13-.Ltmp5, $4  }
0x255: {  	v1 =	vld [tilespmem:s15+$0xA800];
	v7 =	vadd.f32 v7, v3;
	v5 =	vmul.f32 v5, v6;
	v6 =	vbroadcast v0, $0x9  }
0x256: {  	v3 =	vld [tilespmem:s13+$0x30]  }
0x257: {  	v5 =	vadd.f32 v7, v5;
	v6 =	vmul.f32 v4, v6;
	v7 =	vbroadcast v0, $0xA  }
0x258: {  	s14 =	sadd.s32 $0x10, s14;
	v4 =	vld [tilespmem:s13+$0x40]  }
0x259: {  	v5 =	vadd.f32 v5, v6;
	v2 =	vmul.f32 v2, v7;
	v6 =	vbroadcast v0, $0xB  }
0x25a: {  	v8 =	vld [tilespmem:s13+$0x50];
	v7 =	vshrl.u32 v1, $0x10  }
0x25b: {  	v2 =	vadd.f32 v5, v2;
	v3 =	vmul.f32 v3, v6;
	v5 =	vbroadcast v0, $0xC  }
0x25c: {  	v6 =	vand.u32 $0x1, v7;
	v7 =	vld [tilespmem:s13+$0x60]  }
0x25d: {  	v2 =	vadd.f32 v2, v3;
	v3 =	vmul.f32 v4, v5;
	v4 =	vbroadcast v0, $0xD  }
0x25e: {  	v1 =	vadd.s32 v6, v1;
	v5 =	vld [tilespmem:s13+$0x70]  }
0x25f: {  	s30 =	sadd.s32 $0x100, s13;
	v2 =	vadd.f32 v2, v3;
	v3 =	vmul.f32 v8, v4;
	v4 =	vbroadcast v0, $0xE  }
0x260: {  	v6 =	vld [tilespmem:s30+$0xFFFFFF80];
	v1 =	vadd.s32 $0x7FFF, v1  }
0x261: {  	v0 =	vbroadcast v0, $0xF;
	v2 =	vadd.f32 v2, v3;
	v3 =	vmul.f32 v7, v4  }
0x262: {  	v1 =	vand.u32 $0xFFFF0000, v1;
	v4 =	vld [tilespmem:s30+$0xFFFFFF90]  }
0x263: {  	v7 =	vbroadcast v1, $0x0;
	v0 =	vmul.f32 v5, v0;
	v2 =	vadd.f32 v2, v3  }
0x264: {  	v3 =	vld [tilespmem:s30+$0xFFFFFFA0]  }
0x265: {  	v5 =	vmul.f32 v7, v6;
	v6 =	vbroadcast v1, $0x1;
	v0 =	vadd.f32 v2, v0  }
0x266: {  	v2 =	vld [tilespmem:s30+$0xFFFFFFB0]  }
0x267: {  	v4 =	vmul.f32 v6, v4;
	v0 =	vadd.f32 v5, v0;
	v5 =	vbroadcast v1, $0x2  }
0x268: {  	v6 =	vld [tilespmem:s30+$0xFFFFFFC0]  }
0x269: {  	v0 =	vadd.f32 v0, v4;
	v3 =	vmul.f32 v5, v3;
	v4 =	vbroadcast v1, $0x3  }
0x26a: {  	v5 =	vld [tilespmem:s30+$0xFFFFFFD0]  }
0x26b: {  	v0 =	vadd.f32 v0, v3;
	v2 =	vmul.f32 v4, v2;
	v3 =	vbroadcast v1, $0x4  }
0x26c: {  	v4 =	vld [tilespmem:s30+$0xFFFFFFE0]  }
0x26d: {  	v0 =	vadd.f32 v0, v2;
	v2 =	vmul.f32 v3, v6;
	v3 =	vbroadcast v1, $0x5  }
0x26e: {  	v6 =	vld [tilespmem:s30+$0xFFFFFFF0]  }
0x26f: {  	v0 =	vadd.f32 v0, v2;
	v2 =	vmul.f32 v5, v3;
	v3 =	vbroadcast v1, $0x6  }
0x270: {  	v5 =	vld [tilespmem:s30+$0x0]  }
0x271: {  	v0 =	vadd.f32 v0, v2;
	v2 =	vmul.f32 v4, v3;
	v3 =	vbroadcast v1, $0x7  }
0x272: {  	v4 =	vld [tilespmem:s30+$0x10]  }
0x273: {  	v0 =	vadd.f32 v0, v2;
	v2 =	vmul.f32 v6, v3;
	v3 =	vbroadcast v1, $0x8  }
0x274: {  	v6 =	vld [tilespmem:s30+$0x20]  }
0x275: {  	v0 =	vadd.f32 v0, v2;
	v2 =	vmul.f32 v5, v3;
	v3 =	vbroadcast v1, $0x9  }
0x276: {  	v5 =	vld [tilespmem:s30+$0x30]  }
0x277: {  	v0 =	vadd.f32 v0, v2;
	v2 =	vmul.f32 v4, v3;
	v3 =	vbroadcast v1, $0xA  }
0x278: {  	v4 =	vld [tilespmem:s30+$0x40]  }
0x279: {  	v0 =	vadd.f32 v0, v2;
	v2 =	vmul.f32 v6, v3;
	v3 =	vbroadcast v1, $0xB  }
0x27a: {  	v6 =	vld [tilespmem:s30+$0x50]  }
0x27b: {  	v0 =	vadd.f32 v0, v2;
	v2 =	vmul.f32 v5, v3;
	v3 =	vbroadcast v1, $0xC  }
0x27c: {  	v5 =	vld [tilespmem:s30+$0x60]  }
0x27d: {  	v0 =	vadd.f32 v0, v2;
	v2 =	vmul.f32 v4, v3;
	v3 =	vbroadcast v1, $0xD  }
0x27e: {  	v4 =	vld [tilespmem:s30+$0x70]  }
0x27f: {  	v0 =	vadd.f32 v0, v2;
	v2 =	vmul.f32 v6, v3;
	v3 =	vbroadcast v1, $0xE;
	_ =	sdelay $0x1  }
0x280: {  	v1 =	vbroadcast v1, $0xF;
	v0 =	vadd.f32 v0, v2;
	v2 =	vmul.f32 v5, v3;
	_ =	sdelay $0x1  }
0x281: {  	v1 =	vmul.f32 v4, v1;
	v0 =	vadd.f32 v0, v2;
	_ =	sdelay $0x1  }
0x282: {  	v0 =	vadd.f32 v0, v1  }
0x283: {  	s31 =	simm.s32 $0x0  }
0x284: {  	s13 =	sand.u32 $0x7F0, s31;
	[tilespmem:$0x10050] =	vst v0  }
0x285: {  	v0 =	vld [tilespmem:s13+$0xB000];
	_ =	sdelay $0x4  }
0x286: {  	v1 =	vshrl.u32 v0, $0x10  }
0x287: {  	s13 =	simm.s32 $0x80;
	v1 =	vand.u32 $0x1, v1  }
0x288: {  	v0 =	vadd.s32 v1, v0;
	v1 =	vld [tilespmem:s13+$0xFFFFFF80]  }
0x289: {  	v0 =	vadd.s32 $0x7FFF, v0  }
0x28a: {  	v2 =	vld [tilespmem:s13+$0xFFFFFF90];
	v0 =	vand.u32 $0xFFFF0000, v0  }
0x28b: {  	v3 =	vbroadcast v0, $0x0  }
0x28c: {  	v4 =	vld [tilespmem:s13+$0xFFFFFFA0]  }
0x28d: {  	v1 =	vmul.f32 v3, v1;
	v3 =	vbroadcast v0, $0x1  }
0x28e: {  	v5 =	vimm.f32 $0.0e+00;
	v6 =	vld [tilespmem:s13+$0xFFFFFFB0]  }
0x28f: {  	v1 =	vadd.f32 v1, v5;
	v2 =	vmul.f32 v3, v2;
	v3 =	vbroadcast v0, $0x2  }
0x290: {  	v5 =	vld [tilespmem:s13+$0xFFFFFFC0]  }
0x291: {  	v1 =	vadd.f32 v1, v2;
	v2 =	vmul.f32 v3, v4;
	v3 =	vbroadcast v0, $0x3  }
0x292: {  	v4 =	vld [tilespmem:s13+$0xFFFFFFD0]  }
0x293: {  	v1 =	vadd.f32 v1, v2;
	v2 =	vmul.f32 v3, v6;
	v3 =	vbroadcast v0, $0x4  }
0x294: {  	v6 =	vld [tilespmem:s13+$0xFFFFFFE0]  }
0x295: {  	v1 =	vadd.f32 v1, v2;
	v2 =	vmul.f32 v3, v5;
	v3 =	vbroadcast v0, $0x5  }
0x296: {  	v5 =	vld [tilespmem:s13+$0xFFFFFFF0]  }
0x297: {  	v1 =	vadd.f32 v1, v2;
	v2 =	vmul.f32 v4, v3;
	v3 =	vbroadcast v0, $0x6  }
0x298: {  	v4 =	vld [tilespmem:s13+$0x0]  }
0x299: {  	v1 =	vadd.f32 v1, v2;
	v2 =	vmul.f32 v6, v3;
	v3 =	vbroadcast v0, $0x7  }
0x29a: {  	v6 =	vld [tilespmem:s13+$0x10]  }
0x29b: {  	s14 =	simm.s32 $0x10;
	v7 =	vadd.f32 v1, v2;
	v3 =	vmul.f32 v5, v3;
	v5 =	vbroadcast v0, $0x8  }
0x29c: {  	s14 =	sand.u32 $0x7F0, s14;
	v2 =	vld [tilespmem:s13+$0x20]  }
0x29d: {  	v8 =	vbroadcast v0, $0x9;
	v1 =	vld [tilespmem:s14+$0xB000];
	v7 =	vadd.f32 v7, v3;
	v4 =	vmul.f32 v4, v5  }
0x29e: {  	v3 =	vld [tilespmem:s13+$0x30]  }
0x29f: {  	v6 =	vmul.f32 v6, v8;
	v5 =	vadd.f32 v7, v4;
	v7 =	vbroadcast v0, $0xA  }
0x2a0: {  	s14 =	simm.s32 $0x20;
	v4 =	vld [tilespmem:s13+$0x40]  }
.LBB2_15:
0x2a1: {  	p1 =	sne.s32 s14, $0x7F0;
	v5 =	vadd.f32 v5, v6;
	v2 =	vmul.f32 v2, v7;
	v6 =	vbroadcast v0, $0xB  }
0x2a2: {  	v7 =	vshrl.u32 v1, $0x10;
	v8 =	vld [tilespmem:s13+$0x50]  }
0x2a3: {  	v2 =	vadd.f32 v5, v2;
	v3 =	vmul.f32 v3, v6;
	v5 =	vbroadcast v0, $0xC  }
0x2a4: {  	v6 =	vand.u32 $0x1, v7;
	v7 =	vld [tilespmem:s13+$0x60]  }
0x2a5: {  	v2 =	vadd.f32 v2, v3;
	v3 =	vmul.f32 v4, v5;
	v4 =	vbroadcast v0, $0xD  }
0x2a6: {  	v1 =	vadd.s32 v6, v1;
	v5 =	vld [tilespmem:s13+$0x70]  }
0x2a7: {  	s13 =	sadd.s32 $0x100, s13;
	v2 =	vadd.f32 v2, v3;
	v3 =	vmul.f32 v8, v4;
	v4 =	vbroadcast v0, $0xE  }
0x2a8: {  	v1 =	vadd.s32 $0x7FFF, v1;
	v6 =	vld [tilespmem:s13+$0xFFFFFF80]  }
0x2a9: {  	v2 =	vadd.f32 v2, v3;
	v3 =	vmul.f32 v7, v4;
	v4 =	vbroadcast v0, $0xF  }
0x2aa: {  	v0 =	vand.u32 $0xFFFF0000, v1;
	v1 =	vld [tilespmem:s13+$0xFFFFFF90]  }
0x2ab: {  	v7 =	vbroadcast v0, $0x0;
	v2 =	vadd.f32 v2, v3;
	v3 =	vmul.f32 v5, v4  }
0x2ac: {  	v4 =	vld [tilespmem:s13+$0xFFFFFFA0]  }
0x2ad: {  	v5 =	vmul.f32 v7, v6;
	v6 =	vbroadcast v0, $0x1;
	v2 =	vadd.f32 v2, v3  }
0x2ae: {  	v3 =	vld [tilespmem:s13+$0xFFFFFFB0]  }
0x2af: {  	v2 =	vadd.f32 v5, v2;
	v1 =	vmul.f32 v6, v1;
	v5 =	vbroadcast v0, $0x2  }
0x2b0: {  	v6 =	vld [tilespmem:s13+$0xFFFFFFC0]  }
0x2b1: {  	v1 =	vadd.f32 v2, v1;
	v2 =	vmul.f32 v5, v4;
	v4 =	vbroadcast v0, $0x3  }
0x2b2: {  	v5 =	vld [tilespmem:s13+$0xFFFFFFD0]  }
0x2b3: {  	v1 =	vadd.f32 v1, v2;
	v2 =	vmul.f32 v4, v3;
	v3 =	vbroadcast v0, $0x4  }
0x2b4: {  	v4 =	vld [tilespmem:s13+$0xFFFFFFE0]  }
0x2b5: {  	v1 =	vadd.f32 v1, v2;
	v2 =	vmul.f32 v3, v6;
	v3 =	vbroadcast v0, $0x5  }
0x2b6: {  	v6 =	vld [tilespmem:s13+$0xFFFFFFF0]  }
0x2b7: {  	v1 =	vadd.f32 v1, v2;
	v2 =	vmul.f32 v5, v3;
	v3 =	vbroadcast v0, $0x6  }
0x2b8: {  	v5 =	vld [tilespmem:s13+$0x0]  }
0x2b9: {  	v1 =	vadd.f32 v1, v2;
	v2 =	vmul.f32 v4, v3;
	v3 =	vbroadcast v0, $0x7  }
0x2ba: {  	v4 =	vld [tilespmem:s13+$0x10]  }
0x2bb: {  	v7 =	vadd.f32 v1, v2;
	v3 =	vmul.f32 v6, v3;
	v6 =	vbroadcast v0, $0x8  }
.Ltmp6:
0x2bc: {  	s15 =	sand.u32 $0x7F0, s14;
	v2 =	vld [tilespmem:s13+$0x20];
	(pc) =	sbr.rel @p1 .LBB2_15-.Ltmp6, $4  }
0x2bd: {  	v1 =	vld [tilespmem:s15+$0xB000];
	v7 =	vadd.f32 v7, v3;
	v5 =	vmul.f32 v5, v6;
	v6 =	vbroadcast v0, $0x9  }
0x2be: {  	v3 =	vld [tilespmem:s13+$0x30]  }
0x2bf: {  	v5 =	vadd.f32 v7, v5;
	v6 =	vmul.f32 v4, v6;
	v7 =	vbroadcast v0, $0xA  }
0x2c0: {  	s14 =	sadd.s32 $0x10, s14;
	v4 =	vld [tilespmem:s13+$0x40]  }
0x2c1: {  	v5 =	vadd.f32 v5, v6;
	v2 =	vmul.f32 v2, v7;
	v6 =	vbroadcast v0, $0xB  }
0x2c2: {  	v8 =	vld [tilespmem:s13+$0x50];
	v7 =	vshrl.u32 v1, $0x10  }
0x2c3: {  	v2 =	vadd.f32 v5, v2;
	v3 =	vmul.f32 v3, v6;
	v5 =	vbroadcast v0, $0xC  }
0x2c4: {  	v6 =	vand.u32 $0x1, v7;
	v7 =	vld [tilespmem:s13+$0x60]  }
0x2c5: {  	v2 =	vadd.f32 v2, v3;
	v3 =	vmul.f32 v4, v5;
	v4 =	vbroadcast v0, $0xD  }
0x2c6: {  	v1 =	vadd.s32 v6, v1;
	v5 =	vld [tilespmem:s13+$0x70]  }
0x2c7: {  	s30 =	sadd.s32 $0x100, s13;
	v2 =	vadd.f32 v2, v3;
	v3 =	vmul.f32 v8, v4;
	v4 =	vbroadcast v0, $0xE  }
0x2c8: {  	v6 =	vld [tilespmem:s30+$0xFFFFFF80];
	v1 =	vadd.s32 $0x7FFF, v1  }
0x2c9: {  	v0 =	vbroadcast v0, $0xF;
	v2 =	vadd.f32 v2, v3;
	v3 =	vmul.f32 v7, v4  }
0x2ca: {  	v1 =	vand.u32 $0xFFFF0000, v1;
	v4 =	vld [tilespmem:s30+$0xFFFFFF90]  }
0x2cb: {  	v7 =	vbroadcast v1, $0x0;
	v0 =	vmul.f32 v5, v0;
	v2 =	vadd.f32 v2, v3  }
0x2cc: {  	v3 =	vld [tilespmem:s30+$0xFFFFFFA0]  }
0x2cd: {  	v5 =	vmul.f32 v7, v6;
	v6 =	vbroadcast v1, $0x1;
	v0 =	vadd.f32 v2, v0  }
0x2ce: {  	v2 =	vld [tilespmem:s30+$0xFFFFFFB0]  }
0x2cf: {  	v4 =	vmul.f32 v6, v4;
	v0 =	vadd.f32 v5, v0;
	v5 =	vbroadcast v1, $0x2  }
0x2d0: {  	v6 =	vld [tilespmem:s30+$0xFFFFFFC0]  }
0x2d1: {  	v0 =	vadd.f32 v0, v4;
	v3 =	vmul.f32 v5, v3;
	v4 =	vbroadcast v1, $0x3  }
0x2d2: {  	v5 =	vld [tilespmem:s30+$0xFFFFFFD0]  }
0x2d3: {  	v0 =	vadd.f32 v0, v3;
	v2 =	vmul.f32 v4, v2;
	v3 =	vbroadcast v1, $0x4  }
0x2d4: {  	v4 =	vld [tilespmem:s30+$0xFFFFFFE0]  }
0x2d5: {  	v0 =	vadd.f32 v0, v2;
	v2 =	vmul.f32 v3, v6;
	v3 =	vbroadcast v1, $0x5  }
0x2d6: {  	v6 =	vld [tilespmem:s30+$0xFFFFFFF0]  }
0x2d7: {  	v0 =	vadd.f32 v0, v2;
	v2 =	vmul.f32 v5, v3;
	v3 =	vbroadcast v1, $0x6  }
0x2d8: {  	v5 =	vld [tilespmem:s30+$0x0]  }
0x2d9: {  	v0 =	vadd.f32 v0, v2;
	v2 =	vmul.f32 v4, v3;
	v3 =	vbroadcast v1, $0x7  }
0x2da: {  	v4 =	vld [tilespmem:s30+$0x10]  }
0x2db: {  	v0 =	vadd.f32 v0, v2;
	v2 =	vmul.f32 v6, v3;
	v3 =	vbroadcast v1, $0x8  }
0x2dc: {  	v6 =	vld [tilespmem:s30+$0x20]  }
0x2dd: {  	v0 =	vadd.f32 v0, v2;
	v2 =	vmul.f32 v5, v3;
	v3 =	vbroadcast v1, $0x9  }
0x2de: {  	v5 =	vld [tilespmem:s30+$0x30]  }
0x2df: {  	v0 =	vadd.f32 v0, v2;
	v2 =	vmul.f32 v4, v3;
	v3 =	vbroadcast v1, $0xA  }
0x2e0: {  	v4 =	vld [tilespmem:s30+$0x40]  }
0x2e1: {  	v0 =	vadd.f32 v0, v2;
	v2 =	vmul.f32 v6, v3;
	v3 =	vbroadcast v1, $0xB  }
0x2e2: {  	v6 =	vld [tilespmem:s30+$0x50]  }
0x2e3: {  	v0 =	vadd.f32 v0, v2;
	v2 =	vmul.f32 v5, v3;
	v3 =	vbroadcast v1, $0xC  }
0x2e4: {  	v5 =	vld [tilespmem:s30+$0x60]  }
0x2e5: {  	v0 =	vadd.f32 v0, v2;
	v2 =	vmul.f32 v4, v3;
	v3 =	vbroadcast v1, $0xD  }
0x2e6: {  	v4 =	vld [tilespmem:s30+$0x70]  }
0x2e7: {  	v0 =	vadd.f32 v0, v2;
	v2 =	vmul.f32 v6, v3;
	v3 =	vbroadcast v1, $0xE;
	_ =	sdelay $0x1  }
0x2e8: {  	v1 =	vbroadcast v1, $0xF;
	v0 =	vadd.f32 v0, v2;
	v2 =	vmul.f32 v5, v3;
	_ =	sdelay $0x1  }
0x2e9: {  	v1 =	vmul.f32 v4, v1;
	v0 =	vadd.f32 v0, v2;
	_ =	sdelay $0x1  }
0x2ea: {  	v0 =	vadd.f32 v0, v1  }
0x2eb: {  	s31 =	simm.s32 $0x0  }
0x2ec: {  	s13 =	sand.u32 $0x7F0, s31;
	[tilespmem:$0x10060] =	vst v0  }
0x2ed: {  	v0 =	vld [tilespmem:s13+$0xB800];
	_ =	sdelay $0x4  }
0x2ee: {  	v1 =	vshrl.u32 v0, $0x10  }
0x2ef: {  	s13 =	simm.s32 $0x80;
	v1 =	vand.u32 $0x1, v1  }
0x2f0: {  	v0 =	vadd.s32 v1, v0;
	v1 =	vld [tilespmem:s13+$0xFFFFFF80]  }
0x2f1: {  	v0 =	vadd.s32 $0x7FFF, v0  }
0x2f2: {  	v2 =	vld [tilespmem:s13+$0xFFFFFF90];
	v0 =	vand.u32 $0xFFFF0000, v0  }
0x2f3: {  	v3 =	vbroadcast v0, $0x0  }
0x2f4: {  	v4 =	vld [tilespmem:s13+$0xFFFFFFA0]  }
0x2f5: {  	v1 =	vmul.f32 v3, v1;
	v3 =	vbroadcast v0, $0x1  }
0x2f6: {  	v5 =	vimm.f32 $0.0e+00;
	v6 =	vld [tilespmem:s13+$0xFFFFFFB0]  }
0x2f7: {  	v1 =	vadd.f32 v1, v5;
	v2 =	vmul.f32 v3, v2;
	v3 =	vbroadcast v0, $0x2  }
0x2f8: {  	v5 =	vld [tilespmem:s13+$0xFFFFFFC0]  }
0x2f9: {  	v1 =	vadd.f32 v1, v2;
	v2 =	vmul.f32 v3, v4;
	v3 =	vbroadcast v0, $0x3  }
0x2fa: {  	v4 =	vld [tilespmem:s13+$0xFFFFFFD0]  }
0x2fb: {  	v1 =	vadd.f32 v1, v2;
	v2 =	vmul.f32 v3, v6;
	v3 =	vbroadcast v0, $0x4  }
0x2fc: {  	v6 =	vld [tilespmem:s13+$0xFFFFFFE0]  }
0x2fd: {  	v1 =	vadd.f32 v1, v2;
	v2 =	vmul.f32 v3, v5;
	v3 =	vbroadcast v0, $0x5  }
0x2fe: {  	v5 =	vld [tilespmem:s13+$0xFFFFFFF0]  }
0x2ff: {  	v1 =	vadd.f32 v1, v2;
	v2 =	vmul.f32 v4, v3;
	v3 =	vbroadcast v0, $0x6  }
0x300: {  	v4 =	vld [tilespmem:s13+$0x0]  }
0x301: {  	v1 =	vadd.f32 v1, v2;
	v2 =	vmul.f32 v6, v3;
	v3 =	vbroadcast v0, $0x7  }
0x302: {  	v6 =	vld [tilespmem:s13+$0x10]  }
0x303: {  	s14 =	simm.s32 $0x10;
	v7 =	vadd.f32 v1, v2;
	v3 =	vmul.f32 v5, v3;
	v5 =	vbroadcast v0, $0x8  }
0x304: {  	s14 =	sand.u32 $0x7F0, s14;
	v2 =	vld [tilespmem:s13+$0x20]  }
0x305: {  	v8 =	vbroadcast v0, $0x9;
	v1 =	vld [tilespmem:s14+$0xB800];
	v7 =	vadd.f32 v7, v3;
	v4 =	vmul.f32 v4, v5  }
0x306: {  	v3 =	vld [tilespmem:s13+$0x30]  }
0x307: {  	v6 =	vmul.f32 v6, v8;
	v5 =	vadd.f32 v7, v4;
	v7 =	vbroadcast v0, $0xA  }
0x308: {  	s14 =	simm.s32 $0x20;
	v4 =	vld [tilespmem:s13+$0x40]  }
.LBB2_17:
0x309: {  	p1 =	sne.s32 s14, $0x7F0;
	v5 =	vadd.f32 v5, v6;
	v2 =	vmul.f32 v2, v7;
	v6 =	vbroadcast v0, $0xB  }
0x30a: {  	v7 =	vshrl.u32 v1, $0x10;
	v8 =	vld [tilespmem:s13+$0x50]  }
0x30b: {  	v2 =	vadd.f32 v5, v2;
	v3 =	vmul.f32 v3, v6;
	v5 =	vbroadcast v0, $0xC  }
0x30c: {  	v6 =	vand.u32 $0x1, v7;
	v7 =	vld [tilespmem:s13+$0x60]  }
0x30d: {  	v2 =	vadd.f32 v2, v3;
	v3 =	vmul.f32 v4, v5;
	v4 =	vbroadcast v0, $0xD  }
0x30e: {  	v1 =	vadd.s32 v6, v1;
	v5 =	vld [tilespmem:s13+$0x70]  }
0x30f: {  	s13 =	sadd.s32 $0x100, s13;
	v2 =	vadd.f32 v2, v3;
	v3 =	vmul.f32 v8, v4;
	v4 =	vbroadcast v0, $0xE  }
0x310: {  	v1 =	vadd.s32 $0x7FFF, v1;
	v6 =	vld [tilespmem:s13+$0xFFFFFF80]  }
0x311: {  	v2 =	vadd.f32 v2, v3;
	v3 =	vmul.f32 v7, v4;
	v4 =	vbroadcast v0, $0xF  }
0x312: {  	v0 =	vand.u32 $0xFFFF0000, v1;
	v1 =	vld [tilespmem:s13+$0xFFFFFF90]  }
0x313: {  	v7 =	vbroadcast v0, $0x0;
	v2 =	vadd.f32 v2, v3;
	v3 =	vmul.f32 v5, v4  }
0x314: {  	v4 =	vld [tilespmem:s13+$0xFFFFFFA0]  }
0x315: {  	v5 =	vmul.f32 v7, v6;
	v6 =	vbroadcast v0, $0x1;
	v2 =	vadd.f32 v2, v3  }
0x316: {  	v3 =	vld [tilespmem:s13+$0xFFFFFFB0]  }
0x317: {  	v2 =	vadd.f32 v5, v2;
	v1 =	vmul.f32 v6, v1;
	v5 =	vbroadcast v0, $0x2  }
0x318: {  	v6 =	vld [tilespmem:s13+$0xFFFFFFC0]  }
0x319: {  	v1 =	vadd.f32 v2, v1;
	v2 =	vmul.f32 v5, v4;
	v4 =	vbroadcast v0, $0x3  }
0x31a: {  	v5 =	vld [tilespmem:s13+$0xFFFFFFD0]  }
0x31b: {  	v1 =	vadd.f32 v1, v2;
	v2 =	vmul.f32 v4, v3;
	v3 =	vbroadcast v0, $0x4  }
0x31c: {  	v4 =	vld [tilespmem:s13+$0xFFFFFFE0]  }
0x31d: {  	v1 =	vadd.f32 v1, v2;
	v2 =	vmul.f32 v3, v6;
	v3 =	vbroadcast v0, $0x5  }
0x31e: {  	v6 =	vld [tilespmem:s13+$0xFFFFFFF0]  }
0x31f: {  	v1 =	vadd.f32 v1, v2;
	v2 =	vmul.f32 v5, v3;
	v3 =	vbroadcast v0, $0x6  }
0x320: {  	v5 =	vld [tilespmem:s13+$0x0]  }
0x321: {  	v1 =	vadd.f32 v1, v2;
	v2 =	vmul.f32 v4, v3;
	v3 =	vbroadcast v0, $0x7  }
0x322: {  	v4 =	vld [tilespmem:s13+$0x10]  }
0x323: {  	v7 =	vadd.f32 v1, v2;
	v3 =	vmul.f32 v6, v3;
	v6 =	vbroadcast v0, $0x8  }
.Ltmp7:
0x324: {  	s15 =	sand.u32 $0x7F0, s14;
	v2 =	vld [tilespmem:s13+$0x20];
	(pc) =	sbr.rel @p1 .LBB2_17-.Ltmp7, $4  }
0x325: {  	v1 =	vld [tilespmem:s15+$0xB800];
	v7 =	vadd.f32 v7, v3;
	v5 =	vmul.f32 v5, v6;
	v6 =	vbroadcast v0, $0x9  }
0x326: {  	v3 =	vld [tilespmem:s13+$0x30]  }
0x327: {  	v5 =	vadd.f32 v7, v5;
	v6 =	vmul.f32 v4, v6;
	v7 =	vbroadcast v0, $0xA  }
0x328: {  	s14 =	sadd.s32 $0x10, s14;
	v4 =	vld [tilespmem:s13+$0x40]  }
0x329: {  	v5 =	vadd.f32 v5, v6;
	v2 =	vmul.f32 v2, v7;
	v6 =	vbroadcast v0, $0xB  }
0x32a: {  	v8 =	vld [tilespmem:s13+$0x50];
	v7 =	vshrl.u32 v1, $0x10  }
0x32b: {  	v2 =	vadd.f32 v5, v2;
	v3 =	vmul.f32 v3, v6;
	v5 =	vbroadcast v0, $0xC  }
0x32c: {  	v6 =	vand.u32 $0x1, v7;
	v7 =	vld [tilespmem:s13+$0x60]  }
0x32d: {  	v2 =	vadd.f32 v2, v3;
	v3 =	vmul.f32 v4, v5;
	v4 =	vbroadcast v0, $0xD  }
0x32e: {  	v1 =	vadd.s32 v6, v1;
	v5 =	vld [tilespmem:s13+$0x70]  }
0x32f: {  	s30 =	sadd.s32 $0x100, s13;
	v2 =	vadd.f32 v2, v3;
	v3 =	vmul.f32 v8, v4;
	v4 =	vbroadcast v0, $0xE  }
0x330: {  	v6 =	vld [tilespmem:s30+$0xFFFFFF80];
	v1 =	vadd.s32 $0x7FFF, v1  }
0x331: {  	v0 =	vbroadcast v0, $0xF;
	v2 =	vadd.f32 v2, v3;
	v3 =	vmul.f32 v7, v4  }
0x332: {  	v1 =	vand.u32 $0xFFFF0000, v1;
	v4 =	vld [tilespmem:s30+$0xFFFFFF90]  }
0x333: {  	v7 =	vbroadcast v1, $0x0;
	v0 =	vmul.f32 v5, v0;
	v2 =	vadd.f32 v2, v3  }
0x334: {  	v3 =	vld [tilespmem:s30+$0xFFFFFFA0]  }
0x335: {  	v5 =	vmul.f32 v7, v6;
	v6 =	vbroadcast v1, $0x1;
	v0 =	vadd.f32 v2, v0  }
0x336: {  	v2 =	vld [tilespmem:s30+$0xFFFFFFB0]  }
0x337: {  	v4 =	vmul.f32 v6, v4;
	v0 =	vadd.f32 v5, v0;
	v5 =	vbroadcast v1, $0x2  }
0x338: {  	v6 =	vld [tilespmem:s30+$0xFFFFFFC0]  }
0x339: {  	v0 =	vadd.f32 v0, v4;
	v3 =	vmul.f32 v5, v3;
	v4 =	vbroadcast v1, $0x3  }
0x33a: {  	v5 =	vld [tilespmem:s30+$0xFFFFFFD0]  }
0x33b: {  	v0 =	vadd.f32 v0, v3;
	v2 =	vmul.f32 v4, v2;
	v3 =	vbroadcast v1, $0x4  }
0x33c: {  	v4 =	vld [tilespmem:s30+$0xFFFFFFE0]  }
0x33d: {  	v0 =	vadd.f32 v0, v2;
	v2 =	vmul.f32 v3, v6;
	v3 =	vbroadcast v1, $0x5  }
0x33e: {  	v6 =	vld [tilespmem:s30+$0xFFFFFFF0]  }
0x33f: {  	v0 =	vadd.f32 v0, v2;
	v2 =	vmul.f32 v5, v3;
	v3 =	vbroadcast v1, $0x6  }
0x340: {  	v5 =	vld [tilespmem:s30+$0x0]  }
0x341: {  	v0 =	vadd.f32 v0, v2;
	v2 =	vmul.f32 v4, v3;
	v3 =	vbroadcast v1, $0x7  }
0x342: {  	v4 =	vld [tilespmem:s30+$0x10]  }
0x343: {  	v0 =	vadd.f32 v0, v2;
	v2 =	vmul.f32 v6, v3;
	v3 =	vbroadcast v1, $0x8  }
0x344: {  	v6 =	vld [tilespmem:s30+$0x20]  }
0x345: {  	v0 =	vadd.f32 v0, v2;
	v2 =	vmul.f32 v5, v3;
	v3 =	vbroadcast v1, $0x9  }
0x346: {  	v5 =	vld [tilespmem:s30+$0x30]  }
0x347: {  	v0 =	vadd.f32 v0, v2;
	v2 =	vmul.f32 v4, v3;
	v3 =	vbroadcast v1, $0xA  }
0x348: {  	v4 =	vld [tilespmem:s30+$0x40]  }
0x349: {  	v0 =	vadd.f32 v0, v2;
	v2 =	vmul.f32 v6, v3;
	v3 =	vbroadcast v1, $0xB  }
0x34a: {  	v6 =	vld [tilespmem:s30+$0x50]  }
0x34b: {  	v0 =	vadd.f32 v0, v2;
	v2 =	vmul.f32 v5, v3;
	v3 =	vbroadcast v1, $0xC  }
0x34c: {  	v5 =	vld [tilespmem:s30+$0x60]  }
0x34d: {  	v0 =	vadd.f32 v0, v2;
	v2 =	vmul.f32 v4, v3;
	v3 =	vbroadcast v1, $0xD  }
0x34e: {  	v4 =	vld [tilespmem:s30+$0x70]  }
0x34f: {  	v0 =	vadd.f32 v0, v2;
	v2 =	vmul.f32 v6, v3;
	v3 =	vbroadcast v1, $0xE;
	_ =	sdelay $0x1  }
0x350: {  	v1 =	vbroadcast v1, $0xF;
	v0 =	vadd.f32 v0, v2;
	v2 =	vmul.f32 v5, v3;
	_ =	sdelay $0x1  }
0x351: {  	v1 =	vmul.f32 v4, v1;
	v0 =	vadd.f32 v0, v2;
	_ =	sdelay $0x1  }
0x352: {  	v0 =	vadd.f32 v0, v1  }
0x353: {  	s31 =	simm.s32 $0x0  }
0x354: {  	s13 =	sand.u32 $0x7F0, s31;
	[tilespmem:$0x10070] =	vst v0  }
0x355: {  	v0 =	vld [tilespmem:s13+$0xC000];
	_ =	sdelay $0x4  }
0x356: {  	v1 =	vshrl.u32 v0, $0x10  }
0x357: {  	s13 =	simm.s32 $0x80;
	v1 =	vand.u32 $0x1, v1  }
0x358: {  	v0 =	vadd.s32 v1, v0;
	v1 =	vld [tilespmem:s13+$0xFFFFFF80]  }
0x359: {  	v0 =	vadd.s32 $0x7FFF, v0  }
0x35a: {  	v2 =	vld [tilespmem:s13+$0xFFFFFF90];
	v0 =	vand.u32 $0xFFFF0000, v0  }
0x35b: {  	v3 =	vbroadcast v0, $0x0  }
0x35c: {  	v4 =	vld [tilespmem:s13+$0xFFFFFFA0]  }
0x35d: {  	v1 =	vmul.f32 v3, v1;
	v3 =	vbroadcast v0, $0x1  }
0x35e: {  	v5 =	vimm.f32 $0.0e+00;
	v6 =	vld [tilespmem:s13+$0xFFFFFFB0]  }
0x35f: {  	v1 =	vadd.f32 v1, v5;
	v2 =	vmul.f32 v3, v2;
	v3 =	vbroadcast v0, $0x2  }
0x360: {  	v5 =	vld [tilespmem:s13+$0xFFFFFFC0]  }
0x361: {  	v1 =	vadd.f32 v1, v2;
	v2 =	vmul.f32 v3, v4;
	v3 =	vbroadcast v0, $0x3  }
0x362: {  	v4 =	vld [tilespmem:s13+$0xFFFFFFD0]  }
0x363: {  	v1 =	vadd.f32 v1, v2;
	v2 =	vmul.f32 v3, v6;
	v3 =	vbroadcast v0, $0x4  }
0x364: {  	v6 =	vld [tilespmem:s13+$0xFFFFFFE0]  }
0x365: {  	v1 =	vadd.f32 v1, v2;
	v2 =	vmul.f32 v3, v5;
	v3 =	vbroadcast v0, $0x5  }
0x366: {  	v5 =	vld [tilespmem:s13+$0xFFFFFFF0]  }
0x367: {  	v1 =	vadd.f32 v1, v2;
	v2 =	vmul.f32 v4, v3;
	v3 =	vbroadcast v0, $0x6  }
0x368: {  	v4 =	vld [tilespmem:s13+$0x0]  }
0x369: {  	v1 =	vadd.f32 v1, v2;
	v2 =	vmul.f32 v6, v3;
	v3 =	vbroadcast v0, $0x7  }
0x36a: {  	v6 =	vld [tilespmem:s13+$0x10]  }
0x36b: {  	s14 =	simm.s32 $0x10;
	v7 =	vadd.f32 v1, v2;
	v3 =	vmul.f32 v5, v3;
	v5 =	vbroadcast v0, $0x8  }
0x36c: {  	s14 =	sand.u32 $0x7F0, s14;
	v2 =	vld [tilespmem:s13+$0x20]  }
0x36d: {  	v8 =	vbroadcast v0, $0x9;
	v1 =	vld [tilespmem:s14+$0xC000];
	v7 =	vadd.f32 v7, v3;
	v4 =	vmul.f32 v4, v5  }
0x36e: {  	v3 =	vld [tilespmem:s13+$0x30]  }
0x36f: {  	v6 =	vmul.f32 v6, v8;
	v5 =	vadd.f32 v7, v4;
	v7 =	vbroadcast v0, $0xA  }
0x370: {  	s14 =	simm.s32 $0x20;
	v4 =	vld [tilespmem:s13+$0x40]  }
.LBB2_19:
0x371: {  	p1 =	sne.s32 s14, $0x7F0;
	v5 =	vadd.f32 v5, v6;
	v2 =	vmul.f32 v2, v7;
	v6 =	vbroadcast v0, $0xB  }
0x372: {  	v7 =	vshrl.u32 v1, $0x10;
	v8 =	vld [tilespmem:s13+$0x50]  }
0x373: {  	v2 =	vadd.f32 v5, v2;
	v3 =	vmul.f32 v3, v6;
	v5 =	vbroadcast v0, $0xC  }
0x374: {  	v6 =	vand.u32 $0x1, v7;
	v7 =	vld [tilespmem:s13+$0x60]  }
0x375: {  	v2 =	vadd.f32 v2, v3;
	v3 =	vmul.f32 v4, v5;
	v4 =	vbroadcast v0, $0xD  }
0x376: {  	v1 =	vadd.s32 v6, v1;
	v5 =	vld [tilespmem:s13+$0x70]  }
0x377: {  	s13 =	sadd.s32 $0x100, s13;
	v2 =	vadd.f32 v2, v3;
	v3 =	vmul.f32 v8, v4;
	v4 =	vbroadcast v0, $0xE  }
0x378: {  	v1 =	vadd.s32 $0x7FFF, v1;
	v6 =	vld [tilespmem:s13+$0xFFFFFF80]  }
0x379: {  	v2 =	vadd.f32 v2, v3;
	v3 =	vmul.f32 v7, v4;
	v4 =	vbroadcast v0, $0xF  }
0x37a: {  	v0 =	vand.u32 $0xFFFF0000, v1;
	v1 =	vld [tilespmem:s13+$0xFFFFFF90]  }
0x37b: {  	v7 =	vbroadcast v0, $0x0;
	v2 =	vadd.f32 v2, v3;
	v3 =	vmul.f32 v5, v4  }
0x37c: {  	v4 =	vld [tilespmem:s13+$0xFFFFFFA0]  }
0x37d: {  	v5 =	vmul.f32 v7, v6;
	v6 =	vbroadcast v0, $0x1;
	v2 =	vadd.f32 v2, v3  }
0x37e: {  	v3 =	vld [tilespmem:s13+$0xFFFFFFB0]  }
0x37f: {  	v2 =	vadd.f32 v5, v2;
	v1 =	vmul.f32 v6, v1;
	v5 =	vbroadcast v0, $0x2  }
0x380: {  	v6 =	vld [tilespmem:s13+$0xFFFFFFC0]  }
0x381: {  	v1 =	vadd.f32 v2, v1;
	v2 =	vmul.f32 v5, v4;
	v4 =	vbroadcast v0, $0x3  }
0x382: {  	v5 =	vld [tilespmem:s13+$0xFFFFFFD0]  }
0x383: {  	v1 =	vadd.f32 v1, v2;
	v2 =	vmul.f32 v4, v3;
	v3 =	vbroadcast v0, $0x4  }
0x384: {  	v4 =	vld [tilespmem:s13+$0xFFFFFFE0]  }
0x385: {  	v1 =	vadd.f32 v1, v2;
	v2 =	vmul.f32 v3, v6;
	v3 =	vbroadcast v0, $0x5  }
0x386: {  	v6 =	vld [tilespmem:s13+$0xFFFFFFF0]  }
0x387: {  	v1 =	vadd.f32 v1, v2;
	v2 =	vmul.f32 v5, v3;
	v3 =	vbroadcast v0, $0x6  }
0x388: {  	v5 =	vld [tilespmem:s13+$0x0]  }
0x389: {  	v1 =	vadd.f32 v1, v2;
	v2 =	vmul.f32 v4, v3;
	v3 =	vbroadcast v0, $0x7  }
0x38a: {  	v4 =	vld [tilespmem:s13+$0x10]  }
0x38b: {  	v7 =	vadd.f32 v1, v2;
	v3 =	vmul.f32 v6, v3;
	v6 =	vbroadcast v0, $0x8  }
.Ltmp8:
0x38c: {  	s15 =	sand.u32 $0x7F0, s14;
	v2 =	vld [tilespmem:s13+$0x20];
	(pc) =	sbr.rel @p1 .LBB2_19-.Ltmp8, $4  }
0x38d: {  	v1 =	vld [tilespmem:s15+$0xC000];
	v7 =	vadd.f32 v7, v3;
	v5 =	vmul.f32 v5, v6;
	v6 =	vbroadcast v0, $0x9  }
0x38e: {  	v3 =	vld [tilespmem:s13+$0x30]  }
0x38f: {  	v5 =	vadd.f32 v7, v5;
	v6 =	vmul.f32 v4, v6;
	v7 =	vbroadcast v0, $0xA  }
0x390: {  	s14 =	sadd.s32 $0x10, s14;
	v4 =	vld [tilespmem:s13+$0x40]  }
0x391: {  	v5 =	vadd.f32 v5, v6;
	v2 =	vmul.f32 v2, v7;
	v6 =	vbroadcast v0, $0xB  }
0x392: {  	v8 =	vld [tilespmem:s13+$0x50];
	v7 =	vshrl.u32 v1, $0x10  }
0x393: {  	v2 =	vadd.f32 v5, v2;
	v3 =	vmul.f32 v3, v6;
	v5 =	vbroadcast v0, $0xC  }
0x394: {  	v6 =	vand.u32 $0x1, v7;
	v7 =	vld [tilespmem:s13+$0x60]  }
0x395: {  	v2 =	vadd.f32 v2, v3;
	v3 =	vmul.f32 v4, v5;
	v4 =	vbroadcast v0, $0xD  }
0x396: {  	v1 =	vadd.s32 v6, v1;
	v5 =	vld [tilespmem:s13+$0x70]  }
0x397: {  	s30 =	sadd.s32 $0x100, s13;
	v2 =	vadd.f32 v2, v3;
	v3 =	vmul.f32 v8, v4;
	v4 =	vbroadcast v0, $0xE  }
0x398: {  	v6 =	vld [tilespmem:s30+$0xFFFFFF80];
	v1 =	vadd.s32 $0x7FFF, v1  }
0x399: {  	v0 =	vbroadcast v0, $0xF;
	v2 =	vadd.f32 v2, v3;
	v3 =	vmul.f32 v7, v4  }
0x39a: {  	v1 =	vand.u32 $0xFFFF0000, v1;
	v4 =	vld [tilespmem:s30+$0xFFFFFF90]  }
0x39b: {  	v7 =	vbroadcast v1, $0x0;
	v0 =	vmul.f32 v5, v0;
	v2 =	vadd.f32 v2, v3  }
0x39c: {  	v3 =	vld [tilespmem:s30+$0xFFFFFFA0]  }
0x39d: {  	v5 =	vmul.f32 v7, v6;
	v6 =	vbroadcast v1, $0x1;
	v0 =	vadd.f32 v2, v0  }
0x39e: {  	v2 =	vld [tilespmem:s30+$0xFFFFFFB0]  }
0x39f: {  	v4 =	vmul.f32 v6, v4;
	v0 =	vadd.f32 v5, v0;
	v5 =	vbroadcast v1, $0x2  }
0x3a0: {  	v6 =	vld [tilespmem:s30+$0xFFFFFFC0]  }
0x3a1: {  	v0 =	vadd.f32 v0, v4;
	v3 =	vmul.f32 v5, v3;
	v4 =	vbroadcast v1, $0x3  }
0x3a2: {  	v5 =	vld [tilespmem:s30+$0xFFFFFFD0]  }
0x3a3: {  	v0 =	vadd.f32 v0, v3;
	v2 =	vmul.f32 v4, v2;
	v3 =	vbroadcast v1, $0x4  }
0x3a4: {  	v4 =	vld [tilespmem:s30+$0xFFFFFFE0]  }
0x3a5: {  	v0 =	vadd.f32 v0, v2;
	v2 =	vmul.f32 v3, v6;
	v3 =	vbroadcast v1, $0x5  }
0x3a6: {  	v6 =	vld [tilespmem:s30+$0xFFFFFFF0]  }
0x3a7: {  	v0 =	vadd.f32 v0, v2;
	v2 =	vmul.f32 v5, v3;
	v3 =	vbroadcast v1, $0x6  }
0x3a8: {  	v5 =	vld [tilespmem:s30+$0x0]  }
0x3a9: {  	v0 =	vadd.f32 v0, v2;
	v2 =	vmul.f32 v4, v3;
	v3 =	vbroadcast v1, $0x7  }
0x3aa: {  	v4 =	vld [tilespmem:s30+$0x10]  }
0x3ab: {  	v0 =	vadd.f32 v0, v2;
	v2 =	vmul.f32 v6, v3;
	v3 =	vbroadcast v1, $0x8  }
0x3ac: {  	v6 =	vld [tilespmem:s30+$0x20]  }
0x3ad: {  	v0 =	vadd.f32 v0, v2;
	v2 =	vmul.f32 v5, v3;
	v3 =	vbroadcast v1, $0x9  }
0x3ae: {  	v5 =	vld [tilespmem:s30+$0x30]  }
0x3af: {  	v0 =	vadd.f32 v0, v2;
	v2 =	vmul.f32 v4, v3;
	v3 =	vbroadcast v1, $0xA  }
0x3b0: {  	v4 =	vld [tilespmem:s30+$0x40]  }
0x3b1: {  	v0 =	vadd.f32 v0, v2;
	v2 =	vmul.f32 v6, v3;
	v3 =	vbroadcast v1, $0xB  }
0x3b2: {  	v6 =	vld [tilespmem:s30+$0x50]  }
0x3b3: {  	v0 =	vadd.f32 v0, v2;
	v2 =	vmul.f32 v5, v3;
	v3 =	vbroadcast v1, $0xC  }
0x3b4: {  	v5 =	vld [tilespmem:s30+$0x60]  }
0x3b5: {  	v0 =	vadd.f32 v0, v2;
	v2 =	vmul.f32 v4, v3;
	v3 =	vbroadcast v1, $0xD  }
0x3b6: {  	v4 =	vld [tilespmem:s30+$0x70]  }
0x3b7: {  	v0 =	vadd.f32 v0, v2;
	v2 =	vmul.f32 v6, v3;
	v3 =	vbroadcast v1, $0xE;
	_ =	sdelay $0x1  }
0x3b8: {  	v1 =	vbroadcast v1, $0xF;
	v0 =	vadd.f32 v0, v2;
	v2 =	vmul.f32 v5, v3;
	_ =	sdelay $0x1  }
0x3b9: {  	v1 =	vmul.f32 v4, v1;
	v0 =	vadd.f32 v0, v2;
	_ =	sdelay $0x1  }
0x3ba: {  	v0 =	vadd.f32 v0, v1  }
0x3bb: {  	s31 =	simm.s32 $0x0  }
0x3bc: {  	s13 =	sand.u32 $0x7F0, s31;
	[tilespmem:$0x10080] =	vst v0  }
0x3bd: {  	v0 =	vld [tilespmem:s13+$0xC800];
	_ =	sdelay $0x4  }
0x3be: {  	v1 =	vshrl.u32 v0, $0x10  }
0x3bf: {  	s13 =	simm.s32 $0x80;
	v1 =	vand.u32 $0x1, v1  }
0x3c0: {  	v0 =	vadd.s32 v1, v0;
	v1 =	vld [tilespmem:s13+$0xFFFFFF80]  }
0x3c1: {  	v0 =	vadd.s32 $0x7FFF, v0  }
0x3c2: {  	v2 =	vld [tilespmem:s13+$0xFFFFFF90];
	v0 =	vand.u32 $0xFFFF0000, v0  }
0x3c3: {  	v3 =	vbroadcast v0, $0x0  }
0x3c4: {  	v4 =	vld [tilespmem:s13+$0xFFFFFFA0]  }
0x3c5: {  	v1 =	vmul.f32 v3, v1;
	v3 =	vbroadcast v0, $0x1  }
0x3c6: {  	v5 =	vimm.f32 $0.0e+00;
	v6 =	vld [tilespmem:s13+$0xFFFFFFB0]  }
0x3c7: {  	v1 =	vadd.f32 v1, v5;
	v2 =	vmul.f32 v3, v2;
	v3 =	vbroadcast v0, $0x2  }
0x3c8: {  	v5 =	vld [tilespmem:s13+$0xFFFFFFC0]  }
0x3c9: {  	v1 =	vadd.f32 v1, v2;
	v2 =	vmul.f32 v3, v4;
	v3 =	vbroadcast v0, $0x3  }
0x3ca: {  	v4 =	vld [tilespmem:s13+$0xFFFFFFD0]  }
0x3cb: {  	v1 =	vadd.f32 v1, v2;
	v2 =	vmul.f32 v3, v6;
	v3 =	vbroadcast v0, $0x4  }
0x3cc: {  	v6 =	vld [tilespmem:s13+$0xFFFFFFE0]  }
0x3cd: {  	v1 =	vadd.f32 v1, v2;
	v2 =	vmul.f32 v3, v5;
	v3 =	vbroadcast v0, $0x5  }
0x3ce: {  	v5 =	vld [tilespmem:s13+$0xFFFFFFF0]  }
0x3cf: {  	v1 =	vadd.f32 v1, v2;
	v2 =	vmul.f32 v4, v3;
	v3 =	vbroadcast v0, $0x6  }
0x3d0: {  	v4 =	vld [tilespmem:s13+$0x0]  }
0x3d1: {  	v1 =	vadd.f32 v1, v2;
	v2 =	vmul.f32 v6, v3;
	v3 =	vbroadcast v0, $0x7  }
0x3d2: {  	v6 =	vld [tilespmem:s13+$0x10]  }
0x3d3: {  	s14 =	simm.s32 $0x10;
	v7 =	vadd.f32 v1, v2;
	v3 =	vmul.f32 v5, v3;
	v5 =	vbroadcast v0, $0x8  }
0x3d4: {  	s14 =	sand.u32 $0x7F0, s14;
	v2 =	vld [tilespmem:s13+$0x20]  }
0x3d5: {  	v8 =	vbroadcast v0, $0x9;
	v1 =	vld [tilespmem:s14+$0xC800];
	v7 =	vadd.f32 v7, v3;
	v4 =	vmul.f32 v4, v5  }
0x3d6: {  	v3 =	vld [tilespmem:s13+$0x30]  }
0x3d7: {  	v6 =	vmul.f32 v6, v8;
	v5 =	vadd.f32 v7, v4;
	v7 =	vbroadcast v0, $0xA  }
0x3d8: {  	s14 =	simm.s32 $0x20;
	v4 =	vld [tilespmem:s13+$0x40]  }
.LBB2_21:
0x3d9: {  	p1 =	sne.s32 s14, $0x7F0;
	v5 =	vadd.f32 v5, v6;
	v2 =	vmul.f32 v2, v7;
	v6 =	vbroadcast v0, $0xB  }
0x3da: {  	v7 =	vshrl.u32 v1, $0x10;
	v8 =	vld [tilespmem:s13+$0x50]  }
0x3db: {  	v2 =	vadd.f32 v5, v2;
	v3 =	vmul.f32 v3, v6;
	v5 =	vbroadcast v0, $0xC  }
0x3dc: {  	v6 =	vand.u32 $0x1, v7;
	v7 =	vld [tilespmem:s13+$0x60]  }
0x3dd: {  	v2 =	vadd.f32 v2, v3;
	v3 =	vmul.f32 v4, v5;
	v4 =	vbroadcast v0, $0xD  }
0x3de: {  	v1 =	vadd.s32 v6, v1;
	v5 =	vld [tilespmem:s13+$0x70]  }
0x3df: {  	s13 =	sadd.s32 $0x100, s13;
	v2 =	vadd.f32 v2, v3;
	v3 =	vmul.f32 v8, v4;
	v4 =	vbroadcast v0, $0xE  }
0x3e0: {  	v1 =	vadd.s32 $0x7FFF, v1;
	v6 =	vld [tilespmem:s13+$0xFFFFFF80]  }
0x3e1: {  	v2 =	vadd.f32 v2, v3;
	v3 =	vmul.f32 v7, v4;
	v4 =	vbroadcast v0, $0xF  }
0x3e2: {  	v0 =	vand.u32 $0xFFFF0000, v1;
	v1 =	vld [tilespmem:s13+$0xFFFFFF90]  }
0x3e3: {  	v7 =	vbroadcast v0, $0x0;
	v2 =	vadd.f32 v2, v3;
	v3 =	vmul.f32 v5, v4  }
0x3e4: {  	v4 =	vld [tilespmem:s13+$0xFFFFFFA0]  }
0x3e5: {  	v5 =	vmul.f32 v7, v6;
	v6 =	vbroadcast v0, $0x1;
	v2 =	vadd.f32 v2, v3  }
0x3e6: {  	v3 =	vld [tilespmem:s13+$0xFFFFFFB0]  }
0x3e7: {  	v2 =	vadd.f32 v5, v2;
	v1 =	vmul.f32 v6, v1;
	v5 =	vbroadcast v0, $0x2  }
0x3e8: {  	v6 =	vld [tilespmem:s13+$0xFFFFFFC0]  }
0x3e9: {  	v1 =	vadd.f32 v2, v1;
	v2 =	vmul.f32 v5, v4;
	v4 =	vbroadcast v0, $0x3  }
0x3ea: {  	v5 =	vld [tilespmem:s13+$0xFFFFFFD0]  }
0x3eb: {  	v1 =	vadd.f32 v1, v2;
	v2 =	vmul.f32 v4, v3;
	v3 =	vbroadcast v0, $0x4  }
0x3ec: {  	v4 =	vld [tilespmem:s13+$0xFFFFFFE0]  }
0x3ed: {  	v1 =	vadd.f32 v1, v2;
	v2 =	vmul.f32 v3, v6;
	v3 =	vbroadcast v0, $0x5  }
0x3ee: {  	v6 =	vld [tilespmem:s13+$0xFFFFFFF0]  }
0x3ef: {  	v1 =	vadd.f32 v1, v2;
	v2 =	vmul.f32 v5, v3;
	v3 =	vbroadcast v0, $0x6  }
0x3f0: {  	v5 =	vld [tilespmem:s13+$0x0]  }
0x3f1: {  	v1 =	vadd.f32 v1, v2;
	v2 =	vmul.f32 v4, v3;
	v3 =	vbroadcast v0, $0x7  }
0x3f2: {  	v4 =	vld [tilespmem:s13+$0x10]  }
0x3f3: {  	v7 =	vadd.f32 v1, v2;
	v3 =	vmul.f32 v6, v3;
	v6 =	vbroadcast v0, $0x8  }
.Ltmp9:
0x3f4: {  	s15 =	sand.u32 $0x7F0, s14;
	v2 =	vld [tilespmem:s13+$0x20];
	(pc) =	sbr.rel @p1 .LBB2_21-.Ltmp9, $4  }
0x3f5: {  	v1 =	vld [tilespmem:s15+$0xC800];
	v7 =	vadd.f32 v7, v3;
	v5 =	vmul.f32 v5, v6;
	v6 =	vbroadcast v0, $0x9  }
0x3f6: {  	v3 =	vld [tilespmem:s13+$0x30]  }
0x3f7: {  	v5 =	vadd.f32 v7, v5;
	v6 =	vmul.f32 v4, v6;
	v7 =	vbroadcast v0, $0xA  }
0x3f8: {  	s14 =	sadd.s32 $0x10, s14;
	v4 =	vld [tilespmem:s13+$0x40]  }
0x3f9: {  	v5 =	vadd.f32 v5, v6;
	v2 =	vmul.f32 v2, v7;
	v6 =	vbroadcast v0, $0xB  }
0x3fa: {  	v8 =	vld [tilespmem:s13+$0x50];
	v7 =	vshrl.u32 v1, $0x10  }
0x3fb: {  	v2 =	vadd.f32 v5, v2;
	v3 =	vmul.f32 v3, v6;
	v5 =	vbroadcast v0, $0xC  }
0x3fc: {  	v6 =	vand.u32 $0x1, v7;
	v7 =	vld [tilespmem:s13+$0x60]  }
0x3fd: {  	v2 =	vadd.f32 v2, v3;
	v3 =	vmul.f32 v4, v5;
	v4 =	vbroadcast v0, $0xD  }
0x3fe: {  	v1 =	vadd.s32 v6, v1;
	v5 =	vld [tilespmem:s13+$0x70]  }
0x3ff: {  	s30 =	sadd.s32 $0x100, s13;
	v2 =	vadd.f32 v2, v3;
	v3 =	vmul.f32 v8, v4;
	v4 =	vbroadcast v0, $0xE  }
0x400: {  	v6 =	vld [tilespmem:s30+$0xFFFFFF80];
	v1 =	vadd.s32 $0x7FFF, v1  }
0x401: {  	v0 =	vbroadcast v0, $0xF;
	v2 =	vadd.f32 v2, v3;
	v3 =	vmul.f32 v7, v4  }
0x402: {  	v1 =	vand.u32 $0xFFFF0000, v1;
	v4 =	vld [tilespmem:s30+$0xFFFFFF90]  }
0x403: {  	v7 =	vbroadcast v1, $0x0;
	v0 =	vmul.f32 v5, v0;
	v2 =	vadd.f32 v2, v3  }
0x404: {  	v3 =	vld [tilespmem:s30+$0xFFFFFFA0]  }
0x405: {  	v5 =	vmul.f32 v7, v6;
	v6 =	vbroadcast v1, $0x1;
	v0 =	vadd.f32 v2, v0  }
0x406: {  	v2 =	vld [tilespmem:s30+$0xFFFFFFB0]  }
0x407: {  	v4 =	vmul.f32 v6, v4;
	v0 =	vadd.f32 v5, v0;
	v5 =	vbroadcast v1, $0x2  }
0x408: {  	v6 =	vld [tilespmem:s30+$0xFFFFFFC0]  }
0x409: {  	v0 =	vadd.f32 v0, v4;
	v3 =	vmul.f32 v5, v3;
	v4 =	vbroadcast v1, $0x3  }
0x40a: {  	v5 =	vld [tilespmem:s30+$0xFFFFFFD0]  }
0x40b: {  	v0 =	vadd.f32 v0, v3;
	v2 =	vmul.f32 v4, v2;
	v3 =	vbroadcast v1, $0x4  }
0x40c: {  	v4 =	vld [tilespmem:s30+$0xFFFFFFE0]  }
0x40d: {  	v0 =	vadd.f32 v0, v2;
	v2 =	vmul.f32 v3, v6;
	v3 =	vbroadcast v1, $0x5  }
0x40e: {  	v6 =	vld [tilespmem:s30+$0xFFFFFFF0]  }
0x40f: {  	v0 =	vadd.f32 v0, v2;
	v2 =	vmul.f32 v5, v3;
	v3 =	vbroadcast v1, $0x6  }
0x410: {  	v5 =	vld [tilespmem:s30+$0x0]  }
0x411: {  	v0 =	vadd.f32 v0, v2;
	v2 =	vmul.f32 v4, v3;
	v3 =	vbroadcast v1, $0x7  }
0x412: {  	v4 =	vld [tilespmem:s30+$0x10]  }
0x413: {  	v0 =	vadd.f32 v0, v2;
	v2 =	vmul.f32 v6, v3;
	v3 =	vbroadcast v1, $0x8  }
0x414: {  	v6 =	vld [tilespmem:s30+$0x20]  }
0x415: {  	v0 =	vadd.f32 v0, v2;
	v2 =	vmul.f32 v5, v3;
	v3 =	vbroadcast v1, $0x9  }
0x416: {  	v5 =	vld [tilespmem:s30+$0x30]  }
0x417: {  	v0 =	vadd.f32 v0, v2;
	v2 =	vmul.f32 v4, v3;
	v3 =	vbroadcast v1, $0xA  }
0x418: {  	v4 =	vld [tilespmem:s30+$0x40]  }
0x419: {  	v0 =	vadd.f32 v0, v2;
	v2 =	vmul.f32 v6, v3;
	v3 =	vbroadcast v1, $0xB  }
0x41a: {  	v6 =	vld [tilespmem:s30+$0x50]  }
0x41b: {  	v0 =	vadd.f32 v0, v2;
	v2 =	vmul.f32 v5, v3;
	v3 =	vbroadcast v1, $0xC  }
0x41c: {  	v5 =	vld [tilespmem:s30+$0x60]  }
0x41d: {  	v0 =	vadd.f32 v0, v2;
	v2 =	vmul.f32 v4, v3;
	v3 =	vbroadcast v1, $0xD  }
0x41e: {  	v4 =	vld [tilespmem:s30+$0x70]  }
0x41f: {  	v0 =	vadd.f32 v0, v2;
	v2 =	vmul.f32 v6, v3;
	v3 =	vbroadcast v1, $0xE;
	_ =	sdelay $0x1  }
0x420: {  	v1 =	vbroadcast v1, $0xF;
	v0 =	vadd.f32 v0, v2;
	v2 =	vmul.f32 v5, v3;
	_ =	sdelay $0x1  }
0x421: {  	v1 =	vmul.f32 v4, v1;
	v0 =	vadd.f32 v0, v2;
	_ =	sdelay $0x1  }
0x422: {  	v0 =	vadd.f32 v0, v1  }
0x423: {  	s31 =	simm.s32 $0x0  }
0x424: {  	s13 =	sand.u32 $0x7F0, s31;
	[tilespmem:$0x10090] =	vst v0  }
0x425: {  	v0 =	vld [tilespmem:s13+$0xD000];
	_ =	sdelay $0x4  }
0x426: {  	v1 =	vshrl.u32 v0, $0x10  }
0x427: {  	s13 =	simm.s32 $0x80;
	v1 =	vand.u32 $0x1, v1  }
0x428: {  	v0 =	vadd.s32 v1, v0;
	v1 =	vld [tilespmem:s13+$0xFFFFFF80]  }
0x429: {  	v0 =	vadd.s32 $0x7FFF, v0  }
0x42a: {  	v2 =	vld [tilespmem:s13+$0xFFFFFF90];
	v0 =	vand.u32 $0xFFFF0000, v0  }
0x42b: {  	v3 =	vbroadcast v0, $0x0  }
0x42c: {  	v4 =	vld [tilespmem:s13+$0xFFFFFFA0]  }
0x42d: {  	v1 =	vmul.f32 v3, v1;
	v3 =	vbroadcast v0, $0x1  }
0x42e: {  	v5 =	vimm.f32 $0.0e+00;
	v6 =	vld [tilespmem:s13+$0xFFFFFFB0]  }
0x42f: {  	v1 =	vadd.f32 v1, v5;
	v2 =	vmul.f32 v3, v2;
	v3 =	vbroadcast v0, $0x2  }
0x430: {  	v5 =	vld [tilespmem:s13+$0xFFFFFFC0]  }
0x431: {  	v1 =	vadd.f32 v1, v2;
	v2 =	vmul.f32 v3, v4;
	v3 =	vbroadcast v0, $0x3  }
0x432: {  	v4 =	vld [tilespmem:s13+$0xFFFFFFD0]  }
0x433: {  	v1 =	vadd.f32 v1, v2;
	v2 =	vmul.f32 v3, v6;
	v3 =	vbroadcast v0, $0x4  }
0x434: {  	v6 =	vld [tilespmem:s13+$0xFFFFFFE0]  }
0x435: {  	v1 =	vadd.f32 v1, v2;
	v2 =	vmul.f32 v3, v5;
	v3 =	vbroadcast v0, $0x5  }
0x436: {  	v5 =	vld [tilespmem:s13+$0xFFFFFFF0]  }
0x437: {  	v1 =	vadd.f32 v1, v2;
	v2 =	vmul.f32 v4, v3;
	v3 =	vbroadcast v0, $0x6  }
0x438: {  	v4 =	vld [tilespmem:s13+$0x0]  }
0x439: {  	v1 =	vadd.f32 v1, v2;
	v2 =	vmul.f32 v6, v3;
	v3 =	vbroadcast v0, $0x7  }
0x43a: {  	v6 =	vld [tilespmem:s13+$0x10]  }
0x43b: {  	s14 =	simm.s32 $0x10;
	v7 =	vadd.f32 v1, v2;
	v3 =	vmul.f32 v5, v3;
	v5 =	vbroadcast v0, $0x8  }
0x43c: {  	s14 =	sand.u32 $0x7F0, s14;
	v2 =	vld [tilespmem:s13+$0x20]  }
0x43d: {  	v8 =	vbroadcast v0, $0x9;
	v1 =	vld [tilespmem:s14+$0xD000];
	v7 =	vadd.f32 v7, v3;
	v4 =	vmul.f32 v4, v5  }
0x43e: {  	v3 =	vld [tilespmem:s13+$0x30]  }
0x43f: {  	v6 =	vmul.f32 v6, v8;
	v5 =	vadd.f32 v7, v4;
	v7 =	vbroadcast v0, $0xA  }
0x440: {  	s14 =	simm.s32 $0x20;
	v4 =	vld [tilespmem:s13+$0x40]  }
.LBB2_23:
0x441: {  	p1 =	sne.s32 s14, $0x7F0;
	v5 =	vadd.f32 v5, v6;
	v2 =	vmul.f32 v2, v7;
	v6 =	vbroadcast v0, $0xB  }
0x442: {  	v7 =	vshrl.u32 v1, $0x10;
	v8 =	vld [tilespmem:s13+$0x50]  }
0x443: {  	v2 =	vadd.f32 v5, v2;
	v3 =	vmul.f32 v3, v6;
	v5 =	vbroadcast v0, $0xC  }
0x444: {  	v6 =	vand.u32 $0x1, v7;
	v7 =	vld [tilespmem:s13+$0x60]  }
0x445: {  	v2 =	vadd.f32 v2, v3;
	v3 =	vmul.f32 v4, v5;
	v4 =	vbroadcast v0, $0xD  }
0x446: {  	v1 =	vadd.s32 v6, v1;
	v5 =	vld [tilespmem:s13+$0x70]  }
0x447: {  	s13 =	sadd.s32 $0x100, s13;
	v2 =	vadd.f32 v2, v3;
	v3 =	vmul.f32 v8, v4;
	v4 =	vbroadcast v0, $0xE  }
0x448: {  	v1 =	vadd.s32 $0x7FFF, v1;
	v6 =	vld [tilespmem:s13+$0xFFFFFF80]  }
0x449: {  	v2 =	vadd.f32 v2, v3;
	v3 =	vmul.f32 v7, v4;
	v4 =	vbroadcast v0, $0xF  }
0x44a: {  	v0 =	vand.u32 $0xFFFF0000, v1;
	v1 =	vld [tilespmem:s13+$0xFFFFFF90]  }
0x44b: {  	v7 =	vbroadcast v0, $0x0;
	v2 =	vadd.f32 v2, v3;
	v3 =	vmul.f32 v5, v4  }
0x44c: {  	v4 =	vld [tilespmem:s13+$0xFFFFFFA0]  }
0x44d: {  	v5 =	vmul.f32 v7, v6;
	v6 =	vbroadcast v0, $0x1;
	v2 =	vadd.f32 v2, v3  }
0x44e: {  	v3 =	vld [tilespmem:s13+$0xFFFFFFB0]  }
0x44f: {  	v2 =	vadd.f32 v5, v2;
	v1 =	vmul.f32 v6, v1;
	v5 =	vbroadcast v0, $0x2  }
0x450: {  	v6 =	vld [tilespmem:s13+$0xFFFFFFC0]  }
0x451: {  	v1 =	vadd.f32 v2, v1;
	v2 =	vmul.f32 v5, v4;
	v4 =	vbroadcast v0, $0x3  }
0x452: {  	v5 =	vld [tilespmem:s13+$0xFFFFFFD0]  }
0x453: {  	v1 =	vadd.f32 v1, v2;
	v2 =	vmul.f32 v4, v3;
	v3 =	vbroadcast v0, $0x4  }
0x454: {  	v4 =	vld [tilespmem:s13+$0xFFFFFFE0]  }
0x455: {  	v1 =	vadd.f32 v1, v2;
	v2 =	vmul.f32 v3, v6;
	v3 =	vbroadcast v0, $0x5  }
0x456: {  	v6 =	vld [tilespmem:s13+$0xFFFFFFF0]  }
0x457: {  	v1 =	vadd.f32 v1, v2;
	v2 =	vmul.f32 v5, v3;
	v3 =	vbroadcast v0, $0x6  }
0x458: {  	v5 =	vld [tilespmem:s13+$0x0]  }
0x459: {  	v1 =	vadd.f32 v1, v2;
	v2 =	vmul.f32 v4, v3;
	v3 =	vbroadcast v0, $0x7  }
0x45a: {  	v4 =	vld [tilespmem:s13+$0x10]  }
0x45b: {  	v7 =	vadd.f32 v1, v2;
	v3 =	vmul.f32 v6, v3;
	v6 =	vbroadcast v0, $0x8  }
.Ltmp10:
0x45c: {  	s15 =	sand.u32 $0x7F0, s14;
	v2 =	vld [tilespmem:s13+$0x20];
	(pc) =	sbr.rel @p1 .LBB2_23-.Ltmp10, $4  }
0x45d: {  	v1 =	vld [tilespmem:s15+$0xD000];
	v7 =	vadd.f32 v7, v3;
	v5 =	vmul.f32 v5, v6;
	v6 =	vbroadcast v0, $0x9  }
0x45e: {  	v3 =	vld [tilespmem:s13+$0x30]  }
0x45f: {  	v5 =	vadd.f32 v7, v5;
	v6 =	vmul.f32 v4, v6;
	v7 =	vbroadcast v0, $0xA  }
0x460: {  	s14 =	sadd.s32 $0x10, s14;
	v4 =	vld [tilespmem:s13+$0x40]  }
0x461: {  	v5 =	vadd.f32 v5, v6;
	v2 =	vmul.f32 v2, v7;
	v6 =	vbroadcast v0, $0xB  }
0x462: {  	v8 =	vld [tilespmem:s13+$0x50];
	v7 =	vshrl.u32 v1, $0x10  }
0x463: {  	v2 =	vadd.f32 v5, v2;
	v3 =	vmul.f32 v3, v6;
	v5 =	vbroadcast v0, $0xC  }
0x464: {  	v6 =	vand.u32 $0x1, v7;
	v7 =	vld [tilespmem:s13+$0x60]  }
0x465: {  	v2 =	vadd.f32 v2, v3;
	v3 =	vmul.f32 v4, v5;
	v4 =	vbroadcast v0, $0xD  }
0x466: {  	v1 =	vadd.s32 v6, v1;
	v5 =	vld [tilespmem:s13+$0x70]  }
0x467: {  	s30 =	sadd.s32 $0x100, s13;
	v2 =	vadd.f32 v2, v3;
	v3 =	vmul.f32 v8, v4;
	v4 =	vbroadcast v0, $0xE  }
0x468: {  	v6 =	vld [tilespmem:s30+$0xFFFFFF80];
	v1 =	vadd.s32 $0x7FFF, v1  }
0x469: {  	v0 =	vbroadcast v0, $0xF;
	v2 =	vadd.f32 v2, v3;
	v3 =	vmul.f32 v7, v4  }
0x46a: {  	v1 =	vand.u32 $0xFFFF0000, v1;
	v4 =	vld [tilespmem:s30+$0xFFFFFF90]  }
0x46b: {  	v7 =	vbroadcast v1, $0x0;
	v0 =	vmul.f32 v5, v0;
	v2 =	vadd.f32 v2, v3  }
0x46c: {  	v3 =	vld [tilespmem:s30+$0xFFFFFFA0]  }
0x46d: {  	v5 =	vmul.f32 v7, v6;
	v6 =	vbroadcast v1, $0x1;
	v0 =	vadd.f32 v2, v0  }
0x46e: {  	v2 =	vld [tilespmem:s30+$0xFFFFFFB0]  }
0x46f: {  	v4 =	vmul.f32 v6, v4;
	v0 =	vadd.f32 v5, v0;
	v5 =	vbroadcast v1, $0x2  }
0x470: {  	v6 =	vld [tilespmem:s30+$0xFFFFFFC0]  }
0x471: {  	v0 =	vadd.f32 v0, v4;
	v3 =	vmul.f32 v5, v3;
	v4 =	vbroadcast v1, $0x3  }
0x472: {  	v5 =	vld [tilespmem:s30+$0xFFFFFFD0]  }
0x473: {  	v0 =	vadd.f32 v0, v3;
	v2 =	vmul.f32 v4, v2;
	v3 =	vbroadcast v1, $0x4  }
0x474: {  	v4 =	vld [tilespmem:s30+$0xFFFFFFE0]  }
0x475: {  	v0 =	vadd.f32 v0, v2;
	v2 =	vmul.f32 v3, v6;
	v3 =	vbroadcast v1, $0x5  }
0x476: {  	v6 =	vld [tilespmem:s30+$0xFFFFFFF0]  }
0x477: {  	v0 =	vadd.f32 v0, v2;
	v2 =	vmul.f32 v5, v3;
	v3 =	vbroadcast v1, $0x6  }
0x478: {  	v5 =	vld [tilespmem:s30+$0x0]  }
0x479: {  	v0 =	vadd.f32 v0, v2;
	v2 =	vmul.f32 v4, v3;
	v3 =	vbroadcast v1, $0x7  }
0x47a: {  	v4 =	vld [tilespmem:s30+$0x10]  }
0x47b: {  	v0 =	vadd.f32 v0, v2;
	v2 =	vmul.f32 v6, v3;
	v3 =	vbroadcast v1, $0x8  }
0x47c: {  	v6 =	vld [tilespmem:s30+$0x20]  }
0x47d: {  	v0 =	vadd.f32 v0, v2;
	v2 =	vmul.f32 v5, v3;
	v3 =	vbroadcast v1, $0x9  }
0x47e: {  	v5 =	vld [tilespmem:s30+$0x30]  }
0x47f: {  	v0 =	vadd.f32 v0, v2;
	v2 =	vmul.f32 v4, v3;
	v3 =	vbroadcast v1, $0xA  }
0x480: {  	v4 =	vld [tilespmem:s30+$0x40]  }
0x481: {  	v0 =	vadd.f32 v0, v2;
	v2 =	vmul.f32 v6, v3;
	v3 =	vbroadcast v1, $0xB  }
0x482: {  	v6 =	vld [tilespmem:s30+$0x50]  }
0x483: {  	v0 =	vadd.f32 v0, v2;
	v2 =	vmul.f32 v5, v3;
	v3 =	vbroadcast v1, $0xC  }
0x484: {  	v5 =	vld [tilespmem:s30+$0x60]  }
0x485: {  	v0 =	vadd.f32 v0, v2;
	v2 =	vmul.f32 v4, v3;
	v3 =	vbroadcast v1, $0xD  }
0x486: {  	v4 =	vld [tilespmem:s30+$0x70]  }
0x487: {  	v0 =	vadd.f32 v0, v2;
	v2 =	vmul.f32 v6, v3;
	v3 =	vbroadcast v1, $0xE;
	_ =	sdelay $0x1  }
0x488: {  	v1 =	vbroadcast v1, $0xF;
	v0 =	vadd.f32 v0, v2;
	v2 =	vmul.f32 v5, v3;
	_ =	sdelay $0x1  }
0x489: {  	v1 =	vmul.f32 v4, v1;
	v0 =	vadd.f32 v0, v2;
	_ =	sdelay $0x1  }
0x48a: {  	v0 =	vadd.f32 v0, v1  }
0x48b: {  	s31 =	simm.s32 $0x0  }
0x48c: {  	s13 =	sand.u32 $0x7F0, s31;
	[tilespmem:$0x100A0] =	vst v0  }
0x48d: {  	v0 =	vld [tilespmem:s13+$0xD800];
	_ =	sdelay $0x4  }
0x48e: {  	v1 =	vshrl.u32 v0, $0x10  }
0x48f: {  	s13 =	simm.s32 $0x80;
	v1 =	vand.u32 $0x1, v1  }
0x490: {  	v0 =	vadd.s32 v1, v0;
	v1 =	vld [tilespmem:s13+$0xFFFFFF80]  }
0x491: {  	v0 =	vadd.s32 $0x7FFF, v0  }
0x492: {  	v2 =	vld [tilespmem:s13+$0xFFFFFF90];
	v0 =	vand.u32 $0xFFFF0000, v0  }
0x493: {  	v3 =	vbroadcast v0, $0x0  }
0x494: {  	v4 =	vld [tilespmem:s13+$0xFFFFFFA0]  }
0x495: {  	v1 =	vmul.f32 v3, v1;
	v3 =	vbroadcast v0, $0x1  }
0x496: {  	v5 =	vimm.f32 $0.0e+00;
	v6 =	vld [tilespmem:s13+$0xFFFFFFB0]  }
0x497: {  	v1 =	vadd.f32 v1, v5;
	v2 =	vmul.f32 v3, v2;
	v3 =	vbroadcast v0, $0x2  }
0x498: {  	v5 =	vld [tilespmem:s13+$0xFFFFFFC0]  }
0x499: {  	v1 =	vadd.f32 v1, v2;
	v2 =	vmul.f32 v3, v4;
	v3 =	vbroadcast v0, $0x3  }
0x49a: {  	v4 =	vld [tilespmem:s13+$0xFFFFFFD0]  }
0x49b: {  	v1 =	vadd.f32 v1, v2;
	v2 =	vmul.f32 v3, v6;
	v3 =	vbroadcast v0, $0x4  }
0x49c: {  	v6 =	vld [tilespmem:s13+$0xFFFFFFE0]  }
0x49d: {  	v1 =	vadd.f32 v1, v2;
	v2 =	vmul.f32 v3, v5;
	v3 =	vbroadcast v0, $0x5  }
0x49e: {  	v5 =	vld [tilespmem:s13+$0xFFFFFFF0]  }
0x49f: {  	v1 =	vadd.f32 v1, v2;
	v2 =	vmul.f32 v4, v3;
	v3 =	vbroadcast v0, $0x6  }
0x4a0: {  	v4 =	vld [tilespmem:s13+$0x0]  }
0x4a1: {  	v1 =	vadd.f32 v1, v2;
	v2 =	vmul.f32 v6, v3;
	v3 =	vbroadcast v0, $0x7  }
0x4a2: {  	v6 =	vld [tilespmem:s13+$0x10]  }
0x4a3: {  	s14 =	simm.s32 $0x10;
	v7 =	vadd.f32 v1, v2;
	v3 =	vmul.f32 v5, v3;
	v5 =	vbroadcast v0, $0x8  }
0x4a4: {  	s14 =	sand.u32 $0x7F0, s14;
	v2 =	vld [tilespmem:s13+$0x20]  }
0x4a5: {  	v8 =	vbroadcast v0, $0x9;
	v1 =	vld [tilespmem:s14+$0xD800];
	v7 =	vadd.f32 v7, v3;
	v4 =	vmul.f32 v4, v5  }
0x4a6: {  	v3 =	vld [tilespmem:s13+$0x30]  }
0x4a7: {  	v6 =	vmul.f32 v6, v8;
	v5 =	vadd.f32 v7, v4;
	v7 =	vbroadcast v0, $0xA  }
0x4a8: {  	s14 =	simm.s32 $0x20;
	v4 =	vld [tilespmem:s13+$0x40]  }
.LBB2_25:
0x4a9: {  	p1 =	sne.s32 s14, $0x7F0;
	v5 =	vadd.f32 v5, v6;
	v2 =	vmul.f32 v2, v7;
	v6 =	vbroadcast v0, $0xB  }
0x4aa: {  	v7 =	vshrl.u32 v1, $0x10;
	v8 =	vld [tilespmem:s13+$0x50]  }
0x4ab: {  	v2 =	vadd.f32 v5, v2;
	v3 =	vmul.f32 v3, v6;
	v5 =	vbroadcast v0, $0xC  }
0x4ac: {  	v6 =	vand.u32 $0x1, v7;
	v7 =	vld [tilespmem:s13+$0x60]  }
0x4ad: {  	v2 =	vadd.f32 v2, v3;
	v3 =	vmul.f32 v4, v5;
	v4 =	vbroadcast v0, $0xD  }
0x4ae: {  	v1 =	vadd.s32 v6, v1;
	v5 =	vld [tilespmem:s13+$0x70]  }
0x4af: {  	s13 =	sadd.s32 $0x100, s13;
	v2 =	vadd.f32 v2, v3;
	v3 =	vmul.f32 v8, v4;
	v4 =	vbroadcast v0, $0xE  }
0x4b0: {  	v1 =	vadd.s32 $0x7FFF, v1;
	v6 =	vld [tilespmem:s13+$0xFFFFFF80]  }
0x4b1: {  	v2 =	vadd.f32 v2, v3;
	v3 =	vmul.f32 v7, v4;
	v4 =	vbroadcast v0, $0xF  }
0x4b2: {  	v0 =	vand.u32 $0xFFFF0000, v1;
	v1 =	vld [tilespmem:s13+$0xFFFFFF90]  }
0x4b3: {  	v7 =	vbroadcast v0, $0x0;
	v2 =	vadd.f32 v2, v3;
	v3 =	vmul.f32 v5, v4  }
0x4b4: {  	v4 =	vld [tilespmem:s13+$0xFFFFFFA0]  }
0x4b5: {  	v5 =	vmul.f32 v7, v6;
	v6 =	vbroadcast v0, $0x1;
	v2 =	vadd.f32 v2, v3  }
0x4b6: {  	v3 =	vld [tilespmem:s13+$0xFFFFFFB0]  }
0x4b7: {  	v2 =	vadd.f32 v5, v2;
	v1 =	vmul.f32 v6, v1;
	v5 =	vbroadcast v0, $0x2  }
0x4b8: {  	v6 =	vld [tilespmem:s13+$0xFFFFFFC0]  }
0x4b9: {  	v1 =	vadd.f32 v2, v1;
	v2 =	vmul.f32 v5, v4;
	v4 =	vbroadcast v0, $0x3  }
0x4ba: {  	v5 =	vld [tilespmem:s13+$0xFFFFFFD0]  }
0x4bb: {  	v1 =	vadd.f32 v1, v2;
	v2 =	vmul.f32 v4, v3;
	v3 =	vbroadcast v0, $0x4  }
0x4bc: {  	v4 =	vld [tilespmem:s13+$0xFFFFFFE0]  }
0x4bd: {  	v1 =	vadd.f32 v1, v2;
	v2 =	vmul.f32 v3, v6;
	v3 =	vbroadcast v0, $0x5  }
0x4be: {  	v6 =	vld [tilespmem:s13+$0xFFFFFFF0]  }
0x4bf: {  	v1 =	vadd.f32 v1, v2;
	v2 =	vmul.f32 v5, v3;
	v3 =	vbroadcast v0, $0x6  }
0x4c0: {  	v5 =	vld [tilespmem:s13+$0x0]  }
0x4c1: {  	v1 =	vadd.f32 v1, v2;
	v2 =	vmul.f32 v4, v3;
	v3 =	vbroadcast v0, $0x7  }
0x4c2: {  	v4 =	vld [tilespmem:s13+$0x10]  }
0x4c3: {  	v7 =	vadd.f32 v1, v2;
	v3 =	vmul.f32 v6, v3;
	v6 =	vbroadcast v0, $0x8  }
.Ltmp11:
0x4c4: {  	s15 =	sand.u32 $0x7F0, s14;
	v2 =	vld [tilespmem:s13+$0x20];
	(pc) =	sbr.rel @p1 .LBB2_25-.Ltmp11, $4  }
0x4c5: {  	v1 =	vld [tilespmem:s15+$0xD800];
	v7 =	vadd.f32 v7, v3;
	v5 =	vmul.f32 v5, v6;
	v6 =	vbroadcast v0, $0x9  }
0x4c6: {  	v3 =	vld [tilespmem:s13+$0x30]  }
0x4c7: {  	v5 =	vadd.f32 v7, v5;
	v6 =	vmul.f32 v4, v6;
	v7 =	vbroadcast v0, $0xA  }
0x4c8: {  	s14 =	sadd.s32 $0x10, s14;
	v4 =	vld [tilespmem:s13+$0x40]  }
0x4c9: {  	v5 =	vadd.f32 v5, v6;
	v2 =	vmul.f32 v2, v7;
	v6 =	vbroadcast v0, $0xB  }
0x4ca: {  	v8 =	vld [tilespmem:s13+$0x50];
	v7 =	vshrl.u32 v1, $0x10  }
0x4cb: {  	v2 =	vadd.f32 v5, v2;
	v3 =	vmul.f32 v3, v6;
	v5 =	vbroadcast v0, $0xC  }
0x4cc: {  	v6 =	vand.u32 $0x1, v7;
	v7 =	vld [tilespmem:s13+$0x60]  }
0x4cd: {  	v2 =	vadd.f32 v2, v3;
	v3 =	vmul.f32 v4, v5;
	v4 =	vbroadcast v0, $0xD  }
0x4ce: {  	v1 =	vadd.s32 v6, v1;
	v5 =	vld [tilespmem:s13+$0x70]  }
0x4cf: {  	s30 =	sadd.s32 $0x100, s13;
	v2 =	vadd.f32 v2, v3;
	v3 =	vmul.f32 v8, v4;
	v4 =	vbroadcast v0, $0xE  }
0x4d0: {  	v6 =	vld [tilespmem:s30+$0xFFFFFF80];
	v1 =	vadd.s32 $0x7FFF, v1  }
0x4d1: {  	v0 =	vbroadcast v0, $0xF;
	v2 =	vadd.f32 v2, v3;
	v3 =	vmul.f32 v7, v4  }
0x4d2: {  	v1 =	vand.u32 $0xFFFF0000, v1;
	v4 =	vld [tilespmem:s30+$0xFFFFFF90]  }
0x4d3: {  	v7 =	vbroadcast v1, $0x0;
	v0 =	vmul.f32 v5, v0;
	v2 =	vadd.f32 v2, v3  }
0x4d4: {  	v3 =	vld [tilespmem:s30+$0xFFFFFFA0]  }
0x4d5: {  	v5 =	vmul.f32 v7, v6;
	v6 =	vbroadcast v1, $0x1;
	v0 =	vadd.f32 v2, v0  }
0x4d6: {  	v2 =	vld [tilespmem:s30+$0xFFFFFFB0]  }
0x4d7: {  	v4 =	vmul.f32 v6, v4;
	v0 =	vadd.f32 v5, v0;
	v5 =	vbroadcast v1, $0x2  }
0x4d8: {  	v6 =	vld [tilespmem:s30+$0xFFFFFFC0]  }
0x4d9: {  	v0 =	vadd.f32 v0, v4;
	v3 =	vmul.f32 v5, v3;
	v4 =	vbroadcast v1, $0x3  }
0x4da: {  	v5 =	vld [tilespmem:s30+$0xFFFFFFD0]  }
0x4db: {  	v0 =	vadd.f32 v0, v3;
	v2 =	vmul.f32 v4, v2;
	v3 =	vbroadcast v1, $0x4  }
0x4dc: {  	v4 =	vld [tilespmem:s30+$0xFFFFFFE0]  }
0x4dd: {  	v0 =	vadd.f32 v0, v2;
	v2 =	vmul.f32 v3, v6;
	v3 =	vbroadcast v1, $0x5  }
0x4de: {  	v6 =	vld [tilespmem:s30+$0xFFFFFFF0]  }
0x4df: {  	v0 =	vadd.f32 v0, v2;
	v2 =	vmul.f32 v5, v3;
	v3 =	vbroadcast v1, $0x6  }
0x4e0: {  	v5 =	vld [tilespmem:s30+$0x0]  }
0x4e1: {  	v0 =	vadd.f32 v0, v2;
	v2 =	vmul.f32 v4, v3;
	v3 =	vbroadcast v1, $0x7  }
0x4e2: {  	v4 =	vld [tilespmem:s30+$0x10]  }
0x4e3: {  	v0 =	vadd.f32 v0, v2;
	v2 =	vmul.f32 v6, v3;
	v3 =	vbroadcast v1, $0x8  }
0x4e4: {  	v6 =	vld [tilespmem:s30+$0x20]  }
0x4e5: {  	v0 =	vadd.f32 v0, v2;
	v2 =	vmul.f32 v5, v3;
	v3 =	vbroadcast v1, $0x9  }
0x4e6: {  	v5 =	vld [tilespmem:s30+$0x30]  }
0x4e7: {  	v0 =	vadd.f32 v0, v2;
	v2 =	vmul.f32 v4, v3;
	v3 =	vbroadcast v1, $0xA  }
0x4e8: {  	v4 =	vld [tilespmem:s30+$0x40]  }
0x4e9: {  	v0 =	vadd.f32 v0, v2;
	v2 =	vmul.f32 v6, v3;
	v3 =	vbroadcast v1, $0xB  }
0x4ea: {  	v6 =	vld [tilespmem:s30+$0x50]  }
0x4eb: {  	v0 =	vadd.f32 v0, v2;
	v2 =	vmul.f32 v5, v3;
	v3 =	vbroadcast v1, $0xC  }
0x4ec: {  	v5 =	vld [tilespmem:s30+$0x60]  }
0x4ed: {  	v0 =	vadd.f32 v0, v2;
	v2 =	vmul.f32 v4, v3;
	v3 =	vbroadcast v1, $0xD  }
0x4ee: {  	v4 =	vld [tilespmem:s30+$0x70]  }
0x4ef: {  	v0 =	vadd.f32 v0, v2;
	v2 =	vmul.f32 v6, v3;
	v3 =	vbroadcast v1, $0xE;
	_ =	sdelay $0x1  }
0x4f0: {  	v1 =	vbroadcast v1, $0xF;
	v0 =	vadd.f32 v0, v2;
	v2 =	vmul.f32 v5, v3;
	_ =	sdelay $0x1  }
0x4f1: {  	v1 =	vmul.f32 v4, v1;
	v0 =	vadd.f32 v0, v2;
	_ =	sdelay $0x1  }
0x4f2: {  	v0 =	vadd.f32 v0, v1  }
0x4f3: {  	s31 =	simm.s32 $0x0  }
0x4f4: {  	s13 =	sand.u32 $0x7F0, s31;
	[tilespmem:$0x100B0] =	vst v0  }
0x4f5: {  	v0 =	vld [tilespmem:s13+$0xE000];
	_ =	sdelay $0x4  }
0x4f6: {  	v1 =	vshrl.u32 v0, $0x10  }
0x4f7: {  	s13 =	simm.s32 $0x80;
	v1 =	vand.u32 $0x1, v1  }
0x4f8: {  	v0 =	vadd.s32 v1, v0;
	v1 =	vld [tilespmem:s13+$0xFFFFFF80]  }
0x4f9: {  	v0 =	vadd.s32 $0x7FFF, v0  }
0x4fa: {  	v2 =	vld [tilespmem:s13+$0xFFFFFF90];
	v0 =	vand.u32 $0xFFFF0000, v0  }
0x4fb: {  	v3 =	vbroadcast v0, $0x0  }
0x4fc: {  	v4 =	vld [tilespmem:s13+$0xFFFFFFA0]  }
0x4fd: {  	v1 =	vmul.f32 v3, v1;
	v3 =	vbroadcast v0, $0x1  }
0x4fe: {  	v5 =	vimm.f32 $0.0e+00;
	v6 =	vld [tilespmem:s13+$0xFFFFFFB0]  }
0x4ff: {  	v1 =	vadd.f32 v1, v5;
	v2 =	vmul.f32 v3, v2;
	v3 =	vbroadcast v0, $0x2  }
0x500: {  	v5 =	vld [tilespmem:s13+$0xFFFFFFC0]  }
0x501: {  	v1 =	vadd.f32 v1, v2;
	v2 =	vmul.f32 v3, v4;
	v3 =	vbroadcast v0, $0x3  }
0x502: {  	v4 =	vld [tilespmem:s13+$0xFFFFFFD0]  }
0x503: {  	v1 =	vadd.f32 v1, v2;
	v2 =	vmul.f32 v3, v6;
	v3 =	vbroadcast v0, $0x4  }
0x504: {  	v6 =	vld [tilespmem:s13+$0xFFFFFFE0]  }
0x505: {  	v1 =	vadd.f32 v1, v2;
	v2 =	vmul.f32 v3, v5;
	v3 =	vbroadcast v0, $0x5  }
0x506: {  	v5 =	vld [tilespmem:s13+$0xFFFFFFF0]  }
0x507: {  	v1 =	vadd.f32 v1, v2;
	v2 =	vmul.f32 v4, v3;
	v3 =	vbroadcast v0, $0x6  }
0x508: {  	v4 =	vld [tilespmem:s13+$0x0]  }
0x509: {  	v1 =	vadd.f32 v1, v2;
	v2 =	vmul.f32 v6, v3;
	v3 =	vbroadcast v0, $0x7  }
0x50a: {  	v6 =	vld [tilespmem:s13+$0x10]  }
0x50b: {  	s14 =	simm.s32 $0x10;
	v7 =	vadd.f32 v1, v2;
	v3 =	vmul.f32 v5, v3;
	v5 =	vbroadcast v0, $0x8  }
0x50c: {  	s14 =	sand.u32 $0x7F0, s14;
	v2 =	vld [tilespmem:s13+$0x20]  }
0x50d: {  	v8 =	vbroadcast v0, $0x9;
	v1 =	vld [tilespmem:s14+$0xE000];
	v7 =	vadd.f32 v7, v3;
	v4 =	vmul.f32 v4, v5  }
0x50e: {  	v3 =	vld [tilespmem:s13+$0x30]  }
0x50f: {  	v6 =	vmul.f32 v6, v8;
	v5 =	vadd.f32 v7, v4;
	v7 =	vbroadcast v0, $0xA  }
0x510: {  	s14 =	simm.s32 $0x20;
	v4 =	vld [tilespmem:s13+$0x40]  }
.LBB2_27:
0x511: {  	p1 =	sne.s32 s14, $0x7F0;
	v5 =	vadd.f32 v5, v6;
	v2 =	vmul.f32 v2, v7;
	v6 =	vbroadcast v0, $0xB  }
0x512: {  	v7 =	vshrl.u32 v1, $0x10;
	v8 =	vld [tilespmem:s13+$0x50]  }
0x513: {  	v2 =	vadd.f32 v5, v2;
	v3 =	vmul.f32 v3, v6;
	v5 =	vbroadcast v0, $0xC  }
0x514: {  	v6 =	vand.u32 $0x1, v7;
	v7 =	vld [tilespmem:s13+$0x60]  }
0x515: {  	v2 =	vadd.f32 v2, v3;
	v3 =	vmul.f32 v4, v5;
	v4 =	vbroadcast v0, $0xD  }
0x516: {  	v1 =	vadd.s32 v6, v1;
	v5 =	vld [tilespmem:s13+$0x70]  }
0x517: {  	s13 =	sadd.s32 $0x100, s13;
	v2 =	vadd.f32 v2, v3;
	v3 =	vmul.f32 v8, v4;
	v4 =	vbroadcast v0, $0xE  }
0x518: {  	v1 =	vadd.s32 $0x7FFF, v1;
	v6 =	vld [tilespmem:s13+$0xFFFFFF80]  }
0x519: {  	v2 =	vadd.f32 v2, v3;
	v3 =	vmul.f32 v7, v4;
	v4 =	vbroadcast v0, $0xF  }
0x51a: {  	v0 =	vand.u32 $0xFFFF0000, v1;
	v1 =	vld [tilespmem:s13+$0xFFFFFF90]  }
0x51b: {  	v7 =	vbroadcast v0, $0x0;
	v2 =	vadd.f32 v2, v3;
	v3 =	vmul.f32 v5, v4  }
0x51c: {  	v4 =	vld [tilespmem:s13+$0xFFFFFFA0]  }
0x51d: {  	v5 =	vmul.f32 v7, v6;
	v6 =	vbroadcast v0, $0x1;
	v2 =	vadd.f32 v2, v3  }
0x51e: {  	v3 =	vld [tilespmem:s13+$0xFFFFFFB0]  }
0x51f: {  	v2 =	vadd.f32 v5, v2;
	v1 =	vmul.f32 v6, v1;
	v5 =	vbroadcast v0, $0x2  }
0x520: {  	v6 =	vld [tilespmem:s13+$0xFFFFFFC0]  }
0x521: {  	v1 =	vadd.f32 v2, v1;
	v2 =	vmul.f32 v5, v4;
	v4 =	vbroadcast v0, $0x3  }
0x522: {  	v5 =	vld [tilespmem:s13+$0xFFFFFFD0]  }
0x523: {  	v1 =	vadd.f32 v1, v2;
	v2 =	vmul.f32 v4, v3;
	v3 =	vbroadcast v0, $0x4  }
0x524: {  	v4 =	vld [tilespmem:s13+$0xFFFFFFE0]  }
0x525: {  	v1 =	vadd.f32 v1, v2;
	v2 =	vmul.f32 v3, v6;
	v3 =	vbroadcast v0, $0x5  }
0x526: {  	v6 =	vld [tilespmem:s13+$0xFFFFFFF0]  }
0x527: {  	v1 =	vadd.f32 v1, v2;
	v2 =	vmul.f32 v5, v3;
	v3 =	vbroadcast v0, $0x6  }
0x528: {  	v5 =	vld [tilespmem:s13+$0x0]  }
0x529: {  	v1 =	vadd.f32 v1, v2;
	v2 =	vmul.f32 v4, v3;
	v3 =	vbroadcast v0, $0x7  }
0x52a: {  	v4 =	vld [tilespmem:s13+$0x10]  }
0x52b: {  	v7 =	vadd.f32 v1, v2;
	v3 =	vmul.f32 v6, v3;
	v6 =	vbroadcast v0, $0x8  }
.Ltmp12:
0x52c: {  	s15 =	sand.u32 $0x7F0, s14;
	v2 =	vld [tilespmem:s13+$0x20];
	(pc) =	sbr.rel @p1 .LBB2_27-.Ltmp12, $4  }
0x52d: {  	v1 =	vld [tilespmem:s15+$0xE000];
	v7 =	vadd.f32 v7, v3;
	v5 =	vmul.f32 v5, v6;
	v6 =	vbroadcast v0, $0x9  }
0x52e: {  	v3 =	vld [tilespmem:s13+$0x30]  }
0x52f: {  	v5 =	vadd.f32 v7, v5;
	v6 =	vmul.f32 v4, v6;
	v7 =	vbroadcast v0, $0xA  }
0x530: {  	s14 =	sadd.s32 $0x10, s14;
	v4 =	vld [tilespmem:s13+$0x40]  }
0x531: {  	v5 =	vadd.f32 v5, v6;
	v2 =	vmul.f32 v2, v7;
	v6 =	vbroadcast v0, $0xB  }
0x532: {  	v8 =	vld [tilespmem:s13+$0x50];
	v7 =	vshrl.u32 v1, $0x10  }
0x533: {  	v2 =	vadd.f32 v5, v2;
	v3 =	vmul.f32 v3, v6;
	v5 =	vbroadcast v0, $0xC  }
0x534: {  	v6 =	vand.u32 $0x1, v7;
	v7 =	vld [tilespmem:s13+$0x60]  }
0x535: {  	v2 =	vadd.f32 v2, v3;
	v3 =	vmul.f32 v4, v5;
	v4 =	vbroadcast v0, $0xD  }
0x536: {  	v1 =	vadd.s32 v6, v1;
	v5 =	vld [tilespmem:s13+$0x70]  }
0x537: {  	s30 =	sadd.s32 $0x100, s13;
	v2 =	vadd.f32 v2, v3;
	v3 =	vmul.f32 v8, v4;
	v4 =	vbroadcast v0, $0xE  }
0x538: {  	v6 =	vld [tilespmem:s30+$0xFFFFFF80];
	v1 =	vadd.s32 $0x7FFF, v1  }
0x539: {  	v0 =	vbroadcast v0, $0xF;
	v2 =	vadd.f32 v2, v3;
	v3 =	vmul.f32 v7, v4  }
0x53a: {  	v1 =	vand.u32 $0xFFFF0000, v1;
	v4 =	vld [tilespmem:s30+$0xFFFFFF90]  }
0x53b: {  	v7 =	vbroadcast v1, $0x0;
	v0 =	vmul.f32 v5, v0;
	v2 =	vadd.f32 v2, v3  }
0x53c: {  	v3 =	vld [tilespmem:s30+$0xFFFFFFA0]  }
0x53d: {  	v5 =	vmul.f32 v7, v6;
	v6 =	vbroadcast v1, $0x1;
	v0 =	vadd.f32 v2, v0  }
0x53e: {  	v2 =	vld [tilespmem:s30+$0xFFFFFFB0]  }
0x53f: {  	v4 =	vmul.f32 v6, v4;
	v0 =	vadd.f32 v5, v0;
	v5 =	vbroadcast v1, $0x2  }
0x540: {  	v6 =	vld [tilespmem:s30+$0xFFFFFFC0]  }
0x541: {  	v0 =	vadd.f32 v0, v4;
	v3 =	vmul.f32 v5, v3;
	v4 =	vbroadcast v1, $0x3  }
0x542: {  	v5 =	vld [tilespmem:s30+$0xFFFFFFD0]  }
0x543: {  	v0 =	vadd.f32 v0, v3;
	v2 =	vmul.f32 v4, v2;
	v3 =	vbroadcast v1, $0x4  }
0x544: {  	v4 =	vld [tilespmem:s30+$0xFFFFFFE0]  }
0x545: {  	v0 =	vadd.f32 v0, v2;
	v2 =	vmul.f32 v3, v6;
	v3 =	vbroadcast v1, $0x5  }
0x546: {  	v6 =	vld [tilespmem:s30+$0xFFFFFFF0]  }
0x547: {  	v0 =	vadd.f32 v0, v2;
	v2 =	vmul.f32 v5, v3;
	v3 =	vbroadcast v1, $0x6  }
0x548: {  	v5 =	vld [tilespmem:s30+$0x0]  }
0x549: {  	v0 =	vadd.f32 v0, v2;
	v2 =	vmul.f32 v4, v3;
	v3 =	vbroadcast v1, $0x7  }
0x54a: {  	v4 =	vld [tilespmem:s30+$0x10]  }
0x54b: {  	v0 =	vadd.f32 v0, v2;
	v2 =	vmul.f32 v6, v3;
	v3 =	vbroadcast v1, $0x8  }
0x54c: {  	v6 =	vld [tilespmem:s30+$0x20]  }
0x54d: {  	v0 =	vadd.f32 v0, v2;
	v2 =	vmul.f32 v5, v3;
	v3 =	vbroadcast v1, $0x9  }
0x54e: {  	v5 =	vld [tilespmem:s30+$0x30]  }
0x54f: {  	v0 =	vadd.f32 v0, v2;
	v2 =	vmul.f32 v4, v3;
	v3 =	vbroadcast v1, $0xA  }
0x550: {  	v4 =	vld [tilespmem:s30+$0x40]  }
0x551: {  	v0 =	vadd.f32 v0, v2;
	v2 =	vmul.f32 v6, v3;
	v3 =	vbroadcast v1, $0xB  }
0x552: {  	v6 =	vld [tilespmem:s30+$0x50]  }
0x553: {  	v0 =	vadd.f32 v0, v2;
	v2 =	vmul.f32 v5, v3;
	v3 =	vbroadcast v1, $0xC  }
0x554: {  	v5 =	vld [tilespmem:s30+$0x60]  }
0x555: {  	v0 =	vadd.f32 v0, v2;
	v2 =	vmul.f32 v4, v3;
	v3 =	vbroadcast v1, $0xD  }
0x556: {  	v4 =	vld [tilespmem:s30+$0x70]  }
0x557: {  	v0 =	vadd.f32 v0, v2;
	v2 =	vmul.f32 v6, v3;
	v3 =	vbroadcast v1, $0xE;
	_ =	sdelay $0x1  }
0x558: {  	v1 =	vbroadcast v1, $0xF;
	v0 =	vadd.f32 v0, v2;
	v2 =	vmul.f32 v5, v3;
	_ =	sdelay $0x1  }
0x559: {  	v1 =	vmul.f32 v4, v1;
	v0 =	vadd.f32 v0, v2;
	_ =	sdelay $0x1  }
0x55a: {  	v0 =	vadd.f32 v0, v1  }
0x55b: {  	s31 =	simm.s32 $0x0  }
0x55c: {  	s13 =	sand.u32 $0x7F0, s31;
	[tilespmem:$0x100C0] =	vst v0  }
0x55d: {  	v0 =	vld [tilespmem:s13+$0xE800];
	_ =	sdelay $0x4  }
0x55e: {  	v1 =	vshrl.u32 v0, $0x10  }
0x55f: {  	s13 =	simm.s32 $0x80;
	v1 =	vand.u32 $0x1, v1  }
0x560: {  	v0 =	vadd.s32 v1, v0;
	v1 =	vld [tilespmem:s13+$0xFFFFFF80]  }
0x561: {  	v0 =	vadd.s32 $0x7FFF, v0  }
0x562: {  	v2 =	vld [tilespmem:s13+$0xFFFFFF90];
	v0 =	vand.u32 $0xFFFF0000, v0  }
0x563: {  	v3 =	vbroadcast v0, $0x0  }
0x564: {  	v4 =	vld [tilespmem:s13+$0xFFFFFFA0]  }
0x565: {  	v1 =	vmul.f32 v3, v1;
	v3 =	vbroadcast v0, $0x1  }
0x566: {  	v5 =	vimm.f32 $0.0e+00;
	v6 =	vld [tilespmem:s13+$0xFFFFFFB0]  }
0x567: {  	v1 =	vadd.f32 v1, v5;
	v2 =	vmul.f32 v3, v2;
	v3 =	vbroadcast v0, $0x2  }
0x568: {  	v5 =	vld [tilespmem:s13+$0xFFFFFFC0]  }
0x569: {  	v1 =	vadd.f32 v1, v2;
	v2 =	vmul.f32 v3, v4;
	v3 =	vbroadcast v0, $0x3  }
0x56a: {  	v4 =	vld [tilespmem:s13+$0xFFFFFFD0]  }
0x56b: {  	v1 =	vadd.f32 v1, v2;
	v2 =	vmul.f32 v3, v6;
	v3 =	vbroadcast v0, $0x4  }
0x56c: {  	v6 =	vld [tilespmem:s13+$0xFFFFFFE0]  }
0x56d: {  	v1 =	vadd.f32 v1, v2;
	v2 =	vmul.f32 v3, v5;
	v3 =	vbroadcast v0, $0x5  }
0x56e: {  	v5 =	vld [tilespmem:s13+$0xFFFFFFF0]  }
0x56f: {  	v1 =	vadd.f32 v1, v2;
	v2 =	vmul.f32 v4, v3;
	v3 =	vbroadcast v0, $0x6  }
0x570: {  	v4 =	vld [tilespmem:s13+$0x0]  }
0x571: {  	v1 =	vadd.f32 v1, v2;
	v2 =	vmul.f32 v6, v3;
	v3 =	vbroadcast v0, $0x7  }
0x572: {  	v6 =	vld [tilespmem:s13+$0x10]  }
0x573: {  	s14 =	simm.s32 $0x10;
	v7 =	vadd.f32 v1, v2;
	v3 =	vmul.f32 v5, v3;
	v5 =	vbroadcast v0, $0x8  }
0x574: {  	s14 =	sand.u32 $0x7F0, s14;
	v2 =	vld [tilespmem:s13+$0x20]  }
0x575: {  	v8 =	vbroadcast v0, $0x9;
	v1 =	vld [tilespmem:s14+$0xE800];
	v7 =	vadd.f32 v7, v3;
	v4 =	vmul.f32 v4, v5  }
0x576: {  	v3 =	vld [tilespmem:s13+$0x30]  }
0x577: {  	v6 =	vmul.f32 v6, v8;
	v5 =	vadd.f32 v7, v4;
	v7 =	vbroadcast v0, $0xA  }
0x578: {  	s14 =	simm.s32 $0x20;
	v4 =	vld [tilespmem:s13+$0x40]  }
.LBB2_29:
0x579: {  	p1 =	sne.s32 s14, $0x7F0;
	v5 =	vadd.f32 v5, v6;
	v2 =	vmul.f32 v2, v7;
	v6 =	vbroadcast v0, $0xB  }
0x57a: {  	v7 =	vshrl.u32 v1, $0x10;
	v8 =	vld [tilespmem:s13+$0x50]  }
0x57b: {  	v2 =	vadd.f32 v5, v2;
	v3 =	vmul.f32 v3, v6;
	v5 =	vbroadcast v0, $0xC  }
0x57c: {  	v6 =	vand.u32 $0x1, v7;
	v7 =	vld [tilespmem:s13+$0x60]  }
0x57d: {  	v2 =	vadd.f32 v2, v3;
	v3 =	vmul.f32 v4, v5;
	v4 =	vbroadcast v0, $0xD  }
0x57e: {  	v1 =	vadd.s32 v6, v1;
	v5 =	vld [tilespmem:s13+$0x70]  }
0x57f: {  	s13 =	sadd.s32 $0x100, s13;
	v2 =	vadd.f32 v2, v3;
	v3 =	vmul.f32 v8, v4;
	v4 =	vbroadcast v0, $0xE  }
0x580: {  	v1 =	vadd.s32 $0x7FFF, v1;
	v6 =	vld [tilespmem:s13+$0xFFFFFF80]  }
0x581: {  	v2 =	vadd.f32 v2, v3;
	v3 =	vmul.f32 v7, v4;
	v4 =	vbroadcast v0, $0xF  }
0x582: {  	v0 =	vand.u32 $0xFFFF0000, v1;
	v1 =	vld [tilespmem:s13+$0xFFFFFF90]  }
0x583: {  	v7 =	vbroadcast v0, $0x0;
	v2 =	vadd.f32 v2, v3;
	v3 =	vmul.f32 v5, v4  }
0x584: {  	v4 =	vld [tilespmem:s13+$0xFFFFFFA0]  }
0x585: {  	v5 =	vmul.f32 v7, v6;
	v6 =	vbroadcast v0, $0x1;
	v2 =	vadd.f32 v2, v3  }
0x586: {  	v3 =	vld [tilespmem:s13+$0xFFFFFFB0]  }
0x587: {  	v2 =	vadd.f32 v5, v2;
	v1 =	vmul.f32 v6, v1;
	v5 =	vbroadcast v0, $0x2  }
0x588: {  	v6 =	vld [tilespmem:s13+$0xFFFFFFC0]  }
0x589: {  	v1 =	vadd.f32 v2, v1;
	v2 =	vmul.f32 v5, v4;
	v4 =	vbroadcast v0, $0x3  }
0x58a: {  	v5 =	vld [tilespmem:s13+$0xFFFFFFD0]  }
0x58b: {  	v1 =	vadd.f32 v1, v2;
	v2 =	vmul.f32 v4, v3;
	v3 =	vbroadcast v0, $0x4  }
0x58c: {  	v4 =	vld [tilespmem:s13+$0xFFFFFFE0]  }
0x58d: {  	v1 =	vadd.f32 v1, v2;
	v2 =	vmul.f32 v3, v6;
	v3 =	vbroadcast v0, $0x5  }
0x58e: {  	v6 =	vld [tilespmem:s13+$0xFFFFFFF0]  }
0x58f: {  	v1 =	vadd.f32 v1, v2;
	v2 =	vmul.f32 v5, v3;
	v3 =	vbroadcast v0, $0x6  }
0x590: {  	v5 =	vld [tilespmem:s13+$0x0]  }
0x591: {  	v1 =	vadd.f32 v1, v2;
	v2 =	vmul.f32 v4, v3;
	v3 =	vbroadcast v0, $0x7  }
0x592: {  	v4 =	vld [tilespmem:s13+$0x10]  }
0x593: {  	v7 =	vadd.f32 v1, v2;
	v3 =	vmul.f32 v6, v3;
	v6 =	vbroadcast v0, $0x8  }
.Ltmp13:
0x594: {  	s15 =	sand.u32 $0x7F0, s14;
	v2 =	vld [tilespmem:s13+$0x20];
	(pc) =	sbr.rel @p1 .LBB2_29-.Ltmp13, $4  }
0x595: {  	v1 =	vld [tilespmem:s15+$0xE800];
	v7 =	vadd.f32 v7, v3;
	v5 =	vmul.f32 v5, v6;
	v6 =	vbroadcast v0, $0x9  }
0x596: {  	v3 =	vld [tilespmem:s13+$0x30]  }
0x597: {  	v5 =	vadd.f32 v7, v5;
	v6 =	vmul.f32 v4, v6;
	v7 =	vbroadcast v0, $0xA  }
0x598: {  	s14 =	sadd.s32 $0x10, s14;
	v4 =	vld [tilespmem:s13+$0x40]  }
0x599: {  	v5 =	vadd.f32 v5, v6;
	v2 =	vmul.f32 v2, v7;
	v6 =	vbroadcast v0, $0xB  }
0x59a: {  	v8 =	vld [tilespmem:s13+$0x50];
	v7 =	vshrl.u32 v1, $0x10  }
0x59b: {  	v2 =	vadd.f32 v5, v2;
	v3 =	vmul.f32 v3, v6;
	v5 =	vbroadcast v0, $0xC  }
0x59c: {  	v6 =	vand.u32 $0x1, v7;
	v7 =	vld [tilespmem:s13+$0x60]  }
0x59d: {  	v2 =	vadd.f32 v2, v3;
	v3 =	vmul.f32 v4, v5;
	v4 =	vbroadcast v0, $0xD  }
0x59e: {  	v1 =	vadd.s32 v6, v1;
	v5 =	vld [tilespmem:s13+$0x70]  }
0x59f: {  	s30 =	sadd.s32 $0x100, s13;
	v2 =	vadd.f32 v2, v3;
	v3 =	vmul.f32 v8, v4;
	v4 =	vbroadcast v0, $0xE  }
0x5a0: {  	v6 =	vld [tilespmem:s30+$0xFFFFFF80];
	v1 =	vadd.s32 $0x7FFF, v1  }
0x5a1: {  	v0 =	vbroadcast v0, $0xF;
	v2 =	vadd.f32 v2, v3;
	v3 =	vmul.f32 v7, v4  }
0x5a2: {  	v1 =	vand.u32 $0xFFFF0000, v1;
	v4 =	vld [tilespmem:s30+$0xFFFFFF90]  }
0x5a3: {  	v7 =	vbroadcast v1, $0x0;
	v0 =	vmul.f32 v5, v0;
	v2 =	vadd.f32 v2, v3  }
0x5a4: {  	v3 =	vld [tilespmem:s30+$0xFFFFFFA0]  }
0x5a5: {  	v5 =	vmul.f32 v7, v6;
	v6 =	vbroadcast v1, $0x1;
	v0 =	vadd.f32 v2, v0  }
0x5a6: {  	v2 =	vld [tilespmem:s30+$0xFFFFFFB0]  }
0x5a7: {  	v4 =	vmul.f32 v6, v4;
	v0 =	vadd.f32 v5, v0;
	v5 =	vbroadcast v1, $0x2  }
0x5a8: {  	v6 =	vld [tilespmem:s30+$0xFFFFFFC0]  }
0x5a9: {  	v0 =	vadd.f32 v0, v4;
	v3 =	vmul.f32 v5, v3;
	v4 =	vbroadcast v1, $0x3  }
0x5aa: {  	v5 =	vld [tilespmem:s30+$0xFFFFFFD0]  }
0x5ab: {  	v0 =	vadd.f32 v0, v3;
	v2 =	vmul.f32 v4, v2;
	v3 =	vbroadcast v1, $0x4  }
0x5ac: {  	v4 =	vld [tilespmem:s30+$0xFFFFFFE0]  }
0x5ad: {  	v0 =	vadd.f32 v0, v2;
	v2 =	vmul.f32 v3, v6;
	v3 =	vbroadcast v1, $0x5  }
0x5ae: {  	v6 =	vld [tilespmem:s30+$0xFFFFFFF0]  }
0x5af: {  	v0 =	vadd.f32 v0, v2;
	v2 =	vmul.f32 v5, v3;
	v3 =	vbroadcast v1, $0x6  }
0x5b0: {  	v5 =	vld [tilespmem:s30+$0x0]  }
0x5b1: {  	v0 =	vadd.f32 v0, v2;
	v2 =	vmul.f32 v4, v3;
	v3 =	vbroadcast v1, $0x7  }
0x5b2: {  	v4 =	vld [tilespmem:s30+$0x10]  }
0x5b3: {  	v0 =	vadd.f32 v0, v2;
	v2 =	vmul.f32 v6, v3;
	v3 =	vbroadcast v1, $0x8  }
0x5b4: {  	v6 =	vld [tilespmem:s30+$0x20]  }
0x5b5: {  	v0 =	vadd.f32 v0, v2;
	v2 =	vmul.f32 v5, v3;
	v3 =	vbroadcast v1, $0x9  }
0x5b6: {  	v5 =	vld [tilespmem:s30+$0x30]  }
0x5b7: {  	v0 =	vadd.f32 v0, v2;
	v2 =	vmul.f32 v4, v3;
	v3 =	vbroadcast v1, $0xA  }
0x5b8: {  	v4 =	vld [tilespmem:s30+$0x40]  }
0x5b9: {  	v0 =	vadd.f32 v0, v2;
	v2 =	vmul.f32 v6, v3;
	v3 =	vbroadcast v1, $0xB  }
0x5ba: {  	v6 =	vld [tilespmem:s30+$0x50]  }
0x5bb: {  	v0 =	vadd.f32 v0, v2;
	v2 =	vmul.f32 v5, v3;
	v3 =	vbroadcast v1, $0xC  }
0x5bc: {  	v5 =	vld [tilespmem:s30+$0x60]  }
0x5bd: {  	v0 =	vadd.f32 v0, v2;
	v2 =	vmul.f32 v4, v3;
	v3 =	vbroadcast v1, $0xD  }
0x5be: {  	v4 =	vld [tilespmem:s30+$0x70]  }
0x5bf: {  	v0 =	vadd.f32 v0, v2;
	v2 =	vmul.f32 v6, v3;
	v3 =	vbroadcast v1, $0xE;
	_ =	sdelay $0x1  }
0x5c0: {  	v1 =	vbroadcast v1, $0xF;
	v0 =	vadd.f32 v0, v2;
	v2 =	vmul.f32 v5, v3;
	_ =	sdelay $0x1  }
0x5c1: {  	v1 =	vmul.f32 v4, v1;
	v0 =	vadd.f32 v0, v2;
	_ =	sdelay $0x1  }
0x5c2: {  	v0 =	vadd.f32 v0, v1  }
0x5c3: {  	s31 =	simm.s32 $0x0  }
0x5c4: {  	s13 =	sand.u32 $0x7F0, s31;
	[tilespmem:$0x100D0] =	vst v0  }
0x5c5: {  	v0 =	vld [tilespmem:s13+$0xF000];
	_ =	sdelay $0x4  }
0x5c6: {  	v1 =	vshrl.u32 v0, $0x10  }
0x5c7: {  	s13 =	simm.s32 $0x80;
	v1 =	vand.u32 $0x1, v1  }
0x5c8: {  	v0 =	vadd.s32 v1, v0;
	v1 =	vld [tilespmem:s13+$0xFFFFFF80]  }
0x5c9: {  	v0 =	vadd.s32 $0x7FFF, v0  }
0x5ca: {  	v2 =	vld [tilespmem:s13+$0xFFFFFF90];
	v0 =	vand.u32 $0xFFFF0000, v0  }
0x5cb: {  	v3 =	vbroadcast v0, $0x0  }
0x5cc: {  	v4 =	vld [tilespmem:s13+$0xFFFFFFA0]  }
0x5cd: {  	v1 =	vmul.f32 v3, v1;
	v3 =	vbroadcast v0, $0x1  }
0x5ce: {  	v5 =	vimm.f32 $0.0e+00;
	v6 =	vld [tilespmem:s13+$0xFFFFFFB0]  }
0x5cf: {  	v1 =	vadd.f32 v1, v5;
	v2 =	vmul.f32 v3, v2;
	v3 =	vbroadcast v0, $0x2  }
0x5d0: {  	v5 =	vld [tilespmem:s13+$0xFFFFFFC0]  }
0x5d1: {  	v1 =	vadd.f32 v1, v2;
	v2 =	vmul.f32 v3, v4;
	v3 =	vbroadcast v0, $0x3  }
0x5d2: {  	v4 =	vld [tilespmem:s13+$0xFFFFFFD0]  }
0x5d3: {  	v1 =	vadd.f32 v1, v2;
	v2 =	vmul.f32 v3, v6;
	v3 =	vbroadcast v0, $0x4  }
0x5d4: {  	v6 =	vld [tilespmem:s13+$0xFFFFFFE0]  }
0x5d5: {  	v1 =	vadd.f32 v1, v2;
	v2 =	vmul.f32 v3, v5;
	v3 =	vbroadcast v0, $0x5  }
0x5d6: {  	v5 =	vld [tilespmem:s13+$0xFFFFFFF0]  }
0x5d7: {  	v1 =	vadd.f32 v1, v2;
	v2 =	vmul.f32 v4, v3;
	v3 =	vbroadcast v0, $0x6  }
0x5d8: {  	v4 =	vld [tilespmem:s13+$0x0]  }
0x5d9: {  	v1 =	vadd.f32 v1, v2;
	v2 =	vmul.f32 v6, v3;
	v3 =	vbroadcast v0, $0x7  }
0x5da: {  	v6 =	vld [tilespmem:s13+$0x10]  }
0x5db: {  	s14 =	simm.s32 $0x10;
	v7 =	vadd.f32 v1, v2;
	v3 =	vmul.f32 v5, v3;
	v5 =	vbroadcast v0, $0x8  }
0x5dc: {  	s14 =	sand.u32 $0x7F0, s14;
	v2 =	vld [tilespmem:s13+$0x20]  }
0x5dd: {  	v8 =	vbroadcast v0, $0x9;
	v1 =	vld [tilespmem:s14+$0xF000];
	v7 =	vadd.f32 v7, v3;
	v4 =	vmul.f32 v4, v5  }
0x5de: {  	v3 =	vld [tilespmem:s13+$0x30]  }
0x5df: {  	v6 =	vmul.f32 v6, v8;
	v5 =	vadd.f32 v7, v4;
	v7 =	vbroadcast v0, $0xA  }
0x5e0: {  	s14 =	simm.s32 $0x20;
	v4 =	vld [tilespmem:s13+$0x40]  }
.LBB2_31:
0x5e1: {  	p1 =	sne.s32 s14, $0x7F0;
	v5 =	vadd.f32 v5, v6;
	v2 =	vmul.f32 v2, v7;
	v6 =	vbroadcast v0, $0xB  }
0x5e2: {  	v7 =	vshrl.u32 v1, $0x10;
	v8 =	vld [tilespmem:s13+$0x50]  }
0x5e3: {  	v2 =	vadd.f32 v5, v2;
	v3 =	vmul.f32 v3, v6;
	v5 =	vbroadcast v0, $0xC  }
0x5e4: {  	v6 =	vand.u32 $0x1, v7;
	v7 =	vld [tilespmem:s13+$0x60]  }
0x5e5: {  	v2 =	vadd.f32 v2, v3;
	v3 =	vmul.f32 v4, v5;
	v4 =	vbroadcast v0, $0xD  }
0x5e6: {  	v1 =	vadd.s32 v6, v1;
	v5 =	vld [tilespmem:s13+$0x70]  }
0x5e7: {  	s13 =	sadd.s32 $0x100, s13;
	v2 =	vadd.f32 v2, v3;
	v3 =	vmul.f32 v8, v4;
	v4 =	vbroadcast v0, $0xE  }
0x5e8: {  	v1 =	vadd.s32 $0x7FFF, v1;
	v6 =	vld [tilespmem:s13+$0xFFFFFF80]  }
0x5e9: {  	v2 =	vadd.f32 v2, v3;
	v3 =	vmul.f32 v7, v4;
	v4 =	vbroadcast v0, $0xF  }
0x5ea: {  	v0 =	vand.u32 $0xFFFF0000, v1;
	v1 =	vld [tilespmem:s13+$0xFFFFFF90]  }
0x5eb: {  	v7 =	vbroadcast v0, $0x0;
	v2 =	vadd.f32 v2, v3;
	v3 =	vmul.f32 v5, v4  }
0x5ec: {  	v4 =	vld [tilespmem:s13+$0xFFFFFFA0]  }
0x5ed: {  	v5 =	vmul.f32 v7, v6;
	v6 =	vbroadcast v0, $0x1;
	v2 =	vadd.f32 v2, v3  }
0x5ee: {  	v3 =	vld [tilespmem:s13+$0xFFFFFFB0]  }
0x5ef: {  	v2 =	vadd.f32 v5, v2;
	v1 =	vmul.f32 v6, v1;
	v5 =	vbroadcast v0, $0x2  }
0x5f0: {  	v6 =	vld [tilespmem:s13+$0xFFFFFFC0]  }
0x5f1: {  	v1 =	vadd.f32 v2, v1;
	v2 =	vmul.f32 v5, v4;
	v4 =	vbroadcast v0, $0x3  }
0x5f2: {  	v5 =	vld [tilespmem:s13+$0xFFFFFFD0]  }
0x5f3: {  	v1 =	vadd.f32 v1, v2;
	v2 =	vmul.f32 v4, v3;
	v3 =	vbroadcast v0, $0x4  }
0x5f4: {  	v4 =	vld [tilespmem:s13+$0xFFFFFFE0]  }
0x5f5: {  	v1 =	vadd.f32 v1, v2;
	v2 =	vmul.f32 v3, v6;
	v3 =	vbroadcast v0, $0x5  }
0x5f6: {  	v6 =	vld [tilespmem:s13+$0xFFFFFFF0]  }
0x5f7: {  	v1 =	vadd.f32 v1, v2;
	v2 =	vmul.f32 v5, v3;
	v3 =	vbroadcast v0, $0x6  }
0x5f8: {  	v5 =	vld [tilespmem:s13+$0x0]  }
0x5f9: {  	v1 =	vadd.f32 v1, v2;
	v2 =	vmul.f32 v4, v3;
	v3 =	vbroadcast v0, $0x7  }
0x5fa: {  	v4 =	vld [tilespmem:s13+$0x10]  }
0x5fb: {  	v7 =	vadd.f32 v1, v2;
	v3 =	vmul.f32 v6, v3;
	v6 =	vbroadcast v0, $0x8  }
.Ltmp14:
0x5fc: {  	s15 =	sand.u32 $0x7F0, s14;
	v2 =	vld [tilespmem:s13+$0x20];
	(pc) =	sbr.rel @p1 .LBB2_31-.Ltmp14, $4  }
0x5fd: {  	v1 =	vld [tilespmem:s15+$0xF000];
	v7 =	vadd.f32 v7, v3;
	v5 =	vmul.f32 v5, v6;
	v6 =	vbroadcast v0, $0x9  }
0x5fe: {  	v3 =	vld [tilespmem:s13+$0x30]  }
0x5ff: {  	v5 =	vadd.f32 v7, v5;
	v6 =	vmul.f32 v4, v6;
	v7 =	vbroadcast v0, $0xA  }
0x600: {  	s14 =	sadd.s32 $0x10, s14;
	v4 =	vld [tilespmem:s13+$0x40]  }
0x601: {  	v5 =	vadd.f32 v5, v6;
	v2 =	vmul.f32 v2, v7;
	v6 =	vbroadcast v0, $0xB  }
0x602: {  	v8 =	vld [tilespmem:s13+$0x50];
	v7 =	vshrl.u32 v1, $0x10  }
0x603: {  	v2 =	vadd.f32 v5, v2;
	v3 =	vmul.f32 v3, v6;
	v5 =	vbroadcast v0, $0xC  }
0x604: {  	v6 =	vand.u32 $0x1, v7;
	v7 =	vld [tilespmem:s13+$0x60]  }
0x605: {  	v2 =	vadd.f32 v2, v3;
	v3 =	vmul.f32 v4, v5;
	v4 =	vbroadcast v0, $0xD  }
0x606: {  	v1 =	vadd.s32 v6, v1;
	v5 =	vld [tilespmem:s13+$0x70]  }
0x607: {  	s30 =	sadd.s32 $0x100, s13;
	v2 =	vadd.f32 v2, v3;
	v3 =	vmul.f32 v8, v4;
	v4 =	vbroadcast v0, $0xE  }
0x608: {  	v6 =	vld [tilespmem:s30+$0xFFFFFF80];
	v1 =	vadd.s32 $0x7FFF, v1  }
0x609: {  	v0 =	vbroadcast v0, $0xF;
	v2 =	vadd.f32 v2, v3;
	v3 =	vmul.f32 v7, v4  }
0x60a: {  	v1 =	vand.u32 $0xFFFF0000, v1;
	v4 =	vld [tilespmem:s30+$0xFFFFFF90]  }
0x60b: {  	v7 =	vbroadcast v1, $0x0;
	v0 =	vmul.f32 v5, v0;
	v2 =	vadd.f32 v2, v3  }
0x60c: {  	v3 =	vld [tilespmem:s30+$0xFFFFFFA0]  }
0x60d: {  	v5 =	vmul.f32 v7, v6;
	v6 =	vbroadcast v1, $0x1;
	v0 =	vadd.f32 v2, v0  }
0x60e: {  	v2 =	vld [tilespmem:s30+$0xFFFFFFB0]  }
0x60f: {  	v4 =	vmul.f32 v6, v4;
	v0 =	vadd.f32 v5, v0;
	v5 =	vbroadcast v1, $0x2  }
0x610: {  	v6 =	vld [tilespmem:s30+$0xFFFFFFC0]  }
0x611: {  	v0 =	vadd.f32 v0, v4;
	v3 =	vmul.f32 v5, v3;
	v4 =	vbroadcast v1, $0x3  }
0x612: {  	v5 =	vld [tilespmem:s30+$0xFFFFFFD0]  }
0x613: {  	v0 =	vadd.f32 v0, v3;
	v2 =	vmul.f32 v4, v2;
	v3 =	vbroadcast v1, $0x4  }
0x614: {  	v4 =	vld [tilespmem:s30+$0xFFFFFFE0]  }
0x615: {  	v0 =	vadd.f32 v0, v2;
	v2 =	vmul.f32 v3, v6;
	v3 =	vbroadcast v1, $0x5  }
0x616: {  	v6 =	vld [tilespmem:s30+$0xFFFFFFF0]  }
0x617: {  	v0 =	vadd.f32 v0, v2;
	v2 =	vmul.f32 v5, v3;
	v3 =	vbroadcast v1, $0x6  }
0x618: {  	v5 =	vld [tilespmem:s30+$0x0]  }
0x619: {  	v0 =	vadd.f32 v0, v2;
	v2 =	vmul.f32 v4, v3;
	v3 =	vbroadcast v1, $0x7  }
0x61a: {  	v4 =	vld [tilespmem:s30+$0x10]  }
0x61b: {  	v0 =	vadd.f32 v0, v2;
	v2 =	vmul.f32 v6, v3;
	v3 =	vbroadcast v1, $0x8  }
0x61c: {  	v6 =	vld [tilespmem:s30+$0x20]  }
0x61d: {  	v0 =	vadd.f32 v0, v2;
	v2 =	vmul.f32 v5, v3;
	v3 =	vbroadcast v1, $0x9  }
0x61e: {  	v5 =	vld [tilespmem:s30+$0x30]  }
0x61f: {  	v0 =	vadd.f32 v0, v2;
	v2 =	vmul.f32 v4, v3;
	v3 =	vbroadcast v1, $0xA  }
0x620: {  	v4 =	vld [tilespmem:s30+$0x40]  }
0x621: {  	v0 =	vadd.f32 v0, v2;
	v2 =	vmul.f32 v6, v3;
	v3 =	vbroadcast v1, $0xB  }
0x622: {  	v6 =	vld [tilespmem:s30+$0x50]  }
0x623: {  	v0 =	vadd.f32 v0, v2;
	v2 =	vmul.f32 v5, v3;
	v3 =	vbroadcast v1, $0xC  }
0x624: {  	v5 =	vld [tilespmem:s30+$0x60]  }
0x625: {  	v0 =	vadd.f32 v0, v2;
	v2 =	vmul.f32 v4, v3;
	v3 =	vbroadcast v1, $0xD  }
0x626: {  	v4 =	vld [tilespmem:s30+$0x70]  }
0x627: {  	v0 =	vadd.f32 v0, v2;
	v2 =	vmul.f32 v6, v3;
	v3 =	vbroadcast v1, $0xE;
	_ =	sdelay $0x1  }
0x628: {  	v1 =	vbroadcast v1, $0xF;
	v0 =	vadd.f32 v0, v2;
	v2 =	vmul.f32 v5, v3;
	_ =	sdelay $0x1  }
0x629: {  	v1 =	vmul.f32 v4, v1;
	v0 =	vadd.f32 v0, v2;
	_ =	sdelay $0x1  }
0x62a: {  	v0 =	vadd.f32 v0, v1  }
0x62b: {  	s31 =	simm.s32 $0x0  }
0x62c: {  	s13 =	sand.u32 $0x7F0, s31;
	[tilespmem:$0x100E0] =	vst v0  }
0x62d: {  	v0 =	vld [tilespmem:s13+$0xF800];
	_ =	sdelay $0x4  }
0x62e: {  	v1 =	vshrl.u32 v0, $0x10  }
0x62f: {  	s13 =	simm.s32 $0x80;
	v1 =	vand.u32 $0x1, v1  }
0x630: {  	v0 =	vadd.s32 v1, v0;
	v1 =	vld [tilespmem:s13+$0xFFFFFF80]  }
0x631: {  	v0 =	vadd.s32 $0x7FFF, v0  }
0x632: {  	v2 =	vld [tilespmem:s13+$0xFFFFFF90];
	v0 =	vand.u32 $0xFFFF0000, v0  }
0x633: {  	v3 =	vbroadcast v0, $0x0  }
0x634: {  	v4 =	vld [tilespmem:s13+$0xFFFFFFA0]  }
0x635: {  	v1 =	vmul.f32 v3, v1;
	v3 =	vbroadcast v0, $0x1  }
0x636: {  	v5 =	vimm.f32 $0.0e+00;
	v6 =	vld [tilespmem:s13+$0xFFFFFFB0]  }
0x637: {  	v1 =	vadd.f32 v1, v5;
	v2 =	vmul.f32 v3, v2;
	v3 =	vbroadcast v0, $0x2  }
0x638: {  	v5 =	vld [tilespmem:s13+$0xFFFFFFC0]  }
0x639: {  	v1 =	vadd.f32 v1, v2;
	v2 =	vmul.f32 v3, v4;
	v3 =	vbroadcast v0, $0x3  }
0x63a: {  	v4 =	vld [tilespmem:s13+$0xFFFFFFD0]  }
0x63b: {  	v1 =	vadd.f32 v1, v2;
	v2 =	vmul.f32 v3, v6;
	v3 =	vbroadcast v0, $0x4  }
0x63c: {  	v6 =	vld [tilespmem:s13+$0xFFFFFFE0]  }
0x63d: {  	v1 =	vadd.f32 v1, v2;
	v2 =	vmul.f32 v3, v5;
	v3 =	vbroadcast v0, $0x5  }
0x63e: {  	v5 =	vld [tilespmem:s13+$0xFFFFFFF0]  }
0x63f: {  	v1 =	vadd.f32 v1, v2;
	v2 =	vmul.f32 v4, v3;
	v3 =	vbroadcast v0, $0x6  }
0x640: {  	v4 =	vld [tilespmem:s13+$0x0]  }
0x641: {  	v1 =	vadd.f32 v1, v2;
	v2 =	vmul.f32 v6, v3;
	v3 =	vbroadcast v0, $0x7  }
0x642: {  	v6 =	vld [tilespmem:s13+$0x10]  }
0x643: {  	s14 =	simm.s32 $0x10;
	v7 =	vadd.f32 v1, v2;
	v3 =	vmul.f32 v5, v3;
	v5 =	vbroadcast v0, $0x8  }
0x644: {  	s14 =	sand.u32 $0x7F0, s14;
	v2 =	vld [tilespmem:s13+$0x20]  }
0x645: {  	v8 =	vbroadcast v0, $0x9;
	v1 =	vld [tilespmem:s14+$0xF800];
	v7 =	vadd.f32 v7, v3;
	v4 =	vmul.f32 v4, v5  }
0x646: {  	v3 =	vld [tilespmem:s13+$0x30]  }
0x647: {  	v6 =	vmul.f32 v6, v8;
	v5 =	vadd.f32 v7, v4;
	v7 =	vbroadcast v0, $0xA  }
0x648: {  	s14 =	simm.s32 $0x20;
	v4 =	vld [tilespmem:s13+$0x40]  }
.LBB2_33:
0x649: {  	p1 =	sne.s32 s14, $0x7F0;
	v5 =	vadd.f32 v5, v6;
	v2 =	vmul.f32 v2, v7;
	v6 =	vbroadcast v0, $0xB  }
0x64a: {  	v7 =	vshrl.u32 v1, $0x10;
	v8 =	vld [tilespmem:s13+$0x50]  }
0x64b: {  	v2 =	vadd.f32 v5, v2;
	v3 =	vmul.f32 v3, v6;
	v5 =	vbroadcast v0, $0xC  }
0x64c: {  	v6 =	vand.u32 $0x1, v7;
	v7 =	vld [tilespmem:s13+$0x60]  }
0x64d: {  	v2 =	vadd.f32 v2, v3;
	v3 =	vmul.f32 v4, v5;
	v4 =	vbroadcast v0, $0xD  }
0x64e: {  	v1 =	vadd.s32 v6, v1;
	v5 =	vld [tilespmem:s13+$0x70]  }
0x64f: {  	s13 =	sadd.s32 $0x100, s13;
	v2 =	vadd.f32 v2, v3;
	v3 =	vmul.f32 v8, v4;
	v4 =	vbroadcast v0, $0xE  }
0x650: {  	v1 =	vadd.s32 $0x7FFF, v1;
	v6 =	vld [tilespmem:s13+$0xFFFFFF80]  }
0x651: {  	v2 =	vadd.f32 v2, v3;
	v3 =	vmul.f32 v7, v4;
	v4 =	vbroadcast v0, $0xF  }
0x652: {  	v0 =	vand.u32 $0xFFFF0000, v1;
	v1 =	vld [tilespmem:s13+$0xFFFFFF90]  }
0x653: {  	v7 =	vbroadcast v0, $0x0;
	v2 =	vadd.f32 v2, v3;
	v3 =	vmul.f32 v5, v4  }
0x654: {  	v4 =	vld [tilespmem:s13+$0xFFFFFFA0]  }
0x655: {  	v5 =	vmul.f32 v7, v6;
	v6 =	vbroadcast v0, $0x1;
	v2 =	vadd.f32 v2, v3  }
0x656: {  	v3 =	vld [tilespmem:s13+$0xFFFFFFB0]  }
0x657: {  	v2 =	vadd.f32 v5, v2;
	v1 =	vmul.f32 v6, v1;
	v5 =	vbroadcast v0, $0x2  }
0x658: {  	v6 =	vld [tilespmem:s13+$0xFFFFFFC0]  }
0x659: {  	v1 =	vadd.f32 v2, v1;
	v2 =	vmul.f32 v5, v4;
	v4 =	vbroadcast v0, $0x3  }
0x65a: {  	v5 =	vld [tilespmem:s13+$0xFFFFFFD0]  }
0x65b: {  	v1 =	vadd.f32 v1, v2;
	v2 =	vmul.f32 v4, v3;
	v3 =	vbroadcast v0, $0x4  }
0x65c: {  	v4 =	vld [tilespmem:s13+$0xFFFFFFE0]  }
0x65d: {  	v1 =	vadd.f32 v1, v2;
	v2 =	vmul.f32 v3, v6;
	v3 =	vbroadcast v0, $0x5  }
0x65e: {  	v6 =	vld [tilespmem:s13+$0xFFFFFFF0]  }
0x65f: {  	v1 =	vadd.f32 v1, v2;
	v2 =	vmul.f32 v5, v3;
	v3 =	vbroadcast v0, $0x6  }
0x660: {  	v5 =	vld [tilespmem:s13+$0x0]  }
0x661: {  	v1 =	vadd.f32 v1, v2;
	v2 =	vmul.f32 v4, v3;
	v3 =	vbroadcast v0, $0x7  }
0x662: {  	v4 =	vld [tilespmem:s13+$0x10]  }
0x663: {  	v7 =	vadd.f32 v1, v2;
	v3 =	vmul.f32 v6, v3;
	v6 =	vbroadcast v0, $0x8  }
.Ltmp15:
0x664: {  	s15 =	sand.u32 $0x7F0, s14;
	v2 =	vld [tilespmem:s13+$0x20];
	(pc) =	sbr.rel @p1 .LBB2_33-.Ltmp15, $4  }
0x665: {  	v1 =	vld [tilespmem:s15+$0xF800];
	v7 =	vadd.f32 v7, v3;
	v5 =	vmul.f32 v5, v6;
	v6 =	vbroadcast v0, $0x9  }
0x666: {  	v3 =	vld [tilespmem:s13+$0x30]  }
0x667: {  	v5 =	vadd.f32 v7, v5;
	v6 =	vmul.f32 v4, v6;
	v7 =	vbroadcast v0, $0xA  }
0x668: {  	s14 =	sadd.s32 $0x10, s14;
	v4 =	vld [tilespmem:s13+$0x40]  }
0x669: {  	v5 =	vadd.f32 v5, v6;
	v2 =	vmul.f32 v2, v7;
	v62 =	vbroadcast v0, $0xB  }
0x66a: {  	v8 =	vld [tilespmem:s13+$0x50]  }
0x66b: {  	v10 =	vbroadcast v0, $0xC;
	v2 =	vadd.f32 v5, v2;
	v3 =	vmul.f32 v3, v62  }
0x66c: {  	v12 =	vld [tilespmem:s13+$0x60]  }
0x66d: {  	v14 =	vbroadcast v0, $0xD;
	v2 =	vadd.f32 v2, v3;
	v13 =	vmul.f32 v4, v10  }
0x66e: {  	v16 =	vld [tilespmem:s13+$0x70];
	v18 =	vbroadcast v0, $0xE;
	v63 =	vshrl.u32 v1, $0x10  }
0x66f: {  	s31 =	sadd.s32 $0x100, s13;
	v11 =	vand.u32 $0x1, v63;
	v17 =	vmul.f32 v8, v14;
	v2 =	vadd.f32 v2, v13  }
0x670: {  	v21 =	vbroadcast v0, $0xF;
	v19 =	vld [tilespmem:s31+$0xFFFFFF80];
	v15 =	vadd.s32 v11, v1  }
0x671: {  	v1 =	vadd.s32 $0x7FFF, v15;
	v20 =	vmul.f32 v12, v18;
	v2 =	vadd.f32 v2, v17  }
0x672: {  	v22 =	vld [tilespmem:s31+$0xFFFFFF90];
	v1 =	vand.u32 $0xFFFF0000, v1  }
0x673: {  	v0 =	vmul.f32 v16, v21;
	v23 =	vbroadcast v1, $0x0;
	v2 =	vadd.f32 v2, v20  }
0x674: {  	v24 =	vld [tilespmem:s31+$0xFFFFFFA0]  }
0x675: {  	v26 =	vbroadcast v1, $0x1;
	v25 =	vmul.f32 v23, v19;
	v0 =	vadd.f32 v2, v0  }
0x676: {  	v27 =	vld [tilespmem:s31+$0xFFFFFFB0]  }
0x677: {  	v28 =	vbroadcast v1, $0x2;
	v4 =	vmul.f32 v26, v22;
	v0 =	vadd.f32 v25, v0  }
0x678: {  	v29 =	vld [tilespmem:s31+$0xFFFFFFC0]  }
0x679: {  	v30 =	vbroadcast v1, $0x3;
	v3 =	vmul.f32 v28, v24;
	v0 =	vadd.f32 v0, v4  }
0x67a: {  	v31 =	vld [tilespmem:s31+$0xFFFFFFD0]  }
0x67b: {  	v32 =	vbroadcast v1, $0x4;
	v2 =	vmul.f32 v30, v27;
	v0 =	vadd.f32 v0, v3  }
0x67c: {  	v33 =	vld [tilespmem:s31+$0xFFFFFFE0]  }
0x67d: {  	v35 =	vbroadcast v1, $0x5;
	v34 =	vmul.f32 v32, v29;
	v0 =	vadd.f32 v0, v2  }
0x67e: {  	v36 =	vld [tilespmem:s31+$0xFFFFFFF0]  }
0x67f: {  	v38 =	vbroadcast v1, $0x6;
	v37 =	vmul.f32 v31, v35;
	v0 =	vadd.f32 v0, v34  }
0x680: {  	v39 =	vld [tilespmem:s31+$0x0]  }
0x681: {  	v41 =	vbroadcast v1, $0x7;
	v40 =	vmul.f32 v33, v38;
	v0 =	vadd.f32 v0, v37  }
0x682: {  	v42 =	vld [tilespmem:s31+$0x10]  }
0x683: {  	v44 =	vbroadcast v1, $0x8;
	v43 =	vmul.f32 v36, v41;
	v0 =	vadd.f32 v0, v40  }
0x684: {  	v45 =	vld [tilespmem:s31+$0x20]  }
0x685: {  	v47 =	vbroadcast v1, $0x9;
	v46 =	vmul.f32 v39, v44;
	v0 =	vadd.f32 v0, v43  }
0x686: {  	v48 =	vld [tilespmem:s31+$0x30]  }
0x687: {  	v50 =	vbroadcast v1, $0xA;
	v49 =	vmul.f32 v42, v47;
	v0 =	vadd.f32 v0, v46  }
0x688: {  	v51 =	vld [tilespmem:s31+$0x40]  }
0x689: {  	v53 =	vbroadcast v1, $0xB;
	v52 =	vmul.f32 v45, v50;
	v0 =	vadd.f32 v0, v49  }
0x68a: {  	v54 =	vld [tilespmem:s31+$0x50]  }
0x68b: {  	v56 =	vbroadcast v1, $0xC;
	v55 =	vmul.f32 v48, v53;
	v0 =	vadd.f32 v0, v52  }
0x68c: {  	v57 =	vld [tilespmem:s31+$0x60]  }
0x68d: {  	v59 =	vbroadcast v1, $0xD;
	v58 =	vmul.f32 v51, v56;
	v0 =	vadd.f32 v0, v55  }
0x68e: {  	v60 =	vld [tilespmem:s31+$0x70]  }
0x68f: {  	v62 =	vbroadcast v1, $0xE;
	v61 =	vmul.f32 v54, v59;
	v0 =	vadd.f32 v0, v58;
	_ =	sdelay $0x1  }
0x690: {  	v1 =	vbroadcast v1, $0xF;
	v63 =	vmul.f32 v57, v62;
	v0 =	vadd.f32 v0, v61;
	_ =	sdelay $0x1  }
0x691: {  	v1 =	vmul.f32 v60, v1;
	v0 =	vadd.f32 v0, v63;
	_ =	sdelay $0x1  }
0x692: {  	v0 =	vadd.f32 v0, v1  }
0x693: {  	s12 =	sshll.u32 s12, $0x1  }
.Ltmp16:
0x694: {  	s12 =	sadd.s32 s2, s12;
	[tilespmem:$0x100F0] =	vst v0;
	(pc) =	sbr.rel @p0 .LBB2_2-.Ltmp16, $4  }
0x695: {  	[hbm4b:s12+s4] =	stream.linear.scatter [tilespmem:s10], [sflag:$0x1], $0x100, $0x38;
	[tilespmem:$0x10100] =	vst v63  }
0x696: {  	_ =	swait.ge [sflag:s8], $0x100  }
0x697: {  	[sflag:s8] =	ssyncset.done $0x0  }
0x698: {  	p1 =	por $0x0, $0x0;
	s12 =	simm.s32 $0x10;
	[sflag:s8] =	ssyncadd.s32 $0xFFFFFF00  }
0x699: {  	s11 =	sadd.s32 $0x1, s11  }
0x69a: {  	p0 =	sne.s32 s11, s7  }
.Ltmp17:
0x69b: {  	_ = 	snop;
	(pc) =	sbr.rel @p0 .LBB2_1-.Ltmp17, $1  }
0x69c: {  	_ =	sdelay $0x3  }
0x69d: {  	_ =	sfence.sel $0x180000  }
0x69e: {  	[bflag:$0x0] =	sbarrier.arrive $0xFFFF  }
0x69f: {  	p0 =	sne.s32 s3, $0x0;
	_ =	strace $0x9000004A  }
0x6a0: {  	s0 =	sadd.s32 @!p0 $0x100000, s0;
	[bflag:$0x2] =	sbarrier.arrive $0xFFFF  }
0x6a1: {  	[sflag:s0] =	ssyncadd.tile.s32 @!p0 $0x1;
	_ =	shalt  }
.Lfunc_end2:
_tile_overlayer_lowered:
.L_overlay_start_2:
0x6a2: {  	(tag) =	ssettag $0x2  }
0x6a3: {  	s0 =	rddreg [dreg:$0x0];
	s2 =	stileid.u32  }
0x6a4: {  	s1 =	rddreg [dreg:$0x1];
	p0 =	sne.s32 s2, $0x0  }
0x6a5: {  	s3 =	rddreg [dreg:$0x2];
	[bflag:$0x3] =	sbarrier.arrive $0xFFFF;
	s2 =	simm.s32 @!p0 $0x1C01  }
0x6a6: {  	[timem:s3], [sflag:s2] =	dma.local @!p0 [hbm:s0], s1  }
0x6a7: {  	s0 =	simm.s32 @!p0 $0x1  }
0x6a8: {  	_ =	swait.ge @!p0 [sflag:s0], s1  }
0x6a9: {  	s1 =	ssub.s32 @!p0 $0x0, s1;
	[sflag:s0] =	ssyncset.done @!p0 $0x0  }
0x6aa: {  	[sflag:s0] =	ssyncadd.s32 @!p0 s1  }
0x6ab: {  	[bflag:$0x3] =	sbarrier.arrive $0xFFFF  }
0x6ac: {  	_ =	shalt  }

// kernel: sparse-core-data-format-call.cloned.1.call-start
scs
called_computation_lowered:
.L_overlay_start_0:
0x0: {  	s2 =	sld [smem:$0x3FD9]  }
0x1: {  	s3 =	sld [smem:$0x3FFE];
	_ =	sdelay $0x1  }
0x2: {  	s1 =	srdreg.scid  }
0x3: {  	s0 =	sand.u32 $0x1, s1  }
0x4: {  	s18 =	sshll.u32 s0, $0xA;
	s2 =	sadd.s32 s3, s2  }
0x5: {  	s2 =	sadd.s32 s2, s18  }
0x6: {  	[smem:$0x3FC6] =	sst s2  }
0x7: {  	_ = 	snop  }
0x8: {  	s2 =	sld [smem:$0x3FC9];
	(tm) =	ssettm $0x1  }
0x9: {  	s19 =	sld [smem:$0x3FFB];
	_ =	sdelay $0x3  }
0xa: {  	_ =	strace s19  }
0xb: {  	s3 =	sld [smem:$0x3FFC];
	_ =	sdelay $0x3  }
0xc: {  	_ =	strace s3  }
0xd: {  	s3 =	sld [smem:$0x3FFD];
	_ =	sdelay $0x3  }
0xe: {  	_ =	strace s3  }
0xf: {  	_ =	strace $0x8FFFFFFF  }
0x10: {  	s20 =	sld [smem:$0x3FDB];
	_ =	sdelay $0x1  }
0x11: {  	s4 =	simm.s32 $_scs_section_size  }
0x12: {  	s5 =	simm.s32 $_size__tile_overlayer_lowered;
	s6 =	simm.s32 $_tile_overlayer_lowered  }
0x13: {  	s23 =	simm.s32 $0x1BFF;
	s22 =	sshll.u32 s6, $0x1;
	s3 =	sadd.s32 s4, s20  }
0x14: {  	s7 =	simm.s32 $0x0;
	s21 =	sshll.u32 s5, $0x1;
	s5 =	sadd.s32 s22, s3  }
0x15: {  	[timem:s7], [sflag:s23] =	dma.local [hbm:s5], s21  }
0x16: {  	_ =	swait.ge [sflag:s23], s21  }
0x17: {  	s4 =	ssub.s32 $0x0, s21;
	[sflag:s23] =	ssyncset.done $0x0  }
0x18: {  	[sflag:s23] =	ssyncadd.s32 s4;
	_ =	sdelay $0x1  }
0x19: {  	s24 =	simm.s32 $0x1B8B  }
0x1a: {  	_ =	swait.ge [sflag:s24], $0x1  }
0x1b: {  	[sflag:s24] =	ssyncset.done $0x0  }
0x1c: {  	s26 =	simm.s32 $0x1B8E;
	s25 =	sld [smem:$0x3FFE];
	[sflag:s24] =	ssyncadd.s32 $0xFFFFFFFF  }
0x1d: {  	s27 =	simm.s32 $execute0_lowered;
	[smem:$0x3FD2] =	sst s26  }
0x1e: {  	s5 =	sshll.u32 s27, $0x1;
	_ =	strace $0x80000046;
	[dreg:$0x1] =	wrdreg $0xFFFFFFFF  }
0x1f: {  	s28 =	simm.s32 $_size_execute0_lowered;
	s3 =	sadd.s32 s3, s5;
	[dreg:$0x0] =	wrdreg $0x0  }
0x20: {  	s5 =	sshll.u32 s28, $0x1;
	[dreg:$0x2] =	wrdreg s3  }
0x21: {  	[dreg:$0x3] =	wrdreg s5  }
0x22: {  	[dreg:$0x4] =	wrdreg $0xC0  }
0x23: {  	_ =	task [dreg:s7], $0x5FFFF  }
0x24: {  	[dreg:$0x1] =	wrdreg $0xFFFFFFFF  }
0x25: {  	[dreg:$0x0] =	wrdreg $0x60  }
0x26: {  	[dreg:$0x2] =	wrdreg s2  }
0x27: {  	[dreg:$0x3] =	wrdreg s25  }
0x28: {  	[dreg:$0x4] =	wrdreg $0x9  }
0x29: {  	_ =	task.clear_ibuf [dreg:s7], $0x5FFFF;
	_ =	strace $0x90000046  }
0x2a: {  	s29 =	simm.s32 $0x9;
	_ =	strace $0x80000048  }
0x2b: {  	_ =	swait.ge [sflag:s29], $0x1  }
0x2c: {  	[sflag:s29] =	ssyncadd.s32 $0xFFFFFFFF  }
0x2d: {  	_ =	strace $0x90000048  }
0x2e: {  	_ =	sfence  }
0x2f: {  	s30 =	sld [smem:$0x0];
	_ =	sdelay $0x2  }
0x30: {  	s31 =	sshll.u32 s1, $0xD;
	s1 =	sshrl.u32 s1, $0x2  }
0x31: {  	s3 =	sand.u32 $0x4000, s31;
	s1 =	sadd.s32 s1, s30  }
0x32: {  	s0 =	sor.u32 s3, s0;
	s1 =	sshll.u32 s1, $0x11  }
0x33: {  	s0 =	sor.u32 s1, s0  }
0x34: {  	s0 =	sadd.s32 $0x8F2B, s0  }
0x35: {  	[sflag:s0] =	ssyncadd.remote.s32 $0x1  }
0x36: {  	_ =	sfence.sel $0xFFFF  }
0x37: {  	[dreg:$0x0] =	wrdreg $0xFFFFFFFF;
	(pc) =	sbr.abs _section_cstart, $3  }
0x38: {  	[dreg:$0x1] =	wrdreg $0xFFFFFFFF  }
0x39: {  	_ =	task.clear_ibuf [dreg:s7], $0x2FFFF;
	_ =	strace $0x9FFFFFFF  }
0x3a: {  	(tm) =	ssettm $0x7FFFFFFF  }
0x3b: {  	_ =	shalt  }
tec
execute0_lowered:
.L_overlay_start_1:
0x0: {  	(tag) =	ssettag $0x1  }
0x1: {  	s2 =	rddreg [dreg:$0x0]  }
0x2: {  	s1 =	rddreg [dreg:$0x1]  }
0x3: {  	s0 =	rddreg [dreg:$0x2];
	_ =	strace $0x80000047;
	s4 =	srdreg.scid  }
.Ltmp0:
0x4: {  	s6 =	simm.s32 $0x2;
	p0 =	por $0x0, $0x0;
	(pc) =	sbr.rel .LBB1_1-.Ltmp0, $4  }
0x5: {  	s9 =	simm.s32 $0x0;
	s3 =	sadd.s32 $0x1000, s1;
	s5 =	sshll.u32 s4, $0x4  }
0x6: {  	s1 =	stileid.u32;
	s4 =	simm.s32 $0x1;
	s5 =	sand.u32 $0x10, s5  }
0x7: {  	s7 =	simm.s32 $0x0;
	[sflag:s4] =	ssyncpa.u1 $0x0;
	s5 =	sor.u32 s1, s5  }
0x8: {  	[sflag:s6] =	ssyncpa.u1 $0x0;
	s6 =	simm.s32 $0x0;
	s8 =	smov.u32 s5  }
.LBB1_7:
0x9: {  	s11 =	sadd.s32 $0x20, s8  }
0xa: {  	p1 =	slt.u32 s7, $0x2;
	s7 =	sadd.s32 $0x1, s7;
	p2 =	sgt.s32 s11, $0xFFF  }
0xb: {  	s11 =	smov.u32 @p2 s5;
	p2 =	sne.s32 s7, $0x82  }
.Ltmp1:
0xc: {  	_ = 	snop;
	(pc) =	sbr.rel @!p2 .LBB1_8-.Ltmp1, $4  }
0xd: {  	s10 =	simm.s32 @!p1 $0x2  }
0xe: {  	_ =	swait.ge @!p1 [sflag:s10], $0x4000  }
0xf: {  	s9 =	smov.u32 s8;
	[sflag:s10] =	ssyncset.done @!p1 $0x0  }
0x10: {  	p0 =	por !p0, !p0;
	s8 =	smov.u32 s11;
	[sflag:s10] =	ssyncadd.s32 @!p1 $0xFFFFC000  }
.LBB1_1:
0x11: {  	p1 =	sgt.u32 s7, $0x7F  }
0x12: {  	s10 =	sxor.u32 @!p1 $0xFFFFFFFF, s7  }
0x13: {  	s11 =	sshll.u32 @!p1 s8, $0xB;
	s10 =	sshll.u32 @!p1 s10, $0xE  }
0x14: {  	s12 =	simm.s32 @!p1 $0x0;
	s11 =	sadd.s32 @!p1 s2, s11;
	s10 =	sand.u32 @!p1 $0x4000, s10  }
0x15: {  	[tilespmem:s10], [sflag:$0x1] =	stream.linear.gather @!p1 [hbm4b:s11+s12], $0x4000, $0x38;
	[tilespmem:$0x10000] =	vst v63  }
0x16: {  	p1 =	seq.s32 s7, $0x0  }
0x17: {  	p2 =	seq.s32 @!p1 s7, $0x81  }
0x18: {  	p1 =	por p1, p2  }
.Ltmp2:
0x19: {  	_ = 	snop;
	(pc) =	sbr.rel @p1 .LBB1_7-.Ltmp2, $1  }
0x1a: {  	_ =	sdelay $0x3  }
0x1b: {  	s10 =	simm.s32 $0x1;
	_ =	swait.ge [sflag:s4], $0x4000;
	s12 =	sshll.u32 s7, $0xE  }
0x1c: {  	s13 =	simm.s32 $0x0;
	s10 =	simm.s32 @!p0 $0x0;
	[sflag:s4] =	ssyncset.done $0x0  }
0x1d: {  	s12 =	sand.u32 $0x4000, s12;
	s11 =	sshll.u32 s10, $0xE;
	[sflag:s4] =	ssyncadd.s32 $0xFFFFC000  }
0x1e: {  	s12 =	sor.u32 $0x8000, s12;
	s10 =	sor.u32 $0x8040, s11;
	s11 =	sor.u32 $0x40, s11  }
.LBB1_3:
0x1f: {  	v0 =	vmov s11;
	_ =	sdelay $0x3  }
0x20: {  	s15 =	simm.s32 $0x0  }
0x21: {  	v6 =	vld.idx.msk [tilespmem:v0+s15+$0x30 ss:$0x1], $0xffff  }
0x22: {  	v7 =	vld.idx.msk [tilespmem:v0+s15+$0xFFFFFFC0 ss:$0x1], $0xffff  }
0x23: {  	v5 =	vld.idx.msk [tilespmem:v0+s15+$0xFFFFFFD0 ss:$0x1], $0xffff  }
0x24: {  	v4 =	vld.idx.msk [tilespmem:v0+s15+$0xFFFFFFE0 ss:$0x1], $0xffff  }
0x25: {  	v3 =	vld.idx.msk [tilespmem:v0+s15+$0xFFFFFFF0 ss:$0x1], $0xffff  }
0x26: {  	v1 =	vld.idx.msk [tilespmem:v0+s15+$0x0 ss:$0x1], $0xffff  }
0x27: {  	v2 =	vld.idx.msk [tilespmem:v0+s15+$0x10 ss:$0x1], $0xffff;
	[tilespmem:s10+$0x30] =	vst v6  }
0x28: {  	s14 =	simm.s32 $0x80;
	s16 =	simm.s32 $0x400;
	[tilespmem:s10+$0xFFFFFFC0] =	vst v7;
	v6 =	vld.idx.msk [tilespmem:v0+s15+$0x20 ss:$0x1], $0xffff;
	s15 =	smov.u32 s10  }
.LBB1_4:
0x29: {  	p1 =	sne.s32 s16, $0xE00;
	v7 =	vld.idx.msk [tilespmem:v0+s14+$0x30 ss:$0x1], $0xffff;
	[tilespmem:s15+$0xFFFFFFD0] =	vst v5  }
0x2a: {  	v8 =	vld.idx.msk [tilespmem:v0+s14+$0xFFFFFFC0 ss:$0x1], $0xffff;
	[tilespmem:s15+$0xFFFFFFE0] =	vst v4  }
0x2b: {  	v5 =	vld.idx.msk [tilespmem:v0+s14+$0xFFFFFFD0 ss:$0x1], $0xffff;
	[tilespmem:s15+$0xFFFFFFF0] =	vst v3  }
.Ltmp3:
0x2c: {  	v4 =	vld.idx.msk [tilespmem:v0+s14+$0xFFFFFFE0 ss:$0x1], $0xffff;
	[tilespmem:s15+$0x0] =	vst v1;
	(pc) =	sbr.rel @p1 .LBB1_4-.Ltmp3, $4  }
0x2d: {  	v3 =	vld.idx.msk [tilespmem:v0+s14+$0xFFFFFFF0 ss:$0x1], $0xffff;
	[tilespmem:s15+$0x10] =	vst v2  }
0x2e: {  	v1 =	vld.idx.msk [tilespmem:v0+s14+$0x0 ss:$0x1], $0xffff;
	[tilespmem:s15+$0x20] =	vst v6;
	s15 =	sadd.s32 $0x800, s15  }
0x2f: {  	v2 =	vld.idx.msk [tilespmem:v0+s14+$0x10 ss:$0x1], $0xffff;
	[tilespmem:s15+$0x30] =	vst v7  }
0x30: {  	[tilespmem:s15+$0xFFFFFFC0] =	vst v8;
	v6 =	vld.idx.msk [tilespmem:v0+s14+$0x20 ss:$0x1], $0xffff;
	s14 =	sshra.s32 s16, $0x2;
	s16 =	sadd.s32 $0x200, s16  }
0x31: {  	_ =	sdelay $0x2  }
0x32: {  	[tilespmem:s15+$0xFFFFFFD0] =	vst v5  }
0x33: {  	v56 =	vld.idx.msk [tilespmem:v0+s14+$0x30 ss:$0x1], $0xffff;
	[tilespmem:s15+$0xFFFFFFE0] =	vst v4  }
0x34: {  	v57 =	vld.idx.msk [tilespmem:v0+s14+$0xFFFFFFC0 ss:$0x1], $0xffff;
	[tilespmem:s15+$0xFFFFFFF0] =	vst v3  }
0x35: {  	v58 =	vld.idx.msk [tilespmem:v0+s14+$0xFFFFFFD0 ss:$0x1], $0xffff;
	[tilespmem:s15+$0x0] =	vst v1  }
0x36: {  	v59 =	vld.idx.msk [tilespmem:v0+s14+$0xFFFFFFE0 ss:$0x1], $0xffff;
	[tilespmem:s15+$0x10] =	vst v2  }
0x37: {  	v60 =	vld.idx.msk [tilespmem:v0+s14+$0xFFFFFFF0 ss:$0x1], $0xffff;
	s31 =	sadd.s32 $0x800, s15;
	[tilespmem:s15+$0x20] =	vst v6  }
0x38: {  	v61 =	vld.idx.msk [tilespmem:v0+s14+$0x0 ss:$0x1], $0xffff;
	[tilespmem:s31+$0x30] =	vst v56  }
0x39: {  	v62 =	vld.idx.msk [tilespmem:v0+s14+$0x10 ss:$0x1], $0xffff;
	s13 =	sadd.s32 $0x1, s13;
	[tilespmem:s31+$0xFFFFFFC0] =	vst v57  }
0x3a: {  	v63 =	vld.idx.msk [tilespmem:v0+s14+$0x20 ss:$0x1], $0xffff;
	p1 =	sne.s32 s13, $0x10;
	[tilespmem:s31+$0xFFFFFFD0] =	vst v58  }
.Ltmp4:
0x3b: {  	[tilespmem:s31+$0xFFFFFFE0] =	vst v59;
	(pc) =	sbr.rel @p1 .LBB1_3-.Ltmp4, $4  }
0x3c: {  	[tilespmem:s31+$0xFFFFFFF0] =	vst v60  }
0x3d: {  	[tilespmem:s31+$0x0] =	vst v61  }
0x3e: {  	[tilespmem:s31+$0x10] =	vst v62  }
0x3f: {  	s10 =	sadd.s32 $0x80, s10;
	s11 =	sadd.s32 $0x400, s11;
	[tilespmem:s31+$0x20] =	vst v63  }
.Ltmp5:
0x40: {  	(pc) =	sbr.rel .LBB1_7-.Ltmp5, $4  }
0x41: {  	_ = 	snop  }
0x42: {  	s9 =	sshll.u32 s9, $0xB  }
0x43: {  	s9 =	sadd.s32 s3, s9  }
0x44: {  	[hbm4b:s9+s6] =	stream.linear.scatter [tilespmem:s12], [sflag:$0x2], $0x4000, $0x38;
	[tilespmem:$0x10000] =	vst v63  }
.LBB1_8:
0x45: {  	_ =	sfence.sel $0x180000  }
0x46: {  	s2 =	simm.s32 $0x1;
	[bflag:$0x0] =	sbarrier.arrive $0xFFFF  }
0x47: {  	s31 =	simm.s32 $0x2;
	[sflag:s2] =	ssyncpa.u1 $0x1  }
0x48: {  	[sflag:s31] =	ssyncpa.u1 $0x1  }
0x49: {  	p0 =	sne.s32 s1, $0x0;
	_ =	strace $0x90000047  }
0x4a: {  	s0 =	sadd.s32 @!p0 $0x100000, s0;
	[bflag:$0x2] =	sbarrier.arrive $0xFFFF  }
0x4b: {  	[sflag:s0] =	ssyncadd.tile.s32 @!p0 $0x1;
	_ =	shalt  }
.Lfunc_end1:
_tile_overlayer_lowered:
.L_overlay_start_2:
0x4c: {  	(tag) =	ssettag $0x2  }
0x4d: {  	s0 =	rddreg [dreg:$0x0];
	s2 =	stileid.u32  }
0x4e: {  	s1 =	rddreg [dreg:$0x1];
	p0 =	sne.s32 s2, $0x0  }
0x4f: {  	s3 =	rddreg [dreg:$0x2];
	[bflag:$0x3] =	sbarrier.arrive $0xFFFF;
	s2 =	simm.s32 @!p0 $0x1C01  }
0x50: {  	[timem:s3], [sflag:s2] =	dma.local @!p0 [hbm:s0], s1  }
0x51: {  	s0 =	simm.s32 @!p0 $0x1  }
0x52: {  	_ =	swait.ge @!p0 [sflag:s0], s1  }
0x53: {  	s1 =	ssub.s32 @!p0 $0x0, s1;
	[sflag:s0] =	ssyncset.done @!p0 $0x0  }
0x54: {  	[sflag:s0] =	ssyncadd.s32 @!p0 s1  }
0x55: {  	[bflag:$0x3] =	sbarrier.arrive $0xFFFF  }
0x56: {  	_ =	shalt  }

</sc_bundles>
